<compile_context>
chip_gen: v7x
topology: tpu7x:2x2x1
jax: 0.10.2.dev20260603
libtpu: 0.0.44.dev20260713+nightly
codegen_flags: <defaults>
</compile_context>

<pallas_src>
import jax
import jax.numpy as jnp
from jax import lax
from jax.experimental import pallas as pl
from jax.experimental.pallas import tpu as pltpu
from jax.experimental.pallas import tpu_sc as plsc

_N, _E, _D = 10000, 320000, 128
_NC, _NS = 2, 16
_NW = _NC * _NS
_CH = 64
_KF = 260
_KS = 56
_FAST_C = 0
_EPWF = _KF * _CH
_EPWS = _KS * _CH
_EPAD = _NS * (_EPWF + _EPWS)
_IMASK = (1 << 14) - 1
_NACC = _N + 16
_DCH = 80
_DNCH = (_E // _NW) // _DCH
_RPT = _N // _NS
_B = 2000
_G = _N // _B


def _deg_body(dst_hbm, out_hbm, dst_v, deg_v):
    c = lax.axis_index("c")
    s = lax.axis_index("s")
    wid = c * _NS + s
    pltpu.sync_copy(dst_hbm.at[wid], dst_v)
    zero16 = jnp.zeros((16,), jnp.float32)

    def zb(i, carry):
        deg_v[pl.ds(i * 16, 16)] = zero16
        return carry

    lax.fori_loop(0, _N // 16, zb, 0)

    ones16 = jnp.ones((16,), jnp.float32)
    lanes = lax.iota(jnp.int32, 16)

    def chunk(i, carry):
        def inner(k, c2):
            idx = dst_v[i, pl.ds(k * 16, 16)]
            for lane in range(16):
                plsc.addupdate_scatter(deg_v, [idx], ones16,
                                       mask=lanes == lane)
            return c2

        return lax.fori_loop(0, _DCH // 16, inner, carry)

    lax.fori_loop(0, _DNCH, chunk, 0)
    pltpu.sync_copy(deg_v, out_hbm.at[pl.ds(wid * _N, _N)])


def _deg_counts(dst3):
    kf = pl.kernel(
        _deg_body,
        out_type=jax.ShapeDtypeStruct((_NW * _N,), jnp.float32),
        mesh=plsc.VectorSubcoreMesh(core_axis_name="c", subcore_axis_name="s"),
        scratch_types=[
            pltpu.VMEM((_DNCH, _DCH), jnp.int32),
            pltpu.VMEM((_N,), jnp.float32),
        ],
        compiler_params=pltpu.CompilerParams(needs_layout_passes=False),
    )
    return kf(dst3)


def _edge_body(g_hbm, e_hbm, out_hbm,
               ei_v, sstage0, sstage1, sstage2, sstage3, dstage,
               rows0, rows1, rows2, rows3, acc_sh,
               semg0, semg1, semg2, semg3):
    c = lax.axis_index("c")
    s = lax.axis_index("s")
    is_fast = c == _FAST_C
    base = jnp.where(is_fast, s * _EPWF, _NS * _EPWF + s * _EPWS)
    kc = jnp.where(is_fast, _KF, _KS)

    @pl.when(is_fast)
    def _():
        pltpu.sync_copy(e_hbm.at[pl.ds(base, _EPWF)], ei_v)

    @pl.when(jnp.logical_not(is_fast))
    def _():
        pltpu.sync_copy(e_hbm.at[pl.ds(base, _EPWS)],
                        ei_v.at[pl.ds(0, _EPWS)])

    zero16 = jnp.zeros((16,), jnp.float32)

    def zrow(i, carry):
        def zcol(j, c2):
            rows0[i, pl.ds(j * 16, 16)] = zero16
            return c2

        return lax.fori_loop(0, _D // 16, zcol, carry)

    lax.fori_loop(0, _CH, zrow, 0)
    for k in range(_RPT // _CH):
        pltpu.sync_copy(rows0, acc_sh.at[pl.ds(s * _RPT + k * _CH, _CH)])
    _TAIL = _RPT - (_RPT // _CH) * _CH
    pltpu.sync_copy(rows0.at[pl.ds(0, _TAIL)],
                    acc_sh.at[pl.ds(s * _RPT + (_RPT // _CH) * _CH, _TAIL)])
    plsc.subcore_barrier()

    rows = (rows0, rows1, rows2, rows3)
    sstages = (sstage0, sstage1, sstage2, sstage3)
    gsems = (semg0, semg1, semg2, semg3)

    def issue_gather(j, slot):
        for k in range(_CH // 16):
            p = ei_v[pl.ds(j * _CH + k * 16, 16)]
            sstages[slot][pl.ds(k * 16, 16)] = p & _IMASK
        pltpu.async_copy(g_hbm.at[sstages[slot]], rows[slot], gsems[slot])

    issue_gather(0, 0)
    issue_gather(1, 1)
    issue_gather(2, 2)

    def step(j, b):
        pltpu.make_async_copy(g_hbm.at[sstages[b]], rows[b],
                              gsems[b]).wait()
        for k in range(_CH // 16):
            p = ei_v[pl.ds(j * _CH + k * 16, 16)]
            dstage[pl.ds(k * 16, 16)] = lax.shift_right_logical(p, 14)
        pltpu.sync_copy(rows[b], acc_sh.at[dstage], add=True)

        @pl.when(j + 3 < kc)
        def _():
            issue_gather(j + 3, (b + 3) % 4)

    def quad(r, carry):
        j = 4 * r
        for b in range(4):
            step(j + b, b)
        return carry

    lax.fori_loop(0, kc // 4, quad, 0)

    plsc.subcore_barrier()
    base = s * 624
    pltpu.sync_copy(acc_sh.at[pl.ds(base, 624)],
                    out_hbm.at[c, pl.ds(base, 624)])

    @pl.when(s == _NS - 1)
    def _():
        pltpu.sync_copy(acc_sh.at[pl.ds(_NS * 624, _N - _NS * 624)],
                        out_hbm.at[c, pl.ds(_NS * 624, _N - _NS * 624)])


def _edge_pass(g, ep):
    kf = pl.kernel(
        _edge_body,
        out_type=jax.ShapeDtypeStruct((_NC, _N, _D), jnp.float32),
        mesh=plsc.VectorSubcoreMesh(core_axis_name="c", subcore_axis_name="s"),
        scratch_types=(
            [pltpu.VMEM((_EPWF,), jnp.int32)]
            + [pltpu.VMEM((_CH,), jnp.int32) for _ in range(5)]
            + [pltpu.VMEM((_CH, _D), jnp.float32) for _ in range(4)]
            + [pltpu.VMEM_SHARED((_NACC, _D), jnp.float32)]
            + [pltpu.SemaphoreType.DMA for _ in range(4)]
        ),
    )
    return kf(g, ep)


def _dinv_body(degp_ref, dinv_ref):
    deg = jnp.sum(degp_ref[...], axis=0) + 1.0
    dinv_ref[...] = lax.rsqrt(deg).reshape(_N, 1)


def _tc1_body(x_ref, w_ref, dinv_ref, g_ref):
    h = jnp.dot(x_ref[...], w_ref[...], preferred_element_type=jnp.float32)
    g_ref[...] = h * dinv_ref[...]


def _tc2_body(acc_ref, g1_ref, dinv_ref, b1_ref, w2_ref, g2_ref):
    dinv = dinv_ref[...]
    acc = acc_ref[0] + acc_ref[1]
    z = (acc + g1_ref[...]) * dinv + b1_ref[...]
    o = jnp.maximum(z, 0.0)
    h2 = jnp.dot(o, w2_ref[...], preferred_element_type=jnp.float32)
    g2_ref[...] = h2 * dinv


def _tc3_body(acc_ref, g2_ref, dinv_ref, b2_ref, wp_ref, bp_ref,
              h_ref, vals_ref, idx_ref):
    i = pl.program_id(0)
    dinv = dinv_ref[...]
    acc = acc_ref[0] + acc_ref[1]
    h = (acc + g2_ref[...]) * dinv + b2_ref[...]
    h_ref[...] = h
    pge = jnp.dot(h, wp_ref[...], preferred_element_type=jnp.float32) + bp_ref[...]
    m = jnp.max(pge, axis=0)[None, :]
    rows = lax.broadcasted_iota(jnp.int32, pge.shape, 0)
    am = jnp.min(jnp.where(pge == m, rows, _N), axis=0)[None, :] + i * _B

    @pl.when(i == 0)
    def _():
        vals_ref[...] = m
        idx_ref[...] = am

    @pl.when(i > 0)
    def _():
        cur = vals_ref[...]
        upd = m > cur
        vals_ref[...] = jnp.where(upd, m, cur)
        idx_ref[...] = jnp.where(upd, am, idx_ref[...])


def _row_spec():
    return pl.BlockSpec((_B, _D), lambda i: (i, 0))


def _full_spec(shape):
    nd = len(shape)
    return pl.BlockSpec(shape, lambda i: (0,) * nd)


def _dinv_spec():
    return pl.BlockSpec((_B, 1), lambda i: (i, 0))


def _acc_spec():
    return pl.BlockSpec((_NC, _B, _D), lambda i: (0, i, 0))


def kernel(x, edge_index, W1, b1, W2, b2, Wp, bp):
    src, dst = edge_index[0], edge_index[1]
    dst3 = dst.reshape(_NW, _DNCH, _DCH)
    pad = _EPAD - _E
    packed = jnp.bitwise_or(src, jnp.left_shift(dst, 14))
    ep = jnp.concatenate([packed, jnp.full((pad,), _N << 14, jnp.int32)])
    b1r = b1.reshape(1, _D)
    b2r = b2.reshape(1, _D)
    bpr = bp.reshape(1, _D)

    degp = _deg_counts(dst3).reshape(_NW, _N)

    dinv = pl.pallas_call(
        _dinv_body,
        grid=(1,),
        in_specs=[_full_spec((_NW, _N))],
        out_specs=_full_spec((_N, 1)),
        out_shape=jax.ShapeDtypeStruct((_N, 1), jnp.float32),
    )(degp)

    g1 = pl.pallas_call(
        _tc1_body,
        grid=(_G,),
        in_specs=[_row_spec(), _full_spec((_D, _D)), _dinv_spec()],
        out_specs=_row_spec(),
        out_shape=jax.ShapeDtypeStruct((_N, _D), jnp.float32),
    )(x, W1, dinv)

    acc1 = _edge_pass(g1, ep)

    g2 = pl.pallas_call(
        _tc2_body,
        grid=(_G,),
        in_specs=[_acc_spec(), _row_spec(), _dinv_spec(),
                  _full_spec((1, _D)), _full_spec((_D, _D))],
        out_specs=_row_spec(),
        out_shape=jax.ShapeDtypeStruct((_N, _D), jnp.float32),
    )(acc1, g1, dinv, b1r, W2)

    acc2 = _edge_pass(g2, ep)

    h, vals, idx = pl.pallas_call(
        _tc3_body,
        grid=(_G,),
        in_specs=[_acc_spec(), _row_spec(), _dinv_spec(),
                  _full_spec((1, _D)), _full_spec((_D, _D)),
                  _full_spec((1, _D))],
        out_specs=[_row_spec(), _full_spec((1, _D)), _full_spec((1, _D))],
        out_shape=[jax.ShapeDtypeStruct((_N, _D), jnp.float32),
                   jax.ShapeDtypeStruct((1, _D), jnp.float32),
                   jax.ShapeDtypeStruct((1, _D), jnp.int32)],
    )(acc2, g2, dinv, b2r, Wp, bpr)

    return h, vals.reshape(_D), idx.reshape(_D)

# --- scband reference (transcript-rebuilt; emitter-appended) ---
"""Pipeline reference for scband-gnn-10514079941483 (READ-ONLY COPY).

The authoritative reference and input builder live on the scoring server;
editing this copy changes nothing except your own understanding.
"""

import jax, jax.numpy as jnp
import numpy as np

N = 10000
E = 320000
D = 128


def setup_inputs(seed: int = 0) -> dict:
    key = jax.random.key(seed)
    ks = jax.random.split(key, 10)
    s = 1.0 / np.sqrt(D)
    return {
        "x": jax.random.normal(ks[0], (N, D), jnp.float32),
        "edge_index": jax.random.randint(ks[1], (2, E), 0, N, jnp.int32),
        "W1": jax.random.normal(ks[2], (D, D), jnp.float32) * s,
        "b1": jnp.zeros((D,), jnp.float32),
        "W2": jax.random.normal(ks[3], (D, D), jnp.float32) * s,
        "b2": jnp.zeros((D,), jnp.float32),
        "Wp": jax.random.normal(ks[4], (D, D), jnp.float32) * s,
        "bp": jnp.zeros((D,), jnp.float32),
    }


def _gcn_conv(x, src, dst, W, b):
    # PyG GCNConv with normalize=True, add_self_loops=True (cached),
    # edge_weight=None -> ones. Symmetric normalization D^-1/2 A_hat D^-1/2.
    n = x.shape[0]
    loop = jnp.arange(n, dtype=src.dtype)
    s = jnp.concatenate([src, loop])
    d = jnp.concatenate([dst, loop])
    deg = jnp.zeros((n,), x.dtype).at[d].add(1.0)
    dinv = jnp.where(deg > 0, deg ** -0.5, 0.0)
    norm = dinv[s] * dinv[d]
    h = x @ W
    msg = h[s] * norm[:, None]
    out = jnp.zeros((n, h.shape[1]), h.dtype).at[d].add(msg)
    return out + b


def reference(x, edge_index, W1, b1, W2, b2, Wp, bp):
    # eval mode: dropout is identity
    src, dst = edge_index[0], edge_index[1]
    h = _gcn_conv(x, src, dst, W1, b1)
    h = jax.nn.relu(h)
    h = _gcn_conv(h, src, dst, W2, b2)
    pge = h @ Wp + bp
    pooled_vals = jnp.max(pge, axis=0)
    pooled_idx = jnp.argmax(pge, axis=0)
    return (h, pooled_vals, pooled_idx)

if __name__ == "__main__":
    import jax
    _d = setup_inputs()
    print(jax.jit(kernel)(*tuple(_d.values())))

</pallas_src>

<mosaic_0001>
#map = affine_map<(d0, d1) -> (0, 0)>
#map1 = affine_map<(d0, d1) -> (0)>
#map2 = affine_map<(d0, d1) -> (0, 0, 0)>
module attributes {stable_mosaic.version = 14 : i64} {
  func.func @_edge_body(%arg0: i32, %arg1: i32, %arg2: memref<10000x128xf32, #tpu.memory_space<hbm>>, %arg3: memref<323584xi32, #tpu.memory_space<hbm>>, %arg4: memref<2x10000x128xf32, #tpu.memory_space<hbm>>, %arg5: memref<16640xi32, #tpu.memory_space<vmem>>, %arg6: memref<64xi32, #tpu.memory_space<vmem>>, %arg7: memref<64xi32, #tpu.memory_space<vmem>>, %arg8: memref<64xi32, #tpu.memory_space<vmem>>, %arg9: memref<64xi32, #tpu.memory_space<vmem>>, %arg10: memref<64xi32, #tpu.memory_space<vmem>>, %arg11: memref<64x128xf32, #tpu.memory_space<vmem>>, %arg12: memref<64x128xf32, #tpu.memory_space<vmem>>, %arg13: memref<64x128xf32, #tpu.memory_space<vmem>>, %arg14: memref<64x128xf32, #tpu.memory_space<vmem>>, %arg15: memref<10016x128xf32, #tpu.memory_space<vmem_shared>>, %arg16: memref<!tpu.dma_semaphore, #tpu.memory_space<semaphore_mem>>, %arg17: memref<!tpu.dma_semaphore, #tpu.memory_space<semaphore_mem>>, %arg18: memref<!tpu.dma_semaphore, #tpu.memory_space<semaphore_mem>>, %arg19: memref<!tpu.dma_semaphore, #tpu.memory_space<semaphore_mem>>) attributes {dimension_semantics = [#tpu.dimension_semantics<core_parallel>, #tpu.dimension_semantics<subcore_parallel>], iteration_bounds = array<i64: 2, 16>, scalar_prefetch = 0 : i64, scratch_operands = 15 : i64, tpu.core_type = #tpu.core_type<sc_vector_subcore>, window_params = [{transform_indices = #map}, {transform_indices = #map1}, {transform_indices = #map2}]} {
    %eq3A = arith.constant 0 : i32
    %eq3A_0 = arith.cmpi eq, %arg0, %eq3A : i32
    %mul3A = arith.constant 16640 : i32
    %mul3A_1 = arith.muli %arg1, %mul3A : i32
    %mul3A_2 = arith.constant 3584 : i32
    %mul3A_3 = arith.muli %arg1, %mul3A_2 : i32
    %add3A = arith.constant 266240 : i32
    %add3A_4 = arith.addi %add3A, %mul3A_3 : i32
    %select_n3A = arith.select %eq3A_0, %mul3A_1, %add3A_4 : i32
    %jit3A = arith.constant 260 : i32
    %jit3A_5 = arith.constant 56 : i32
    %select_n3A_6 = arith.select %eq3A_0, %jit3A, %jit3A_5 : i32
    %convert_element_type3A = arith.extui %eq3A_0 : i1 to i32
    %cond3A = arith.constant 0 : i32
    %cond3A_7 = arith.cmpi ne, %convert_element_type3A, %cond3A : i32
    scf.if %cond3A_7 {
      "tpu.region"() ({
        %run_scoped3A = tpu.sem_alloc : memref<!tpu.dma_semaphore, #tpu.memory_space<semaphore_mem>>
        %dma_start3A_219 = tpu.memref_slice %arg3[%select_n3A] : memref<323584xi32, #tpu.memory_space<hbm>> -> memref<16640xi32, #tpu.memory_space<hbm>>
        %dma_start3A_220 = tpu.memref_slice %arg3[%select_n3A] : memref<323584xi32, #tpu.memory_space<hbm>> -> memref<16640xi32, #tpu.memory_space<hbm>>
        tpu.enqueue_dma source(%dma_start3A_220 : memref<16640xi32, #tpu.memory_space<hbm>>) target(%arg5 : memref<16640xi32, #tpu.memory_space<vmem>>) target_semaphore(%run_scoped3A : memref<!tpu.dma_semaphore, #tpu.memory_space<semaphore_mem>>)
        %dma_wait3A = tpu.memref_slice %arg3[%select_n3A] : memref<323584xi32, #tpu.memory_space<hbm>> -> memref<16640xi32, #tpu.memory_space<hbm>>
        %dma_wait3A_221 = tpu.memref_slice %arg3[%select_n3A] : memref<323584xi32, #tpu.memory_space<hbm>> -> memref<16640xi32, #tpu.memory_space<hbm>>
        tpu.wait_dma2 semaphore(%run_scoped3A : memref<!tpu.dma_semaphore, #tpu.memory_space<semaphore_mem>>) src(%dma_wait3A_221 : memref<16640xi32, #tpu.memory_space<hbm>>) dst(%arg5 : memref<16640xi32, #tpu.memory_space<vmem>>)
        tpu.yield
      }) : () -> ()
    } else {
    }
    %not3A = arith.constant true
    %not3A_8 = arith.xori %eq3A_0, %not3A : i1
    %convert_element_type3A_9 = arith.extui %not3A_8 : i1 to i32
    %cond3A_10 = arith.constant 0 : i32
    %cond3A_11 = arith.cmpi ne, %convert_element_type3A_9, %cond3A_10 : i32
    scf.if %cond3A_11 {
      "tpu.region"() ({
        %run_scoped3A = tpu.sem_alloc : memref<!tpu.dma_semaphore, #tpu.memory_space<semaphore_mem>>
        %dma_start3A_219 = arith.constant 0 : i32
        %dma_start3A_220 = tpu.memref_slice %arg5[%dma_start3A_219] : memref<16640xi32, #tpu.memory_space<vmem>> -> memref<3584xi32, #tpu.memory_space<vmem>>
        %dma_start3A_221 = tpu.memref_slice %arg3[%select_n3A] : memref<323584xi32, #tpu.memory_space<hbm>> -> memref<3584xi32, #tpu.memory_space<hbm>>
        %dma_start3A_222 = arith.constant 0 : i32
        %dma_start3A_223 = tpu.memref_slice %arg5[%dma_start3A_222] : memref<16640xi32, #tpu.memory_space<vmem>> -> memref<3584xi32, #tpu.memory_space<vmem>>
        %dma_start3A_224 = tpu.memref_slice %arg3[%select_n3A] : memref<323584xi32, #tpu.memory_space<hbm>> -> memref<3584xi32, #tpu.memory_space<hbm>>
        tpu.enqueue_dma source(%dma_start3A_224 : memref<3584xi32, #tpu.memory_space<hbm>>) target(%dma_start3A_223 : memref<3584xi32, #tpu.memory_space<vmem>>) target_semaphore(%run_scoped3A : memref<!tpu.dma_semaphore, #tpu.memory_space<semaphore_mem>>)
        %dma_wait3A = arith.constant 0 : i32
        %dma_wait3A_225 = tpu.memref_slice %arg5[%dma_wait3A] : memref<16640xi32, #tpu.memory_space<vmem>> -> memref<3584xi32, #tpu.memory_space<vmem>>
        %dma_wait3A_226 = tpu.memref_slice %arg3[%select_n3A] : memref<323584xi32, #tpu.memory_space<hbm>> -> memref<3584xi32, #tpu.memory_space<hbm>>
        %dma_wait3A_227 = arith.constant 0 : i32
        %dma_wait3A_228 = tpu.memref_slice %arg5[%dma_wait3A_227] : memref<16640xi32, #tpu.memory_space<vmem>> -> memref<3584xi32, #tpu.memory_space<vmem>>
        %dma_wait3A_229 = tpu.memref_slice %arg3[%select_n3A] : memref<323584xi32, #tpu.memory_space<hbm>> -> memref<3584xi32, #tpu.memory_space<hbm>>
        tpu.wait_dma2 semaphore(%run_scoped3A : memref<!tpu.dma_semaphore, #tpu.memory_space<semaphore_mem>>) src(%dma_wait3A_229 : memref<3584xi32, #tpu.memory_space<hbm>>) dst(%dma_wait3A_228 : memref<3584xi32, #tpu.memory_space<vmem>>)
        tpu.yield
      }) : () -> ()
    } else {
    }
    %broadcast_in_dim3A = arith.constant 0.000000e+00 : f32
    %broadcast_in_dim3A_12 = vector.broadcast %broadcast_in_dim3A : f32 to vector<16xf32>
    %scan3A = arith.constant 0 : i32
    %scan3A_13 = arith.constant 0 : i32
    %scan3A_14 = arith.constant 64 : i32
    %scan3A_15 = arith.addi %scan3A_13, %scan3A_14 : i32
    %scan3A_16 = arith.constant 1 : i32
    scf.for %scan3A_219 = %scan3A_13 to %scan3A_15 step %scan3A_16  : i32 {
      %scan3A_220 = arith.constant 0 : i32
      %scan3A_221 = arith.constant 8 : i32
      %scan3A_222 = arith.addi %scan3A_220, %scan3A_221 : i32
      %scan3A_223 = arith.constant 1 : i32
      scf.for %scan3A_225 = %scan3A_220 to %scan3A_222 step %scan3A_223  : i32 {
        %mul3A_226 = arith.constant 16 : i32
        %mul3A_227 = arith.muli %scan3A_225, %mul3A_226 : i32
        %swap3A_228 = arith.index_cast %scan3A_219 : i32 to index
        %swap3A_229 = arith.index_cast %mul3A_227 : i32 to index
        %swap3A_230 = tpu.vector_load %arg11[%swap3A_228, %swap3A_229] {strides = array<i32>} : memref<64x128xf32, #tpu.memory_space<vmem>>, vector<1x16xf32>,
        %swap3A_231 = vector.shape_cast %swap3A_230 : vector<1x16xf32> to vector<16xf32>
        %swap3A_232 = vector.shape_cast %broadcast_in_dim3A_12 : vector<16xf32> to vector<1x16xf32>
        tpu.vector_store %arg11[%swap3A_228, %swap3A_229], %swap3A_232 {strides = array<i32>} : memref<64x128xf32, #tpu.memory_space<vmem>>, vector<1x16xf32>,
      }
      %scan3A_224 = arith.constant 8 : i32
    }
    %scan3A_17 = arith.constant 64 : i32
    %mul3A_18 = arith.constant 625 : i32
    %mul3A_19 = arith.muli %arg1, %mul3A_18 : i32
    %add3A_20 = arith.constant 0 : i32
    %add3A_21 = arith.addi %mul3A_19, %add3A_20 : i32
    "tpu.region"() ({
      %run_scoped3A = tpu.sem_alloc : memref<!tpu.dma_semaphore, #tpu.memory_space<semaphore_mem>>
      %dma_start3A_219 = arith.constant 0 : i32
      %dma_start3A_220 = tpu.memref_slice %arg15[%add3A_21, %dma_start3A_219] : memref<10016x128xf32, #tpu.memory_space<vmem_shared>> -> memref<64x128xf32, #tpu.memory_space<vmem_shared>>
      %dma_start3A_221 = arith.constant 0 : i32
      %dma_start3A_222 = tpu.memref_slice %arg15[%add3A_21, %dma_start3A_221] : memref<10016x128xf32, #tpu.memory_space<vmem_shared>> -> memref<64x128xf32, #tpu.memory_space<vmem_shared>>
      tpu.enqueue_dma source(%arg11 : memref<64x128xf32, #tpu.memory_space<vmem>>) target(%dma_start3A_222 : memref<64x128xf32, #tpu.memory_space<vmem_shared>>) target_semaphore(%run_scoped3A : memref<!tpu.dma_semaphore, #tpu.memory_space<semaphore_mem>>)
      %dma_wait3A = arith.constant 0 : i32
      %dma_wait3A_223 = tpu.memref_slice %arg15[%add3A_21, %dma_wait3A] : memref<10016x128xf32, #tpu.memory_space<vmem_shared>> -> memref<64x128xf32, #tpu.memory_space<vmem_shared>>
      %dma_wait3A_224 = arith.constant 0 : i32
      %dma_wait3A_225 = tpu.memref_slice %arg15[%add3A_21, %dma_wait3A_224] : memref<10016x128xf32, #tpu.memory_space<vmem_shared>> -> memref<64x128xf32, #tpu.memory_space<vmem_shared>>
      tpu.wait_dma2 semaphore(%run_scoped3A : memref<!tpu.dma_semaphore, #tpu.memory_space<semaphore_mem>>) src(%arg11 : memref<64x128xf32, #tpu.memory_space<vmem>>) dst(%dma_wait3A_225 : memref<64x128xf32, #tpu.memory_space<vmem_shared>>)
      tpu.yield
    }) : () -> ()
    %mul3A_22 = arith.constant 625 : i32
    %mul3A_23 = arith.muli %arg1, %mul3A_22 : i32
    %add3A_24 = arith.constant 64 : i32
    %add3A_25 = arith.addi %mul3A_23, %add3A_24 : i32
    "tpu.region"() ({
      %run_scoped3A = tpu.sem_alloc : memref<!tpu.dma_semaphore, #tpu.memory_space<semaphore_mem>>
      %dma_start3A_219 = arith.constant 0 : i32
      %dma_start3A_220 = tpu.memref_slice %arg15[%add3A_25, %dma_start3A_219] : memref<10016x128xf32, #tpu.memory_space<vmem_shared>> -> memref<64x128xf32, #tpu.memory_space<vmem_shared>>
      %dma_start3A_221 = arith.constant 0 : i32
      %dma_start3A_222 = tpu.memref_slice %arg15[%add3A_25, %dma_start3A_221] : memref<10016x128xf32, #tpu.memory_space<vmem_shared>> -> memref<64x128xf32, #tpu.memory_space<vmem_shared>>
      tpu.enqueue_dma source(%arg11 : memref<64x128xf32, #tpu.memory_space<vmem>>) target(%dma_start3A_222 : memref<64x128xf32, #tpu.memory_space<vmem_shared>>) target_semaphore(%run_scoped3A : memref<!tpu.dma_semaphore, #tpu.memory_space<semaphore_mem>>)
      %dma_wait3A = arith.constant 0 : i32
      %dma_wait3A_223 = tpu.memref_slice %arg15[%add3A_25, %dma_wait3A] : memref<10016x128xf32, #tpu.memory_space<vmem_shared>> -> memref<64x128xf32, #tpu.memory_space<vmem_shared>>
      %dma_wait3A_224 = arith.constant 0 : i32
      %dma_wait3A_225 = tpu.memref_slice %arg15[%add3A_25, %dma_wait3A_224] : memref<10016x128xf32, #tpu.memory_space<vmem_shared>> -> memref<64x128xf32, #tpu.memory_space<vmem_shared>>
      tpu.wait_dma2 semaphore(%run_scoped3A : memref<!tpu.dma_semaphore, #tpu.memory_space<semaphore_mem>>) src(%arg11 : memref<64x128xf32, #tpu.memory_space<vmem>>) dst(%dma_wait3A_225 : memref<64x128xf32, #tpu.memory_space<vmem_shared>>)
      tpu.yield
    }) : () -> ()
    %mul3A_26 = arith.constant 625 : i32
    %mul3A_27 = arith.muli %arg1, %mul3A_26 : i32
    %add3A_28 = arith.constant 128 : i32
    %add3A_29 = arith.addi %mul3A_27, %add3A_28 : i32
    "tpu.region"() ({
      %run_scoped3A = tpu.sem_alloc : memref<!tpu.dma_semaphore, #tpu.memory_space<semaphore_mem>>
      %dma_start3A_219 = arith.constant 0 : i32
      %dma_start3A_220 = tpu.memref_slice %arg15[%add3A_29, %dma_start3A_219] : memref<10016x128xf32, #tpu.memory_space<vmem_shared>> -> memref<64x128xf32, #tpu.memory_space<vmem_shared>>
      %dma_start3A_221 = arith.constant 0 : i32
      %dma_start3A_222 = tpu.memref_slice %arg15[%add3A_29, %dma_start3A_221] : memref<10016x128xf32, #tpu.memory_space<vmem_shared>> -> memref<64x128xf32, #tpu.memory_space<vmem_shared>>
      tpu.enqueue_dma source(%arg11 : memref<64x128xf32, #tpu.memory_space<vmem>>) target(%dma_start3A_222 : memref<64x128xf32, #tpu.memory_space<vmem_shared>>) target_semaphore(%run_scoped3A : memref<!tpu.dma_semaphore, #tpu.memory_space<semaphore_mem>>)
      %dma_wait3A = arith.constant 0 : i32
      %dma_wait3A_223 = tpu.memref_slice %arg15[%add3A_29, %dma_wait3A] : memref<10016x128xf32, #tpu.memory_space<vmem_shared>> -> memref<64x128xf32, #tpu.memory_space<vmem_shared>>
      %dma_wait3A_224 = arith.constant 0 : i32
      %dma_wait3A_225 = tpu.memref_slice %arg15[%add3A_29, %dma_wait3A_224] : memref<10016x128xf32, #tpu.memory_space<vmem_shared>> -> memref<64x128xf32, #tpu.memory_space<vmem_shared>>
      tpu.wait_dma2 semaphore(%run_scoped3A : memref<!tpu.dma_semaphore, #tpu.memory_space<semaphore_mem>>) src(%arg11 : memref<64x128xf32, #tpu.memory_space<vmem>>) dst(%dma_wait3A_225 : memref<64x128xf32, #tpu.memory_space<vmem_shared>>)
      tpu.yield
    }) : () -> ()
    %mul3A_30 = arith.constant 625 : i32
    %mul3A_31 = arith.muli %arg1, %mul3A_30 : i32
    %add3A_32 = arith.constant 192 : i32
    %add3A_33 = arith.addi %mul3A_31, %add3A_32 : i32
    "tpu.region"() ({
      %run_scoped3A = tpu.sem_alloc : memref<!tpu.dma_semaphore, #tpu.memory_space<semaphore_mem>>
      %dma_start3A_219 = arith.constant 0 : i32
      %dma_start3A_220 = tpu.memref_slice %arg15[%add3A_33, %dma_start3A_219] : memref<10016x128xf32, #tpu.memory_space<vmem_shared>> -> memref<64x128xf32, #tpu.memory_space<vmem_shared>>
      %dma_start3A_221 = arith.constant 0 : i32
      %dma_start3A_222 = tpu.memref_slice %arg15[%add3A_33, %dma_start3A_221] : memref<10016x128xf32, #tpu.memory_space<vmem_shared>> -> memref<64x128xf32, #tpu.memory_space<vmem_shared>>
      tpu.enqueue_dma source(%arg11 : memref<64x128xf32, #tpu.memory_space<vmem>>) target(%dma_start3A_222 : memref<64x128xf32, #tpu.memory_space<vmem_shared>>) target_semaphore(%run_scoped3A : memref<!tpu.dma_semaphore, #tpu.memory_space<semaphore_mem>>)
      %dma_wait3A = arith.constant 0 : i32
      %dma_wait3A_223 = tpu.memref_slice %arg15[%add3A_33, %dma_wait3A] : memref<10016x128xf32, #tpu.memory_space<vmem_shared>> -> memref<64x128xf32, #tpu.memory_space<vmem_shared>>
      %dma_wait3A_224 = arith.constant 0 : i32
      %dma_wait3A_225 = tpu.memref_slice %arg15[%add3A_33, %dma_wait3A_224] : memref<10016x128xf32, #tpu.memory_space<vmem_shared>> -> memref<64x128xf32, #tpu.memory_space<vmem_shared>>
      tpu.wait_dma2 semaphore(%run_scoped3A : memref<!tpu.dma_semaphore, #tpu.memory_space<semaphore_mem>>) src(%arg11 : memref<64x128xf32, #tpu.memory_space<vmem>>) dst(%dma_wait3A_225 : memref<64x128xf32, #tpu.memory_space<vmem_shared>>)
      tpu.yield
    }) : () -> ()
    %mul3A_34 = arith.constant 625 : i32
    %mul3A_35 = arith.muli %arg1, %mul3A_34 : i32
    %add3A_36 = arith.constant 256 : i32
    %add3A_37 = arith.addi %mul3A_35, %add3A_36 : i32
    "tpu.region"() ({
      %run_scoped3A = tpu.sem_alloc : memref<!tpu.dma_semaphore, #tpu.memory_space<semaphore_mem>>
      %dma_start3A_219 = arith.constant 0 : i32
      %dma_start3A_220 = tpu.memref_slice %arg15[%add3A_37, %dma_start3A_219] : memref<10016x128xf32, #tpu.memory_space<vmem_shared>> -> memref<64x128xf32, #tpu.memory_space<vmem_shared>>
      %dma_start3A_221 = arith.constant 0 : i32
      %dma_start3A_222 = tpu.memref_slice %arg15[%add3A_37, %dma_start3A_221] : memref<10016x128xf32, #tpu.memory_space<vmem_shared>> -> memref<64x128xf32, #tpu.memory_space<vmem_shared>>
      tpu.enqueue_dma source(%arg11 : memref<64x128xf32, #tpu.memory_space<vmem>>) target(%dma_start3A_222 : memref<64x128xf32, #tpu.memory_space<vmem_shared>>) target_semaphore(%run_scoped3A : memref<!tpu.dma_semaphore, #tpu.memory_space<semaphore_mem>>)
      %dma_wait3A = arith.constant 0 : i32
      %dma_wait3A_223 = tpu.memref_slice %arg15[%add3A_37, %dma_wait3A] : memref<10016x128xf32, #tpu.memory_space<vmem_shared>> -> memref<64x128xf32, #tpu.memory_space<vmem_shared>>
      %dma_wait3A_224 = arith.constant 0 : i32
      %dma_wait3A_225 = tpu.memref_slice %arg15[%add3A_37, %dma_wait3A_224] : memref<10016x128xf32, #tpu.memory_space<vmem_shared>> -> memref<64x128xf32, #tpu.memory_space<vmem_shared>>
      tpu.wait_dma2 semaphore(%run_scoped3A : memref<!tpu.dma_semaphore, #tpu.memory_space<semaphore_mem>>) src(%arg11 : memref<64x128xf32, #tpu.memory_space<vmem>>) dst(%dma_wait3A_225 : memref<64x128xf32, #tpu.memory_space<vmem_shared>>)
      tpu.yield
    }) : () -> ()
    %mul3A_38 = arith.constant 625 : i32
    %mul3A_39 = arith.muli %arg1, %mul3A_38 : i32
    %add3A_40 = arith.constant 320 : i32
    %add3A_41 = arith.addi %mul3A_39, %add3A_40 : i32
    "tpu.region"() ({
      %run_scoped3A = tpu.sem_alloc : memref<!tpu.dma_semaphore, #tpu.memory_space<semaphore_mem>>
      %dma_start3A_219 = arith.constant 0 : i32
      %dma_start3A_220 = tpu.memref_slice %arg15[%add3A_41, %dma_start3A_219] : memref<10016x128xf32, #tpu.memory_space<vmem_shared>> -> memref<64x128xf32, #tpu.memory_space<vmem_shared>>
      %dma_start3A_221 = arith.constant 0 : i32
      %dma_start3A_222 = tpu.memref_slice %arg15[%add3A_41, %dma_start3A_221] : memref<10016x128xf32, #tpu.memory_space<vmem_shared>> -> memref<64x128xf32, #tpu.memory_space<vmem_shared>>
      tpu.enqueue_dma source(%arg11 : memref<64x128xf32, #tpu.memory_space<vmem>>) target(%dma_start3A_222 : memref<64x128xf32, #tpu.memory_space<vmem_shared>>) target_semaphore(%run_scoped3A : memref<!tpu.dma_semaphore, #tpu.memory_space<semaphore_mem>>)
      %dma_wait3A = arith.constant 0 : i32
      %dma_wait3A_223 = tpu.memref_slice %arg15[%add3A_41, %dma_wait3A] : memref<10016x128xf32, #tpu.memory_space<vmem_shared>> -> memref<64x128xf32, #tpu.memory_space<vmem_shared>>
      %dma_wait3A_224 = arith.constant 0 : i32
      %dma_wait3A_225 = tpu.memref_slice %arg15[%add3A_41, %dma_wait3A_224] : memref<10016x128xf32, #tpu.memory_space<vmem_shared>> -> memref<64x128xf32, #tpu.memory_space<vmem_shared>>
      tpu.wait_dma2 semaphore(%run_scoped3A : memref<!tpu.dma_semaphore, #tpu.memory_space<semaphore_mem>>) src(%arg11 : memref<64x128xf32, #tpu.memory_space<vmem>>) dst(%dma_wait3A_225 : memref<64x128xf32, #tpu.memory_space<vmem_shared>>)
      tpu.yield
    }) : () -> ()
    %mul3A_42 = arith.constant 625 : i32
    %mul3A_43 = arith.muli %arg1, %mul3A_42 : i32
    %add3A_44 = arith.constant 384 : i32
    %add3A_45 = arith.addi %mul3A_43, %add3A_44 : i32
    "tpu.region"() ({
      %run_scoped3A = tpu.sem_alloc : memref<!tpu.dma_semaphore, #tpu.memory_space<semaphore_mem>>
      %dma_start3A_219 = arith.constant 0 : i32
      %dma_start3A_220 = tpu.memref_slice %arg15[%add3A_45, %dma_start3A_219] : memref<10016x128xf32, #tpu.memory_space<vmem_shared>> -> memref<64x128xf32, #tpu.memory_space<vmem_shared>>
      %dma_start3A_221 = arith.constant 0 : i32
      %dma_start3A_222 = tpu.memref_slice %arg15[%add3A_45, %dma_start3A_221] : memref<10016x128xf32, #tpu.memory_space<vmem_shared>> -> memref<64x128xf32, #tpu.memory_space<vmem_shared>>
      tpu.enqueue_dma source(%arg11 : memref<64x128xf32, #tpu.memory_space<vmem>>) target(%dma_start3A_222 : memref<64x128xf32, #tpu.memory_space<vmem_shared>>) target_semaphore(%run_scoped3A : memref<!tpu.dma_semaphore, #tpu.memory_space<semaphore_mem>>)
      %dma_wait3A = arith.constant 0 : i32
      %dma_wait3A_223 = tpu.memref_slice %arg15[%add3A_45, %dma_wait3A] : memref<10016x128xf32, #tpu.memory_space<vmem_shared>> -> memref<64x128xf32, #tpu.memory_space<vmem_shared>>
      %dma_wait3A_224 = arith.constant 0 : i32
      %dma_wait3A_225 = tpu.memref_slice %arg15[%add3A_45, %dma_wait3A_224] : memref<10016x128xf32, #tpu.memory_space<vmem_shared>> -> memref<64x128xf32, #tpu.memory_space<vmem_shared>>
      tpu.wait_dma2 semaphore(%run_scoped3A : memref<!tpu.dma_semaphore, #tpu.memory_space<semaphore_mem>>) src(%arg11 : memref<64x128xf32, #tpu.memory_space<vmem>>) dst(%dma_wait3A_225 : memref<64x128xf32, #tpu.memory_space<vmem_shared>>)
      tpu.yield
    }) : () -> ()
    %mul3A_46 = arith.constant 625 : i32
    %mul3A_47 = arith.muli %arg1, %mul3A_46 : i32
    %add3A_48 = arith.constant 448 : i32
    %add3A_49 = arith.addi %mul3A_47, %add3A_48 : i32
    "tpu.region"() ({
      %run_scoped3A = tpu.sem_alloc : memref<!tpu.dma_semaphore, #tpu.memory_space<semaphore_mem>>
      %dma_start3A_219 = arith.constant 0 : i32
      %dma_start3A_220 = tpu.memref_slice %arg15[%add3A_49, %dma_start3A_219] : memref<10016x128xf32, #tpu.memory_space<vmem_shared>> -> memref<64x128xf32, #tpu.memory_space<vmem_shared>>
      %dma_start3A_221 = arith.constant 0 : i32
      %dma_start3A_222 = tpu.memref_slice %arg15[%add3A_49, %dma_start3A_221] : memref<10016x128xf32, #tpu.memory_space<vmem_shared>> -> memref<64x128xf32, #tpu.memory_space<vmem_shared>>
      tpu.enqueue_dma source(%arg11 : memref<64x128xf32, #tpu.memory_space<vmem>>) target(%dma_start3A_222 : memref<64x128xf32, #tpu.memory_space<vmem_shared>>) target_semaphore(%run_scoped3A : memref<!tpu.dma_semaphore, #tpu.memory_space<semaphore_mem>>)
      %dma_wait3A = arith.constant 0 : i32
      %dma_wait3A_223 = tpu.memref_slice %arg15[%add3A_49, %dma_wait3A] : memref<10016x128xf32, #tpu.memory_space<vmem_shared>> -> memref<64x128xf32, #tpu.memory_space<vmem_shared>>
      %dma_wait3A_224 = arith.constant 0 : i32
      %dma_wait3A_225 = tpu.memref_slice %arg15[%add3A_49, %dma_wait3A_224] : memref<10016x128xf32, #tpu.memory_space<vmem_shared>> -> memref<64x128xf32, #tpu.memory_space<vmem_shared>>
      tpu.wait_dma2 semaphore(%run_scoped3A : memref<!tpu.dma_semaphore, #tpu.memory_space<semaphore_mem>>) src(%arg11 : memref<64x128xf32, #tpu.memory_space<vmem>>) dst(%dma_wait3A_225 : memref<64x128xf32, #tpu.memory_space<vmem_shared>>)
      tpu.yield
    }) : () -> ()
    %mul3A_50 = arith.constant 625 : i32
    %mul3A_51 = arith.muli %arg1, %mul3A_50 : i32
    %add3A_52 = arith.constant 512 : i32
    %add3A_53 = arith.addi %mul3A_51, %add3A_52 : i32
    "tpu.region"() ({
      %run_scoped3A = tpu.sem_alloc : memref<!tpu.dma_semaphore, #tpu.memory_space<semaphore_mem>>
      %dma_start3A_219 = arith.constant 0 : i32
      %dma_start3A_220 = tpu.memref_slice %arg15[%add3A_53, %dma_start3A_219] : memref<10016x128xf32, #tpu.memory_space<vmem_shared>> -> memref<64x128xf32, #tpu.memory_space<vmem_shared>>
      %dma_start3A_221 = arith.constant 0 : i32
      %dma_start3A_222 = tpu.memref_slice %arg15[%add3A_53, %dma_start3A_221] : memref<10016x128xf32, #tpu.memory_space<vmem_shared>> -> memref<64x128xf32, #tpu.memory_space<vmem_shared>>
      tpu.enqueue_dma source(%arg11 : memref<64x128xf32, #tpu.memory_space<vmem>>) target(%dma_start3A_222 : memref<64x128xf32, #tpu.memory_space<vmem_shared>>) target_semaphore(%run_scoped3A : memref<!tpu.dma_semaphore, #tpu.memory_space<semaphore_mem>>)
      %dma_wait3A = arith.constant 0 : i32
      %dma_wait3A_223 = tpu.memref_slice %arg15[%add3A_53, %dma_wait3A] : memref<10016x128xf32, #tpu.memory_space<vmem_shared>> -> memref<64x128xf32, #tpu.memory_space<vmem_shared>>
      %dma_wait3A_224 = arith.constant 0 : i32
      %dma_wait3A_225 = tpu.memref_slice %arg15[%add3A_53, %dma_wait3A_224] : memref<10016x128xf32, #tpu.memory_space<vmem_shared>> -> memref<64x128xf32, #tpu.memory_space<vmem_shared>>
      tpu.wait_dma2 semaphore(%run_scoped3A : memref<!tpu.dma_semaphore, #tpu.memory_space<semaphore_mem>>) src(%arg11 : memref<64x128xf32, #tpu.memory_space<vmem>>) dst(%dma_wait3A_225 : memref<64x128xf32, #tpu.memory_space<vmem_shared>>)
      tpu.yield
    }) : () -> ()
    %mul3A_54 = arith.constant 625 : i32
    %mul3A_55 = arith.muli %arg1, %mul3A_54 : i32
    %add3A_56 = arith.constant 576 : i32
    %add3A_57 = arith.addi %mul3A_55, %add3A_56 : i32
    "tpu.region"() ({
      %run_scoped3A = tpu.sem_alloc : memref<!tpu.dma_semaphore, #tpu.memory_space<semaphore_mem>>
      %dma_start3A_219 = arith.constant 0 : i32
      %dma_start3A_220 = arith.constant 0 : i32
      %dma_start3A_221 = tpu.memref_slice %arg11[%dma_start3A_219, %dma_start3A_220] : memref<64x128xf32, #tpu.memory_space<vmem>> -> memref<49x128xf32, #tpu.memory_space<vmem>>
      %dma_start3A_222 = arith.constant 0 : i32
      %dma_start3A_223 = tpu.memref_slice %arg15[%add3A_57, %dma_start3A_222] : memref<10016x128xf32, #tpu.memory_space<vmem_shared>> -> memref<49x128xf32, #tpu.memory_space<vmem_shared>>
      %dma_start3A_224 = arith.constant 0 : i32
      %dma_start3A_225 = tpu.memref_slice %arg15[%add3A_57, %dma_start3A_224] : memref<10016x128xf32, #tpu.memory_space<vmem_shared>> -> memref<49x128xf32, #tpu.memory_space<vmem_shared>>
      %dma_start3A_226 = arith.constant 0 : i32
      %dma_start3A_227 = arith.constant 0 : i32
      %dma_start3A_228 = tpu.memref_slice %arg11[%dma_start3A_226, %dma_start3A_227] : memref<64x128xf32, #tpu.memory_space<vmem>> -> memref<49x128xf32, #tpu.memory_space<vmem>>
      tpu.enqueue_dma source(%dma_start3A_228 : memref<49x128xf32, #tpu.memory_space<vmem>>) target(%dma_start3A_225 : memref<49x128xf32, #tpu.memory_space<vmem_shared>>) target_semaphore(%run_scoped3A : memref<!tpu.dma_semaphore, #tpu.memory_space<semaphore_mem>>)
      %dma_wait3A = arith.constant 0 : i32
      %dma_wait3A_229 = arith.constant 0 : i32
      %dma_wait3A_230 = tpu.memref_slice %arg11[%dma_wait3A, %dma_wait3A_229] : memref<64x128xf32, #tpu.memory_space<vmem>> -> memref<49x128xf32, #tpu.memory_space<vmem>>
      %dma_wait3A_231 = arith.constant 0 : i32
      %dma_wait3A_232 = tpu.memref_slice %arg15[%add3A_57, %dma_wait3A_231] : memref<10016x128xf32, #tpu.memory_space<vmem_shared>> -> memref<49x128xf32, #tpu.memory_space<vmem_shared>>
      %dma_wait3A_233 = arith.constant 0 : i32
      %dma_wait3A_234 = tpu.memref_slice %arg15[%add3A_57, %dma_wait3A_233] : memref<10016x128xf32, #tpu.memory_space<vmem_shared>> -> memref<49x128xf32, #tpu.memory_space<vmem_shared>>
      %dma_wait3A_235 = arith.constant 0 : i32
      %dma_wait3A_236 = arith.constant 0 : i32
      %dma_wait3A_237 = tpu.memref_slice %arg11[%dma_wait3A_235, %dma_wait3A_236] : memref<64x128xf32, #tpu.memory_space<vmem>> -> memref<49x128xf32, #tpu.memory_space<vmem>>
      tpu.wait_dma2 semaphore(%run_scoped3A : memref<!tpu.dma_semaphore, #tpu.memory_space<semaphore_mem>>) src(%dma_wait3A_237 : memref<49x128xf32, #tpu.memory_space<vmem>>) dst(%dma_wait3A_234 : memref<49x128xf32, #tpu.memory_space<vmem_shared>>)
      tpu.yield
    }) : () -> ()
    %barrier3A = arith.constant 0 : index
    tpu.barrier barrier_id(%barrier3A)
    %get3A = arith.constant 0 : index
    %get3A_58 = tpu.vector_load %arg5[%get3A] {strides = array<i32>} : memref<16640xi32, #tpu.memory_space<vmem>>, vector<16xi32>,
    %get3A_59 = vector.shape_cast %get3A_58 : vector<16xi32> to vector<16xi32>
    %and3A = arith.constant 16383 : i32
    %and3A_60 = vector.broadcast %and3A : i32 to vector<16xi32>
    %and3A_61 = arith.andi %get3A_59, %and3A_60 : vector<16xi32>
    %swap3A = arith.constant 0 : index
    %swap3A_62 = tpu.vector_load %arg6[%swap3A] {strides = array<i32>} : memref<64xi32, #tpu.memory_space<vmem>>, vector<16xi32>,
    %swap3A_63 = vector.shape_cast %swap3A_62 : vector<16xi32> to vector<16xi32>
    %swap3A_64 = vector.shape_cast %and3A_61 : vector<16xi32> to vector<16xi32>
    tpu.vector_store %arg6[%swap3A], %swap3A_64 {strides = array<i32>} : memref<64xi32, #tpu.memory_space<vmem>>, vector<16xi32>,
    %get3A_65 = arith.constant 16 : index
    %get3A_66 = tpu.vector_load %arg5[%get3A_65] {strides = array<i32>} : memref<16640xi32, #tpu.memory_space<vmem>>, vector<16xi32>,
    %get3A_67 = vector.shape_cast %get3A_66 : vector<16xi32> to vector<16xi32>
    %and3A_68 = arith.constant 16383 : i32
    %and3A_69 = vector.broadcast %and3A_68 : i32 to vector<16xi32>
    %and3A_70 = arith.andi %get3A_67, %and3A_69 : vector<16xi32>
    %swap3A_71 = arith.constant 16 : index
    %swap3A_72 = tpu.vector_load %arg6[%swap3A_71] {strides = array<i32>} : memref<64xi32, #tpu.memory_space<vmem>>, vector<16xi32>,
    %swap3A_73 = vector.shape_cast %swap3A_72 : vector<16xi32> to vector<16xi32>
    %swap3A_74 = vector.shape_cast %and3A_70 : vector<16xi32> to vector<16xi32>
    tpu.vector_store %arg6[%swap3A_71], %swap3A_74 {strides = array<i32>} : memref<64xi32, #tpu.memory_space<vmem>>, vector<16xi32>,
    %get3A_75 = arith.constant 32 : index
    %get3A_76 = tpu.vector_load %arg5[%get3A_75] {strides = array<i32>} : memref<16640xi32, #tpu.memory_space<vmem>>, vector<16xi32>,
    %get3A_77 = vector.shape_cast %get3A_76 : vector<16xi32> to vector<16xi32>
    %and3A_78 = arith.constant 16383 : i32
    %and3A_79 = vector.broadcast %and3A_78 : i32 to vector<16xi32>
    %and3A_80 = arith.andi %get3A_77, %and3A_79 : vector<16xi32>
    %swap3A_81 = arith.constant 32 : index
    %swap3A_82 = tpu.vector_load %arg6[%swap3A_81] {strides = array<i32>} : memref<64xi32, #tpu.memory_space<vmem>>, vector<16xi32>,
    %swap3A_83 = vector.shape_cast %swap3A_82 : vector<16xi32> to vector<16xi32>
    %swap3A_84 = vector.shape_cast %and3A_80 : vector<16xi32> to vector<16xi32>
    tpu.vector_store %arg6[%swap3A_81], %swap3A_84 {strides = array<i32>} : memref<64xi32, #tpu.memory_space<vmem>>, vector<16xi32>,
    %get3A_85 = arith.constant 48 : index
    %get3A_86 = tpu.vector_load %arg5[%get3A_85] {strides = array<i32>} : memref<16640xi32, #tpu.memory_space<vmem>>, vector<16xi32>,
    %get3A_87 = vector.shape_cast %get3A_86 : vector<16xi32> to vector<16xi32>
    %and3A_88 = arith.constant 16383 : i32
    %and3A_89 = vector.broadcast %and3A_88 : i32 to vector<16xi32>
    %and3A_90 = arith.andi %get3A_87, %and3A_89 : vector<16xi32>
    %swap3A_91 = arith.constant 48 : index
    %swap3A_92 = tpu.vector_load %arg6[%swap3A_91] {strides = array<i32>} : memref<64xi32, #tpu.memory_space<vmem>>, vector<16xi32>,
    %swap3A_93 = vector.shape_cast %swap3A_92 : vector<16xi32> to vector<16xi32>
    %swap3A_94 = vector.shape_cast %and3A_90 : vector<16xi32> to vector<16xi32>
    tpu.vector_store %arg6[%swap3A_91], %swap3A_94 {strides = array<i32>} : memref<64xi32, #tpu.memory_space<vmem>>, vector<16xi32>,
    %dma_start3A = arith.constant 0 : i32
    %dma_start3A_95 = arith.constant 0 : i32
    %dma_start3A_96 = tpu.memref_slice %arg2[%dma_start3A, %dma_start3A_95] : memref<10000x128xf32, #tpu.memory_space<hbm>> -> memref<10000x128xf32, #tpu.memory_space<hbm>>
    tpu.enqueue_indirect_dma source(%dma_start3A_96 : memref<10000x128xf32, #tpu.memory_space<hbm>>) target(%arg11 : memref<64x128xf32, #tpu.memory_space<vmem>>) offsets(%arg6 : memref<64xi32, #tpu.memory_space<vmem>>) semaphore(%arg16 : memref<!tpu.dma_semaphore, #tpu.memory_space<semaphore_mem>>)
    %get3A_97 = arith.constant 64 : index
    %get3A_98 = tpu.vector_load %arg5[%get3A_97] {strides = array<i32>} : memref<16640xi32, #tpu.memory_space<vmem>>, vector<16xi32>,
    %get3A_99 = vector.shape_cast %get3A_98 : vector<16xi32> to vector<16xi32>
    %and3A_100 = arith.constant 16383 : i32
    %and3A_101 = vector.broadcast %and3A_100 : i32 to vector<16xi32>
    %and3A_102 = arith.andi %get3A_99, %and3A_101 : vector<16xi32>
    %swap3A_103 = arith.constant 0 : index
    %swap3A_104 = tpu.vector_load %arg7[%swap3A_103] {strides = array<i32>} : memref<64xi32, #tpu.memory_space<vmem>>, vector<16xi32>,
    %swap3A_105 = vector.shape_cast %swap3A_104 : vector<16xi32> to vector<16xi32>
    %swap3A_106 = vector.shape_cast %and3A_102 : vector<16xi32> to vector<16xi32>
    tpu.vector_store %arg7[%swap3A_103], %swap3A_106 {strides = array<i32>} : memref<64xi32, #tpu.memory_space<vmem>>, vector<16xi32>,
    %get3A_107 = arith.constant 80 : index
    %get3A_108 = tpu.vector_load %arg5[%get3A_107] {strides = array<i32>} : memref<16640xi32, #tpu.memory_space<vmem>>, vector<16xi32>,
    %get3A_109 = vector.shape_cast %get3A_108 : vector<16xi32> to vector<16xi32>
    %and3A_110 = arith.constant 16383 : i32
    %and3A_111 = vector.broadcast %and3A_110 : i32 to vector<16xi32>
    %and3A_112 = arith.andi %get3A_109, %and3A_111 : vector<16xi32>
    %swap3A_113 = arith.constant 16 : index
    %swap3A_114 = tpu.vector_load %arg7[%swap3A_113] {strides = array<i32>} : memref<64xi32, #tpu.memory_space<vmem>>, vector<16xi32>,
    %swap3A_115 = vector.shape_cast %swap3A_114 : vector<16xi32> to vector<16xi32>
    %swap3A_116 = vector.shape_cast %and3A_112 : vector<16xi32> to vector<16xi32>
    tpu.vector_store %arg7[%swap3A_113], %swap3A_116 {strides = array<i32>} : memref<64xi32, #tpu.memory_space<vmem>>, vector<16xi32>,
    %get3A_117 = arith.constant 96 : index
    %get3A_118 = tpu.vector_load %arg5[%get3A_117] {strides = array<i32>} : memref<16640xi32, #tpu.memory_space<vmem>>, vector<16xi32>,
    %get3A_119 = vector.shape_cast %get3A_118 : vector<16xi32> to vector<16xi32>
    %and3A_120 = arith.constant 16383 : i32
    %and3A_121 = vector.broadcast %and3A_120 : i32 to vector<16xi32>
    %and3A_122 = arith.andi %get3A_119, %and3A_121 : vector<16xi32>
    %swap3A_123 = arith.constant 32 : index
    %swap3A_124 = tpu.vector_load %arg7[%swap3A_123] {strides = array<i32>} : memref<64xi32, #tpu.memory_space<vmem>>, vector<16xi32>,
    %swap3A_125 = vector.shape_cast %swap3A_124 : vector<16xi32> to vector<16xi32>
    %swap3A_126 = vector.shape_cast %and3A_122 : vector<16xi32> to vector<16xi32>
    tpu.vector_store %arg7[%swap3A_123], %swap3A_126 {strides = array<i32>} : memref<64xi32, #tpu.memory_space<vmem>>, vector<16xi32>,
    %get3A_127 = arith.constant 112 : index
    %get3A_128 = tpu.vector_load %arg5[%get3A_127] {strides = array<i32>} : memref<16640xi32, #tpu.memory_space<vmem>>, vector<16xi32>,
    %get3A_129 = vector.shape_cast %get3A_128 : vector<16xi32> to vector<16xi32>
    %and3A_130 = arith.constant 16383 : i32
    %and3A_131 = vector.broadcast %and3A_130 : i32 to vector<16xi32>
    %and3A_132 = arith.andi %get3A_129, %and3A_131 : vector<16xi32>
    %swap3A_133 = arith.constant 48 : index
    %swap3A_134 = tpu.vector_load %arg7[%swap3A_133] {strides = array<i32>} : memref<64xi32, #tpu.memory_space<vmem>>, vector<16xi32>,
    %swap3A_135 = vector.shape_cast %swap3A_134 : vector<16xi32> to vector<16xi32>
    %swap3A_136 = vector.shape_cast %and3A_132 : vector<16xi32> to vector<16xi32>
    tpu.vector_store %arg7[%swap3A_133], %swap3A_136 {strides = array<i32>} : memref<64xi32, #tpu.memory_space<vmem>>, vector<16xi32>,
    %dma_start3A_137 = arith.constant 0 : i32
    %dma_start3A_138 = arith.constant 0 : i32
    %dma_start3A_139 = tpu.memref_slice %arg2[%dma_start3A_137, %dma_start3A_138] : memref<10000x128xf32, #tpu.memory_space<hbm>> -> memref<10000x128xf32, #tpu.memory_space<hbm>>
    tpu.enqueue_indirect_dma source(%dma_start3A_139 : memref<10000x128xf32, #tpu.memory_space<hbm>>) target(%arg12 : memref<64x128xf32, #tpu.memory_space<vmem>>) offsets(%arg7 : memref<64xi32, #tpu.memory_space<vmem>>) semaphore(%arg17 : memref<!tpu.dma_semaphore, #tpu.memory_space<semaphore_mem>>)
    %get3A_140 = arith.constant 128 : index
    %get3A_141 = tpu.vector_load %arg5[%get3A_140] {strides = array<i32>} : memref<16640xi32, #tpu.memory_space<vmem>>, vector<16xi32>,
    %get3A_142 = vector.shape_cast %get3A_141 : vector<16xi32> to vector<16xi32>
    %and3A_143 = arith.constant 16383 : i32
    %and3A_144 = vector.broadcast %and3A_143 : i32 to vector<16xi32>
    %and3A_145 = arith.andi %get3A_142, %and3A_144 : vector<16xi32>
    %swap3A_146 = arith.constant 0 : index
    %swap3A_147 = tpu.vector_load %arg8[%swap3A_146] {strides = array<i32>} : memref<64xi32, #tpu.memory_space<vmem>>, vector<16xi32>,
    %swap3A_148 = vector.shape_cast %swap3A_147 : vector<16xi32> to vector<16xi32>
    %swap3A_149 = vector.shape_cast %and3A_145 : vector<16xi32> to vector<16xi32>
    tpu.vector_store %arg8[%swap3A_146], %swap3A_149 {strides = array<i32>} : memref<64xi32, #tpu.memory_space<vmem>>, vector<16xi32>,
    %get3A_150 = arith.constant 144 : index
    %get3A_151 = tpu.vector_load %arg5[%get3A_150] {strides = array<i32>} : memref<16640xi32, #tpu.memory_space<vmem>>, vector<16xi32>,
    %get3A_152 = vector.shape_cast %get3A_151 : vector<16xi32> to vector<16xi32>
    %and3A_153 = arith.constant 16383 : i32
    %and3A_154 = vector.broadcast %and3A_153 : i32 to vector<16xi32>
    %and3A_155 = arith.andi %get3A_152, %and3A_154 : vector<16xi32>
    %swap3A_156 = arith.constant 16 : index
    %swap3A_157 = tpu.vector_load %arg8[%swap3A_156] {strides = array<i32>} : memref<64xi32, #tpu.memory_space<vmem>>, vector<16xi32>,
    %swap3A_158 = vector.shape_cast %swap3A_157 : vector<16xi32> to vector<16xi32>
    %swap3A_159 = vector.shape_cast %and3A_155 : vector<16xi32> to vector<16xi32>
    tpu.vector_store %arg8[%swap3A_156], %swap3A_159 {strides = array<i32>} : memref<64xi32, #tpu.memory_space<vmem>>, vector<16xi32>,
    %get3A_160 = arith.constant 160 : index
    %get3A_161 = tpu.vector_load %arg5[%get3A_160] {strides = array<i32>} : memref<16640xi32, #tpu.memory_space<vmem>>, vector<16xi32>,
    %get3A_162 = vector.shape_cast %get3A_161 : vector<16xi32> to vector<16xi32>
    %and3A_163 = arith.constant 16383 : i32
    %and3A_164 = vector.broadcast %and3A_163 : i32 to vector<16xi32>
    %and3A_165 = arith.andi %get3A_162, %and3A_164 : vector<16xi32>
    %swap3A_166 = arith.constant 32 : index
    %swap3A_167 = tpu.vector_load %arg8[%swap3A_166] {strides = array<i32>} : memref<64xi32, #tpu.memory_space<vmem>>, vector<16xi32>,
    %swap3A_168 = vector.shape_cast %swap3A_167 : vector<16xi32> to vector<16xi32>
    %swap3A_169 = vector.shape_cast %and3A_165 : vector<16xi32> to vector<16xi32>
    tpu.vector_store %arg8[%swap3A_166], %swap3A_169 {strides = array<i32>} : memref<64xi32, #tpu.memory_space<vmem>>, vector<16xi32>,
    %get3A_170 = arith.constant 176 : index
    %get3A_171 = tpu.vector_load %arg5[%get3A_170] {strides = array<i32>} : memref<16640xi32, #tpu.memory_space<vmem>>, vector<16xi32>,
    %get3A_172 = vector.shape_cast %get3A_171 : vector<16xi32> to vector<16xi32>
    %and3A_173 = arith.constant 16383 : i32
    %and3A_174 = vector.broadcast %and3A_173 : i32 to vector<16xi32>
    %and3A_175 = arith.andi %get3A_172, %and3A_174 : vector<16xi32>
    %swap3A_176 = arith.constant 48 : index
    %swap3A_177 = tpu.vector_load %arg8[%swap3A_176] {strides = array<i32>} : memref<64xi32, #tpu.memory_space<vmem>>, vector<16xi32>,
    %swap3A_178 = vector.shape_cast %swap3A_177 : vector<16xi32> to vector<16xi32>
    %swap3A_179 = vector.shape_cast %and3A_175 : vector<16xi32> to vector<16xi32>
    tpu.vector_store %arg8[%swap3A_176], %swap3A_179 {strides = array<i32>} : memref<64xi32, #tpu.memory_space<vmem>>, vector<16xi32>,
    %dma_start3A_180 = arith.constant 0 : i32
    %dma_start3A_181 = arith.constant 0 : i32
    %dma_start3A_182 = tpu.memref_slice %arg2[%dma_start3A_180, %dma_start3A_181] : memref<10000x128xf32, #tpu.memory_space<hbm>> -> memref<10000x128xf32, #tpu.memory_space<hbm>>
    tpu.enqueue_indirect_dma source(%dma_start3A_182 : memref<10000x128xf32, #tpu.memory_space<hbm>>) target(%arg13 : memref<64x128xf32, #tpu.memory_space<vmem>>) offsets(%arg8 : memref<64xi32, #tpu.memory_space<vmem>>) semaphore(%arg18 : memref<!tpu.dma_semaphore, #tpu.memory_space<semaphore_mem>>)
    %jit3A_183 = arith.constant 4 : i32
    %div3A = arith.divsi %select_n3A_6, %jit3A_183 : i32
    %sign3A = arith.constant 0 : i32
    %sign3A_184 = arith.cmpi sgt, %select_n3A_6, %sign3A : i32
    %sign3A_185 = arith.extui %sign3A_184 : i1 to i32
    %sign3A_186 = arith.constant 0 : i32
    %sign3A_187 = arith.cmpi slt, %select_n3A_6, %sign3A_186 : i32
    %sign3A_188 = arith.extui %sign3A_187 : i1 to i32
    %sign3A_189 = arith.subi %sign3A_185, %sign3A_188 : i32
    %sign3A_190 = arith.constant 0 : i32
    %sign3A_191 = arith.cmpi sgt, %jit3A_183, %sign3A_190 : i32
    %sign3A_192 = arith.extui %sign3A_191 : i1 to i32
    %sign3A_193 = arith.constant 0 : i32
    %sign3A_194 = arith.cmpi slt, %jit3A_183, %sign3A_193 : i32
    %sign3A_195 = arith.extui %sign3A_194 : i1 to i32
    %sign3A_196 = arith.subi %sign3A_192, %sign3A_195 : i32
    %ne3A = arith.cmpi ne, %sign3A_189, %sign3A_196 : i32
    %rem3A = arith.remsi %select_n3A_6, %jit3A_183 : i32
    %ne3A_197 = arith.constant 0 : i32
    %ne3A_198 = arith.cmpi ne, %rem3A, %ne3A_197 : i32
    %and3A_199 = arith.andi %ne3A, %ne3A_198 : i1
    %sub3A = arith.constant 1 : i32
    %sub3A_200 = arith.subi %div3A, %sub3A : i32
    %select_n3A_201 = arith.select %and3A_199, %sub3A_200, %div3A : i32
    %while3A = arith.constant 0 : i32
    %while3A_202 = arith.constant 0 : i32
    %while3A_203 = arith.subi %select_n3A_201, %while3A_202 : i32
    %while3A_204 = arith.addi %while3A_202, %while3A_203 : i32
    %while3A_205 = arith.constant 1 : i32
    %while3A_206 = arith.divsi %while3A_203, %while3A_205 : i32
    %while3A_207 = arith.muli %while3A_206, %while3A_205 : i32
    %while3A_208 = arith.addi %while3A_202, %while3A_207 : i32
    %while3A_209 = arith.constant 1 : i32
    scf.for %while3A_219 = %while3A_202 to %while3A_208 step %while3A_209  : i32 {
      %mul3A_220 = arith.constant 4 : i32
      %mul3A_221 = arith.muli %mul3A_220, %while3A_219 : i32
      %add3A_222 = arith.constant 0 : i32
      %add3A_223 = arith.addi %mul3A_221, %add3A_222 : i32
      %dma_wait3A = arith.constant 0 : i32
      %dma_wait3A_224 = arith.constant 0 : i32
      %dma_wait3A_225 = tpu.memref_slice %arg2[%dma_wait3A, %dma_wait3A_224] : memref<10000x128xf32, #tpu.memory_space<hbm>> -> memref<10000x128xf32, #tpu.memory_space<hbm>>
      tpu.wait_indirect_dma semaphore(%arg16 : memref<!tpu.dma_semaphore, #tpu.memory_space<semaphore_mem>>) src(%dma_wait3A_225 : memref<10000x128xf32, #tpu.memory_space<hbm>>) dst(%arg11 : memref<64x128xf32, #tpu.memory_space<vmem>>)
      %mul3A_226 = arith.constant 64 : i32
      %mul3A_227 = arith.muli %add3A_223, %mul3A_226 : i32
      %add3A_228 = arith.constant 0 : i32
      %add3A_229 = arith.addi %mul3A_227, %add3A_228 : i32
      %get3A_230 = arith.index_cast %add3A_229 : i32 to index
      %get3A_231 = tpu.vector_load %arg5[%get3A_230] {strides = array<i32>} : memref<16640xi32, #tpu.memory_space<vmem>>, vector<16xi32>,
      %get3A_232 = vector.shape_cast %get3A_231 : vector<16xi32> to vector<16xi32>
      %shift_right_logical3A = arith.constant 14 : i32
      %shift_right_logical3A_233 = vector.broadcast %shift_right_logical3A : i32 to vector<16xi32>
      %shift_right_logical3A_234 = arith.shrui %get3A_232, %shift_right_logical3A_233 : vector<16xi32>
      %swap3A_235 = arith.constant 0 : index
      %swap3A_236 = tpu.vector_load %arg10[%swap3A_235] {strides = array<i32>} : memref<64xi32, #tpu.memory_space<vmem>>, vector<16xi32>,
      %swap3A_237 = vector.shape_cast %swap3A_236 : vector<16xi32> to vector<16xi32>
      %swap3A_238 = vector.shape_cast %shift_right_logical3A_234 : vector<16xi32> to vector<16xi32>
      tpu.vector_store %arg10[%swap3A_235], %swap3A_238 {strides = array<i32>} : memref<64xi32, #tpu.memory_space<vmem>>, vector<16xi32>,
      %mul3A_239 = arith.constant 64 : i32
      %mul3A_240 = arith.muli %add3A_223, %mul3A_239 : i32
      %add3A_241 = arith.constant 16 : i32
      %add3A_242 = arith.addi %mul3A_240, %add3A_241 : i32
      %get3A_243 = arith.index_cast %add3A_242 : i32 to index
      %get3A_244 = tpu.vector_load %arg5[%get3A_243] {strides = array<i32>} : memref<16640xi32, #tpu.memory_space<vmem>>, vector<16xi32>,
      %get3A_245 = vector.shape_cast %get3A_244 : vector<16xi32> to vector<16xi32>
      %shift_right_logical3A_246 = arith.constant 14 : i32
      %shift_right_logical3A_247 = vector.broadcast %shift_right_logical3A_246 : i32 to vector<16xi32>
      %shift_right_logical3A_248 = arith.shrui %get3A_245, %shift_right_logical3A_247 : vector<16xi32>
      %swap3A_249 = arith.constant 16 : index
      %swap3A_250 = tpu.vector_load %arg10[%swap3A_249] {strides = array<i32>} : memref<64xi32, #tpu.memory_space<vmem>>, vector<16xi32>,
      %swap3A_251 = vector.shape_cast %swap3A_250 : vector<16xi32> to vector<16xi32>
      %swap3A_252 = vector.shape_cast %shift_right_logical3A_248 : vector<16xi32> to vector<16xi32>
      tpu.vector_store %arg10[%swap3A_249], %swap3A_252 {strides = array<i32>} : memref<64xi32, #tpu.memory_space<vmem>>, vector<16xi32>,
      %mul3A_253 = arith.constant 64 : i32
      %mul3A_254 = arith.muli %add3A_223, %mul3A_253 : i32
      %add3A_255 = arith.constant 32 : i32
      %add3A_256 = arith.addi %mul3A_254, %add3A_255 : i32
      %get3A_257 = arith.index_cast %add3A_256 : i32 to index
      %get3A_258 = tpu.vector_load %arg5[%get3A_257] {strides = array<i32>} : memref<16640xi32, #tpu.memory_space<vmem>>, vector<16xi32>,
      %get3A_259 = vector.shape_cast %get3A_258 : vector<16xi32> to vector<16xi32>
      %shift_right_logical3A_260 = arith.constant 14 : i32
      %shift_right_logical3A_261 = vector.broadcast %shift_right_logical3A_260 : i32 to vector<16xi32>
      %shift_right_logical3A_262 = arith.shrui %get3A_259, %shift_right_logical3A_261 : vector<16xi32>
      %swap3A_263 = arith.constant 32 : index
      %swap3A_264 = tpu.vector_load %arg10[%swap3A_263] {strides = array<i32>} : memref<64xi32, #tpu.memory_space<vmem>>, vector<16xi32>,
      %swap3A_265 = vector.shape_cast %swap3A_264 : vector<16xi32> to vector<16xi32>
      %swap3A_266 = vector.shape_cast %shift_right_logical3A_262 : vector<16xi32> to vector<16xi32>
      tpu.vector_store %arg10[%swap3A_263], %swap3A_266 {strides = array<i32>} : memref<64xi32, #tpu.memory_space<vmem>>, vector<16xi32>,
      %mul3A_267 = arith.constant 64 : i32
      %mul3A_268 = arith.muli %add3A_223, %mul3A_267 : i32
      %add3A_269 = arith.constant 48 : i32
      %add3A_270 = arith.addi %mul3A_268, %add3A_269 : i32
      %get3A_271 = arith.index_cast %add3A_270 : i32 to index
      %get3A_272 = tpu.vector_load %arg5[%get3A_271] {strides = array<i32>} : memref<16640xi32, #tpu.memory_space<vmem>>, vector<16xi32>,
      %get3A_273 = vector.shape_cast %get3A_272 : vector<16xi32> to vector<16xi32>
      %shift_right_logical3A_274 = arith.constant 14 : i32
      %shift_right_logical3A_275 = vector.broadcast %shift_right_logical3A_274 : i32 to vector<16xi32>
      %shift_right_logical3A_276 = arith.shrui %get3A_273, %shift_right_logical3A_275 : vector<16xi32>
      %swap3A_277 = arith.constant 48 : index
      %swap3A_278 = tpu.vector_load %arg10[%swap3A_277] {strides = array<i32>} : memref<64xi32, #tpu.memory_space<vmem>>, vector<16xi32>,
      %swap3A_279 = vector.shape_cast %swap3A_278 : vector<16xi32> to vector<16xi32>
      %swap3A_280 = vector.shape_cast %shift_right_logical3A_276 : vector<16xi32> to vector<16xi32>
      tpu.vector_store %arg10[%swap3A_277], %swap3A_280 {strides = array<i32>} : memref<64xi32, #tpu.memory_space<vmem>>, vector<16xi32>,
      "tpu.region"() ({
        %run_scoped3A = tpu.sem_alloc : memref<!tpu.dma_semaphore, #tpu.memory_space<semaphore_mem>>
        %dma_start3A_487 = arith.constant 0 : i32
        %dma_start3A_488 = arith.constant 0 : i32
        %dma_start3A_489 = tpu.memref_slice %arg15[%dma_start3A_487, %dma_start3A_488] : memref<10016x128xf32, #tpu.memory_space<vmem_shared>> -> memref<10016x128xf32, #tpu.memory_space<vmem_shared>>
        tpu.enqueue_indirect_dma source(%arg11 : memref<64x128xf32, #tpu.memory_space<vmem>>) target(%dma_start3A_489 : memref<10016x128xf32, #tpu.memory_space<vmem_shared>>) offsets(%arg10 : memref<64xi32, #tpu.memory_space<vmem>>) semaphore(%run_scoped3A : memref<!tpu.dma_semaphore, #tpu.memory_space<semaphore_mem>>) {add = true}
        %dma_wait3A_490 = arith.constant 0 : i32
        %dma_wait3A_491 = arith.constant 0 : i32
        %dma_wait3A_492 = tpu.memref_slice %arg15[%dma_wait3A_490, %dma_wait3A_491] : memref<10016x128xf32, #tpu.memory_space<vmem_shared>> -> memref<10016x128xf32, #tpu.memory_space<vmem_shared>>
        tpu.wait_indirect_dma semaphore(%run_scoped3A : memref<!tpu.dma_semaphore, #tpu.memory_space<semaphore_mem>>) src(%arg11 : memref<64x128xf32, #tpu.memory_space<vmem>>) dst(%dma_wait3A_492 : memref<10016x128xf32, #tpu.memory_space<vmem_shared>>)
        tpu.yield
      }) : () -> ()
      %add3A_281 = arith.constant 3 : i32
      %add3A_282 = arith.addi %add3A_223, %add3A_281 : i32
      %lt3A = arith.cmpi slt, %add3A_282, %select_n3A_6 : i32
      %convert_element_type3A_283 = arith.extui %lt3A : i1 to i32
      %cond3A_284 = arith.constant 0 : i32
      %cond3A_285 = arith.cmpi ne, %convert_element_type3A_283, %cond3A_284 : i32
      scf.if %cond3A_285 {
        %add3A_487 = arith.constant 3 : i32
        %add3A_488 = arith.addi %add3A_223, %add3A_487 : i32
        %mul3A_489 = arith.constant 64 : i32
        %mul3A_490 = arith.muli %add3A_488, %mul3A_489 : i32
        %add3A_491 = arith.constant 0 : i32
        %add3A_492 = arith.addi %mul3A_490, %add3A_491 : i32
        %get3A_493 = arith.index_cast %add3A_492 : i32 to index
        %get3A_494 = tpu.vector_load %arg5[%get3A_493] {strides = array<i32>} : memref<16640xi32, #tpu.memory_space<vmem>>, vector<16xi32>,
        %get3A_495 = vector.shape_cast %get3A_494 : vector<16xi32> to vector<16xi32>
        %and3A_496 = arith.constant 16383 : i32
        %and3A_497 = vector.broadcast %and3A_496 : i32 to vector<16xi32>
        %and3A_498 = arith.andi %get3A_495, %and3A_497 : vector<16xi32>
        %swap3A_499 = arith.constant 0 : index
        %swap3A_500 = tpu.vector_load %arg9[%swap3A_499] {strides = array<i32>} : memref<64xi32, #tpu.memory_space<vmem>>, vector<16xi32>,
        %swap3A_501 = vector.shape_cast %swap3A_500 : vector<16xi32> to vector<16xi32>
        %swap3A_502 = vector.shape_cast %and3A_498 : vector<16xi32> to vector<16xi32>
        tpu.vector_store %arg9[%swap3A_499], %swap3A_502 {strides = array<i32>} : memref<64xi32, #tpu.memory_space<vmem>>, vector<16xi32>,
        %mul3A_503 = arith.constant 64 : i32
        %mul3A_504 = arith.muli %add3A_488, %mul3A_503 : i32
        %add3A_505 = arith.constant 16 : i32
        %add3A_506 = arith.addi %mul3A_504, %add3A_505 : i32
        %get3A_507 = arith.index_cast %add3A_506 : i32 to index
        %get3A_508 = tpu.vector_load %arg5[%get3A_507] {strides = array<i32>} : memref<16640xi32, #tpu.memory_space<vmem>>, vector<16xi32>,
        %get3A_509 = vector.shape_cast %get3A_508 : vector<16xi32> to vector<16xi32>
        %and3A_510 = arith.constant 16383 : i32
        %and3A_511 = vector.broadcast %and3A_510 : i32 to vector<16xi32>
        %and3A_512 = arith.andi %get3A_509, %and3A_511 : vector<16xi32>
        %swap3A_513 = arith.constant 16 : index
        %swap3A_514 = tpu.vector_load %arg9[%swap3A_513] {strides = array<i32>} : memref<64xi32, #tpu.memory_space<vmem>>, vector<16xi32>,
        %swap3A_515 = vector.shape_cast %swap3A_514 : vector<16xi32> to vector<16xi32>
        %swap3A_516 = vector.shape_cast %and3A_512 : vector<16xi32> to vector<16xi32>
        tpu.vector_store %arg9[%swap3A_513], %swap3A_516 {strides = array<i32>} : memref<64xi32, #tpu.memory_space<vmem>>, vector<16xi32>,
        %mul3A_517 = arith.constant 64 : i32
        %mul3A_518 = arith.muli %add3A_488, %mul3A_517 : i32
        %add3A_519 = arith.constant 32 : i32
        %add3A_520 = arith.addi %mul3A_518, %add3A_519 : i32
        %get3A_521 = arith.index_cast %add3A_520 : i32 to index
        %get3A_522 = tpu.vector_load %arg5[%get3A_521] {strides = array<i32>} : memref<16640xi32, #tpu.memory_space<vmem>>, vector<16xi32>,
        %get3A_523 = vector.shape_cast %get3A_522 : vector<16xi32> to vector<16xi32>
        %and3A_524 = arith.constant 16383 : i32
        %and3A_525 = vector.broadcast %and3A_524 : i32 to vector<16xi32>
        %and3A_526 = arith.andi %get3A_523, %and3A_525 : vector<16xi32>
        %swap3A_527 = arith.constant 32 : index
        %swap3A_528 = tpu.vector_load %arg9[%swap3A_527] {strides = array<i32>} : memref<64xi32, #tpu.memory_space<vmem>>, vector<16xi32>,
        %swap3A_529 = vector.shape_cast %swap3A_528 : vector<16xi32> to vector<16xi32>
        %swap3A_530 = vector.shape_cast %and3A_526 : vector<16xi32> to vector<16xi32>
        tpu.vector_store %arg9[%swap3A_527], %swap3A_530 {strides = array<i32>} : memref<64xi32, #tpu.memory_space<vmem>>, vector<16xi32>,
        %mul3A_531 = arith.constant 64 : i32
        %mul3A_532 = arith.muli %add3A_488, %mul3A_531 : i32
        %add3A_533 = arith.constant 48 : i32
        %add3A_534 = arith.addi %mul3A_532, %add3A_533 : i32
        %get3A_535 = arith.index_cast %add3A_534 : i32 to index
        %get3A_536 = tpu.vector_load %arg5[%get3A_535] {strides = array<i32>} : memref<16640xi32, #tpu.memory_space<vmem>>, vector<16xi32>,
        %get3A_537 = vector.shape_cast %get3A_536 : vector<16xi32> to vector<16xi32>
        %and3A_538 = arith.constant 16383 : i32
        %and3A_539 = vector.broadcast %and3A_538 : i32 to vector<16xi32>
        %and3A_540 = arith.andi %get3A_537, %and3A_539 : vector<16xi32>
        %swap3A_541 = arith.constant 48 : index
        %swap3A_542 = tpu.vector_load %arg9[%swap3A_541] {strides = array<i32>} : memref<64xi32, #tpu.memory_space<vmem>>, vector<16xi32>,
        %swap3A_543 = vector.shape_cast %swap3A_542 : vector<16xi32> to vector<16xi32>
        %swap3A_544 = vector.shape_cast %and3A_540 : vector<16xi32> to vector<16xi32>
        tpu.vector_store %arg9[%swap3A_541], %swap3A_544 {strides = array<i32>} : memref<64xi32, #tpu.memory_space<vmem>>, vector<16xi32>,
        %dma_start3A_545 = arith.constant 0 : i32
        %dma_start3A_546 = arith.constant 0 : i32
        %dma_start3A_547 = tpu.memref_slice %arg2[%dma_start3A_545, %dma_start3A_546] : memref<10000x128xf32, #tpu.memory_space<hbm>> -> memref<10000x128xf32, #tpu.memory_space<hbm>>
        tpu.enqueue_indirect_dma source(%dma_start3A_547 : memref<10000x128xf32, #tpu.memory_space<hbm>>) target(%arg14 : memref<64x128xf32, #tpu.memory_space<vmem>>) offsets(%arg9 : memref<64xi32, #tpu.memory_space<vmem>>) semaphore(%arg19 : memref<!tpu.dma_semaphore, #tpu.memory_space<semaphore_mem>>)
      } else {
      }
      %add3A_286 = arith.constant 1 : i32
      %add3A_287 = arith.addi %mul3A_221, %add3A_286 : i32
      %dma_wait3A_288 = arith.constant 0 : i32
      %dma_wait3A_289 = arith.constant 0 : i32
      %dma_wait3A_290 = tpu.memref_slice %arg2[%dma_wait3A_288, %dma_wait3A_289] : memref<10000x128xf32, #tpu.memory_space<hbm>> -> memref<10000x128xf32, #tpu.memory_space<hbm>>
      tpu.wait_indirect_dma semaphore(%arg17 : memref<!tpu.dma_semaphore, #tpu.memory_space<semaphore_mem>>) src(%dma_wait3A_290 : memref<10000x128xf32, #tpu.memory_space<hbm>>) dst(%arg12 : memref<64x128xf32, #tpu.memory_space<vmem>>)
      %mul3A_291 = arith.constant 64 : i32
      %mul3A_292 = arith.muli %add3A_287, %mul3A_291 : i32
      %add3A_293 = arith.constant 0 : i32
      %add3A_294 = arith.addi %mul3A_292, %add3A_293 : i32
      %get3A_295 = arith.index_cast %add3A_294 : i32 to index
      %get3A_296 = tpu.vector_load %arg5[%get3A_295] {strides = array<i32>} : memref<16640xi32, #tpu.memory_space<vmem>>, vector<16xi32>,
      %get3A_297 = vector.shape_cast %get3A_296 : vector<16xi32> to vector<16xi32>
      %shift_right_logical3A_298 = arith.constant 14 : i32
      %shift_right_logical3A_299 = vector.broadcast %shift_right_logical3A_298 : i32 to vector<16xi32>
      %shift_right_logical3A_300 = arith.shrui %get3A_297, %shift_right_logical3A_299 : vector<16xi32>
      %swap3A_301 = arith.constant 0 : index
      %swap3A_302 = tpu.vector_load %arg10[%swap3A_301] {strides = array<i32>} : memref<64xi32, #tpu.memory_space<vmem>>, vector<16xi32>,
      %swap3A_303 = vector.shape_cast %swap3A_302 : vector<16xi32> to vector<16xi32>
      %swap3A_304 = vector.shape_cast %shift_right_logical3A_300 : vector<16xi32> to vector<16xi32>
      tpu.vector_store %arg10[%swap3A_301], %swap3A_304 {strides = array<i32>} : memref<64xi32, #tpu.memory_space<vmem>>, vector<16xi32>,
      %mul3A_305 = arith.constant 64 : i32
      %mul3A_306 = arith.muli %add3A_287, %mul3A_305 : i32
      %add3A_307 = arith.constant 16 : i32
      %add3A_308 = arith.addi %mul3A_306, %add3A_307 : i32
      %get3A_309 = arith.index_cast %add3A_308 : i32 to index
      %get3A_310 = tpu.vector_load %arg5[%get3A_309] {strides = array<i32>} : memref<16640xi32, #tpu.memory_space<vmem>>, vector<16xi32>,
      %get3A_311 = vector.shape_cast %get3A_310 : vector<16xi32> to vector<16xi32>
      %shift_right_logical3A_312 = arith.constant 14 : i32
      %shift_right_logical3A_313 = vector.broadcast %shift_right_logical3A_312 : i32 to vector<16xi32>
      %shift_right_logical3A_314 = arith.shrui %get3A_311, %shift_right_logical3A_313 : vector<16xi32>
      %swap3A_315 = arith.constant 16 : index
      %swap3A_316 = tpu.vector_load %arg10[%swap3A_315] {strides = array<i32>} : memref<64xi32, #tpu.memory_space<vmem>>, vector<16xi32>,
      %swap3A_317 = vector.shape_cast %swap3A_316 : vector<16xi32> to vector<16xi32>
      %swap3A_318 = vector.shape_cast %shift_right_logical3A_314 : vector<16xi32> to vector<16xi32>
      tpu.vector_store %arg10[%swap3A_315], %swap3A_318 {strides = array<i32>} : memref<64xi32, #tpu.memory_space<vmem>>, vector<16xi32>,
      %mul3A_319 = arith.constant 64 : i32
      %mul3A_320 = arith.muli %add3A_287, %mul3A_319 : i32
      %add3A_321 = arith.constant 32 : i32
      %add3A_322 = arith.addi %mul3A_320, %add3A_321 : i32
      %get3A_323 = arith.index_cast %add3A_322 : i32 to index
      %get3A_324 = tpu.vector_load %arg5[%get3A_323] {strides = array<i32>} : memref<16640xi32, #tpu.memory_space<vmem>>, vector<16xi32>,
      %get3A_325 = vector.shape_cast %get3A_324 : vector<16xi32> to vector<16xi32>
      %shift_right_logical3A_326 = arith.constant 14 : i32
      %shift_right_logical3A_327 = vector.broadcast %shift_right_logical3A_326 : i32 to vector<16xi32>
      %shift_right_logical3A_328 = arith.shrui %get3A_325, %shift_right_logical3A_327 : vector<16xi32>
      %swap3A_329 = arith.constant 32 : index
      %swap3A_330 = tpu.vector_load %arg10[%swap3A_329] {strides = array<i32>} : memref<64xi32, #tpu.memory_space<vmem>>, vector<16xi32>,
      %swap3A_331 = vector.shape_cast %swap3A_330 : vector<16xi32> to vector<16xi32>
      %swap3A_332 = vector.shape_cast %shift_right_logical3A_328 : vector<16xi32> to vector<16xi32>
      tpu.vector_store %arg10[%swap3A_329], %swap3A_332 {strides = array<i32>} : memref<64xi32, #tpu.memory_space<vmem>>, vector<16xi32>,
      %mul3A_333 = arith.constant 64 : i32
      %mul3A_334 = arith.muli %add3A_287, %mul3A_333 : i32
      %add3A_335 = arith.constant 48 : i32
      %add3A_336 = arith.addi %mul3A_334, %add3A_335 : i32
      %get3A_337 = arith.index_cast %add3A_336 : i32 to index
      %get3A_338 = tpu.vector_load %arg5[%get3A_337] {strides = array<i32>} : memref<16640xi32, #tpu.memory_space<vmem>>, vector<16xi32>,
      %get3A_339 = vector.shape_cast %get3A_338 : vector<16xi32> to vector<16xi32>
      %shift_right_logical3A_340 = arith.constant 14 : i32
      %shift_right_logical3A_341 = vector.broadcast %shift_right_logical3A_340 : i32 to vector<16xi32>
      %shift_right_logical3A_342 = arith.shrui %get3A_339, %shift_right_logical3A_341 : vector<16xi32>
      %swap3A_343 = arith.constant 48 : index
      %swap3A_344 = tpu.vector_load %arg10[%swap3A_343] {strides = array<i32>} : memref<64xi32, #tpu.memory_space<vmem>>, vector<16xi32>,
      %swap3A_345 = vector.shape_cast %swap3A_344 : vector<16xi32> to vector<16xi32>
      %swap3A_346 = vector.shape_cast %shift_right_logical3A_342 : vector<16xi32> to vector<16xi32>
      tpu.vector_store %arg10[%swap3A_343], %swap3A_346 {strides = array<i32>} : memref<64xi32, #tpu.memory_space<vmem>>, vector<16xi32>,
      "tpu.region"() ({
        %run_scoped3A = tpu.sem_alloc : memref<!tpu.dma_semaphore, #tpu.memory_space<semaphore_mem>>
        %dma_start3A_487 = arith.constant 0 : i32
        %dma_start3A_488 = arith.constant 0 : i32
        %dma_start3A_489 = tpu.memref_slice %arg15[%dma_start3A_487, %dma_start3A_488] : memref<10016x128xf32, #tpu.memory_space<vmem_shared>> -> memref<10016x128xf32, #tpu.memory_space<vmem_shared>>
        tpu.enqueue_indirect_dma source(%arg12 : memref<64x128xf32, #tpu.memory_space<vmem>>) target(%dma_start3A_489 : memref<10016x128xf32, #tpu.memory_space<vmem_shared>>) offsets(%arg10 : memref<64xi32, #tpu.memory_space<vmem>>) semaphore(%run_scoped3A : memref<!tpu.dma_semaphore, #tpu.memory_space<semaphore_mem>>) {add = true}
        %dma_wait3A_490 = arith.constant 0 : i32
        %dma_wait3A_491 = arith.constant 0 : i32
        %dma_wait3A_492 = tpu.memref_slice %arg15[%dma_wait3A_490, %dma_wait3A_491] : memref<10016x128xf32, #tpu.memory_space<vmem_shared>> -> memref<10016x128xf32, #tpu.memory_space<vmem_shared>>
        tpu.wait_indirect_dma semaphore(%run_scoped3A : memref<!tpu.dma_semaphore, #tpu.memory_space<semaphore_mem>>) src(%arg12 : memref<64x128xf32, #tpu.memory_space<vmem>>) dst(%dma_wait3A_492 : memref<10016x128xf32, #tpu.memory_space<vmem_shared>>)
        tpu.yield
      }) : () -> ()
      %add3A_347 = arith.constant 3 : i32
      %add3A_348 = arith.addi %add3A_287, %add3A_347 : i32
      %lt3A_349 = arith.cmpi slt, %add3A_348, %select_n3A_6 : i32
      %convert_element_type3A_350 = arith.extui %lt3A_349 : i1 to i32
      %cond3A_351 = arith.constant 0 : i32
      %cond3A_352 = arith.cmpi ne, %convert_element_type3A_350, %cond3A_351 : i32
      scf.if %cond3A_352 {
        %add3A_487 = arith.constant 3 : i32
        %add3A_488 = arith.addi %add3A_287, %add3A_487 : i32
        %mul3A_489 = arith.constant 64 : i32
        %mul3A_490 = arith.muli %add3A_488, %mul3A_489 : i32
        %add3A_491 = arith.constant 0 : i32
        %add3A_492 = arith.addi %mul3A_490, %add3A_491 : i32
        %get3A_493 = arith.index_cast %add3A_492 : i32 to index
        %get3A_494 = tpu.vector_load %arg5[%get3A_493] {strides = array<i32>} : memref<16640xi32, #tpu.memory_space<vmem>>, vector<16xi32>,
        %get3A_495 = vector.shape_cast %get3A_494 : vector<16xi32> to vector<16xi32>
        %and3A_496 = arith.constant 16383 : i32
        %and3A_497 = vector.broadcast %and3A_496 : i32 to vector<16xi32>
        %and3A_498 = arith.andi %get3A_495, %and3A_497 : vector<16xi32>
        %swap3A_499 = arith.constant 0 : index
        %swap3A_500 = tpu.vector_load %arg6[%swap3A_499] {strides = array<i32>} : memref<64xi32, #tpu.memory_space<vmem>>, vector<16xi32>,
        %swap3A_501 = vector.shape_cast %swap3A_500 : vector<16xi32> to vector<16xi32>
        %swap3A_502 = vector.shape_cast %and3A_498 : vector<16xi32> to vector<16xi32>
        tpu.vector_store %arg6[%swap3A_499], %swap3A_502 {strides = array<i32>} : memref<64xi32, #tpu.memory_space<vmem>>, vector<16xi32>,
        %mul3A_503 = arith.constant 64 : i32
        %mul3A_504 = arith.muli %add3A_488, %mul3A_503 : i32
        %add3A_505 = arith.constant 16 : i32
        %add3A_506 = arith.addi %mul3A_504, %add3A_505 : i32
        %get3A_507 = arith.index_cast %add3A_506 : i32 to index
        %get3A_508 = tpu.vector_load %arg5[%get3A_507] {strides = array<i32>} : memref<16640xi32, #tpu.memory_space<vmem>>, vector<16xi32>,
        %get3A_509 = vector.shape_cast %get3A_508 : vector<16xi32> to vector<16xi32>
        %and3A_510 = arith.constant 16383 : i32
        %and3A_511 = vector.broadcast %and3A_510 : i32 to vector<16xi32>
        %and3A_512 = arith.andi %get3A_509, %and3A_511 : vector<16xi32>
        %swap3A_513 = arith.constant 16 : index
        %swap3A_514 = tpu.vector_load %arg6[%swap3A_513] {strides = array<i32>} : memref<64xi32, #tpu.memory_space<vmem>>, vector<16xi32>,
        %swap3A_515 = vector.shape_cast %swap3A_514 : vector<16xi32> to vector<16xi32>
        %swap3A_516 = vector.shape_cast %and3A_512 : vector<16xi32> to vector<16xi32>
        tpu.vector_store %arg6[%swap3A_513], %swap3A_516 {strides = array<i32>} : memref<64xi32, #tpu.memory_space<vmem>>, vector<16xi32>,
        %mul3A_517 = arith.constant 64 : i32
        %mul3A_518 = arith.muli %add3A_488, %mul3A_517 : i32
        %add3A_519 = arith.constant 32 : i32
        %add3A_520 = arith.addi %mul3A_518, %add3A_519 : i32
        %get3A_521 = arith.index_cast %add3A_520 : i32 to index
        %get3A_522 = tpu.vector_load %arg5[%get3A_521] {strides = array<i32>} : memref<16640xi32, #tpu.memory_space<vmem>>, vector<16xi32>,
        %get3A_523 = vector.shape_cast %get3A_522 : vector<16xi32> to vector<16xi32>
        %and3A_524 = arith.constant 16383 : i32
        %and3A_525 = vector.broadcast %and3A_524 : i32 to vector<16xi32>
        %and3A_526 = arith.andi %get3A_523, %and3A_525 : vector<16xi32>
        %swap3A_527 = arith.constant 32 : index
        %swap3A_528 = tpu.vector_load %arg6[%swap3A_527] {strides = array<i32>} : memref<64xi32, #tpu.memory_space<vmem>>, vector<16xi32>,
        %swap3A_529 = vector.shape_cast %swap3A_528 : vector<16xi32> to vector<16xi32>
        %swap3A_530 = vector.shape_cast %and3A_526 : vector<16xi32> to vector<16xi32>
        tpu.vector_store %arg6[%swap3A_527], %swap3A_530 {strides = array<i32>} : memref<64xi32, #tpu.memory_space<vmem>>, vector<16xi32>,
        %mul3A_531 = arith.constant 64 : i32
        %mul3A_532 = arith.muli %add3A_488, %mul3A_531 : i32
        %add3A_533 = arith.constant 48 : i32
        %add3A_534 = arith.addi %mul3A_532, %add3A_533 : i32
        %get3A_535 = arith.index_cast %add3A_534 : i32 to index
        %get3A_536 = tpu.vector_load %arg5[%get3A_535] {strides = array<i32>} : memref<16640xi32, #tpu.memory_space<vmem>>, vector<16xi32>,
        %get3A_537 = vector.shape_cast %get3A_536 : vector<16xi32> to vector<16xi32>
        %and3A_538 = arith.constant 16383 : i32
        %and3A_539 = vector.broadcast %and3A_538 : i32 to vector<16xi32>
        %and3A_540 = arith.andi %get3A_537, %and3A_539 : vector<16xi32>
        %swap3A_541 = arith.constant 48 : index
        %swap3A_542 = tpu.vector_load %arg6[%swap3A_541] {strides = array<i32>} : memref<64xi32, #tpu.memory_space<vmem>>, vector<16xi32>,
        %swap3A_543 = vector.shape_cast %swap3A_542 : vector<16xi32> to vector<16xi32>
        %swap3A_544 = vector.shape_cast %and3A_540 : vector<16xi32> to vector<16xi32>
        tpu.vector_store %arg6[%swap3A_541], %swap3A_544 {strides = array<i32>} : memref<64xi32, #tpu.memory_space<vmem>>, vector<16xi32>,
        %dma_start3A_545 = arith.constant 0 : i32
        %dma_start3A_546 = arith.constant 0 : i32
        %dma_start3A_547 = tpu.memref_slice %arg2[%dma_start3A_545, %dma_start3A_546] : memref<10000x128xf32, #tpu.memory_space<hbm>> -> memref<10000x128xf32, #tpu.memory_space<hbm>>
        tpu.enqueue_indirect_dma source(%dma_start3A_547 : memref<10000x128xf32, #tpu.memory_space<hbm>>) target(%arg11 : memref<64x128xf32, #tpu.memory_space<vmem>>) offsets(%arg6 : memref<64xi32, #tpu.memory_space<vmem>>) semaphore(%arg16 : memref<!tpu.dma_semaphore, #tpu.memory_space<semaphore_mem>>)
      } else {
      }
      %add3A_353 = arith.constant 2 : i32
      %add3A_354 = arith.addi %mul3A_221, %add3A_353 : i32
      %dma_wait3A_355 = arith.constant 0 : i32
      %dma_wait3A_356 = arith.constant 0 : i32
      %dma_wait3A_357 = tpu.memref_slice %arg2[%dma_wait3A_355, %dma_wait3A_356] : memref<10000x128xf32, #tpu.memory_space<hbm>> -> memref<10000x128xf32, #tpu.memory_space<hbm>>
      tpu.wait_indirect_dma semaphore(%arg18 : memref<!tpu.dma_semaphore, #tpu.memory_space<semaphore_mem>>) src(%dma_wait3A_357 : memref<10000x128xf32, #tpu.memory_space<hbm>>) dst(%arg13 : memref<64x128xf32, #tpu.memory_space<vmem>>)
      %mul3A_358 = arith.constant 64 : i32
      %mul3A_359 = arith.muli %add3A_354, %mul3A_358 : i32
      %add3A_360 = arith.constant 0 : i32
      %add3A_361 = arith.addi %mul3A_359, %add3A_360 : i32
      %get3A_362 = arith.index_cast %add3A_361 : i32 to index
      %get3A_363 = tpu.vector_load %arg5[%get3A_362] {strides = array<i32>} : memref<16640xi32, #tpu.memory_space<vmem>>, vector<16xi32>,
      %get3A_364 = vector.shape_cast %get3A_363 : vector<16xi32> to vector<16xi32>
      %shift_right_logical3A_365 = arith.constant 14 : i32
      %shift_right_logical3A_366 = vector.broadcast %shift_right_logical3A_365 : i32 to vector<16xi32>
      %shift_right_logical3A_367 = arith.shrui %get3A_364, %shift_right_logical3A_366 : vector<16xi32>
      %swap3A_368 = arith.constant 0 : index
      %swap3A_369 = tpu.vector_load %arg10[%swap3A_368] {strides = array<i32>} : memref<64xi32, #tpu.memory_space<vmem>>, vector<16xi32>,
      %swap3A_370 = vector.shape_cast %swap3A_369 : vector<16xi32> to vector<16xi32>
      %swap3A_371 = vector.shape_cast %shift_right_logical3A_367 : vector<16xi32> to vector<16xi32>
      tpu.vector_store %arg10[%swap3A_368], %swap3A_371 {strides = array<i32>} : memref<64xi32, #tpu.memory_space<vmem>>, vector<16xi32>,
      %mul3A_372 = arith.constant 64 : i32
      %mul3A_373 = arith.muli %add3A_354, %mul3A_372 : i32
      %add3A_374 = arith.constant 16 : i32
      %add3A_375 = arith.addi %mul3A_373, %add3A_374 : i32
      %get3A_376 = arith.index_cast %add3A_375 : i32 to index
      %get3A_377 = tpu.vector_load %arg5[%get3A_376] {strides = array<i32>} : memref<16640xi32, #tpu.memory_space<vmem>>, vector<16xi32>,
      %get3A_378 = vector.shape_cast %get3A_377 : vector<16xi32> to vector<16xi32>
      %shift_right_logical3A_379 = arith.constant 14 : i32
      %shift_right_logical3A_380 = vector.broadcast %shift_right_logical3A_379 : i32 to vector<16xi32>
      %shift_right_logical3A_381 = arith.shrui %get3A_378, %shift_right_logical3A_380 : vector<16xi32>
      %swap3A_382 = arith.constant 16 : index
      %swap3A_383 = tpu.vector_load %arg10[%swap3A_382] {strides = array<i32>} : memref<64xi32, #tpu.memory_space<vmem>>, vector<16xi32>,
      %swap3A_384 = vector.shape_cast %swap3A_383 : vector<16xi32> to vector<16xi32>
      %swap3A_385 = vector.shape_cast %shift_right_logical3A_381 : vector<16xi32> to vector<16xi32>
      tpu.vector_store %arg10[%swap3A_382], %swap3A_385 {strides = array<i32>} : memref<64xi32, #tpu.memory_space<vmem>>, vector<16xi32>,
      %mul3A_386 = arith.constant 64 : i32
      %mul3A_387 = arith.muli %add3A_354, %mul3A_386 : i32
      %add3A_388 = arith.constant 32 : i32
      %add3A_389 = arith.addi %mul3A_387, %add3A_388 : i32
      %get3A_390 = arith.index_cast %add3A_389 : i32 to index
      %get3A_391 = tpu.vector_load %arg5[%get3A_390] {strides = array<i32>} : memref<16640xi32, #tpu.memory_space<vmem>>, vector<16xi32>,
      %get3A_392 = vector.shape_cast %get3A_391 : vector<16xi32> to vector<16xi32>
      %shift_right_logical3A_393 = arith.constant 14 : i32
      %shift_right_logical3A_394 = vector.broadcast %shift_right_logical3A_393 : i32 to vector<16xi32>
      %shift_right_logical3A_395 = arith.shrui %get3A_392, %shift_right_logical3A_394 : vector<16xi32>
      %swap3A_396 = arith.constant 32 : index
      %swap3A_397 = tpu.vector_load %arg10[%swap3A_396] {strides = array<i32>} : memref<64xi32, #tpu.memory_space<vmem>>, vector<16xi32>,
      %swap3A_398 = vector.shape_cast %swap3A_397 : vector<16xi32> to vector<16xi32>
      %swap3A_399 = vector.shape_cast %shift_right_logical3A_395 : vector<16xi32> to vector<16xi32>
      tpu.vector_store %arg10[%swap3A_396], %swap3A_399 {strides = array<i32>} : memref<64xi32, #tpu.memory_space<vmem>>, vector<16xi32>,
      %mul3A_400 = arith.constant 64 : i32
      %mul3A_401 = arith.muli %add3A_354, %mul3A_400 : i32
      %add3A_402 = arith.constant 48 : i32
      %add3A_403 = arith.addi %mul3A_401, %add3A_402 : i32
      %get3A_404 = arith.index_cast %add3A_403 : i32 to index
      %get3A_405 = tpu.vector_load %arg5[%get3A_404] {strides = array<i32>} : memref<16640xi32, #tpu.memory_space<vmem>>, vector<16xi32>,
      %get3A_406 = vector.shape_cast %get3A_405 : vector<16xi32> to vector<16xi32>
      %shift_right_logical3A_407 = arith.constant 14 : i32
      %shift_right_logical3A_408 = vector.broadcast %shift_right_logical3A_407 : i32 to vector<16xi32>
      %shift_right_logical3A_409 = arith.shrui %get3A_406, %shift_right_logical3A_408 : vector<16xi32>
      %swap3A_410 = arith.constant 48 : index
      %swap3A_411 = tpu.vector_load %arg10[%swap3A_410] {strides = array<i32>} : memref<64xi32, #tpu.memory_space<vmem>>, vector<16xi32>,
      %swap3A_412 = vector.shape_cast %swap3A_411 : vector<16xi32> to vector<16xi32>
      %swap3A_413 = vector.shape_cast %shift_right_logical3A_409 : vector<16xi32> to vector<16xi32>
      tpu.vector_store %arg10[%swap3A_410], %swap3A_413 {strides = array<i32>} : memref<64xi32, #tpu.memory_space<vmem>>, vector<16xi32>,
      "tpu.region"() ({
        %run_scoped3A = tpu.sem_alloc : memref<!tpu.dma_semaphore, #tpu.memory_space<semaphore_mem>>
        %dma_start3A_487 = arith.constant 0 : i32
        %dma_start3A_488 = arith.constant 0 : i32
        %dma_start3A_489 = tpu.memref_slice %arg15[%dma_start3A_487, %dma_start3A_488] : memref<10016x128xf32, #tpu.memory_space<vmem_shared>> -> memref<10016x128xf32, #tpu.memory_space<vmem_shared>>
        tpu.enqueue_indirect_dma source(%arg13 : memref<64x128xf32, #tpu.memory_space<vmem>>) target(%dma_start3A_489 : memref<10016x128xf32, #tpu.memory_space<vmem_shared>>) offsets(%arg10 : memref<64xi32, #tpu.memory_space<vmem>>) semaphore(%run_scoped3A : memref<!tpu.dma_semaphore, #tpu.memory_space<semaphore_mem>>) {add = true}
        %dma_wait3A_490 = arith.constant 0 : i32
        %dma_wait3A_491 = arith.constant 0 : i32
        %dma_wait3A_492 = tpu.memref_slice %arg15[%dma_wait3A_490, %dma_wait3A_491] : memref<10016x128xf32, #tpu.memory_space<vmem_shared>> -> memref<10016x128xf32, #tpu.memory_space<vmem_shared>>
        tpu.wait_indirect_dma semaphore(%run_scoped3A : memref<!tpu.dma_semaphore, #tpu.memory_space<semaphore_mem>>) src(%arg13 : memref<64x128xf32, #tpu.memory_space<vmem>>) dst(%dma_wait3A_492 : memref<10016x128xf32, #tpu.memory_space<vmem_shared>>)
        tpu.yield
      }) : () -> ()
      %add3A_414 = arith.constant 3 : i32
      %add3A_415 = arith.addi %add3A_354, %add3A_414 : i32
      %lt3A_416 = arith.cmpi slt, %add3A_415, %select_n3A_6 : i32
      %convert_element_type3A_417 = arith.extui %lt3A_416 : i1 to i32
      %cond3A_418 = arith.constant 0 : i32
      %cond3A_419 = arith.cmpi ne, %convert_element_type3A_417, %cond3A_418 : i32
      scf.if %cond3A_419 {
        %add3A_487 = arith.constant 3 : i32
        %add3A_488 = arith.addi %add3A_354, %add3A_487 : i32
        %mul3A_489 = arith.constant 64 : i32
        %mul3A_490 = arith.muli %add3A_488, %mul3A_489 : i32
        %add3A_491 = arith.constant 0 : i32
        %add3A_492 = arith.addi %mul3A_490, %add3A_491 : i32
        %get3A_493 = arith.index_cast %add3A_492 : i32 to index
        %get3A_494 = tpu.vector_load %arg5[%get3A_493] {strides = array<i32>} : memref<16640xi32, #tpu.memory_space<vmem>>, vector<16xi32>,
        %get3A_495 = vector.shape_cast %get3A_494 : vector<16xi32> to vector<16xi32>
        %and3A_496 = arith.constant 16383 : i32
        %and3A_497 = vector.broadcast %and3A_496 : i32 to vector<16xi32>
        %and3A_498 = arith.andi %get3A_495, %and3A_497 : vector<16xi32>
        %swap3A_499 = arith.constant 0 : index
        %swap3A_500 = tpu.vector_load %arg7[%swap3A_499] {strides = array<i32>} : memref<64xi32, #tpu.memory_space<vmem>>, vector<16xi32>,
        %swap3A_501 = vector.shape_cast %swap3A_500 : vector<16xi32> to vector<16xi32>
        %swap3A_502 = vector.shape_cast %and3A_498 : vector<16xi32> to vector<16xi32>
        tpu.vector_store %arg7[%swap3A_499], %swap3A_502 {strides = array<i32>} : memref<64xi32, #tpu.memory_space<vmem>>, vector<16xi32>,
        %mul3A_503 = arith.constant 64 : i32
        %mul3A_504 = arith.muli %add3A_488, %mul3A_503 : i32
        %add3A_505 = arith.constant 16 : i32
        %add3A_506 = arith.addi %mul3A_504, %add3A_505 : i32
        %get3A_507 = arith.index_cast %add3A_506 : i32 to index
        %get3A_508 = tpu.vector_load %arg5[%get3A_507] {strides = array<i32>} : memref<16640xi32, #tpu.memory_space<vmem>>, vector<16xi32>,
        %get3A_509 = vector.shape_cast %get3A_508 : vector<16xi32> to vector<16xi32>
        %and3A_510 = arith.constant 16383 : i32
        %and3A_511 = vector.broadcast %and3A_510 : i32 to vector<16xi32>
        %and3A_512 = arith.andi %get3A_509, %and3A_511 : vector<16xi32>
        %swap3A_513 = arith.constant 16 : index
        %swap3A_514 = tpu.vector_load %arg7[%swap3A_513] {strides = array<i32>} : memref<64xi32, #tpu.memory_space<vmem>>, vector<16xi32>,
        %swap3A_515 = vector.shape_cast %swap3A_514 : vector<16xi32> to vector<16xi32>
        %swap3A_516 = vector.shape_cast %and3A_512 : vector<16xi32> to vector<16xi32>
        tpu.vector_store %arg7[%swap3A_513], %swap3A_516 {strides = array<i32>} : memref<64xi32, #tpu.memory_space<vmem>>, vector<16xi32>,
        %mul3A_517 = arith.constant 64 : i32
        %mul3A_518 = arith.muli %add3A_488, %mul3A_517 : i32
        %add3A_519 = arith.constant 32 : i32
        %add3A_520 = arith.addi %mul3A_518, %add3A_519 : i32
        %get3A_521 = arith.index_cast %add3A_520 : i32 to index
        %get3A_522 = tpu.vector_load %arg5[%get3A_521] {strides = array<i32>} : memref<16640xi32, #tpu.memory_space<vmem>>, vector<16xi32>,
        %get3A_523 = vector.shape_cast %get3A_522 : vector<16xi32> to vector<16xi32>
        %and3A_524 = arith.constant 16383 : i32
        %and3A_525 = vector.broadcast %and3A_524 : i32 to vector<16xi32>
        %and3A_526 = arith.andi %get3A_523, %and3A_525 : vector<16xi32>
        %swap3A_527 = arith.constant 32 : index
        %swap3A_528 = tpu.vector_load %arg7[%swap3A_527] {strides = array<i32>} : memref<64xi32, #tpu.memory_space<vmem>>, vector<16xi32>,
        %swap3A_529 = vector.shape_cast %swap3A_528 : vector<16xi32> to vector<16xi32>
        %swap3A_530 = vector.shape_cast %and3A_526 : vector<16xi32> to vector<16xi32>
        tpu.vector_store %arg7[%swap3A_527], %swap3A_530 {strides = array<i32>} : memref<64xi32, #tpu.memory_space<vmem>>, vector<16xi32>,
        %mul3A_531 = arith.constant 64 : i32
        %mul3A_532 = arith.muli %add3A_488, %mul3A_531 : i32
        %add3A_533 = arith.constant 48 : i32
        %add3A_534 = arith.addi %mul3A_532, %add3A_533 : i32
        %get3A_535 = arith.index_cast %add3A_534 : i32 to index
        %get3A_536 = tpu.vector_load %arg5[%get3A_535] {strides = array<i32>} : memref<16640xi32, #tpu.memory_space<vmem>>, vector<16xi32>,
        %get3A_537 = vector.shape_cast %get3A_536 : vector<16xi32> to vector<16xi32>
        %and3A_538 = arith.constant 16383 : i32
        %and3A_539 = vector.broadcast %and3A_538 : i32 to vector<16xi32>
        %and3A_540 = arith.andi %get3A_537, %and3A_539 : vector<16xi32>
        %swap3A_541 = arith.constant 48 : index
        %swap3A_542 = tpu.vector_load %arg7[%swap3A_541] {strides = array<i32>} : memref<64xi32, #tpu.memory_space<vmem>>, vector<16xi32>,
        %swap3A_543 = vector.shape_cast %swap3A_542 : vector<16xi32> to vector<16xi32>
        %swap3A_544 = vector.shape_cast %and3A_540 : vector<16xi32> to vector<16xi32>
        tpu.vector_store %arg7[%swap3A_541], %swap3A_544 {strides = array<i32>} : memref<64xi32, #tpu.memory_space<vmem>>, vector<16xi32>,
        %dma_start3A_545 = arith.constant 0 : i32
        %dma_start3A_546 = arith.constant 0 : i32
        %dma_start3A_547 = tpu.memref_slice %arg2[%dma_start3A_545, %dma_start3A_546] : memref<10000x128xf32, #tpu.memory_space<hbm>> -> memref<10000x128xf32, #tpu.memory_space<hbm>>
        tpu.enqueue_indirect_dma source(%dma_start3A_547 : memref<10000x128xf32, #tpu.memory_space<hbm>>) target(%arg12 : memref<64x128xf32, #tpu.memory_space<vmem>>) offsets(%arg7 : memref<64xi32, #tpu.memory_space<vmem>>) semaphore(%arg17 : memref<!tpu.dma_semaphore, #tpu.memory_space<semaphore_mem>>)
      } else {
      }
      %add3A_420 = arith.constant 3 : i32
      %add3A_421 = arith.addi %mul3A_221, %add3A_420 : i32
      %dma_wait3A_422 = arith.constant 0 : i32
      %dma_wait3A_423 = arith.constant 0 : i32
      %dma_wait3A_424 = tpu.memref_slice %arg2[%dma_wait3A_422, %dma_wait3A_423] : memref<10000x128xf32, #tpu.memory_space<hbm>> -> memref<10000x128xf32, #tpu.memory_space<hbm>>
      tpu.wait_indirect_dma semaphore(%arg19 : memref<!tpu.dma_semaphore, #tpu.memory_space<semaphore_mem>>) src(%dma_wait3A_424 : memref<10000x128xf32, #tpu.memory_space<hbm>>) dst(%arg14 : memref<64x128xf32, #tpu.memory_space<vmem>>)
      %mul3A_425 = arith.constant 64 : i32
      %mul3A_426 = arith.muli %add3A_421, %mul3A_425 : i32
      %add3A_427 = arith.constant 0 : i32
      %add3A_428 = arith.addi %mul3A_426, %add3A_427 : i32
      %get3A_429 = arith.index_cast %add3A_428 : i32 to index
      %get3A_430 = tpu.vector_load %arg5[%get3A_429] {strides = array<i32>} : memref<16640xi32, #tpu.memory_space<vmem>>, vector<16xi32>,
      %get3A_431 = vector.shape_cast %get3A_430 : vector<16xi32> to vector<16xi32>
      %shift_right_logical3A_432 = arith.constant 14 : i32
      %shift_right_logical3A_433 = vector.broadcast %shift_right_logical3A_432 : i32 to vector<16xi32>
      %shift_right_logical3A_434 = arith.shrui %get3A_431, %shift_right_logical3A_433 : vector<16xi32>
      %swap3A_435 = arith.constant 0 : index
      %swap3A_436 = tpu.vector_load %arg10[%swap3A_435] {strides = array<i32>} : memref<64xi32, #tpu.memory_space<vmem>>, vector<16xi32>,
      %swap3A_437 = vector.shape_cast %swap3A_436 : vector<16xi32> to vector<16xi32>
      %swap3A_438 = vector.shape_cast %shift_right_logical3A_434 : vector<16xi32> to vector<16xi32>
      tpu.vector_store %arg10[%swap3A_435], %swap3A_438 {strides = array<i32>} : memref<64xi32, #tpu.memory_space<vmem>>, vector<16xi32>,
      %mul3A_439 = arith.constant 64 : i32
      %mul3A_440 = arith.muli %add3A_421, %mul3A_439 : i32
      %add3A_441 = arith.constant 16 : i32
      %add3A_442 = arith.addi %mul3A_440, %add3A_441 : i32
      %get3A_443 = arith.index_cast %add3A_442 : i32 to index
      %get3A_444 = tpu.vector_load %arg5[%get3A_443] {strides = array<i32>} : memref<16640xi32, #tpu.memory_space<vmem>>, vector<16xi32>,
      %get3A_445 = vector.shape_cast %get3A_444 : vector<16xi32> to vector<16xi32>
      %shift_right_logical3A_446 = arith.constant 14 : i32
      %shift_right_logical3A_447 = vector.broadcast %shift_right_logical3A_446 : i32 to vector<16xi32>
      %shift_right_logical3A_448 = arith.shrui %get3A_445, %shift_right_logical3A_447 : vector<16xi32>
      %swap3A_449 = arith.constant 16 : index
      %swap3A_450 = tpu.vector_load %arg10[%swap3A_449] {strides = array<i32>} : memref<64xi32, #tpu.memory_space<vmem>>, vector<16xi32>,
      %swap3A_451 = vector.shape_cast %swap3A_450 : vector<16xi32> to vector<16xi32>
      %swap3A_452 = vector.shape_cast %shift_right_logical3A_448 : vector<16xi32> to vector<16xi32>
      tpu.vector_store %arg10[%swap3A_449], %swap3A_452 {strides = array<i32>} : memref<64xi32, #tpu.memory_space<vmem>>, vector<16xi32>,
      %mul3A_453 = arith.constant 64 : i32
      %mul3A_454 = arith.muli %add3A_421, %mul3A_453 : i32
      %add3A_455 = arith.constant 32 : i32
      %add3A_456 = arith.addi %mul3A_454, %add3A_455 : i32
      %get3A_457 = arith.index_cast %add3A_456 : i32 to index
      %get3A_458 = tpu.vector_load %arg5[%get3A_457] {strides = array<i32>} : memref<16640xi32, #tpu.memory_space<vmem>>, vector<16xi32>,
      %get3A_459 = vector.shape_cast %get3A_458 : vector<16xi32> to vector<16xi32>
      %shift_right_logical3A_460 = arith.constant 14 : i32
      %shift_right_logical3A_461 = vector.broadcast %shift_right_logical3A_460 : i32 to vector<16xi32>
      %shift_right_logical3A_462 = arith.shrui %get3A_459, %shift_right_logical3A_461 : vector<16xi32>
      %swap3A_463 = arith.constant 32 : index
      %swap3A_464 = tpu.vector_load %arg10[%swap3A_463] {strides = array<i32>} : memref<64xi32, #tpu.memory_space<vmem>>, vector<16xi32>,
      %swap3A_465 = vector.shape_cast %swap3A_464 : vector<16xi32> to vector<16xi32>
      %swap3A_466 = vector.shape_cast %shift_right_logical3A_462 : vector<16xi32> to vector<16xi32>
      tpu.vector_store %arg10[%swap3A_463], %swap3A_466 {strides = array<i32>} : memref<64xi32, #tpu.memory_space<vmem>>, vector<16xi32>,
      %mul3A_467 = arith.constant 64 : i32
      %mul3A_468 = arith.muli %add3A_421, %mul3A_467 : i32
      %add3A_469 = arith.constant 48 : i32
      %add3A_470 = arith.addi %mul3A_468, %add3A_469 : i32
      %get3A_471 = arith.index_cast %add3A_470 : i32 to index
      %get3A_472 = tpu.vector_load %arg5[%get3A_471] {strides = array<i32>} : memref<16640xi32, #tpu.memory_space<vmem>>, vector<16xi32>,
      %get3A_473 = vector.shape_cast %get3A_472 : vector<16xi32> to vector<16xi32>
      %shift_right_logical3A_474 = arith.constant 14 : i32
      %shift_right_logical3A_475 = vector.broadcast %shift_right_logical3A_474 : i32 to vector<16xi32>
      %shift_right_logical3A_476 = arith.shrui %get3A_473, %shift_right_logical3A_475 : vector<16xi32>
      %swap3A_477 = arith.constant 48 : index
      %swap3A_478 = tpu.vector_load %arg10[%swap3A_477] {strides = array<i32>} : memref<64xi32, #tpu.memory_space<vmem>>, vector<16xi32>,
      %swap3A_479 = vector.shape_cast %swap3A_478 : vector<16xi32> to vector<16xi32>
      %swap3A_480 = vector.shape_cast %shift_right_logical3A_476 : vector<16xi32> to vector<16xi32>
      tpu.vector_store %arg10[%swap3A_477], %swap3A_480 {strides = array<i32>} : memref<64xi32, #tpu.memory_space<vmem>>, vector<16xi32>,
      "tpu.region"() ({
        %run_scoped3A = tpu.sem_alloc : memref<!tpu.dma_semaphore, #tpu.memory_space<semaphore_mem>>
        %dma_start3A_487 = arith.constant 0 : i32
        %dma_start3A_488 = arith.constant 0 : i32
        %dma_start3A_489 = tpu.memref_slice %arg15[%dma_start3A_487, %dma_start3A_488] : memref<10016x128xf32, #tpu.memory_space<vmem_shared>> -> memref<10016x128xf32, #tpu.memory_space<vmem_shared>>
        tpu.enqueue_indirect_dma source(%arg14 : memref<64x128xf32, #tpu.memory_space<vmem>>) target(%dma_start3A_489 : memref<10016x128xf32, #tpu.memory_space<vmem_shared>>) offsets(%arg10 : memref<64xi32, #tpu.memory_space<vmem>>) semaphore(%run_scoped3A : memref<!tpu.dma_semaphore, #tpu.memory_space<semaphore_mem>>) {add = true}
        %dma_wait3A_490 = arith.constant 0 : i32
        %dma_wait3A_491 = arith.constant 0 : i32
        %dma_wait3A_492 = tpu.memref_slice %arg15[%dma_wait3A_490, %dma_wait3A_491] : memref<10016x128xf32, #tpu.memory_space<vmem_shared>> -> memref<10016x128xf32, #tpu.memory_space<vmem_shared>>
        tpu.wait_indirect_dma semaphore(%run_scoped3A : memref<!tpu.dma_semaphore, #tpu.memory_space<semaphore_mem>>) src(%arg14 : memref<64x128xf32, #tpu.memory_space<vmem>>) dst(%dma_wait3A_492 : memref<10016x128xf32, #tpu.memory_space<vmem_shared>>)
        tpu.yield
      }) : () -> ()
      %add3A_481 = arith.constant 3 : i32
      %add3A_482 = arith.addi %add3A_421, %add3A_481 : i32
      %lt3A_483 = arith.cmpi slt, %add3A_482, %select_n3A_6 : i32
      %convert_element_type3A_484 = arith.extui %lt3A_483 : i1 to i32
      %cond3A_485 = arith.constant 0 : i32
      %cond3A_486 = arith.cmpi ne, %convert_element_type3A_484, %cond3A_485 : i32
      scf.if %cond3A_486 {
        %add3A_487 = arith.constant 3 : i32
        %add3A_488 = arith.addi %add3A_421, %add3A_487 : i32
        %mul3A_489 = arith.constant 64 : i32
        %mul3A_490 = arith.muli %add3A_488, %mul3A_489 : i32
        %add3A_491 = arith.constant 0 : i32
        %add3A_492 = arith.addi %mul3A_490, %add3A_491 : i32
        %get3A_493 = arith.index_cast %add3A_492 : i32 to index
        %get3A_494 = tpu.vector_load %arg5[%get3A_493] {strides = array<i32>} : memref<16640xi32, #tpu.memory_space<vmem>>, vector<16xi32>,
        %get3A_495 = vector.shape_cast %get3A_494 : vector<16xi32> to vector<16xi32>
        %and3A_496 = arith.constant 16383 : i32
        %and3A_497 = vector.broadcast %and3A_496 : i32 to vector<16xi32>
        %and3A_498 = arith.andi %get3A_495, %and3A_497 : vector<16xi32>
        %swap3A_499 = arith.constant 0 : index
        %swap3A_500 = tpu.vector_load %arg8[%swap3A_499] {strides = array<i32>} : memref<64xi32, #tpu.memory_space<vmem>>, vector<16xi32>,
        %swap3A_501 = vector.shape_cast %swap3A_500 : vector<16xi32> to vector<16xi32>
        %swap3A_502 = vector.shape_cast %and3A_498 : vector<16xi32> to vector<16xi32>
        tpu.vector_store %arg8[%swap3A_499], %swap3A_502 {strides = array<i32>} : memref<64xi32, #tpu.memory_space<vmem>>, vector<16xi32>,
        %mul3A_503 = arith.constant 64 : i32
        %mul3A_504 = arith.muli %add3A_488, %mul3A_503 : i32
        %add3A_505 = arith.constant 16 : i32
        %add3A_506 = arith.addi %mul3A_504, %add3A_505 : i32
        %get3A_507 = arith.index_cast %add3A_506 : i32 to index
        %get3A_508 = tpu.vector_load %arg5[%get3A_507] {strides = array<i32>} : memref<16640xi32, #tpu.memory_space<vmem>>, vector<16xi32>,
        %get3A_509 = vector.shape_cast %get3A_508 : vector<16xi32> to vector<16xi32>
        %and3A_510 = arith.constant 16383 : i32
        %and3A_511 = vector.broadcast %and3A_510 : i32 to vector<16xi32>
        %and3A_512 = arith.andi %get3A_509, %and3A_511 : vector<16xi32>
        %swap3A_513 = arith.constant 16 : index
        %swap3A_514 = tpu.vector_load %arg8[%swap3A_513] {strides = array<i32>} : memref<64xi32, #tpu.memory_space<vmem>>, vector<16xi32>,
        %swap3A_515 = vector.shape_cast %swap3A_514 : vector<16xi32> to vector<16xi32>
        %swap3A_516 = vector.shape_cast %and3A_512 : vector<16xi32> to vector<16xi32>
        tpu.vector_store %arg8[%swap3A_513], %swap3A_516 {strides = array<i32>} : memref<64xi32, #tpu.memory_space<vmem>>, vector<16xi32>,
        %mul3A_517 = arith.constant 64 : i32
        %mul3A_518 = arith.muli %add3A_488, %mul3A_517 : i32
        %add3A_519 = arith.constant 32 : i32
        %add3A_520 = arith.addi %mul3A_518, %add3A_519 : i32
        %get3A_521 = arith.index_cast %add3A_520 : i32 to index
        %get3A_522 = tpu.vector_load %arg5[%get3A_521] {strides = array<i32>} : memref<16640xi32, #tpu.memory_space<vmem>>, vector<16xi32>,
        %get3A_523 = vector.shape_cast %get3A_522 : vector<16xi32> to vector<16xi32>
        %and3A_524 = arith.constant 16383 : i32
        %and3A_525 = vector.broadcast %and3A_524 : i32 to vector<16xi32>
        %and3A_526 = arith.andi %get3A_523, %and3A_525 : vector<16xi32>
        %swap3A_527 = arith.constant 32 : index
        %swap3A_528 = tpu.vector_load %arg8[%swap3A_527] {strides = array<i32>} : memref<64xi32, #tpu.memory_space<vmem>>, vector<16xi32>,
        %swap3A_529 = vector.shape_cast %swap3A_528 : vector<16xi32> to vector<16xi32>
        %swap3A_530 = vector.shape_cast %and3A_526 : vector<16xi32> to vector<16xi32>
        tpu.vector_store %arg8[%swap3A_527], %swap3A_530 {strides = array<i32>} : memref<64xi32, #tpu.memory_space<vmem>>, vector<16xi32>,
        %mul3A_531 = arith.constant 64 : i32
        %mul3A_532 = arith.muli %add3A_488, %mul3A_531 : i32
        %add3A_533 = arith.constant 48 : i32
        %add3A_534 = arith.addi %mul3A_532, %add3A_533 : i32
        %get3A_535 = arith.index_cast %add3A_534 : i32 to index
        %get3A_536 = tpu.vector_load %arg5[%get3A_535] {strides = array<i32>} : memref<16640xi32, #tpu.memory_space<vmem>>, vector<16xi32>,
        %get3A_537 = vector.shape_cast %get3A_536 : vector<16xi32> to vector<16xi32>
        %and3A_538 = arith.constant 16383 : i32
        %and3A_539 = vector.broadcast %and3A_538 : i32 to vector<16xi32>
        %and3A_540 = arith.andi %get3A_537, %and3A_539 : vector<16xi32>
        %swap3A_541 = arith.constant 48 : index
        %swap3A_542 = tpu.vector_load %arg8[%swap3A_541] {strides = array<i32>} : memref<64xi32, #tpu.memory_space<vmem>>, vector<16xi32>,
        %swap3A_543 = vector.shape_cast %swap3A_542 : vector<16xi32> to vector<16xi32>
        %swap3A_544 = vector.shape_cast %and3A_540 : vector<16xi32> to vector<16xi32>
        tpu.vector_store %arg8[%swap3A_541], %swap3A_544 {strides = array<i32>} : memref<64xi32, #tpu.memory_space<vmem>>, vector<16xi32>,
        %dma_start3A_545 = arith.constant 0 : i32
        %dma_start3A_546 = arith.constant 0 : i32
        %dma_start3A_547 = tpu.memref_slice %arg2[%dma_start3A_545, %dma_start3A_546] : memref<10000x128xf32, #tpu.memory_space<hbm>> -> memref<10000x128xf32, #tpu.memory_space<hbm>>
        tpu.enqueue_indirect_dma source(%dma_start3A_547 : memref<10000x128xf32, #tpu.memory_space<hbm>>) target(%arg13 : memref<64x128xf32, #tpu.memory_space<vmem>>) offsets(%arg8 : memref<64xi32, #tpu.memory_space<vmem>>) semaphore(%arg18 : memref<!tpu.dma_semaphore, #tpu.memory_space<semaphore_mem>>)
      } else {
      }
    }
    %while3A_210 = arith.constant 1 : i32
    scf.for %while3A_219 = %while3A_208 to %while3A_204 step %while3A_210  : i32 {
      %mul3A_220 = arith.constant 4 : i32
      %mul3A_221 = arith.muli %mul3A_220, %while3A_219 : i32
      %add3A_222 = arith.constant 0 : i32
      %add3A_223 = arith.addi %mul3A_221, %add3A_222 : i32
      %dma_wait3A = arith.constant 0 : i32
      %dma_wait3A_224 = arith.constant 0 : i32
      %dma_wait3A_225 = tpu.memref_slice %arg2[%dma_wait3A, %dma_wait3A_224] : memref<10000x128xf32, #tpu.memory_space<hbm>> -> memref<10000x128xf32, #tpu.memory_space<hbm>>
      tpu.wait_indirect_dma semaphore(%arg16 : memref<!tpu.dma_semaphore, #tpu.memory_space<semaphore_mem>>) src(%dma_wait3A_225 : memref<10000x128xf32, #tpu.memory_space<hbm>>) dst(%arg11 : memref<64x128xf32, #tpu.memory_space<vmem>>)
      %mul3A_226 = arith.constant 64 : i32
      %mul3A_227 = arith.muli %add3A_223, %mul3A_226 : i32
      %add3A_228 = arith.constant 0 : i32
      %add3A_229 = arith.addi %mul3A_227, %add3A_228 : i32
      %get3A_230 = arith.index_cast %add3A_229 : i32 to index
      %get3A_231 = tpu.vector_load %arg5[%get3A_230] {strides = array<i32>} : memref<16640xi32, #tpu.memory_space<vmem>>, vector<16xi32>,
      %get3A_232 = vector.shape_cast %get3A_231 : vector<16xi32> to vector<16xi32>
      %shift_right_logical3A = arith.constant 14 : i32
      %shift_right_logical3A_233 = vector.broadcast %shift_right_logical3A : i32 to vector<16xi32>
      %shift_right_logical3A_234 = arith.shrui %get3A_232, %shift_right_logical3A_233 : vector<16xi32>
      %swap3A_235 = arith.constant 0 : index
      %swap3A_236 = tpu.vector_load %arg10[%swap3A_235] {strides = array<i32>} : memref<64xi32, #tpu.memory_space<vmem>>, vector<16xi32>,
      %swap3A_237 = vector.shape_cast %swap3A_236 : vector<16xi32> to vector<16xi32>
      %swap3A_238 = vector.shape_cast %shift_right_logical3A_234 : vector<16xi32> to vector<16xi32>
      tpu.vector_store %arg10[%swap3A_235], %swap3A_238 {strides = array<i32>} : memref<64xi32, #tpu.memory_space<vmem>>, vector<16xi32>,
      %mul3A_239 = arith.constant 64 : i32
      %mul3A_240 = arith.muli %add3A_223, %mul3A_239 : i32
      %add3A_241 = arith.constant 16 : i32
      %add3A_242 = arith.addi %mul3A_240, %add3A_241 : i32
      %get3A_243 = arith.index_cast %add3A_242 : i32 to index
      %get3A_244 = tpu.vector_load %arg5[%get3A_243] {strides = array<i32>} : memref<16640xi32, #tpu.memory_space<vmem>>, vector<16xi32>,
      %get3A_245 = vector.shape_cast %get3A_244 : vector<16xi32> to vector<16xi32>
      %shift_right_logical3A_246 = arith.constant 14 : i32
      %shift_right_logical3A_247 = vector.broadcast %shift_right_logical3A_246 : i32 to vector<16xi32>
      %shift_right_logical3A_248 = arith.shrui %get3A_245, %shift_right_logical3A_247 : vector<16xi32>
      %swap3A_249 = arith.constant 16 : index
      %swap3A_250 = tpu.vector_load %arg10[%swap3A_249] {strides = array<i32>} : memref<64xi32, #tpu.memory_space<vmem>>, vector<16xi32>,
      %swap3A_251 = vector.shape_cast %swap3A_250 : vector<16xi32> to vector<16xi32>
      %swap3A_252 = vector.shape_cast %shift_right_logical3A_248 : vector<16xi32> to vector<16xi32>
      tpu.vector_store %arg10[%swap3A_249], %swap3A_252 {strides = array<i32>} : memref<64xi32, #tpu.memory_space<vmem>>, vector<16xi32>,
      %mul3A_253 = arith.constant 64 : i32
      %mul3A_254 = arith.muli %add3A_223, %mul3A_253 : i32
      %add3A_255 = arith.constant 32 : i32
      %add3A_256 = arith.addi %mul3A_254, %add3A_255 : i32
      %get3A_257 = arith.index_cast %add3A_256 : i32 to index
      %get3A_258 = tpu.vector_load %arg5[%get3A_257] {strides = array<i32>} : memref<16640xi32, #tpu.memory_space<vmem>>, vector<16xi32>,
      %get3A_259 = vector.shape_cast %get3A_258 : vector<16xi32> to vector<16xi32>
      %shift_right_logical3A_260 = arith.constant 14 : i32
      %shift_right_logical3A_261 = vector.broadcast %shift_right_logical3A_260 : i32 to vector<16xi32>
      %shift_right_logical3A_262 = arith.shrui %get3A_259, %shift_right_logical3A_261 : vector<16xi32>
      %swap3A_263 = arith.constant 32 : index
      %swap3A_264 = tpu.vector_load %arg10[%swap3A_263] {strides = array<i32>} : memref<64xi32, #tpu.memory_space<vmem>>, vector<16xi32>,
      %swap3A_265 = vector.shape_cast %swap3A_264 : vector<16xi32> to vector<16xi32>
      %swap3A_266 = vector.shape_cast %shift_right_logical3A_262 : vector<16xi32> to vector<16xi32>
      tpu.vector_store %arg10[%swap3A_263], %swap3A_266 {strides = array<i32>} : memref<64xi32, #tpu.memory_space<vmem>>, vector<16xi32>,
      %mul3A_267 = arith.constant 64 : i32
      %mul3A_268 = arith.muli %add3A_223, %mul3A_267 : i32
      %add3A_269 = arith.constant 48 : i32
      %add3A_270 = arith.addi %mul3A_268, %add3A_269 : i32
      %get3A_271 = arith.index_cast %add3A_270 : i32 to index
      %get3A_272 = tpu.vector_load %arg5[%get3A_271] {strides = array<i32>} : memref<16640xi32, #tpu.memory_space<vmem>>, vector<16xi32>,
      %get3A_273 = vector.shape_cast %get3A_272 : vector<16xi32> to vector<16xi32>
      %shift_right_logical3A_274 = arith.constant 14 : i32
      %shift_right_logical3A_275 = vector.broadcast %shift_right_logical3A_274 : i32 to vector<16xi32>
      %shift_right_logical3A_276 = arith.shrui %get3A_273, %shift_right_logical3A_275 : vector<16xi32>
      %swap3A_277 = arith.constant 48 : index
      %swap3A_278 = tpu.vector_load %arg10[%swap3A_277] {strides = array<i32>} : memref<64xi32, #tpu.memory_space<vmem>>, vector<16xi32>,
      %swap3A_279 = vector.shape_cast %swap3A_278 : vector<16xi32> to vector<16xi32>
      %swap3A_280 = vector.shape_cast %shift_right_logical3A_276 : vector<16xi32> to vector<16xi32>
      tpu.vector_store %arg10[%swap3A_277], %swap3A_280 {strides = array<i32>} : memref<64xi32, #tpu.memory_space<vmem>>, vector<16xi32>,
      "tpu.region"() ({
        %run_scoped3A = tpu.sem_alloc : memref<!tpu.dma_semaphore, #tpu.memory_space<semaphore_mem>>
        %dma_start3A_487 = arith.constant 0 : i32
        %dma_start3A_488 = arith.constant 0 : i32
        %dma_start3A_489 = tpu.memref_slice %arg15[%dma_start3A_487, %dma_start3A_488] : memref<10016x128xf32, #tpu.memory_space<vmem_shared>> -> memref<10016x128xf32, #tpu.memory_space<vmem_shared>>
        tpu.enqueue_indirect_dma source(%arg11 : memref<64x128xf32, #tpu.memory_space<vmem>>) target(%dma_start3A_489 : memref<10016x128xf32, #tpu.memory_space<vmem_shared>>) offsets(%arg10 : memref<64xi32, #tpu.memory_space<vmem>>) semaphore(%run_scoped3A : memref<!tpu.dma_semaphore, #tpu.memory_space<semaphore_mem>>) {add = true}
        %dma_wait3A_490 = arith.constant 0 : i32
        %dma_wait3A_491 = arith.constant 0 : i32
        %dma_wait3A_492 = tpu.memref_slice %arg15[%dma_wait3A_490, %dma_wait3A_491] : memref<10016x128xf32, #tpu.memory_space<vmem_shared>> -> memref<10016x128xf32, #tpu.memory_space<vmem_shared>>
        tpu.wait_indirect_dma semaphore(%run_scoped3A : memref<!tpu.dma_semaphore, #tpu.memory_space<semaphore_mem>>) src(%arg11 : memref<64x128xf32, #tpu.memory_space<vmem>>) dst(%dma_wait3A_492 : memref<10016x128xf32, #tpu.memory_space<vmem_shared>>)
        tpu.yield
      }) : () -> ()
      %add3A_281 = arith.constant 3 : i32
      %add3A_282 = arith.addi %add3A_223, %add3A_281 : i32
      %lt3A = arith.cmpi slt, %add3A_282, %select_n3A_6 : i32
      %convert_element_type3A_283 = arith.extui %lt3A : i1 to i32
      %cond3A_284 = arith.constant 0 : i32
      %cond3A_285 = arith.cmpi ne, %convert_element_type3A_283, %cond3A_284 : i32
      scf.if %cond3A_285 {
        %add3A_487 = arith.constant 3 : i32
        %add3A_488 = arith.addi %add3A_223, %add3A_487 : i32
        %mul3A_489 = arith.constant 64 : i32
        %mul3A_490 = arith.muli %add3A_488, %mul3A_489 : i32
        %add3A_491 = arith.constant 0 : i32
        %add3A_492 = arith.addi %mul3A_490, %add3A_491 : i32
        %get3A_493 = arith.index_cast %add3A_492 : i32 to index
        %get3A_494 = tpu.vector_load %arg5[%get3A_493] {strides = array<i32>} : memref<16640xi32, #tpu.memory_space<vmem>>, vector<16xi32>,
        %get3A_495 = vector.shape_cast %get3A_494 : vector<16xi32> to vector<16xi32>
        %and3A_496 = arith.constant 16383 : i32
        %and3A_497 = vector.broadcast %and3A_496 : i32 to vector<16xi32>
        %and3A_498 = arith.andi %get3A_495, %and3A_497 : vector<16xi32>
        %swap3A_499 = arith.constant 0 : index
        %swap3A_500 = tpu.vector_load %arg9[%swap3A_499] {strides = array<i32>} : memref<64xi32, #tpu.memory_space<vmem>>, vector<16xi32>,
        %swap3A_501 = vector.shape_cast %swap3A_500 : vector<16xi32> to vector<16xi32>
        %swap3A_502 = vector.shape_cast %and3A_498 : vector<16xi32> to vector<16xi32>
        tpu.vector_store %arg9[%swap3A_499], %swap3A_502 {strides = array<i32>} : memref<64xi32, #tpu.memory_space<vmem>>, vector<16xi32>,
        %mul3A_503 = arith.constant 64 : i32
        %mul3A_504 = arith.muli %add3A_488, %mul3A_503 : i32
        %add3A_505 = arith.constant 16 : i32
        %add3A_506 = arith.addi %mul3A_504, %add3A_505 : i32
        %get3A_507 = arith.index_cast %add3A_506 : i32 to index
        %get3A_508 = tpu.vector_load %arg5[%get3A_507] {strides = array<i32>} : memref<16640xi32, #tpu.memory_space<vmem>>, vector<16xi32>,
        %get3A_509 = vector.shape_cast %get3A_508 : vector<16xi32> to vector<16xi32>
        %and3A_510 = arith.constant 16383 : i32
        %and3A_511 = vector.broadcast %and3A_510 : i32 to vector<16xi32>
        %and3A_512 = arith.andi %get3A_509, %and3A_511 : vector<16xi32>
        %swap3A_513 = arith.constant 16 : index
        %swap3A_514 = tpu.vector_load %arg9[%swap3A_513] {strides = array<i32>} : memref<64xi32, #tpu.memory_space<vmem>>, vector<16xi32>,
        %swap3A_515 = vector.shape_cast %swap3A_514 : vector<16xi32> to vector<16xi32>
        %swap3A_516 = vector.shape_cast %and3A_512 : vector<16xi32> to vector<16xi32>
        tpu.vector_store %arg9[%swap3A_513], %swap3A_516 {strides = array<i32>} : memref<64xi32, #tpu.memory_space<vmem>>, vector<16xi32>,
        %mul3A_517 = arith.constant 64 : i32
        %mul3A_518 = arith.muli %add3A_488, %mul3A_517 : i32
        %add3A_519 = arith.constant 32 : i32
        %add3A_520 = arith.addi %mul3A_518, %add3A_519 : i32
        %get3A_521 = arith.index_cast %add3A_520 : i32 to index
        %get3A_522 = tpu.vector_load %arg5[%get3A_521] {strides = array<i32>} : memref<16640xi32, #tpu.memory_space<vmem>>, vector<16xi32>,
        %get3A_523 = vector.shape_cast %get3A_522 : vector<16xi32> to vector<16xi32>
        %and3A_524 = arith.constant 16383 : i32
        %and3A_525 = vector.broadcast %and3A_524 : i32 to vector<16xi32>
        %and3A_526 = arith.andi %get3A_523, %and3A_525 : vector<16xi32>
        %swap3A_527 = arith.constant 32 : index
        %swap3A_528 = tpu.vector_load %arg9[%swap3A_527] {strides = array<i32>} : memref<64xi32, #tpu.memory_space<vmem>>, vector<16xi32>,
        %swap3A_529 = vector.shape_cast %swap3A_528 : vector<16xi32> to vector<16xi32>
        %swap3A_530 = vector.shape_cast %and3A_526 : vector<16xi32> to vector<16xi32>
        tpu.vector_store %arg9[%swap3A_527], %swap3A_530 {strides = array<i32>} : memref<64xi32, #tpu.memory_space<vmem>>, vector<16xi32>,
        %mul3A_531 = arith.constant 64 : i32
        %mul3A_532 = arith.muli %add3A_488, %mul3A_531 : i32
        %add3A_533 = arith.constant 48 : i32
        %add3A_534 = arith.addi %mul3A_532, %add3A_533 : i32
        %get3A_535 = arith.index_cast %add3A_534 : i32 to index
        %get3A_536 = tpu.vector_load %arg5[%get3A_535] {strides = array<i32>} : memref<16640xi32, #tpu.memory_space<vmem>>, vector<16xi32>,
        %get3A_537 = vector.shape_cast %get3A_536 : vector<16xi32> to vector<16xi32>
        %and3A_538 = arith.constant 16383 : i32
        %and3A_539 = vector.broadcast %and3A_538 : i32 to vector<16xi32>
        %and3A_540 = arith.andi %get3A_537, %and3A_539 : vector<16xi32>
        %swap3A_541 = arith.constant 48 : index
        %swap3A_542 = tpu.vector_load %arg9[%swap3A_541] {strides = array<i32>} : memref<64xi32, #tpu.memory_space<vmem>>, vector<16xi32>,
        %swap3A_543 = vector.shape_cast %swap3A_542 : vector<16xi32> to vector<16xi32>
        %swap3A_544 = vector.shape_cast %and3A_540 : vector<16xi32> to vector<16xi32>
        tpu.vector_store %arg9[%swap3A_541], %swap3A_544 {strides = array<i32>} : memref<64xi32, #tpu.memory_space<vmem>>, vector<16xi32>,
        %dma_start3A_545 = arith.constant 0 : i32
        %dma_start3A_546 = arith.constant 0 : i32
        %dma_start3A_547 = tpu.memref_slice %arg2[%dma_start3A_545, %dma_start3A_546] : memref<10000x128xf32, #tpu.memory_space<hbm>> -> memref<10000x128xf32, #tpu.memory_space<hbm>>
        tpu.enqueue_indirect_dma source(%dma_start3A_547 : memref<10000x128xf32, #tpu.memory_space<hbm>>) target(%arg14 : memref<64x128xf32, #tpu.memory_space<vmem>>) offsets(%arg9 : memref<64xi32, #tpu.memory_space<vmem>>) semaphore(%arg19 : memref<!tpu.dma_semaphore, #tpu.memory_space<semaphore_mem>>)
      } else {
      }
      %add3A_286 = arith.constant 1 : i32
      %add3A_287 = arith.addi %mul3A_221, %add3A_286 : i32
      %dma_wait3A_288 = arith.constant 0 : i32
      %dma_wait3A_289 = arith.constant 0 : i32
      %dma_wait3A_290 = tpu.memref_slice %arg2[%dma_wait3A_288, %dma_wait3A_289] : memref<10000x128xf32, #tpu.memory_space<hbm>> -> memref<10000x128xf32, #tpu.memory_space<hbm>>
      tpu.wait_indirect_dma semaphore(%arg17 : memref<!tpu.dma_semaphore, #tpu.memory_space<semaphore_mem>>) src(%dma_wait3A_290 : memref<10000x128xf32, #tpu.memory_space<hbm>>) dst(%arg12 : memref<64x128xf32, #tpu.memory_space<vmem>>)
      %mul3A_291 = arith.constant 64 : i32
      %mul3A_292 = arith.muli %add3A_287, %mul3A_291 : i32
      %add3A_293 = arith.constant 0 : i32
      %add3A_294 = arith.addi %mul3A_292, %add3A_293 : i32
      %get3A_295 = arith.index_cast %add3A_294 : i32 to index
      %get3A_296 = tpu.vector_load %arg5[%get3A_295] {strides = array<i32>} : memref<16640xi32, #tpu.memory_space<vmem>>, vector<16xi32>,
      %get3A_297 = vector.shape_cast %get3A_296 : vector<16xi32> to vector<16xi32>
      %shift_right_logical3A_298 = arith.constant 14 : i32
      %shift_right_logical3A_299 = vector.broadcast %shift_right_logical3A_298 : i32 to vector<16xi32>
      %shift_right_logical3A_300 = arith.shrui %get3A_297, %shift_right_logical3A_299 : vector<16xi32>
      %swap3A_301 = arith.constant 0 : index
      %swap3A_302 = tpu.vector_load %arg10[%swap3A_301] {strides = array<i32>} : memref<64xi32, #tpu.memory_space<vmem>>, vector<16xi32>,
      %swap3A_303 = vector.shape_cast %swap3A_302 : vector<16xi32> to vector<16xi32>
      %swap3A_304 = vector.shape_cast %shift_right_logical3A_300 : vector<16xi32> to vector<16xi32>
      tpu.vector_store %arg10[%swap3A_301], %swap3A_304 {strides = array<i32>} : memref<64xi32, #tpu.memory_space<vmem>>, vector<16xi32>,
      %mul3A_305 = arith.constant 64 : i32
      %mul3A_306 = arith.muli %add3A_287, %mul3A_305 : i32
      %add3A_307 = arith.constant 16 : i32
      %add3A_308 = arith.addi %mul3A_306, %add3A_307 : i32
      %get3A_309 = arith.index_cast %add3A_308 : i32 to index
      %get3A_310 = tpu.vector_load %arg5[%get3A_309] {strides = array<i32>} : memref<16640xi32, #tpu.memory_space<vmem>>, vector<16xi32>,
      %get3A_311 = vector.shape_cast %get3A_310 : vector<16xi32> to vector<16xi32>
      %shift_right_logical3A_312 = arith.constant 14 : i32
      %shift_right_logical3A_313 = vector.broadcast %shift_right_logical3A_312 : i32 to vector<16xi32>
      %shift_right_logical3A_314 = arith.shrui %get3A_311, %shift_right_logical3A_313 : vector<16xi32>
      %swap3A_315 = arith.constant 16 : index
      %swap3A_316 = tpu.vector_load %arg10[%swap3A_315] {strides = array<i32>} : memref<64xi32, #tpu.memory_space<vmem>>, vector<16xi32>,
      %swap3A_317 = vector.shape_cast %swap3A_316 : vector<16xi32> to vector<16xi32>
      %swap3A_318 = vector.shape_cast %shift_right_logical3A_314 : vector<16xi32> to vector<16xi32>
      tpu.vector_store %arg10[%swap3A_315], %swap3A_318 {strides = array<i32>} : memref<64xi32, #tpu.memory_space<vmem>>, vector<16xi32>,
      %mul3A_319 = arith.constant 64 : i32
      %mul3A_320 = arith.muli %add3A_287, %mul3A_319 : i32
      %add3A_321 = arith.constant 32 : i32
      %add3A_322 = arith.addi %mul3A_320, %add3A_321 : i32
      %get3A_323 = arith.index_cast %add3A_322 : i32 to index
      %get3A_324 = tpu.vector_load %arg5[%get3A_323] {strides = array<i32>} : memref<16640xi32, #tpu.memory_space<vmem>>, vector<16xi32>,
      %get3A_325 = vector.shape_cast %get3A_324 : vector<16xi32> to vector<16xi32>
      %shift_right_logical3A_326 = arith.constant 14 : i32
      %shift_right_logical3A_327 = vector.broadcast %shift_right_logical3A_326 : i32 to vector<16xi32>
      %shift_right_logical3A_328 = arith.shrui %get3A_325, %shift_right_logical3A_327 : vector<16xi32>
      %swap3A_329 = arith.constant 32 : index
      %swap3A_330 = tpu.vector_load %arg10[%swap3A_329] {strides = array<i32>} : memref<64xi32, #tpu.memory_space<vmem>>, vector<16xi32>,
      %swap3A_331 = vector.shape_cast %swap3A_330 : vector<16xi32> to vector<16xi32>
      %swap3A_332 = vector.shape_cast %shift_right_logical3A_328 : vector<16xi32> to vector<16xi32>
      tpu.vector_store %arg10[%swap3A_329], %swap3A_332 {strides = array<i32>} : memref<64xi32, #tpu.memory_space<vmem>>, vector<16xi32>,
      %mul3A_333 = arith.constant 64 : i32
      %mul3A_334 = arith.muli %add3A_287, %mul3A_333 : i32
      %add3A_335 = arith.constant 48 : i32
      %add3A_336 = arith.addi %mul3A_334, %add3A_335 : i32
      %get3A_337 = arith.index_cast %add3A_336 : i32 to index
      %get3A_338 = tpu.vector_load %arg5[%get3A_337] {strides = array<i32>} : memref<16640xi32, #tpu.memory_space<vmem>>, vector<16xi32>,
      %get3A_339 = vector.shape_cast %get3A_338 : vector<16xi32> to vector<16xi32>
      %shift_right_logical3A_340 = arith.constant 14 : i32
      %shift_right_logical3A_341 = vector.broadcast %shift_right_logical3A_340 : i32 to vector<16xi32>
      %shift_right_logical3A_342 = arith.shrui %get3A_339, %shift_right_logical3A_341 : vector<16xi32>
      %swap3A_343 = arith.constant 48 : index
      %swap3A_344 = tpu.vector_load %arg10[%swap3A_343] {strides = array<i32>} : memref<64xi32, #tpu.memory_space<vmem>>, vector<16xi32>,
      %swap3A_345 = vector.shape_cast %swap3A_344 : vector<16xi32> to vector<16xi32>
      %swap3A_346 = vector.shape_cast %shift_right_logical3A_342 : vector<16xi32> to vector<16xi32>
      tpu.vector_store %arg10[%swap3A_343], %swap3A_346 {strides = array<i32>} : memref<64xi32, #tpu.memory_space<vmem>>, vector<16xi32>,
      "tpu.region"() ({
        %run_scoped3A = tpu.sem_alloc : memref<!tpu.dma_semaphore, #tpu.memory_space<semaphore_mem>>
        %dma_start3A_487 = arith.constant 0 : i32
        %dma_start3A_488 = arith.constant 0 : i32
        %dma_start3A_489 = tpu.memref_slice %arg15[%dma_start3A_487, %dma_start3A_488] : memref<10016x128xf32, #tpu.memory_space<vmem_shared>> -> memref<10016x128xf32, #tpu.memory_space<vmem_shared>>
        tpu.enqueue_indirect_dma source(%arg12 : memref<64x128xf32, #tpu.memory_space<vmem>>) target(%dma_start3A_489 : memref<10016x128xf32, #tpu.memory_space<vmem_shared>>) offsets(%arg10 : memref<64xi32, #tpu.memory_space<vmem>>) semaphore(%run_scoped3A : memref<!tpu.dma_semaphore, #tpu.memory_space<semaphore_mem>>) {add = true}
        %dma_wait3A_490 = arith.constant 0 : i32
        %dma_wait3A_491 = arith.constant 0 : i32
        %dma_wait3A_492 = tpu.memref_slice %arg15[%dma_wait3A_490, %dma_wait3A_491] : memref<10016x128xf32, #tpu.memory_space<vmem_shared>> -> memref<10016x128xf32, #tpu.memory_space<vmem_shared>>
        tpu.wait_indirect_dma semaphore(%run_scoped3A : memref<!tpu.dma_semaphore, #tpu.memory_space<semaphore_mem>>) src(%arg12 : memref<64x128xf32, #tpu.memory_space<vmem>>) dst(%dma_wait3A_492 : memref<10016x128xf32, #tpu.memory_space<vmem_shared>>)
        tpu.yield
      }) : () -> ()
      %add3A_347 = arith.constant 3 : i32
      %add3A_348 = arith.addi %add3A_287, %add3A_347 : i32
      %lt3A_349 = arith.cmpi slt, %add3A_348, %select_n3A_6 : i32
      %convert_element_type3A_350 = arith.extui %lt3A_349 : i1 to i32
      %cond3A_351 = arith.constant 0 : i32
      %cond3A_352 = arith.cmpi ne, %convert_element_type3A_350, %cond3A_351 : i32
      scf.if %cond3A_352 {
        %add3A_487 = arith.constant 3 : i32
        %add3A_488 = arith.addi %add3A_287, %add3A_487 : i32
        %mul3A_489 = arith.constant 64 : i32
        %mul3A_490 = arith.muli %add3A_488, %mul3A_489 : i32
        %add3A_491 = arith.constant 0 : i32
        %add3A_492 = arith.addi %mul3A_490, %add3A_491 : i32
        %get3A_493 = arith.index_cast %add3A_492 : i32 to index
        %get3A_494 = tpu.vector_load %arg5[%get3A_493] {strides = array<i32>} : memref<16640xi32, #tpu.memory_space<vmem>>, vector<16xi32>,
        %get3A_495 = vector.shape_cast %get3A_494 : vector<16xi32> to vector<16xi32>
        %and3A_496 = arith.constant 16383 : i32
        %and3A_497 = vector.broadcast %and3A_496 : i32 to vector<16xi32>
        %and3A_498 = arith.andi %get3A_495, %and3A_497 : vector<16xi32>
        %swap3A_499 = arith.constant 0 : index
        %swap3A_500 = tpu.vector_load %arg6[%swap3A_499] {strides = array<i32>} : memref<64xi32, #tpu.memory_space<vmem>>, vector<16xi32>,
        %swap3A_501 = vector.shape_cast %swap3A_500 : vector<16xi32> to vector<16xi32>
        %swap3A_502 = vector.shape_cast %and3A_498 : vector<16xi32> to vector<16xi32>
        tpu.vector_store %arg6[%swap3A_499], %swap3A_502 {strides = array<i32>} : memref<64xi32, #tpu.memory_space<vmem>>, vector<16xi32>,
        %mul3A_503 = arith.constant 64 : i32
        %mul3A_504 = arith.muli %add3A_488, %mul3A_503 : i32
        %add3A_505 = arith.constant 16 : i32
        %add3A_506 = arith.addi %mul3A_504, %add3A_505 : i32
        %get3A_507 = arith.index_cast %add3A_506 : i32 to index
        %get3A_508 = tpu.vector_load %arg5[%get3A_507] {strides = array<i32>} : memref<16640xi32, #tpu.memory_space<vmem>>, vector<16xi32>,
        %get3A_509 = vector.shape_cast %get3A_508 : vector<16xi32> to vector<16xi32>
        %and3A_510 = arith.constant 16383 : i32
        %and3A_511 = vector.broadcast %and3A_510 : i32 to vector<16xi32>
        %and3A_512 = arith.andi %get3A_509, %and3A_511 : vector<16xi32>
        %swap3A_513 = arith.constant 16 : index
        %swap3A_514 = tpu.vector_load %arg6[%swap3A_513] {strides = array<i32>} : memref<64xi32, #tpu.memory_space<vmem>>, vector<16xi32>,
        %swap3A_515 = vector.shape_cast %swap3A_514 : vector<16xi32> to vector<16xi32>
        %swap3A_516 = vector.shape_cast %and3A_512 : vector<16xi32> to vector<16xi32>
        tpu.vector_store %arg6[%swap3A_513], %swap3A_516 {strides = array<i32>} : memref<64xi32, #tpu.memory_space<vmem>>, vector<16xi32>,
        %mul3A_517 = arith.constant 64 : i32
        %mul3A_518 = arith.muli %add3A_488, %mul3A_517 : i32
        %add3A_519 = arith.constant 32 : i32
        %add3A_520 = arith.addi %mul3A_518, %add3A_519 : i32
        %get3A_521 = arith.index_cast %add3A_520 : i32 to index
        %get3A_522 = tpu.vector_load %arg5[%get3A_521] {strides = array<i32>} : memref<16640xi32, #tpu.memory_space<vmem>>, vector<16xi32>,
        %get3A_523 = vector.shape_cast %get3A_522 : vector<16xi32> to vector<16xi32>
        %and3A_524 = arith.constant 16383 : i32
        %and3A_525 = vector.broadcast %and3A_524 : i32 to vector<16xi32>
        %and3A_526 = arith.andi %get3A_523, %and3A_525 : vector<16xi32>
        %swap3A_527 = arith.constant 32 : index
        %swap3A_528 = tpu.vector_load %arg6[%swap3A_527] {strides = array<i32>} : memref<64xi32, #tpu.memory_space<vmem>>, vector<16xi32>,
        %swap3A_529 = vector.shape_cast %swap3A_528 : vector<16xi32> to vector<16xi32>
        %swap3A_530 = vector.shape_cast %and3A_526 : vector<16xi32> to vector<16xi32>
        tpu.vector_store %arg6[%swap3A_527], %swap3A_530 {strides = array<i32>} : memref<64xi32, #tpu.memory_space<vmem>>, vector<16xi32>,
        %mul3A_531 = arith.constant 64 : i32
        %mul3A_532 = arith.muli %add3A_488, %mul3A_531 : i32
        %add3A_533 = arith.constant 48 : i32
        %add3A_534 = arith.addi %mul3A_532, %add3A_533 : i32
        %get3A_535 = arith.index_cast %add3A_534 : i32 to index
        %get3A_536 = tpu.vector_load %arg5[%get3A_535] {strides = array<i32>} : memref<16640xi32, #tpu.memory_space<vmem>>, vector<16xi32>,
        %get3A_537 = vector.shape_cast %get3A_536 : vector<16xi32> to vector<16xi32>
        %and3A_538 = arith.constant 16383 : i32
        %and3A_539 = vector.broadcast %and3A_538 : i32 to vector<16xi32>
        %and3A_540 = arith.andi %get3A_537, %and3A_539 : vector<16xi32>
        %swap3A_541 = arith.constant 48 : index
        %swap3A_542 = tpu.vector_load %arg6[%swap3A_541] {strides = array<i32>} : memref<64xi32, #tpu.memory_space<vmem>>, vector<16xi32>,
        %swap3A_543 = vector.shape_cast %swap3A_542 : vector<16xi32> to vector<16xi32>
        %swap3A_544 = vector.shape_cast %and3A_540 : vector<16xi32> to vector<16xi32>
        tpu.vector_store %arg6[%swap3A_541], %swap3A_544 {strides = array<i32>} : memref<64xi32, #tpu.memory_space<vmem>>, vector<16xi32>,
        %dma_start3A_545 = arith.constant 0 : i32
        %dma_start3A_546 = arith.constant 0 : i32
        %dma_start3A_547 = tpu.memref_slice %arg2[%dma_start3A_545, %dma_start3A_546] : memref<10000x128xf32, #tpu.memory_space<hbm>> -> memref<10000x128xf32, #tpu.memory_space<hbm>>
        tpu.enqueue_indirect_dma source(%dma_start3A_547 : memref<10000x128xf32, #tpu.memory_space<hbm>>) target(%arg11 : memref<64x128xf32, #tpu.memory_space<vmem>>) offsets(%arg6 : memref<64xi32, #tpu.memory_space<vmem>>) semaphore(%arg16 : memref<!tpu.dma_semaphore, #tpu.memory_space<semaphore_mem>>)
      } else {
      }
      %add3A_353 = arith.constant 2 : i32
      %add3A_354 = arith.addi %mul3A_221, %add3A_353 : i32
      %dma_wait3A_355 = arith.constant 0 : i32
      %dma_wait3A_356 = arith.constant 0 : i32
      %dma_wait3A_357 = tpu.memref_slice %arg2[%dma_wait3A_355, %dma_wait3A_356] : memref<10000x128xf32, #tpu.memory_space<hbm>> -> memref<10000x128xf32, #tpu.memory_space<hbm>>
      tpu.wait_indirect_dma semaphore(%arg18 : memref<!tpu.dma_semaphore, #tpu.memory_space<semaphore_mem>>) src(%dma_wait3A_357 : memref<10000x128xf32, #tpu.memory_space<hbm>>) dst(%arg13 : memref<64x128xf32, #tpu.memory_space<vmem>>)
      %mul3A_358 = arith.constant 64 : i32
      %mul3A_359 = arith.muli %add3A_354, %mul3A_358 : i32
      %add3A_360 = arith.constant 0 : i32
      %add3A_361 = arith.addi %mul3A_359, %add3A_360 : i32
      %get3A_362 = arith.index_cast %add3A_361 : i32 to index
      %get3A_363 = tpu.vector_load %arg5[%get3A_362] {strides = array<i32>} : memref<16640xi32, #tpu.memory_space<vmem>>, vector<16xi32>,
      %get3A_364 = vector.shape_cast %get3A_363 : vector<16xi32> to vector<16xi32>
      %shift_right_logical3A_365 = arith.constant 14 : i32
      %shift_right_logical3A_366 = vector.broadcast %shift_right_logical3A_365 : i32 to vector<16xi32>
      %shift_right_logical3A_367 = arith.shrui %get3A_364, %shift_right_logical3A_366 : vector<16xi32>
      %swap3A_368 = arith.constant 0 : index
      %swap3A_369 = tpu.vector_load %arg10[%swap3A_368] {strides = array<i32>} : memref<64xi32, #tpu.memory_space<vmem>>, vector<16xi32>,
      %swap3A_370 = vector.shape_cast %swap3A_369 : vector<16xi32> to vector<16xi32>
      %swap3A_371 = vector.shape_cast %shift_right_logical3A_367 : vector<16xi32> to vector<16xi32>
      tpu.vector_store %arg10[%swap3A_368], %swap3A_371 {strides = array<i32>} : memref<64xi32, #tpu.memory_space<vmem>>, vector<16xi32>,
      %mul3A_372 = arith.constant 64 : i32
      %mul3A_373 = arith.muli %add3A_354, %mul3A_372 : i32
      %add3A_374 = arith.constant 16 : i32
      %add3A_375 = arith.addi %mul3A_373, %add3A_374 : i32
      %get3A_376 = arith.index_cast %add3A_375 : i32 to index
      %get3A_377 = tpu.vector_load %arg5[%get3A_376] {strides = array<i32>} : memref<16640xi32, #tpu.memory_space<vmem>>, vector<16xi32>,
      %get3A_378 = vector.shape_cast %get3A_377 : vector<16xi32> to vector<16xi32>
      %shift_right_logical3A_379 = arith.constant 14 : i32
      %shift_right_logical3A_380 = vector.broadcast %shift_right_logical3A_379 : i32 to vector<16xi32>
      %shift_right_logical3A_381 = arith.shrui %get3A_378, %shift_right_logical3A_380 : vector<16xi32>
      %swap3A_382 = arith.constant 16 : index
      %swap3A_383 = tpu.vector_load %arg10[%swap3A_382] {strides = array<i32>} : memref<64xi32, #tpu.memory_space<vmem>>, vector<16xi32>,
      %swap3A_384 = vector.shape_cast %swap3A_383 : vector<16xi32> to vector<16xi32>
      %swap3A_385 = vector.shape_cast %shift_right_logical3A_381 : vector<16xi32> to vector<16xi32>
      tpu.vector_store %arg10[%swap3A_382], %swap3A_385 {strides = array<i32>} : memref<64xi32, #tpu.memory_space<vmem>>, vector<16xi32>,
      %mul3A_386 = arith.constant 64 : i32
      %mul3A_387 = arith.muli %add3A_354, %mul3A_386 : i32
      %add3A_388 = arith.constant 32 : i32
      %add3A_389 = arith.addi %mul3A_387, %add3A_388 : i32
      %get3A_390 = arith.index_cast %add3A_389 : i32 to index
      %get3A_391 = tpu.vector_load %arg5[%get3A_390] {strides = array<i32>} : memref<16640xi32, #tpu.memory_space<vmem>>, vector<16xi32>,
      %get3A_392 = vector.shape_cast %get3A_391 : vector<16xi32> to vector<16xi32>
      %shift_right_logical3A_393 = arith.constant 14 : i32
      %shift_right_logical3A_394 = vector.broadcast %shift_right_logical3A_393 : i32 to vector<16xi32>
      %shift_right_logical3A_395 = arith.shrui %get3A_392, %shift_right_logical3A_394 : vector<16xi32>
      %swap3A_396 = arith.constant 32 : index
      %swap3A_397 = tpu.vector_load %arg10[%swap3A_396] {strides = array<i32>} : memref<64xi32, #tpu.memory_space<vmem>>, vector<16xi32>,
      %swap3A_398 = vector.shape_cast %swap3A_397 : vector<16xi32> to vector<16xi32>
      %swap3A_399 = vector.shape_cast %shift_right_logical3A_395 : vector<16xi32> to vector<16xi32>
      tpu.vector_store %arg10[%swap3A_396], %swap3A_399 {strides = array<i32>} : memref<64xi32, #tpu.memory_space<vmem>>, vector<16xi32>,
      %mul3A_400 = arith.constant 64 : i32
      %mul3A_401 = arith.muli %add3A_354, %mul3A_400 : i32
      %add3A_402 = arith.constant 48 : i32
      %add3A_403 = arith.addi %mul3A_401, %add3A_402 : i32
      %get3A_404 = arith.index_cast %add3A_403 : i32 to index
      %get3A_405 = tpu.vector_load %arg5[%get3A_404] {strides = array<i32>} : memref<16640xi32, #tpu.memory_space<vmem>>, vector<16xi32>,
      %get3A_406 = vector.shape_cast %get3A_405 : vector<16xi32> to vector<16xi32>
      %shift_right_logical3A_407 = arith.constant 14 : i32
      %shift_right_logical3A_408 = vector.broadcast %shift_right_logical3A_407 : i32 to vector<16xi32>
      %shift_right_logical3A_409 = arith.shrui %get3A_406, %shift_right_logical3A_408 : vector<16xi32>
      %swap3A_410 = arith.constant 48 : index
      %swap3A_411 = tpu.vector_load %arg10[%swap3A_410] {strides = array<i32>} : memref<64xi32, #tpu.memory_space<vmem>>, vector<16xi32>,
      %swap3A_412 = vector.shape_cast %swap3A_411 : vector<16xi32> to vector<16xi32>
      %swap3A_413 = vector.shape_cast %shift_right_logical3A_409 : vector<16xi32> to vector<16xi32>
      tpu.vector_store %arg10[%swap3A_410], %swap3A_413 {strides = array<i32>} : memref<64xi32, #tpu.memory_space<vmem>>, vector<16xi32>,
      "tpu.region"() ({
        %run_scoped3A = tpu.sem_alloc : memref<!tpu.dma_semaphore, #tpu.memory_space<semaphore_mem>>
        %dma_start3A_487 = arith.constant 0 : i32
        %dma_start3A_488 = arith.constant 0 : i32
        %dma_start3A_489 = tpu.memref_slice %arg15[%dma_start3A_487, %dma_start3A_488] : memref<10016x128xf32, #tpu.memory_space<vmem_shared>> -> memref<10016x128xf32, #tpu.memory_space<vmem_shared>>
        tpu.enqueue_indirect_dma source(%arg13 : memref<64x128xf32, #tpu.memory_space<vmem>>) target(%dma_start3A_489 : memref<10016x128xf32, #tpu.memory_space<vmem_shared>>) offsets(%arg10 : memref<64xi32, #tpu.memory_space<vmem>>) semaphore(%run_scoped3A : memref<!tpu.dma_semaphore, #tpu.memory_space<semaphore_mem>>) {add = true}
        %dma_wait3A_490 = arith.constant 0 : i32
        %dma_wait3A_491 = arith.constant 0 : i32
        %dma_wait3A_492 = tpu.memref_slice %arg15[%dma_wait3A_490, %dma_wait3A_491] : memref<10016x128xf32, #tpu.memory_space<vmem_shared>> -> memref<10016x128xf32, #tpu.memory_space<vmem_shared>>
        tpu.wait_indirect_dma semaphore(%run_scoped3A : memref<!tpu.dma_semaphore, #tpu.memory_space<semaphore_mem>>) src(%arg13 : memref<64x128xf32, #tpu.memory_space<vmem>>) dst(%dma_wait3A_492 : memref<10016x128xf32, #tpu.memory_space<vmem_shared>>)
        tpu.yield
      }) : () -> ()
      %add3A_414 = arith.constant 3 : i32
      %add3A_415 = arith.addi %add3A_354, %add3A_414 : i32
      %lt3A_416 = arith.cmpi slt, %add3A_415, %select_n3A_6 : i32
      %convert_element_type3A_417 = arith.extui %lt3A_416 : i1 to i32
      %cond3A_418 = arith.constant 0 : i32
      %cond3A_419 = arith.cmpi ne, %convert_element_type3A_417, %cond3A_418 : i32
      scf.if %cond3A_419 {
        %add3A_487 = arith.constant 3 : i32
        %add3A_488 = arith.addi %add3A_354, %add3A_487 : i32
        %mul3A_489 = arith.constant 64 : i32
        %mul3A_490 = arith.muli %add3A_488, %mul3A_489 : i32
        %add3A_491 = arith.constant 0 : i32
        %add3A_492 = arith.addi %mul3A_490, %add3A_491 : i32
        %get3A_493 = arith.index_cast %add3A_492 : i32 to index
        %get3A_494 = tpu.vector_load %arg5[%get3A_493] {strides = array<i32>} : memref<16640xi32, #tpu.memory_space<vmem>>, vector<16xi32>,
        %get3A_495 = vector.shape_cast %get3A_494 : vector<16xi32> to vector<16xi32>
        %and3A_496 = arith.constant 16383 : i32
        %and3A_497 = vector.broadcast %and3A_496 : i32 to vector<16xi32>
        %and3A_498 = arith.andi %get3A_495, %and3A_497 : vector<16xi32>
        %swap3A_499 = arith.constant 0 : index
        %swap3A_500 = tpu.vector_load %arg7[%swap3A_499] {strides = array<i32>} : memref<64xi32, #tpu.memory_space<vmem>>, vector<16xi32>,
        %swap3A_501 = vector.shape_cast %swap3A_500 : vector<16xi32> to vector<16xi32>
        %swap3A_502 = vector.shape_cast %and3A_498 : vector<16xi32> to vector<16xi32>
        tpu.vector_store %arg7[%swap3A_499], %swap3A_502 {strides = array<i32>} : memref<64xi32, #tpu.memory_space<vmem>>, vector<16xi32>,
        %mul3A_503 = arith.constant 64 : i32
        %mul3A_504 = arith.muli %add3A_488, %mul3A_503 : i32
        %add3A_505 = arith.constant 16 : i32
        %add3A_506 = arith.addi %mul3A_504, %add3A_505 : i32
        %get3A_507 = arith.index_cast %add3A_506 : i32 to index
        %get3A_508 = tpu.vector_load %arg5[%get3A_507] {strides = array<i32>} : memref<16640xi32, #tpu.memory_space<vmem>>, vector<16xi32>,
        %get3A_509 = vector.shape_cast %get3A_508 : vector<16xi32> to vector<16xi32>
        %and3A_510 = arith.constant 16383 : i32
        %and3A_511 = vector.broadcast %and3A_510 : i32 to vector<16xi32>
        %and3A_512 = arith.andi %get3A_509, %and3A_511 : vector<16xi32>
        %swap3A_513 = arith.constant 16 : index
        %swap3A_514 = tpu.vector_load %arg7[%swap3A_513] {strides = array<i32>} : memref<64xi32, #tpu.memory_space<vmem>>, vector<16xi32>,
        %swap3A_515 = vector.shape_cast %swap3A_514 : vector<16xi32> to vector<16xi32>
        %swap3A_516 = vector.shape_cast %and3A_512 : vector<16xi32> to vector<16xi32>
        tpu.vector_store %arg7[%swap3A_513], %swap3A_516 {strides = array<i32>} : memref<64xi32, #tpu.memory_space<vmem>>, vector<16xi32>,
        %mul3A_517 = arith.constant 64 : i32
        %mul3A_518 = arith.muli %add3A_488, %mul3A_517 : i32
        %add3A_519 = arith.constant 32 : i32
        %add3A_520 = arith.addi %mul3A_518, %add3A_519 : i32
        %get3A_521 = arith.index_cast %add3A_520 : i32 to index
        %get3A_522 = tpu.vector_load %arg5[%get3A_521] {strides = array<i32>} : memref<16640xi32, #tpu.memory_space<vmem>>, vector<16xi32>,
        %get3A_523 = vector.shape_cast %get3A_522 : vector<16xi32> to vector<16xi32>
        %and3A_524 = arith.constant 16383 : i32
        %and3A_525 = vector.broadcast %and3A_524 : i32 to vector<16xi32>
        %and3A_526 = arith.andi %get3A_523, %and3A_525 : vector<16xi32>
        %swap3A_527 = arith.constant 32 : index
        %swap3A_528 = tpu.vector_load %arg7[%swap3A_527] {strides = array<i32>} : memref<64xi32, #tpu.memory_space<vmem>>, vector<16xi32>,
        %swap3A_529 = vector.shape_cast %swap3A_528 : vector<16xi32> to vector<16xi32>
        %swap3A_530 = vector.shape_cast %and3A_526 : vector<16xi32> to vector<16xi32>
        tpu.vector_store %arg7[%swap3A_527], %swap3A_530 {strides = array<i32>} : memref<64xi32, #tpu.memory_space<vmem>>, vector<16xi32>,
        %mul3A_531 = arith.constant 64 : i32
        %mul3A_532 = arith.muli %add3A_488, %mul3A_531 : i32
        %add3A_533 = arith.constant 48 : i32
        %add3A_534 = arith.addi %mul3A_532, %add3A_533 : i32
        %get3A_535 = arith.index_cast %add3A_534 : i32 to index
        %get3A_536 = tpu.vector_load %arg5[%get3A_535] {strides = array<i32>} : memref<16640xi32, #tpu.memory_space<vmem>>, vector<16xi32>,
        %get3A_537 = vector.shape_cast %get3A_536 : vector<16xi32> to vector<16xi32>
        %and3A_538 = arith.constant 16383 : i32
        %and3A_539 = vector.broadcast %and3A_538 : i32 to vector<16xi32>
        %and3A_540 = arith.andi %get3A_537, %and3A_539 : vector<16xi32>
        %swap3A_541 = arith.constant 48 : index
        %swap3A_542 = tpu.vector_load %arg7[%swap3A_541] {strides = array<i32>} : memref<64xi32, #tpu.memory_space<vmem>>, vector<16xi32>,
        %swap3A_543 = vector.shape_cast %swap3A_542 : vector<16xi32> to vector<16xi32>
        %swap3A_544 = vector.shape_cast %and3A_540 : vector<16xi32> to vector<16xi32>
        tpu.vector_store %arg7[%swap3A_541], %swap3A_544 {strides = array<i32>} : memref<64xi32, #tpu.memory_space<vmem>>, vector<16xi32>,
        %dma_start3A_545 = arith.constant 0 : i32
        %dma_start3A_546 = arith.constant 0 : i32
        %dma_start3A_547 = tpu.memref_slice %arg2[%dma_start3A_545, %dma_start3A_546] : memref<10000x128xf32, #tpu.memory_space<hbm>> -> memref<10000x128xf32, #tpu.memory_space<hbm>>
        tpu.enqueue_indirect_dma source(%dma_start3A_547 : memref<10000x128xf32, #tpu.memory_space<hbm>>) target(%arg12 : memref<64x128xf32, #tpu.memory_space<vmem>>) offsets(%arg7 : memref<64xi32, #tpu.memory_space<vmem>>) semaphore(%arg17 : memref<!tpu.dma_semaphore, #tpu.memory_space<semaphore_mem>>)
      } else {
      }
      %add3A_420 = arith.constant 3 : i32
      %add3A_421 = arith.addi %mul3A_221, %add3A_420 : i32
      %dma_wait3A_422 = arith.constant 0 : i32
      %dma_wait3A_423 = arith.constant 0 : i32
      %dma_wait3A_424 = tpu.memref_slice %arg2[%dma_wait3A_422, %dma_wait3A_423] : memref<10000x128xf32, #tpu.memory_space<hbm>> -> memref<10000x128xf32, #tpu.memory_space<hbm>>
      tpu.wait_indirect_dma semaphore(%arg19 : memref<!tpu.dma_semaphore, #tpu.memory_space<semaphore_mem>>) src(%dma_wait3A_424 : memref<10000x128xf32, #tpu.memory_space<hbm>>) dst(%arg14 : memref<64x128xf32, #tpu.memory_space<vmem>>)
      %mul3A_425 = arith.constant 64 : i32
      %mul3A_426 = arith.muli %add3A_421, %mul3A_425 : i32
      %add3A_427 = arith.constant 0 : i32
      %add3A_428 = arith.addi %mul3A_426, %add3A_427 : i32
      %get3A_429 = arith.index_cast %add3A_428 : i32 to index
      %get3A_430 = tpu.vector_load %arg5[%get3A_429] {strides = array<i32>} : memref<16640xi32, #tpu.memory_space<vmem>>, vector<16xi32>,
      %get3A_431 = vector.shape_cast %get3A_430 : vector<16xi32> to vector<16xi32>
      %shift_right_logical3A_432 = arith.constant 14 : i32
      %shift_right_logical3A_433 = vector.broadcast %shift_right_logical3A_432 : i32 to vector<16xi32>
      %shift_right_logical3A_434 = arith.shrui %get3A_431, %shift_right_logical3A_433 : vector<16xi32>
      %swap3A_435 = arith.constant 0 : index
      %swap3A_436 = tpu.vector_load %arg10[%swap3A_435] {strides = array<i32>} : memref<64xi32, #tpu.memory_space<vmem>>, vector<16xi32>,
      %swap3A_437 = vector.shape_cast %swap3A_436 : vector<16xi32> to vector<16xi32>
      %swap3A_438 = vector.shape_cast %shift_right_logical3A_434 : vector<16xi32> to vector<16xi32>
      tpu.vector_store %arg10[%swap3A_435], %swap3A_438 {strides = array<i32>} : memref<64xi32, #tpu.memory_space<vmem>>, vector<16xi32>,
      %mul3A_439 = arith.constant 64 : i32
      %mul3A_440 = arith.muli %add3A_421, %mul3A_439 : i32
      %add3A_441 = arith.constant 16 : i32
      %add3A_442 = arith.addi %mul3A_440, %add3A_441 : i32
      %get3A_443 = arith.index_cast %add3A_442 : i32 to index
      %get3A_444 = tpu.vector_load %arg5[%get3A_443] {strides = array<i32>} : memref<16640xi32, #tpu.memory_space<vmem>>, vector<16xi32>,
      %get3A_445 = vector.shape_cast %get3A_444 : vector<16xi32> to vector<16xi32>
      %shift_right_logical3A_446 = arith.constant 14 : i32
      %shift_right_logical3A_447 = vector.broadcast %shift_right_logical3A_446 : i32 to vector<16xi32>
      %shift_right_logical3A_448 = arith.shrui %get3A_445, %shift_right_logical3A_447 : vector<16xi32>
      %swap3A_449 = arith.constant 16 : index
      %swap3A_450 = tpu.vector_load %arg10[%swap3A_449] {strides = array<i32>} : memref<64xi32, #tpu.memory_space<vmem>>, vector<16xi32>,
      %swap3A_451 = vector.shape_cast %swap3A_450 : vector<16xi32> to vector<16xi32>
      %swap3A_452 = vector.shape_cast %shift_right_logical3A_448 : vector<16xi32> to vector<16xi32>
      tpu.vector_store %arg10[%swap3A_449], %swap3A_452 {strides = array<i32>} : memref<64xi32, #tpu.memory_space<vmem>>, vector<16xi32>,
      %mul3A_453 = arith.constant 64 : i32
      %mul3A_454 = arith.muli %add3A_421, %mul3A_453 : i32
      %add3A_455 = arith.constant 32 : i32
      %add3A_456 = arith.addi %mul3A_454, %add3A_455 : i32
      %get3A_457 = arith.index_cast %add3A_456 : i32 to index
      %get3A_458 = tpu.vector_load %arg5[%get3A_457] {strides = array<i32>} : memref<16640xi32, #tpu.memory_space<vmem>>, vector<16xi32>,
      %get3A_459 = vector.shape_cast %get3A_458 : vector<16xi32> to vector<16xi32>
      %shift_right_logical3A_460 = arith.constant 14 : i32
      %shift_right_logical3A_461 = vector.broadcast %shift_right_logical3A_460 : i32 to vector<16xi32>
      %shift_right_logical3A_462 = arith.shrui %get3A_459, %shift_right_logical3A_461 : vector<16xi32>
      %swap3A_463 = arith.constant 32 : index
      %swap3A_464 = tpu.vector_load %arg10[%swap3A_463] {strides = array<i32>} : memref<64xi32, #tpu.memory_space<vmem>>, vector<16xi32>,
      %swap3A_465 = vector.shape_cast %swap3A_464 : vector<16xi32> to vector<16xi32>
      %swap3A_466 = vector.shape_cast %shift_right_logical3A_462 : vector<16xi32> to vector<16xi32>
      tpu.vector_store %arg10[%swap3A_463], %swap3A_466 {strides = array<i32>} : memref<64xi32, #tpu.memory_space<vmem>>, vector<16xi32>,
      %mul3A_467 = arith.constant 64 : i32
      %mul3A_468 = arith.muli %add3A_421, %mul3A_467 : i32
      %add3A_469 = arith.constant 48 : i32
      %add3A_470 = arith.addi %mul3A_468, %add3A_469 : i32
      %get3A_471 = arith.index_cast %add3A_470 : i32 to index
      %get3A_472 = tpu.vector_load %arg5[%get3A_471] {strides = array<i32>} : memref<16640xi32, #tpu.memory_space<vmem>>, vector<16xi32>,
      %get3A_473 = vector.shape_cast %get3A_472 : vector<16xi32> to vector<16xi32>
      %shift_right_logical3A_474 = arith.constant 14 : i32
      %shift_right_logical3A_475 = vector.broadcast %shift_right_logical3A_474 : i32 to vector<16xi32>
      %shift_right_logical3A_476 = arith.shrui %get3A_473, %shift_right_logical3A_475 : vector<16xi32>
      %swap3A_477 = arith.constant 48 : index
      %swap3A_478 = tpu.vector_load %arg10[%swap3A_477] {strides = array<i32>} : memref<64xi32, #tpu.memory_space<vmem>>, vector<16xi32>,
      %swap3A_479 = vector.shape_cast %swap3A_478 : vector<16xi32> to vector<16xi32>
      %swap3A_480 = vector.shape_cast %shift_right_logical3A_476 : vector<16xi32> to vector<16xi32>
      tpu.vector_store %arg10[%swap3A_477], %swap3A_480 {strides = array<i32>} : memref<64xi32, #tpu.memory_space<vmem>>, vector<16xi32>,
      "tpu.region"() ({
        %run_scoped3A = tpu.sem_alloc : memref<!tpu.dma_semaphore, #tpu.memory_space<semaphore_mem>>
        %dma_start3A_487 = arith.constant 0 : i32
        %dma_start3A_488 = arith.constant 0 : i32
        %dma_start3A_489 = tpu.memref_slice %arg15[%dma_start3A_487, %dma_start3A_488] : memref<10016x128xf32, #tpu.memory_space<vmem_shared>> -> memref<10016x128xf32, #tpu.memory_space<vmem_shared>>
        tpu.enqueue_indirect_dma source(%arg14 : memref<64x128xf32, #tpu.memory_space<vmem>>) target(%dma_start3A_489 : memref<10016x128xf32, #tpu.memory_space<vmem_shared>>) offsets(%arg10 : memref<64xi32, #tpu.memory_space<vmem>>) semaphore(%run_scoped3A : memref<!tpu.dma_semaphore, #tpu.memory_space<semaphore_mem>>) {add = true}
        %dma_wait3A_490 = arith.constant 0 : i32
        %dma_wait3A_491 = arith.constant 0 : i32
        %dma_wait3A_492 = tpu.memref_slice %arg15[%dma_wait3A_490, %dma_wait3A_491] : memref<10016x128xf32, #tpu.memory_space<vmem_shared>> -> memref<10016x128xf32, #tpu.memory_space<vmem_shared>>
        tpu.wait_indirect_dma semaphore(%run_scoped3A : memref<!tpu.dma_semaphore, #tpu.memory_space<semaphore_mem>>) src(%arg14 : memref<64x128xf32, #tpu.memory_space<vmem>>) dst(%dma_wait3A_492 : memref<10016x128xf32, #tpu.memory_space<vmem_shared>>)
        tpu.yield
      }) : () -> ()
      %add3A_481 = arith.constant 3 : i32
      %add3A_482 = arith.addi %add3A_421, %add3A_481 : i32
      %lt3A_483 = arith.cmpi slt, %add3A_482, %select_n3A_6 : i32
      %convert_element_type3A_484 = arith.extui %lt3A_483 : i1 to i32
      %cond3A_485 = arith.constant 0 : i32
      %cond3A_486 = arith.cmpi ne, %convert_element_type3A_484, %cond3A_485 : i32
      scf.if %cond3A_486 {
        %add3A_487 = arith.constant 3 : i32
        %add3A_488 = arith.addi %add3A_421, %add3A_487 : i32
        %mul3A_489 = arith.constant 64 : i32
        %mul3A_490 = arith.muli %add3A_488, %mul3A_489 : i32
        %add3A_491 = arith.constant 0 : i32
        %add3A_492 = arith.addi %mul3A_490, %add3A_491 : i32
        %get3A_493 = arith.index_cast %add3A_492 : i32 to index
        %get3A_494 = tpu.vector_load %arg5[%get3A_493] {strides = array<i32>} : memref<16640xi32, #tpu.memory_space<vmem>>, vector<16xi32>,
        %get3A_495 = vector.shape_cast %get3A_494 : vector<16xi32> to vector<16xi32>
        %and3A_496 = arith.constant 16383 : i32
        %and3A_497 = vector.broadcast %and3A_496 : i32 to vector<16xi32>
        %and3A_498 = arith.andi %get3A_495, %and3A_497 : vector<16xi32>
        %swap3A_499 = arith.constant 0 : index
        %swap3A_500 = tpu.vector_load %arg8[%swap3A_499] {strides = array<i32>} : memref<64xi32, #tpu.memory_space<vmem>>, vector<16xi32>,
        %swap3A_501 = vector.shape_cast %swap3A_500 : vector<16xi32> to vector<16xi32>
        %swap3A_502 = vector.shape_cast %and3A_498 : vector<16xi32> to vector<16xi32>
        tpu.vector_store %arg8[%swap3A_499], %swap3A_502 {strides = array<i32>} : memref<64xi32, #tpu.memory_space<vmem>>, vector<16xi32>,
        %mul3A_503 = arith.constant 64 : i32
        %mul3A_504 = arith.muli %add3A_488, %mul3A_503 : i32
        %add3A_505 = arith.constant 16 : i32
        %add3A_506 = arith.addi %mul3A_504, %add3A_505 : i32
        %get3A_507 = arith.index_cast %add3A_506 : i32 to index
        %get3A_508 = tpu.vector_load %arg5[%get3A_507] {strides = array<i32>} : memref<16640xi32, #tpu.memory_space<vmem>>, vector<16xi32>,
        %get3A_509 = vector.shape_cast %get3A_508 : vector<16xi32> to vector<16xi32>
        %and3A_510 = arith.constant 16383 : i32
        %and3A_511 = vector.broadcast %and3A_510 : i32 to vector<16xi32>
        %and3A_512 = arith.andi %get3A_509, %and3A_511 : vector<16xi32>
        %swap3A_513 = arith.constant 16 : index
        %swap3A_514 = tpu.vector_load %arg8[%swap3A_513] {strides = array<i32>} : memref<64xi32, #tpu.memory_space<vmem>>, vector<16xi32>,
        %swap3A_515 = vector.shape_cast %swap3A_514 : vector<16xi32> to vector<16xi32>
        %swap3A_516 = vector.shape_cast %and3A_512 : vector<16xi32> to vector<16xi32>
        tpu.vector_store %arg8[%swap3A_513], %swap3A_516 {strides = array<i32>} : memref<64xi32, #tpu.memory_space<vmem>>, vector<16xi32>,
        %mul3A_517 = arith.constant 64 : i32
        %mul3A_518 = arith.muli %add3A_488, %mul3A_517 : i32
        %add3A_519 = arith.constant 32 : i32
        %add3A_520 = arith.addi %mul3A_518, %add3A_519 : i32
        %get3A_521 = arith.index_cast %add3A_520 : i32 to index
        %get3A_522 = tpu.vector_load %arg5[%get3A_521] {strides = array<i32>} : memref<16640xi32, #tpu.memory_space<vmem>>, vector<16xi32>,
        %get3A_523 = vector.shape_cast %get3A_522 : vector<16xi32> to vector<16xi32>
        %and3A_524 = arith.constant 16383 : i32
        %and3A_525 = vector.broadcast %and3A_524 : i32 to vector<16xi32>
        %and3A_526 = arith.andi %get3A_523, %and3A_525 : vector<16xi32>
        %swap3A_527 = arith.constant 32 : index
        %swap3A_528 = tpu.vector_load %arg8[%swap3A_527] {strides = array<i32>} : memref<64xi32, #tpu.memory_space<vmem>>, vector<16xi32>,
        %swap3A_529 = vector.shape_cast %swap3A_528 : vector<16xi32> to vector<16xi32>
        %swap3A_530 = vector.shape_cast %and3A_526 : vector<16xi32> to vector<16xi32>
        tpu.vector_store %arg8[%swap3A_527], %swap3A_530 {strides = array<i32>} : memref<64xi32, #tpu.memory_space<vmem>>, vector<16xi32>,
        %mul3A_531 = arith.constant 64 : i32
        %mul3A_532 = arith.muli %add3A_488, %mul3A_531 : i32
        %add3A_533 = arith.constant 48 : i32
        %add3A_534 = arith.addi %mul3A_532, %add3A_533 : i32
        %get3A_535 = arith.index_cast %add3A_534 : i32 to index
        %get3A_536 = tpu.vector_load %arg5[%get3A_535] {strides = array<i32>} : memref<16640xi32, #tpu.memory_space<vmem>>, vector<16xi32>,
        %get3A_537 = vector.shape_cast %get3A_536 : vector<16xi32> to vector<16xi32>
        %and3A_538 = arith.constant 16383 : i32
        %and3A_539 = vector.broadcast %and3A_538 : i32 to vector<16xi32>
        %and3A_540 = arith.andi %get3A_537, %and3A_539 : vector<16xi32>
        %swap3A_541 = arith.constant 48 : index
        %swap3A_542 = tpu.vector_load %arg8[%swap3A_541] {strides = array<i32>} : memref<64xi32, #tpu.memory_space<vmem>>, vector<16xi32>,
        %swap3A_543 = vector.shape_cast %swap3A_542 : vector<16xi32> to vector<16xi32>
        %swap3A_544 = vector.shape_cast %and3A_540 : vector<16xi32> to vector<16xi32>
        tpu.vector_store %arg8[%swap3A_541], %swap3A_544 {strides = array<i32>} : memref<64xi32, #tpu.memory_space<vmem>>, vector<16xi32>,
        %dma_start3A_545 = arith.constant 0 : i32
        %dma_start3A_546 = arith.constant 0 : i32
        %dma_start3A_547 = tpu.memref_slice %arg2[%dma_start3A_545, %dma_start3A_546] : memref<10000x128xf32, #tpu.memory_space<hbm>> -> memref<10000x128xf32, #tpu.memory_space<hbm>>
        tpu.enqueue_indirect_dma source(%dma_start3A_547 : memref<10000x128xf32, #tpu.memory_space<hbm>>) target(%arg13 : memref<64x128xf32, #tpu.memory_space<vmem>>) offsets(%arg8 : memref<64xi32, #tpu.memory_space<vmem>>) semaphore(%arg18 : memref<!tpu.dma_semaphore, #tpu.memory_space<semaphore_mem>>)
      } else {
      }
    }
    %barrier3A_211 = arith.constant 0 : index
    tpu.barrier barrier_id(%barrier3A_211)
    %mul3A_212 = arith.constant 624 : i32
    %mul3A_213 = arith.muli %arg1, %mul3A_212 : i32
    "tpu.region"() ({
      %run_scoped3A = tpu.sem_alloc : memref<!tpu.dma_semaphore, #tpu.memory_space<semaphore_mem>>
      %dma_start3A_219 = arith.constant 0 : i32
      %dma_start3A_220 = tpu.memref_slice %arg4[%arg0, %mul3A_213, %dma_start3A_219] : memref<2x10000x128xf32, #tpu.memory_space<hbm>> -> memref<1x624x128xf32, #tpu.memory_space<hbm>>
      %dma_start3A_221 = tpu.memref_squeeze %dma_start3A_220 : memref<1x624x128xf32, #tpu.memory_space<hbm>> -> memref<624x128xf32, #tpu.memory_space<hbm>>
      %dma_start3A_222 = arith.constant 0 : i32
      %dma_start3A_223 = tpu.memref_slice %arg15[%mul3A_213, %dma_start3A_222] : memref<10016x128xf32, #tpu.memory_space<vmem_shared>> -> memref<624x128xf32, #tpu.memory_space<vmem_shared>>
      tpu.enqueue_dma source(%dma_start3A_223 : memref<624x128xf32, #tpu.memory_space<vmem_shared>>) target(%dma_start3A_221 : memref<624x128xf32, #tpu.memory_space<hbm>>) target_semaphore(%run_scoped3A : memref<!tpu.dma_semaphore, #tpu.memory_space<semaphore_mem>>)
      %dma_wait3A = arith.constant 0 : i32
      %dma_wait3A_224 = tpu.memref_slice %arg4[%arg0, %mul3A_213, %dma_wait3A] : memref<2x10000x128xf32, #tpu.memory_space<hbm>> -> memref<1x624x128xf32, #tpu.memory_space<hbm>>
      %dma_wait3A_225 = tpu.memref_squeeze %dma_wait3A_224 : memref<1x624x128xf32, #tpu.memory_space<hbm>> -> memref<624x128xf32, #tpu.memory_space<hbm>>
      %dma_wait3A_226 = arith.constant 0 : i32
      %dma_wait3A_227 = tpu.memref_slice %arg15[%mul3A_213, %dma_wait3A_226] : memref<10016x128xf32, #tpu.memory_space<vmem_shared>> -> memref<624x128xf32, #tpu.memory_space<vmem_shared>>
      tpu.wait_dma2 semaphore(%run_scoped3A : memref<!tpu.dma_semaphore, #tpu.memory_space<semaphore_mem>>) src(%dma_wait3A_227 : memref<624x128xf32, #tpu.memory_space<vmem_shared>>) dst(%dma_wait3A_225 : memref<624x128xf32, #tpu.memory_space<hbm>>)
      tpu.yield
    }) : () -> ()
    %eq3A_214 = arith.constant 15 : i32
    %eq3A_215 = arith.cmpi eq, %arg1, %eq3A_214 : i32
    %convert_element_type3A_216 = arith.extui %eq3A_215 : i1 to i32
    %cond3A_217 = arith.constant 0 : i32
    %cond3A_218 = arith.cmpi ne, %convert_element_type3A_216, %cond3A_217 : i32
    scf.if %cond3A_218 {
      "tpu.region"() ({
        %run_scoped3A = tpu.sem_alloc : memref<!tpu.dma_semaphore, #tpu.memory_space<semaphore_mem>>
        %dma_start3A_219 = arith.constant 9984 : i32
        %dma_start3A_220 = arith.constant 0 : i32
        %dma_start3A_221 = tpu.memref_slice %arg4[%arg0, %dma_start3A_219, %dma_start3A_220] : memref<2x10000x128xf32, #tpu.memory_space<hbm>> -> memref<1x16x128xf32, #tpu.memory_space<hbm>>
        %dma_start3A_222 = tpu.memref_squeeze %dma_start3A_221 : memref<1x16x128xf32, #tpu.memory_space<hbm>> -> memref<16x128xf32, #tpu.memory_space<hbm>>
        %dma_start3A_223 = arith.constant 9984 : i32
        %dma_start3A_224 = arith.constant 0 : i32
        %dma_start3A_225 = tpu.memref_slice %arg15[%dma_start3A_223, %dma_start3A_224] : memref<10016x128xf32, #tpu.memory_space<vmem_shared>> -> memref<16x128xf32, #tpu.memory_space<vmem_shared>>
        tpu.enqueue_dma source(%dma_start3A_225 : memref<16x128xf32, #tpu.memory_space<vmem_shared>>) target(%dma_start3A_222 : memref<16x128xf32, #tpu.memory_space<hbm>>) target_semaphore(%run_scoped3A : memref<!tpu.dma_semaphore, #tpu.memory_space<semaphore_mem>>)
        %dma_wait3A = arith.constant 9984 : i32
        %dma_wait3A_226 = arith.constant 0 : i32
        %dma_wait3A_227 = tpu.memref_slice %arg4[%arg0, %dma_wait3A, %dma_wait3A_226] : memref<2x10000x128xf32, #tpu.memory_space<hbm>> -> memref<1x16x128xf32, #tpu.memory_space<hbm>>
        %dma_wait3A_228 = tpu.memref_squeeze %dma_wait3A_227 : memref<1x16x128xf32, #tpu.memory_space<hbm>> -> memref<16x128xf32, #tpu.memory_space<hbm>>
        %dma_wait3A_229 = arith.constant 9984 : i32
        %dma_wait3A_230 = arith.constant 0 : i32
        %dma_wait3A_231 = tpu.memref_slice %arg15[%dma_wait3A_229, %dma_wait3A_230] : memref<10016x128xf32, #tpu.memory_space<vmem_shared>> -> memref<16x128xf32, #tpu.memory_space<vmem_shared>>
        tpu.wait_dma2 semaphore(%run_scoped3A : memref<!tpu.dma_semaphore, #tpu.memory_space<semaphore_mem>>) src(%dma_wait3A_231 : memref<16x128xf32, #tpu.memory_space<vmem_shared>>) dst(%dma_wait3A_228 : memref<16x128xf32, #tpu.memory_space<hbm>>)
        tpu.yield
      }) : () -> ()
    } else {
    }
    return
  }
}

#map = affine_map<(d0, d1) -> (0, 0, 0)>
#map1 = affine_map<(d0, d1) -> (0)>
module attributes {stable_mosaic.version = 14 : i64} {
  func.func @_deg_body(%arg0: i32, %arg1: i32, %arg2: memref<32x125x80xi32, #tpu.memory_space<hbm>>, %arg3: memref<320000xf32, #tpu.memory_space<hbm>>, %arg4: memref<125x80xi32, #tpu.memory_space<vmem>>, %arg5: memref<10000xf32, #tpu.memory_space<vmem>>) attributes {dimension_semantics = [#tpu.dimension_semantics<core_parallel>, #tpu.dimension_semantics<subcore_parallel>], iteration_bounds = array<i64: 2, 16>, scalar_prefetch = 0 : i64, scratch_operands = 2 : i64, tpu.core_type = #tpu.core_type<sc_vector_subcore>, window_params = [{transform_indices = #map}, {transform_indices = #map1}]} {
    %mul3A = arith.constant 16 : i32
    %mul3A_0 = arith.muli %arg0, %mul3A : i32
    %add3A = arith.addi %mul3A_0, %arg1 : i32
    "tpu.region"() ({
      %run_scoped3A = tpu.sem_alloc : memref<!tpu.dma_semaphore, #tpu.memory_space<semaphore_mem>>
      %dma_start3A = arith.constant 0 : i32
      %dma_start3A_17 = arith.constant 0 : i32
      %dma_start3A_18 = tpu.memref_slice %arg2[%add3A, %dma_start3A, %dma_start3A_17] : memref<32x125x80xi32, #tpu.memory_space<hbm>> -> memref<1x125x80xi32, #tpu.memory_space<hbm>>
      %dma_start3A_19 = tpu.memref_squeeze %dma_start3A_18 : memref<1x125x80xi32, #tpu.memory_space<hbm>> -> memref<125x80xi32, #tpu.memory_space<hbm>>
      %dma_start3A_20 = arith.constant 0 : i32
      %dma_start3A_21 = arith.constant 0 : i32
      %dma_start3A_22 = tpu.memref_slice %arg2[%add3A, %dma_start3A_20, %dma_start3A_21] : memref<32x125x80xi32, #tpu.memory_space<hbm>> -> memref<1x125x80xi32, #tpu.memory_space<hbm>>
      %dma_start3A_23 = tpu.memref_squeeze %dma_start3A_22 : memref<1x125x80xi32, #tpu.memory_space<hbm>> -> memref<125x80xi32, #tpu.memory_space<hbm>>
      tpu.enqueue_dma source(%dma_start3A_23 : memref<125x80xi32, #tpu.memory_space<hbm>>) target(%arg4 : memref<125x80xi32, #tpu.memory_space<vmem>>) target_semaphore(%run_scoped3A : memref<!tpu.dma_semaphore, #tpu.memory_space<semaphore_mem>>)
      %dma_wait3A = arith.constant 0 : i32
      %dma_wait3A_24 = arith.constant 0 : i32
      %dma_wait3A_25 = tpu.memref_slice %arg2[%add3A, %dma_wait3A, %dma_wait3A_24] : memref<32x125x80xi32, #tpu.memory_space<hbm>> -> memref<1x125x80xi32, #tpu.memory_space<hbm>>
      %dma_wait3A_26 = tpu.memref_squeeze %dma_wait3A_25 : memref<1x125x80xi32, #tpu.memory_space<hbm>> -> memref<125x80xi32, #tpu.memory_space<hbm>>
      %dma_wait3A_27 = arith.constant 0 : i32
      %dma_wait3A_28 = arith.constant 0 : i32
      %dma_wait3A_29 = tpu.memref_slice %arg2[%add3A, %dma_wait3A_27, %dma_wait3A_28] : memref<32x125x80xi32, #tpu.memory_space<hbm>> -> memref<1x125x80xi32, #tpu.memory_space<hbm>>
      %dma_wait3A_30 = tpu.memref_squeeze %dma_wait3A_29 : memref<1x125x80xi32, #tpu.memory_space<hbm>> -> memref<125x80xi32, #tpu.memory_space<hbm>>
      tpu.wait_dma2 semaphore(%run_scoped3A : memref<!tpu.dma_semaphore, #tpu.memory_space<semaphore_mem>>) src(%dma_wait3A_30 : memref<125x80xi32, #tpu.memory_space<hbm>>) dst(%arg4 : memref<125x80xi32, #tpu.memory_space<vmem>>)
      tpu.yield
    }) : () -> ()
    %broadcast_in_dim3A = arith.constant 0.000000e+00 : f32
    %broadcast_in_dim3A_1 = vector.broadcast %broadcast_in_dim3A : f32 to vector<16xf32>
    %scan3A = arith.constant 0 : i32
    %scan3A_2 = arith.constant 0 : i32
    %scan3A_3 = arith.constant 625 : i32
    %scan3A_4 = arith.addi %scan3A_2, %scan3A_3 : i32
    %scan3A_5 = arith.constant 1 : i32
    scf.for %scan3A_17 = %scan3A_2 to %scan3A_4 step %scan3A_5  : i32 {
      %mul3A_18 = arith.constant 16 : i32
      %mul3A_19 = arith.muli %scan3A_17, %mul3A_18 : i32
      %swap3A = arith.index_cast %mul3A_19 : i32 to index
      %swap3A_20 = tpu.vector_load %arg5[%swap3A] {strides = array<i32>} : memref<10000xf32, #tpu.memory_space<vmem>>, vector<16xf32>,
      tpu.vector_store %arg5[%swap3A], %broadcast_in_dim3A_1 {strides = array<i32>} : memref<10000xf32, #tpu.memory_space<vmem>>, vector<16xf32>,
    }
    %scan3A_6 = arith.constant 625 : i32
    %broadcast_in_dim3A_7 = arith.constant 1.000000e+00 : f32
    %broadcast_in_dim3A_8 = vector.broadcast %broadcast_in_dim3A_7 : f32 to vector<16xf32>
    %iota3A = tpu.iota {dimensions = array<i32: 0>} : vector<16xi32>
    %scan3A_9 = arith.constant 0 : i32
    %scan3A_10 = arith.constant 0 : i32
    %scan3A_11 = arith.constant 125 : i32
    %scan3A_12 = arith.addi %scan3A_10, %scan3A_11 : i32
    %scan3A_13 = arith.constant 1 : i32
    scf.for %scan3A_17 = %scan3A_10 to %scan3A_12 step %scan3A_13  : i32 {
      %scan3A_18 = arith.constant 0 : i32
      %scan3A_19 = arith.constant 5 : i32
      %scan3A_20 = arith.addi %scan3A_18, %scan3A_19 : i32
      %scan3A_21 = arith.constant 1 : i32
      scf.for %scan3A_23 = %scan3A_18 to %scan3A_20 step %scan3A_21  : i32 {
        %mul3A_24 = arith.constant 16 : i32
        %mul3A_25 = arith.muli %scan3A_23, %mul3A_24 : i32
        %get3A = arith.index_cast %scan3A_17 : i32 to index
        %get3A_26 = arith.index_cast %mul3A_25 : i32 to index
        %get3A_27 = tpu.vector_load %arg4[%get3A, %get3A_26] {strides = array<i32>} : memref<125x80xi32, #tpu.memory_space<vmem>>, vector<16xi32>,
        %eq3A = arith.constant 0 : i32
        %eq3A_28 = vector.broadcast %eq3A : i32 to vector<16xi32>
        %eq3A_29 = arith.cmpi eq, %iota3A, %eq3A_28 : vector<16xi32>
        tpu.vector_store_idx %arg5[%get3A_27], %broadcast_in_dim3A_8 masked %eq3A_29 {add = true} : memref<10000xf32, #tpu.memory_space<vmem>>[vector<16xi32>], vector<16xf32>, vector<16xi1>
        %eq3A_30 = arith.constant 1 : i32
        %eq3A_31 = vector.broadcast %eq3A_30 : i32 to vector<16xi32>
        %eq3A_32 = arith.cmpi eq, %iota3A, %eq3A_31 : vector<16xi32>
        tpu.vector_store_idx %arg5[%get3A_27], %broadcast_in_dim3A_8 masked %eq3A_32 {add = true} : memref<10000xf32, #tpu.memory_space<vmem>>[vector<16xi32>], vector<16xf32>, vector<16xi1>
        %eq3A_33 = arith.constant 2 : i32
        %eq3A_34 = vector.broadcast %eq3A_33 : i32 to vector<16xi32>
        %eq3A_35 = arith.cmpi eq, %iota3A, %eq3A_34 : vector<16xi32>
        tpu.vector_store_idx %arg5[%get3A_27], %broadcast_in_dim3A_8 masked %eq3A_35 {add = true} : memref<10000xf32, #tpu.memory_space<vmem>>[vector<16xi32>], vector<16xf32>, vector<16xi1>
        %eq3A_36 = arith.constant 3 : i32
        %eq3A_37 = vector.broadcast %eq3A_36 : i32 to vector<16xi32>
        %eq3A_38 = arith.cmpi eq, %iota3A, %eq3A_37 : vector<16xi32>
        tpu.vector_store_idx %arg5[%get3A_27], %broadcast_in_dim3A_8 masked %eq3A_38 {add = true} : memref<10000xf32, #tpu.memory_space<vmem>>[vector<16xi32>], vector<16xf32>, vector<16xi1>
        %eq3A_39 = arith.constant 4 : i32
        %eq3A_40 = vector.broadcast %eq3A_39 : i32 to vector<16xi32>
        %eq3A_41 = arith.cmpi eq, %iota3A, %eq3A_40 : vector<16xi32>
        tpu.vector_store_idx %arg5[%get3A_27], %broadcast_in_dim3A_8 masked %eq3A_41 {add = true} : memref<10000xf32, #tpu.memory_space<vmem>>[vector<16xi32>], vector<16xf32>, vector<16xi1>
        %eq3A_42 = arith.constant 5 : i32
        %eq3A_43 = vector.broadcast %eq3A_42 : i32 to vector<16xi32>
        %eq3A_44 = arith.cmpi eq, %iota3A, %eq3A_43 : vector<16xi32>
        tpu.vector_store_idx %arg5[%get3A_27], %broadcast_in_dim3A_8 masked %eq3A_44 {add = true} : memref<10000xf32, #tpu.memory_space<vmem>>[vector<16xi32>], vector<16xf32>, vector<16xi1>
        %eq3A_45 = arith.constant 6 : i32
        %eq3A_46 = vector.broadcast %eq3A_45 : i32 to vector<16xi32>
        %eq3A_47 = arith.cmpi eq, %iota3A, %eq3A_46 : vector<16xi32>
        tpu.vector_store_idx %arg5[%get3A_27], %broadcast_in_dim3A_8 masked %eq3A_47 {add = true} : memref<10000xf32, #tpu.memory_space<vmem>>[vector<16xi32>], vector<16xf32>, vector<16xi1>
        %eq3A_48 = arith.constant 7 : i32
        %eq3A_49 = vector.broadcast %eq3A_48 : i32 to vector<16xi32>
        %eq3A_50 = arith.cmpi eq, %iota3A, %eq3A_49 : vector<16xi32>
        tpu.vector_store_idx %arg5[%get3A_27], %broadcast_in_dim3A_8 masked %eq3A_50 {add = true} : memref<10000xf32, #tpu.memory_space<vmem>>[vector<16xi32>], vector<16xf32>, vector<16xi1>
        %eq3A_51 = arith.constant 8 : i32
        %eq3A_52 = vector.broadcast %eq3A_51 : i32 to vector<16xi32>
        %eq3A_53 = arith.cmpi eq, %iota3A, %eq3A_52 : vector<16xi32>
        tpu.vector_store_idx %arg5[%get3A_27], %broadcast_in_dim3A_8 masked %eq3A_53 {add = true} : memref<10000xf32, #tpu.memory_space<vmem>>[vector<16xi32>], vector<16xf32>, vector<16xi1>
        %eq3A_54 = arith.constant 9 : i32
        %eq3A_55 = vector.broadcast %eq3A_54 : i32 to vector<16xi32>
        %eq3A_56 = arith.cmpi eq, %iota3A, %eq3A_55 : vector<16xi32>
        tpu.vector_store_idx %arg5[%get3A_27], %broadcast_in_dim3A_8 masked %eq3A_56 {add = true} : memref<10000xf32, #tpu.memory_space<vmem>>[vector<16xi32>], vector<16xf32>, vector<16xi1>
        %eq3A_57 = arith.constant 10 : i32
        %eq3A_58 = vector.broadcast %eq3A_57 : i32 to vector<16xi32>
        %eq3A_59 = arith.cmpi eq, %iota3A, %eq3A_58 : vector<16xi32>
        tpu.vector_store_idx %arg5[%get3A_27], %broadcast_in_dim3A_8 masked %eq3A_59 {add = true} : memref<10000xf32, #tpu.memory_space<vmem>>[vector<16xi32>], vector<16xf32>, vector<16xi1>
        %eq3A_60 = arith.constant 11 : i32
        %eq3A_61 = vector.broadcast %eq3A_60 : i32 to vector<16xi32>
        %eq3A_62 = arith.cmpi eq, %iota3A, %eq3A_61 : vector<16xi32>
        tpu.vector_store_idx %arg5[%get3A_27], %broadcast_in_dim3A_8 masked %eq3A_62 {add = true} : memref<10000xf32, #tpu.memory_space<vmem>>[vector<16xi32>], vector<16xf32>, vector<16xi1>
        %eq3A_63 = arith.constant 12 : i32
        %eq3A_64 = vector.broadcast %eq3A_63 : i32 to vector<16xi32>
        %eq3A_65 = arith.cmpi eq, %iota3A, %eq3A_64 : vector<16xi32>
        tpu.vector_store_idx %arg5[%get3A_27], %broadcast_in_dim3A_8 masked %eq3A_65 {add = true} : memref<10000xf32, #tpu.memory_space<vmem>>[vector<16xi32>], vector<16xf32>, vector<16xi1>
        %eq3A_66 = arith.constant 13 : i32
        %eq3A_67 = vector.broadcast %eq3A_66 : i32 to vector<16xi32>
        %eq3A_68 = arith.cmpi eq, %iota3A, %eq3A_67 : vector<16xi32>
        tpu.vector_store_idx %arg5[%get3A_27], %broadcast_in_dim3A_8 masked %eq3A_68 {add = true} : memref<10000xf32, #tpu.memory_space<vmem>>[vector<16xi32>], vector<16xf32>, vector<16xi1>
        %eq3A_69 = arith.constant 14 : i32
        %eq3A_70 = vector.broadcast %eq3A_69 : i32 to vector<16xi32>
        %eq3A_71 = arith.cmpi eq, %iota3A, %eq3A_70 : vector<16xi32>
        tpu.vector_store_idx %arg5[%get3A_27], %broadcast_in_dim3A_8 masked %eq3A_71 {add = true} : memref<10000xf32, #tpu.memory_space<vmem>>[vector<16xi32>], vector<16xf32>, vector<16xi1>
        %eq3A_72 = arith.constant 15 : i32
        %eq3A_73 = vector.broadcast %eq3A_72 : i32 to vector<16xi32>
        %eq3A_74 = arith.cmpi eq, %iota3A, %eq3A_73 : vector<16xi32>
        tpu.vector_store_idx %arg5[%get3A_27], %broadcast_in_dim3A_8 masked %eq3A_74 {add = true} : memref<10000xf32, #tpu.memory_space<vmem>>[vector<16xi32>], vector<16xf32>, vector<16xi1>
      }
      %scan3A_22 = arith.constant 5 : i32
    }
    %scan3A_14 = arith.constant 125 : i32
    %mul3A_15 = arith.constant 10000 : i32
    %mul3A_16 = arith.muli %add3A, %mul3A_15 : i32
    "tpu.region"() ({
      %run_scoped3A = tpu.sem_alloc : memref<!tpu.dma_semaphore, #tpu.memory_space<semaphore_mem>>
      %dma_start3A = tpu.memref_slice %arg3[%mul3A_16] : memref<320000xf32, #tpu.memory_space<hbm>> -> memref<10000xf32, #tpu.memory_space<hbm>>
      %dma_start3A_17 = tpu.memref_slice %arg3[%mul3A_16] : memref<320000xf32, #tpu.memory_space<hbm>> -> memref<10000xf32, #tpu.memory_space<hbm>>
      tpu.enqueue_dma source(%arg5 : memref<10000xf32, #tpu.memory_space<vmem>>) target(%dma_start3A_17 : memref<10000xf32, #tpu.memory_space<hbm>>) target_semaphore(%run_scoped3A : memref<!tpu.dma_semaphore, #tpu.memory_space<semaphore_mem>>)
      %dma_wait3A = tpu.memref_slice %arg3[%mul3A_16] : memref<320000xf32, #tpu.memory_space<hbm>> -> memref<10000xf32, #tpu.memory_space<hbm>>
      %dma_wait3A_18 = tpu.memref_slice %arg3[%mul3A_16] : memref<320000xf32, #tpu.memory_space<hbm>> -> memref<10000xf32, #tpu.memory_space<hbm>>
      tpu.wait_dma2 semaphore(%run_scoped3A : memref<!tpu.dma_semaphore, #tpu.memory_space<semaphore_mem>>) src(%arg5 : memref<10000xf32, #tpu.memory_space<vmem>>) dst(%dma_wait3A_18 : memref<10000xf32, #tpu.memory_space<hbm>>)
      tpu.yield
    }) : () -> ()
    return
  }
}

#map = affine_map<(d0, d1) -> (0, 0)>
#map1 = affine_map<(d0, d1) -> (0)>
#map2 = affine_map<(d0, d1) -> (0, 0, 0)>
module attributes {stable_mosaic.version = 14 : i64} {
  func.func @_edge_body(%arg0: i32, %arg1: i32, %arg2: memref<10000x128xf32, #tpu.memory_space<hbm>>, %arg3: memref<323584xi32, #tpu.memory_space<hbm>>, %arg4: memref<2x10000x128xf32, #tpu.memory_space<hbm>>, %arg5: memref<16640xi32, #tpu.memory_space<vmem>>, %arg6: memref<64xi32, #tpu.memory_space<vmem>>, %arg7: memref<64xi32, #tpu.memory_space<vmem>>, %arg8: memref<64xi32, #tpu.memory_space<vmem>>, %arg9: memref<64xi32, #tpu.memory_space<vmem>>, %arg10: memref<64xi32, #tpu.memory_space<vmem>>, %arg11: memref<64x128xf32, #tpu.memory_space<vmem>>, %arg12: memref<64x128xf32, #tpu.memory_space<vmem>>, %arg13: memref<64x128xf32, #tpu.memory_space<vmem>>, %arg14: memref<64x128xf32, #tpu.memory_space<vmem>>, %arg15: memref<10016x128xf32, #tpu.memory_space<vmem_shared>>, %arg16: memref<!tpu.dma_semaphore, #tpu.memory_space<semaphore_mem>>, %arg17: memref<!tpu.dma_semaphore, #tpu.memory_space<semaphore_mem>>, %arg18: memref<!tpu.dma_semaphore, #tpu.memory_space<semaphore_mem>>, %arg19: memref<!tpu.dma_semaphore, #tpu.memory_space<semaphore_mem>>) attributes {dimension_semantics = [#tpu.dimension_semantics<core_parallel>, #tpu.dimension_semantics<subcore_parallel>], iteration_bounds = array<i64: 2, 16>, scalar_prefetch = 0 : i64, scratch_operands = 15 : i64, tpu.core_type = #tpu.core_type<sc_vector_subcore>, window_params = [{transform_indices = #map}, {transform_indices = #map1}, {transform_indices = #map2}]} {
    %eq3A = arith.constant 0 : i32
    %eq3A_0 = arith.cmpi eq, %arg0, %eq3A : i32
    %mul3A = arith.constant 16640 : i32
    %mul3A_1 = arith.muli %arg1, %mul3A : i32
    %mul3A_2 = arith.constant 3584 : i32
    %mul3A_3 = arith.muli %arg1, %mul3A_2 : i32
    %add3A = arith.constant 266240 : i32
    %add3A_4 = arith.addi %add3A, %mul3A_3 : i32
    %select_n3A = arith.select %eq3A_0, %mul3A_1, %add3A_4 : i32
    %jit3A = arith.constant 260 : i32
    %jit3A_5 = arith.constant 56 : i32
    %select_n3A_6 = arith.select %eq3A_0, %jit3A, %jit3A_5 : i32
    %convert_element_type3A = arith.extui %eq3A_0 : i1 to i32
    %cond3A = arith.constant 0 : i32
    %cond3A_7 = arith.cmpi ne, %convert_element_type3A, %cond3A : i32
    scf.if %cond3A_7 {
      "tpu.region"() ({
        %run_scoped3A = tpu.sem_alloc : memref<!tpu.dma_semaphore, #tpu.memory_space<semaphore_mem>>
        %dma_start3A_219 = tpu.memref_slice %arg3[%select_n3A] : memref<323584xi32, #tpu.memory_space<hbm>> -> memref<16640xi32, #tpu.memory_space<hbm>>
        %dma_start3A_220 = tpu.memref_slice %arg3[%select_n3A] : memref<323584xi32, #tpu.memory_space<hbm>> -> memref<16640xi32, #tpu.memory_space<hbm>>
        tpu.enqueue_dma source(%dma_start3A_220 : memref<16640xi32, #tpu.memory_space<hbm>>) target(%arg5 : memref<16640xi32, #tpu.memory_space<vmem>>) target_semaphore(%run_scoped3A : memref<!tpu.dma_semaphore, #tpu.memory_space<semaphore_mem>>)
        %dma_wait3A = tpu.memref_slice %arg3[%select_n3A] : memref<323584xi32, #tpu.memory_space<hbm>> -> memref<16640xi32, #tpu.memory_space<hbm>>
        %dma_wait3A_221 = tpu.memref_slice %arg3[%select_n3A] : memref<323584xi32, #tpu.memory_space<hbm>> -> memref<16640xi32, #tpu.memory_space<hbm>>
        tpu.wait_dma2 semaphore(%run_scoped3A : memref<!tpu.dma_semaphore, #tpu.memory_space<semaphore_mem>>) src(%dma_wait3A_221 : memref<16640xi32, #tpu.memory_space<hbm>>) dst(%arg5 : memref<16640xi32, #tpu.memory_space<vmem>>)
        tpu.yield
      }) : () -> ()
    } else {
    }
    %not3A = arith.constant true
    %not3A_8 = arith.xori %eq3A_0, %not3A : i1
    %convert_element_type3A_9 = arith.extui %not3A_8 : i1 to i32
    %cond3A_10 = arith.constant 0 : i32
    %cond3A_11 = arith.cmpi ne, %convert_element_type3A_9, %cond3A_10 : i32
    scf.if %cond3A_11 {
      "tpu.region"() ({
        %run_scoped3A = tpu.sem_alloc : memref<!tpu.dma_semaphore, #tpu.memory_space<semaphore_mem>>
        %dma_start3A_219 = arith.constant 0 : i32
        %dma_start3A_220 = tpu.memref_slice %arg5[%dma_start3A_219] : memref<16640xi32, #tpu.memory_space<vmem>> -> memref<3584xi32, #tpu.memory_space<vmem>>
        %dma_start3A_221 = tpu.memref_slice %arg3[%select_n3A] : memref<323584xi32, #tpu.memory_space<hbm>> -> memref<3584xi32, #tpu.memory_space<hbm>>
        %dma_start3A_222 = arith.constant 0 : i32
        %dma_start3A_223 = tpu.memref_slice %arg5[%dma_start3A_222] : memref<16640xi32, #tpu.memory_space<vmem>> -> memref<3584xi32, #tpu.memory_space<vmem>>
        %dma_start3A_224 = tpu.memref_slice %arg3[%select_n3A] : memref<323584xi32, #tpu.memory_space<hbm>> -> memref<3584xi32, #tpu.memory_space<hbm>>
        tpu.enqueue_dma source(%dma_start3A_224 : memref<3584xi32, #tpu.memory_space<hbm>>) target(%dma_start3A_223 : memref<3584xi32, #tpu.memory_space<vmem>>) target_semaphore(%run_scoped3A : memref<!tpu.dma_semaphore, #tpu.memory_space<semaphore_mem>>)
        %dma_wait3A = arith.constant 0 : i32
        %dma_wait3A_225 = tpu.memref_slice %arg5[%dma_wait3A] : memref<16640xi32, #tpu.memory_space<vmem>> -> memref<3584xi32, #tpu.memory_space<vmem>>
        %dma_wait3A_226 = tpu.memref_slice %arg3[%select_n3A] : memref<323584xi32, #tpu.memory_space<hbm>> -> memref<3584xi32, #tpu.memory_space<hbm>>
        %dma_wait3A_227 = arith.constant 0 : i32
        %dma_wait3A_228 = tpu.memref_slice %arg5[%dma_wait3A_227] : memref<16640xi32, #tpu.memory_space<vmem>> -> memref<3584xi32, #tpu.memory_space<vmem>>
        %dma_wait3A_229 = tpu.memref_slice %arg3[%select_n3A] : memref<323584xi32, #tpu.memory_space<hbm>> -> memref<3584xi32, #tpu.memory_space<hbm>>
        tpu.wait_dma2 semaphore(%run_scoped3A : memref<!tpu.dma_semaphore, #tpu.memory_space<semaphore_mem>>) src(%dma_wait3A_229 : memref<3584xi32, #tpu.memory_space<hbm>>) dst(%dma_wait3A_228 : memref<3584xi32, #tpu.memory_space<vmem>>)
        tpu.yield
      }) : () -> ()
    } else {
    }
    %broadcast_in_dim3A = arith.constant 0.000000e+00 : f32
    %broadcast_in_dim3A_12 = vector.broadcast %broadcast_in_dim3A : f32 to vector<16xf32>
    %scan3A = arith.constant 0 : i32
    %scan3A_13 = arith.constant 0 : i32
    %scan3A_14 = arith.constant 64 : i32
    %scan3A_15 = arith.addi %scan3A_13, %scan3A_14 : i32
    %scan3A_16 = arith.constant 1 : i32
    scf.for %scan3A_219 = %scan3A_13 to %scan3A_15 step %scan3A_16  : i32 {
      %scan3A_220 = arith.constant 0 : i32
      %scan3A_221 = arith.constant 8 : i32
      %scan3A_222 = arith.addi %scan3A_220, %scan3A_221 : i32
      %scan3A_223 = arith.constant 1 : i32
      scf.for %scan3A_225 = %scan3A_220 to %scan3A_222 step %scan3A_223  : i32 {
        %mul3A_226 = arith.constant 16 : i32
        %mul3A_227 = arith.muli %scan3A_225, %mul3A_226 : i32
        %swap3A_228 = arith.index_cast %scan3A_219 : i32 to index
        %swap3A_229 = arith.index_cast %mul3A_227 : i32 to index
        %swap3A_230 = tpu.vector_load %arg11[%swap3A_228, %swap3A_229] {strides = array<i32>} : memref<64x128xf32, #tpu.memory_space<vmem>>, vector<1x16xf32>,
        %swap3A_231 = vector.shape_cast %swap3A_230 : vector<1x16xf32> to vector<16xf32>
        %swap3A_232 = vector.shape_cast %broadcast_in_dim3A_12 : vector<16xf32> to vector<1x16xf32>
        tpu.vector_store %arg11[%swap3A_228, %swap3A_229], %swap3A_232 {strides = array<i32>} : memref<64x128xf32, #tpu.memory_space<vmem>>, vector<1x16xf32>,
      }
      %scan3A_224 = arith.constant 8 : i32
    }
    %scan3A_17 = arith.constant 64 : i32
    %mul3A_18 = arith.constant 625 : i32
    %mul3A_19 = arith.muli %arg1, %mul3A_18 : i32
    %add3A_20 = arith.constant 0 : i32
    %add3A_21 = arith.addi %mul3A_19, %add3A_20 : i32
    "tpu.region"() ({
      %run_scoped3A = tpu.sem_alloc : memref<!tpu.dma_semaphore, #tpu.memory_space<semaphore_mem>>
      %dma_start3A_219 = arith.constant 0 : i32
      %dma_start3A_220 = tpu.memref_slice %arg15[%add3A_21, %dma_start3A_219] : memref<10016x128xf32, #tpu.memory_space<vmem_shared>> -> memref<64x128xf32, #tpu.memory_space<vmem_shared>>
      %dma_start3A_221 = arith.constant 0 : i32
      %dma_start3A_222 = tpu.memref_slice %arg15[%add3A_21, %dma_start3A_221] : memref<10016x128xf32, #tpu.memory_space<vmem_shared>> -> memref<64x128xf32, #tpu.memory_space<vmem_shared>>
      tpu.enqueue_dma source(%arg11 : memref<64x128xf32, #tpu.memory_space<vmem>>) target(%dma_start3A_222 : memref<64x128xf32, #tpu.memory_space<vmem_shared>>) target_semaphore(%run_scoped3A : memref<!tpu.dma_semaphore, #tpu.memory_space<semaphore_mem>>)
      %dma_wait3A = arith.constant 0 : i32
      %dma_wait3A_223 = tpu.memref_slice %arg15[%add3A_21, %dma_wait3A] : memref<10016x128xf32, #tpu.memory_space<vmem_shared>> -> memref<64x128xf32, #tpu.memory_space<vmem_shared>>
      %dma_wait3A_224 = arith.constant 0 : i32
      %dma_wait3A_225 = tpu.memref_slice %arg15[%add3A_21, %dma_wait3A_224] : memref<10016x128xf32, #tpu.memory_space<vmem_shared>> -> memref<64x128xf32, #tpu.memory_space<vmem_shared>>
      tpu.wait_dma2 semaphore(%run_scoped3A : memref<!tpu.dma_semaphore, #tpu.memory_space<semaphore_mem>>) src(%arg11 : memref<64x128xf32, #tpu.memory_space<vmem>>) dst(%dma_wait3A_225 : memref<64x128xf32, #tpu.memory_space<vmem_shared>>)
      tpu.yield
    }) : () -> ()
    %mul3A_22 = arith.constant 625 : i32
    %mul3A_23 = arith.muli %arg1, %mul3A_22 : i32
    %add3A_24 = arith.constant 64 : i32
    %add3A_25 = arith.addi %mul3A_23, %add3A_24 : i32
    "tpu.region"() ({
      %run_scoped3A = tpu.sem_alloc : memref<!tpu.dma_semaphore, #tpu.memory_space<semaphore_mem>>
      %dma_start3A_219 = arith.constant 0 : i32
      %dma_start3A_220 = tpu.memref_slice %arg15[%add3A_25, %dma_start3A_219] : memref<10016x128xf32, #tpu.memory_space<vmem_shared>> -> memref<64x128xf32, #tpu.memory_space<vmem_shared>>
      %dma_start3A_221 = arith.constant 0 : i32
      %dma_start3A_222 = tpu.memref_slice %arg15[%add3A_25, %dma_start3A_221] : memref<10016x128xf32, #tpu.memory_space<vmem_shared>> -> memref<64x128xf32, #tpu.memory_space<vmem_shared>>
      tpu.enqueue_dma source(%arg11 : memref<64x128xf32, #tpu.memory_space<vmem>>) target(%dma_start3A_222 : memref<64x128xf32, #tpu.memory_space<vmem_shared>>) target_semaphore(%run_scoped3A : memref<!tpu.dma_semaphore, #tpu.memory_space<semaphore_mem>>)
      %dma_wait3A = arith.constant 0 : i32
      %dma_wait3A_223 = tpu.memref_slice %arg15[%add3A_25, %dma_wait3A] : memref<10016x128xf32, #tpu.memory_space<vmem_shared>> -> memref<64x128xf32, #tpu.memory_space<vmem_shared>>
      %dma_wait3A_224 = arith.constant 0 : i32
      %dma_wait3A_225 = tpu.memref_slice %arg15[%add3A_25, %dma_wait3A_224] : memref<10016x128xf32, #tpu.memory_space<vmem_shared>> -> memref<64x128xf32, #tpu.memory_space<vmem_shared>>
      tpu.wait_dma2 semaphore(%run_scoped3A : memref<!tpu.dma_semaphore, #tpu.memory_space<semaphore_mem>>) src(%arg11 : memref<64x128xf32, #tpu.memory_space<vmem>>) dst(%dma_wait3A_225 : memref<64x128xf32, #tpu.memory_space<vmem_shared>>)
      tpu.yield
    }) : () -> ()
    %mul3A_26 = arith.constant 625 : i32
    %mul3A_27 = arith.muli %arg1, %mul3A_26 : i32
    %add3A_28 = arith.constant 128 : i32
    %add3A_29 = arith.addi %mul3A_27, %add3A_28 : i32
    "tpu.region"() ({
      %run_scoped3A = tpu.sem_alloc : memref<!tpu.dma_semaphore, #tpu.memory_space<semaphore_mem>>
      %dma_start3A_219 = arith.constant 0 : i32
      %dma_start3A_220 = tpu.memref_slice %arg15[%add3A_29, %dma_start3A_219] : memref<10016x128xf32, #tpu.memory_space<vmem_shared>> -> memref<64x128xf32, #tpu.memory_space<vmem_shared>>
      %dma_start3A_221 = arith.constant 0 : i32
      %dma_start3A_222 = tpu.memref_slice %arg15[%add3A_29, %dma_start3A_221] : memref<10016x128xf32, #tpu.memory_space<vmem_shared>> -> memref<64x128xf32, #tpu.memory_space<vmem_shared>>
      tpu.enqueue_dma source(%arg11 : memref<64x128xf32, #tpu.memory_space<vmem>>) target(%dma_start3A_222 : memref<64x128xf32, #tpu.memory_space<vmem_shared>>) target_semaphore(%run_scoped3A : memref<!tpu.dma_semaphore, #tpu.memory_space<semaphore_mem>>)
      %dma_wait3A = arith.constant 0 : i32
      %dma_wait3A_223 = tpu.memref_slice %arg15[%add3A_29, %dma_wait3A] : memref<10016x128xf32, #tpu.memory_space<vmem_shared>> -> memref<64x128xf32, #tpu.memory_space<vmem_shared>>
      %dma_wait3A_224 = arith.constant 0 : i32
      %dma_wait3A_225 = tpu.memref_slice %arg15[%add3A_29, %dma_wait3A_224] : memref<10016x128xf32, #tpu.memory_space<vmem_shared>> -> memref<64x128xf32, #tpu.memory_space<vmem_shared>>
      tpu.wait_dma2 semaphore(%run_scoped3A : memref<!tpu.dma_semaphore, #tpu.memory_space<semaphore_mem>>) src(%arg11 : memref<64x128xf32, #tpu.memory_space<vmem>>) dst(%dma_wait3A_225 : memref<64x128xf32, #tpu.memory_space<vmem_shared>>)
      tpu.yield
    }) : () -> ()
    %mul3A_30 = arith.constant 625 : i32
    %mul3A_31 = arith.muli %arg1, %mul3A_30 : i32
    %add3A_32 = arith.constant 192 : i32
    %add3A_33 = arith.addi %mul3A_31, %add3A_32 : i32
    "tpu.region"() ({
      %run_scoped3A = tpu.sem_alloc : memref<!tpu.dma_semaphore, #tpu.memory_space<semaphore_mem>>
      %dma_start3A_219 = arith.constant 0 : i32
      %dma_start3A_220 = tpu.memref_slice %arg15[%add3A_33, %dma_start3A_219] : memref<10016x128xf32, #tpu.memory_space<vmem_shared>> -> memref<64x128xf32, #tpu.memory_space<vmem_shared>>
      %dma_start3A_221 = arith.constant 0 : i32
      %dma_start3A_222 = tpu.memref_slice %arg15[%add3A_33, %dma_start3A_221] : memref<10016x128xf32, #tpu.memory_space<vmem_shared>> -> memref<64x128xf32, #tpu.memory_space<vmem_shared>>
      tpu.enqueue_dma source(%arg11 : memref<64x128xf32, #tpu.memory_space<vmem>>) target(%dma_start3A_222 : memref<64x128xf32, #tpu.memory_space<vmem_shared>>) target_semaphore(%run_scoped3A : memref<!tpu.dma_semaphore, #tpu.memory_space<semaphore_mem>>)
      %dma_wait3A = arith.constant 0 : i32
      %dma_wait3A_223 = tpu.memref_slice %arg15[%add3A_33, %dma_wait3A] : memref<10016x128xf32, #tpu.memory_space<vmem_shared>> -> memref<64x128xf32, #tpu.memory_space<vmem_shared>>
      %dma_wait3A_224 = arith.constant 0 : i32
      %dma_wait3A_225 = tpu.memref_slice %arg15[%add3A_33, %dma_wait3A_224] : memref<10016x128xf32, #tpu.memory_space<vmem_shared>> -> memref<64x128xf32, #tpu.memory_space<vmem_shared>>
      tpu.wait_dma2 semaphore(%run_scoped3A : memref<!tpu.dma_semaphore, #tpu.memory_space<semaphore_mem>>) src(%arg11 : memref<64x128xf32, #tpu.memory_space<vmem>>) dst(%dma_wait3A_225 : memref<64x128xf32, #tpu.memory_space<vmem_shared>>)
      tpu.yield
    }) : () -> ()
    %mul3A_34 = arith.constant 625 : i32
    %mul3A_35 = arith.muli %arg1, %mul3A_34 : i32
    %add3A_36 = arith.constant 256 : i32
    %add3A_37 = arith.addi %mul3A_35, %add3A_36 : i32
    "tpu.region"() ({
      %run_scoped3A = tpu.sem_alloc : memref<!tpu.dma_semaphore, #tpu.memory_space<semaphore_mem>>
      %dma_start3A_219 = arith.constant 0 : i32
      %dma_start3A_220 = tpu.memref_slice %arg15[%add3A_37, %dma_start3A_219] : memref<10016x128xf32, #tpu.memory_space<vmem_shared>> -> memref<64x128xf32, #tpu.memory_space<vmem_shared>>
      %dma_start3A_221 = arith.constant 0 : i32
      %dma_start3A_222 = tpu.memref_slice %arg15[%add3A_37, %dma_start3A_221] : memref<10016x128xf32, #tpu.memory_space<vmem_shared>> -> memref<64x128xf32, #tpu.memory_space<vmem_shared>>
      tpu.enqueue_dma source(%arg11 : memref<64x128xf32, #tpu.memory_space<vmem>>) target(%dma_start3A_222 : memref<64x128xf32, #tpu.memory_space<vmem_shared>>) target_semaphore(%run_scoped3A : memref<!tpu.dma_semaphore, #tpu.memory_space<semaphore_mem>>)
      %dma_wait3A = arith.constant 0 : i32
      %dma_wait3A_223 = tpu.memref_slice %arg15[%add3A_37, %dma_wait3A] : memref<10016x128xf32, #tpu.memory_space<vmem_shared>> -> memref<64x128xf32, #tpu.memory_space<vmem_shared>>
      %dma_wait3A_224 = arith.constant 0 : i32
      %dma_wait3A_225 = tpu.memref_slice %arg15[%add3A_37, %dma_wait3A_224] : memref<10016x128xf32, #tpu.memory_space<vmem_shared>> -> memref<64x128xf32, #tpu.memory_space<vmem_shared>>
      tpu.wait_dma2 semaphore(%run_scoped3A : memref<!tpu.dma_semaphore, #tpu.memory_space<semaphore_mem>>) src(%arg11 : memref<64x128xf32, #tpu.memory_space<vmem>>) dst(%dma_wait3A_225 : memref<64x128xf32, #tpu.memory_space<vmem_shared>>)
      tpu.yield
    }) : () -> ()
    %mul3A_38 = arith.constant 625 : i32
    %mul3A_39 = arith.muli %arg1, %mul3A_38 : i32
    %add3A_40 = arith.constant 320 : i32
    %add3A_41 = arith.addi %mul3A_39, %add3A_40 : i32
    "tpu.region"() ({
      %run_scoped3A = tpu.sem_alloc : memref<!tpu.dma_semaphore, #tpu.memory_space<semaphore_mem>>
      %dma_start3A_219 = arith.constant 0 : i32
      %dma_start3A_220 = tpu.memref_slice %arg15[%add3A_41, %dma_start3A_219] : memref<10016x128xf32, #tpu.memory_space<vmem_shared>> -> memref<64x128xf32, #tpu.memory_space<vmem_shared>>
      %dma_start3A_221 = arith.constant 0 : i32
      %dma_start3A_222 = tpu.memref_slice %arg15[%add3A_41, %dma_start3A_221] : memref<10016x128xf32, #tpu.memory_space<vmem_shared>> -> memref<64x128xf32, #tpu.memory_space<vmem_shared>>
      tpu.enqueue_dma source(%arg11 : memref<64x128xf32, #tpu.memory_space<vmem>>) target(%dma_start3A_222 : memref<64x128xf32, #tpu.memory_space<vmem_shared>>) target_semaphore(%run_scoped3A : memref<!tpu.dma_semaphore, #tpu.memory_space<semaphore_mem>>)
      %dma_wait3A = arith.constant 0 : i32
      %dma_wait3A_223 = tpu.memref_slice %arg15[%add3A_41, %dma_wait3A] : memref<10016x128xf32, #tpu.memory_space<vmem_shared>> -> memref<64x128xf32, #tpu.memory_space<vmem_shared>>
      %dma_wait3A_224 = arith.constant 0 : i32
      %dma_wait3A_225 = tpu.memref_slice %arg15[%add3A_41, %dma_wait3A_224] : memref<10016x128xf32, #tpu.memory_space<vmem_shared>> -> memref<64x128xf32, #tpu.memory_space<vmem_shared>>
      tpu.wait_dma2 semaphore(%run_scoped3A : memref<!tpu.dma_semaphore, #tpu.memory_space<semaphore_mem>>) src(%arg11 : memref<64x128xf32, #tpu.memory_space<vmem>>) dst(%dma_wait3A_225 : memref<64x128xf32, #tpu.memory_space<vmem_shared>>)
      tpu.yield
    }) : () -> ()
    %mul3A_42 = arith.constant 625 : i32
    %mul3A_43 = arith.muli %arg1, %mul3A_42 : i32
    %add3A_44 = arith.constant 384 : i32
    %add3A_45 = arith.addi %mul3A_43, %add3A_44 : i32
    "tpu.region"() ({
      %run_scoped3A = tpu.sem_alloc : memref<!tpu.dma_semaphore, #tpu.memory_space<semaphore_mem>>
      %dma_start3A_219 = arith.constant 0 : i32
      %dma_start3A_220 = tpu.memref_slice %arg15[%add3A_45, %dma_start3A_219] : memref<10016x128xf32, #tpu.memory_space<vmem_shared>> -> memref<64x128xf32, #tpu.memory_space<vmem_shared>>
      %dma_start3A_221 = arith.constant 0 : i32
      %dma_start3A_222 = tpu.memref_slice %arg15[%add3A_45, %dma_start3A_221] : memref<10016x128xf32, #tpu.memory_space<vmem_shared>> -> memref<64x128xf32, #tpu.memory_space<vmem_shared>>
      tpu.enqueue_dma source(%arg11 : memref<64x128xf32, #tpu.memory_space<vmem>>) target(%dma_start3A_222 : memref<64x128xf32, #tpu.memory_space<vmem_shared>>) target_semaphore(%run_scoped3A : memref<!tpu.dma_semaphore, #tpu.memory_space<semaphore_mem>>)
      %dma_wait3A = arith.constant 0 : i32
      %dma_wait3A_223 = tpu.memref_slice %arg15[%add3A_45, %dma_wait3A] : memref<10016x128xf32, #tpu.memory_space<vmem_shared>> -> memref<64x128xf32, #tpu.memory_space<vmem_shared>>
      %dma_wait3A_224 = arith.constant 0 : i32
      %dma_wait3A_225 = tpu.memref_slice %arg15[%add3A_45, %dma_wait3A_224] : memref<10016x128xf32, #tpu.memory_space<vmem_shared>> -> memref<64x128xf32, #tpu.memory_space<vmem_shared>>
      tpu.wait_dma2 semaphore(%run_scoped3A : memref<!tpu.dma_semaphore, #tpu.memory_space<semaphore_mem>>) src(%arg11 : memref<64x128xf32, #tpu.memory_space<vmem>>) dst(%dma_wait3A_225 : memref<64x128xf32, #tpu.memory_space<vmem_shared>>)
      tpu.yield
    }) : () -> ()
    %mul3A_46 = arith.constant 625 : i32
    %mul3A_47 = arith.muli %arg1, %mul3A_46 : i32
    %add3A_48 = arith.constant 448 : i32
    %add3A_49 = arith.addi %mul3A_47, %add3A_48 : i32
    "tpu.region"() ({
      %run_scoped3A = tpu.sem_alloc : memref<!tpu.dma_semaphore, #tpu.memory_space<semaphore_mem>>
      %dma_start3A_219 = arith.constant 0 : i32
      %dma_start3A_220 = tpu.memref_slice %arg15[%add3A_49, %dma_start3A_219] : memref<10016x128xf32, #tpu.memory_space<vmem_shared>> -> memref<64x128xf32, #tpu.memory_space<vmem_shared>>
      %dma_start3A_221 = arith.constant 0 : i32
      %dma_start3A_222 = tpu.memref_slice %arg15[%add3A_49, %dma_start3A_221] : memref<10016x128xf32, #tpu.memory_space<vmem_shared>> -> memref<64x128xf32, #tpu.memory_space<vmem_shared>>
      tpu.enqueue_dma source(%arg11 : memref<64x128xf32, #tpu.memory_space<vmem>>) target(%dma_start3A_222 : memref<64x128xf32, #tpu.memory_space<vmem_shared>>) target_semaphore(%run_scoped3A : memref<!tpu.dma_semaphore, #tpu.memory_space<semaphore_mem>>)
      %dma_wait3A = arith.constant 0 : i32
      %dma_wait3A_223 = tpu.memref_slice %arg15[%add3A_49, %dma_wait3A] : memref<10016x128xf32, #tpu.memory_space<vmem_shared>> -> memref<64x128xf32, #tpu.memory_space<vmem_shared>>
      %dma_wait3A_224 = arith.constant 0 : i32
      %dma_wait3A_225 = tpu.memref_slice %arg15[%add3A_49, %dma_wait3A_224] : memref<10016x128xf32, #tpu.memory_space<vmem_shared>> -> memref<64x128xf32, #tpu.memory_space<vmem_shared>>
      tpu.wait_dma2 semaphore(%run_scoped3A : memref<!tpu.dma_semaphore, #tpu.memory_space<semaphore_mem>>) src(%arg11 : memref<64x128xf32, #tpu.memory_space<vmem>>) dst(%dma_wait3A_225 : memref<64x128xf32, #tpu.memory_space<vmem_shared>>)
      tpu.yield
    }) : () -> ()
    %mul3A_50 = arith.constant 625 : i32
    %mul3A_51 = arith.muli %arg1, %mul3A_50 : i32
    %add3A_52 = arith.constant 512 : i32
    %add3A_53 = arith.addi %mul3A_51, %add3A_52 : i32
    "tpu.region"() ({
      %run_scoped3A = tpu.sem_alloc : memref<!tpu.dma_semaphore, #tpu.memory_space<semaphore_mem>>
      %dma_start3A_219 = arith.constant 0 : i32
      %dma_start3A_220 = tpu.memref_slice %arg15[%add3A_53, %dma_start3A_219] : memref<10016x128xf32, #tpu.memory_space<vmem_shared>> -> memref<64x128xf32, #tpu.memory_space<vmem_shared>>
      %dma_start3A_221 = arith.constant 0 : i32
      %dma_start3A_222 = tpu.memref_slice %arg15[%add3A_53, %dma_start3A_221] : memref<10016x128xf32, #tpu.memory_space<vmem_shared>> -> memref<64x128xf32, #tpu.memory_space<vmem_shared>>
      tpu.enqueue_dma source(%arg11 : memref<64x128xf32, #tpu.memory_space<vmem>>) target(%dma_start3A_222 : memref<64x128xf32, #tpu.memory_space<vmem_shared>>) target_semaphore(%run_scoped3A : memref<!tpu.dma_semaphore, #tpu.memory_space<semaphore_mem>>)
      %dma_wait3A = arith.constant 0 : i32
      %dma_wait3A_223 = tpu.memref_slice %arg15[%add3A_53, %dma_wait3A] : memref<10016x128xf32, #tpu.memory_space<vmem_shared>> -> memref<64x128xf32, #tpu.memory_space<vmem_shared>>
      %dma_wait3A_224 = arith.constant 0 : i32
      %dma_wait3A_225 = tpu.memref_slice %arg15[%add3A_53, %dma_wait3A_224] : memref<10016x128xf32, #tpu.memory_space<vmem_shared>> -> memref<64x128xf32, #tpu.memory_space<vmem_shared>>
      tpu.wait_dma2 semaphore(%run_scoped3A : memref<!tpu.dma_semaphore, #tpu.memory_space<semaphore_mem>>) src(%arg11 : memref<64x128xf32, #tpu.memory_space<vmem>>) dst(%dma_wait3A_225 : memref<64x128xf32, #tpu.memory_space<vmem_shared>>)
      tpu.yield
    }) : () -> ()
    %mul3A_54 = arith.constant 625 : i32
    %mul3A_55 = arith.muli %arg1, %mul3A_54 : i32
    %add3A_56 = arith.constant 576 : i32
    %add3A_57 = arith.addi %mul3A_55, %add3A_56 : i32
    "tpu.region"() ({
      %run_scoped3A = tpu.sem_alloc : memref<!tpu.dma_semaphore, #tpu.memory_space<semaphore_mem>>
      %dma_start3A_219 = arith.constant 0 : i32
      %dma_start3A_220 = arith.constant 0 : i32
      %dma_start3A_221 = tpu.memref_slice %arg11[%dma_start3A_219, %dma_start3A_220] : memref<64x128xf32, #tpu.memory_space<vmem>> -> memref<49x128xf32, #tpu.memory_space<vmem>>
      %dma_start3A_222 = arith.constant 0 : i32
      %dma_start3A_223 = tpu.memref_slice %arg15[%add3A_57, %dma_start3A_222] : memref<10016x128xf32, #tpu.memory_space<vmem_shared>> -> memref<49x128xf32, #tpu.memory_space<vmem_shared>>
      %dma_start3A_224 = arith.constant 0 : i32
      %dma_start3A_225 = tpu.memref_slice %arg15[%add3A_57, %dma_start3A_224] : memref<10016x128xf32, #tpu.memory_space<vmem_shared>> -> memref<49x128xf32, #tpu.memory_space<vmem_shared>>
      %dma_start3A_226 = arith.constant 0 : i32
      %dma_start3A_227 = arith.constant 0 : i32
      %dma_start3A_228 = tpu.memref_slice %arg11[%dma_start3A_226, %dma_start3A_227] : memref<64x128xf32, #tpu.memory_space<vmem>> -> memref<49x128xf32, #tpu.memory_space<vmem>>
      tpu.enqueue_dma source(%dma_start3A_228 : memref<49x128xf32, #tpu.memory_space<vmem>>) target(%dma_start3A_225 : memref<49x128xf32, #tpu.memory_space<vmem_shared>>) target_semaphore(%run_scoped3A : memref<!tpu.dma_semaphore, #tpu.memory_space<semaphore_mem>>)
      %dma_wait3A = arith.constant 0 : i32
      %dma_wait3A_229 = arith.constant 0 : i32
      %dma_wait3A_230 = tpu.memref_slice %arg11[%dma_wait3A, %dma_wait3A_229] : memref<64x128xf32, #tpu.memory_space<vmem>> -> memref<49x128xf32, #tpu.memory_space<vmem>>
      %dma_wait3A_231 = arith.constant 0 : i32
      %dma_wait3A_232 = tpu.memref_slice %arg15[%add3A_57, %dma_wait3A_231] : memref<10016x128xf32, #tpu.memory_space<vmem_shared>> -> memref<49x128xf32, #tpu.memory_space<vmem_shared>>
      %dma_wait3A_233 = arith.constant 0 : i32
      %dma_wait3A_234 = tpu.memref_slice %arg15[%add3A_57, %dma_wait3A_233] : memref<10016x128xf32, #tpu.memory_space<vmem_shared>> -> memref<49x128xf32, #tpu.memory_space<vmem_shared>>
      %dma_wait3A_235 = arith.constant 0 : i32
      %dma_wait3A_236 = arith.constant 0 : i32
      %dma_wait3A_237 = tpu.memref_slice %arg11[%dma_wait3A_235, %dma_wait3A_236] : memref<64x128xf32, #tpu.memory_space<vmem>> -> memref<49x128xf32, #tpu.memory_space<vmem>>
      tpu.wait_dma2 semaphore(%run_scoped3A : memref<!tpu.dma_semaphore, #tpu.memory_space<semaphore_mem>>) src(%dma_wait3A_237 : memref<49x128xf32, #tpu.memory_space<vmem>>) dst(%dma_wait3A_234 : memref<49x128xf32, #tpu.memory_space<vmem_shared>>)
      tpu.yield
    }) : () -> ()
    %barrier3A = arith.constant 0 : index
    tpu.barrier barrier_id(%barrier3A)
    %get3A = arith.constant 0 : index
    %get3A_58 = tpu.vector_load %arg5[%get3A] {strides = array<i32>} : memref<16640xi32, #tpu.memory_space<vmem>>, vector<16xi32>,
    %get3A_59 = vector.shape_cast %get3A_58 : vector<16xi32> to vector<16xi32>
    %and3A = arith.constant 16383 : i32
    %and3A_60 = vector.broadcast %and3A : i32 to vector<16xi32>
    %and3A_61 = arith.andi %get3A_59, %and3A_60 : vector<16xi32>
    %swap3A = arith.constant 0 : index
    %swap3A_62 = tpu.vector_load %arg6[%swap3A] {strides = array<i32>} : memref<64xi32, #tpu.memory_space<vmem>>, vector<16xi32>,
    %swap3A_63 = vector.shape_cast %swap3A_62 : vector<16xi32> to vector<16xi32>
    %swap3A_64 = vector.shape_cast %and3A_61 : vector<16xi32> to vector<16xi32>
    tpu.vector_store %arg6[%swap3A], %swap3A_64 {strides = array<i32>} : memref<64xi32, #tpu.memory_space<vmem>>, vector<16xi32>,
    %get3A_65 = arith.constant 16 : index
    %get3A_66 = tpu.vector_load %arg5[%get3A_65] {strides = array<i32>} : memref<16640xi32, #tpu.memory_space<vmem>>, vector<16xi32>,
    %get3A_67 = vector.shape_cast %get3A_66 : vector<16xi32> to vector<16xi32>
    %and3A_68 = arith.constant 16383 : i32
    %and3A_69 = vector.broadcast %and3A_68 : i32 to vector<16xi32>
    %and3A_70 = arith.andi %get3A_67, %and3A_69 : vector<16xi32>
    %swap3A_71 = arith.constant 16 : index
    %swap3A_72 = tpu.vector_load %arg6[%swap3A_71] {strides = array<i32>} : memref<64xi32, #tpu.memory_space<vmem>>, vector<16xi32>,
    %swap3A_73 = vector.shape_cast %swap3A_72 : vector<16xi32> to vector<16xi32>
    %swap3A_74 = vector.shape_cast %and3A_70 : vector<16xi32> to vector<16xi32>
    tpu.vector_store %arg6[%swap3A_71], %swap3A_74 {strides = array<i32>} : memref<64xi32, #tpu.memory_space<vmem>>, vector<16xi32>,
    %get3A_75 = arith.constant 32 : index
    %get3A_76 = tpu.vector_load %arg5[%get3A_75] {strides = array<i32>} : memref<16640xi32, #tpu.memory_space<vmem>>, vector<16xi32>,
    %get3A_77 = vector.shape_cast %get3A_76 : vector<16xi32> to vector<16xi32>
    %and3A_78 = arith.constant 16383 : i32
    %and3A_79 = vector.broadcast %and3A_78 : i32 to vector<16xi32>
    %and3A_80 = arith.andi %get3A_77, %and3A_79 : vector<16xi32>
    %swap3A_81 = arith.constant 32 : index
    %swap3A_82 = tpu.vector_load %arg6[%swap3A_81] {strides = array<i32>} : memref<64xi32, #tpu.memory_space<vmem>>, vector<16xi32>,
    %swap3A_83 = vector.shape_cast %swap3A_82 : vector<16xi32> to vector<16xi32>
    %swap3A_84 = vector.shape_cast %and3A_80 : vector<16xi32> to vector<16xi32>
    tpu.vector_store %arg6[%swap3A_81], %swap3A_84 {strides = array<i32>} : memref<64xi32, #tpu.memory_space<vmem>>, vector<16xi32>,
    %get3A_85 = arith.constant 48 : index
    %get3A_86 = tpu.vector_load %arg5[%get3A_85] {strides = array<i32>} : memref<16640xi32, #tpu.memory_space<vmem>>, vector<16xi32>,
    %get3A_87 = vector.shape_cast %get3A_86 : vector<16xi32> to vector<16xi32>
    %and3A_88 = arith.constant 16383 : i32
    %and3A_89 = vector.broadcast %and3A_88 : i32 to vector<16xi32>
    %and3A_90 = arith.andi %get3A_87, %and3A_89 : vector<16xi32>
    %swap3A_91 = arith.constant 48 : index
    %swap3A_92 = tpu.vector_load %arg6[%swap3A_91] {strides = array<i32>} : memref<64xi32, #tpu.memory_space<vmem>>, vector<16xi32>,
    %swap3A_93 = vector.shape_cast %swap3A_92 : vector<16xi32> to vector<16xi32>
    %swap3A_94 = vector.shape_cast %and3A_90 : vector<16xi32> to vector<16xi32>
    tpu.vector_store %arg6[%swap3A_91], %swap3A_94 {strides = array<i32>} : memref<64xi32, #tpu.memory_space<vmem>>, vector<16xi32>,
    %dma_start3A = arith.constant 0 : i32
    %dma_start3A_95 = arith.constant 0 : i32
    %dma_start3A_96 = tpu.memref_slice %arg2[%dma_start3A, %dma_start3A_95] : memref<10000x128xf32, #tpu.memory_space<hbm>> -> memref<10000x128xf32, #tpu.memory_space<hbm>>
    tpu.enqueue_indirect_dma source(%dma_start3A_96 : memref<10000x128xf32, #tpu.memory_space<hbm>>) target(%arg11 : memref<64x128xf32, #tpu.memory_space<vmem>>) offsets(%arg6 : memref<64xi32, #tpu.memory_space<vmem>>) semaphore(%arg16 : memref<!tpu.dma_semaphore, #tpu.memory_space<semaphore_mem>>)
    %get3A_97 = arith.constant 64 : index
    %get3A_98 = tpu.vector_load %arg5[%get3A_97] {strides = array<i32>} : memref<16640xi32, #tpu.memory_space<vmem>>, vector<16xi32>,
    %get3A_99 = vector.shape_cast %get3A_98 : vector<16xi32> to vector<16xi32>
    %and3A_100 = arith.constant 16383 : i32
    %and3A_101 = vector.broadcast %and3A_100 : i32 to vector<16xi32>
    %and3A_102 = arith.andi %get3A_99, %and3A_101 : vector<16xi32>
    %swap3A_103 = arith.constant 0 : index
    %swap3A_104 = tpu.vector_load %arg7[%swap3A_103] {strides = array<i32>} : memref<64xi32, #tpu.memory_space<vmem>>, vector<16xi32>,
    %swap3A_105 = vector.shape_cast %swap3A_104 : vector<16xi32> to vector<16xi32>
    %swap3A_106 = vector.shape_cast %and3A_102 : vector<16xi32> to vector<16xi32>
    tpu.vector_store %arg7[%swap3A_103], %swap3A_106 {strides = array<i32>} : memref<64xi32, #tpu.memory_space<vmem>>, vector<16xi32>,
    %get3A_107 = arith.constant 80 : index
    %get3A_108 = tpu.vector_load %arg5[%get3A_107] {strides = array<i32>} : memref<16640xi32, #tpu.memory_space<vmem>>, vector<16xi32>,
    %get3A_109 = vector.shape_cast %get3A_108 : vector<16xi32> to vector<16xi32>
    %and3A_110 = arith.constant 16383 : i32
    %and3A_111 = vector.broadcast %and3A_110 : i32 to vector<16xi32>
    %and3A_112 = arith.andi %get3A_109, %and3A_111 : vector<16xi32>
    %swap3A_113 = arith.constant 16 : index
    %swap3A_114 = tpu.vector_load %arg7[%swap3A_113] {strides = array<i32>} : memref<64xi32, #tpu.memory_space<vmem>>, vector<16xi32>,
    %swap3A_115 = vector.shape_cast %swap3A_114 : vector<16xi32> to vector<16xi32>
    %swap3A_116 = vector.shape_cast %and3A_112 : vector<16xi32> to vector<16xi32>
    tpu.vector_store %arg7[%swap3A_113], %swap3A_116 {strides = array<i32>} : memref<64xi32, #tpu.memory_space<vmem>>, vector<16xi32>,
    %get3A_117 = arith.constant 96 : index
    %get3A_118 = tpu.vector_load %arg5[%get3A_117] {strides = array<i32>} : memref<16640xi32, #tpu.memory_space<vmem>>, vector<16xi32>,
    %get3A_119 = vector.shape_cast %get3A_118 : vector<16xi32> to vector<16xi32>
    %and3A_120 = arith.constant 16383 : i32
    %and3A_121 = vector.broadcast %and3A_120 : i32 to vector<16xi32>
    %and3A_122 = arith.andi %get3A_119, %and3A_121 : vector<16xi32>
    %swap3A_123 = arith.constant 32 : index
    %swap3A_124 = tpu.vector_load %arg7[%swap3A_123] {strides = array<i32>} : memref<64xi32, #tpu.memory_space<vmem>>, vector<16xi32>,
    %swap3A_125 = vector.shape_cast %swap3A_124 : vector<16xi32> to vector<16xi32>
    %swap3A_126 = vector.shape_cast %and3A_122 : vector<16xi32> to vector<16xi32>
    tpu.vector_store %arg7[%swap3A_123], %swap3A_126 {strides = array<i32>} : memref<64xi32, #tpu.memory_space<vmem>>, vector<16xi32>,
    %get3A_127 = arith.constant 112 : index
    %get3A_128 = tpu.vector_load %arg5[%get3A_127] {strides = array<i32>} : memref<16640xi32, #tpu.memory_space<vmem>>, vector<16xi32>,
    %get3A_129 = vector.shape_cast %get3A_128 : vector<16xi32> to vector<16xi32>
    %and3A_130 = arith.constant 16383 : i32
    %and3A_131 = vector.broadcast %and3A_130 : i32 to vector<16xi32>
    %and3A_132 = arith.andi %get3A_129, %and3A_131 : vector<16xi32>
    %swap3A_133 = arith.constant 48 : index
    %swap3A_134 = tpu.vector_load %arg7[%swap3A_133] {strides = array<i32>} : memref<64xi32, #tpu.memory_space<vmem>>, vector<16xi32>,
    %swap3A_135 = vector.shape_cast %swap3A_134 : vector<16xi32> to vector<16xi32>
    %swap3A_136 = vector.shape_cast %and3A_132 : vector<16xi32> to vector<16xi32>
    tpu.vector_store %arg7[%swap3A_133], %swap3A_136 {strides = array<i32>} : memref<64xi32, #tpu.memory_space<vmem>>, vector<16xi32>,
    %dma_start3A_137 = arith.constant 0 : i32
    %dma_start3A_138 = arith.constant 0 : i32
    %dma_start3A_139 = tpu.memref_slice %arg2[%dma_start3A_137, %dma_start3A_138] : memref<10000x128xf32, #tpu.memory_space<hbm>> -> memref<10000x128xf32, #tpu.memory_space<hbm>>
    tpu.enqueue_indirect_dma source(%dma_start3A_139 : memref<10000x128xf32, #tpu.memory_space<hbm>>) target(%arg12 : memref<64x128xf32, #tpu.memory_space<vmem>>) offsets(%arg7 : memref<64xi32, #tpu.memory_space<vmem>>) semaphore(%arg17 : memref<!tpu.dma_semaphore, #tpu.memory_space<semaphore_mem>>)
    %get3A_140 = arith.constant 128 : index
    %get3A_141 = tpu.vector_load %arg5[%get3A_140] {strides = array<i32>} : memref<16640xi32, #tpu.memory_space<vmem>>, vector<16xi32>,
    %get3A_142 = vector.shape_cast %get3A_141 : vector<16xi32> to vector<16xi32>
    %and3A_143 = arith.constant 16383 : i32
    %and3A_144 = vector.broadcast %and3A_143 : i32 to vector<16xi32>
    %and3A_145 = arith.andi %get3A_142, %and3A_144 : vector<16xi32>
    %swap3A_146 = arith.constant 0 : index
    %swap3A_147 = tpu.vector_load %arg8[%swap3A_146] {strides = array<i32>} : memref<64xi32, #tpu.memory_space<vmem>>, vector<16xi32>,
    %swap3A_148 = vector.shape_cast %swap3A_147 : vector<16xi32> to vector<16xi32>
    %swap3A_149 = vector.shape_cast %and3A_145 : vector<16xi32> to vector<16xi32>
    tpu.vector_store %arg8[%swap3A_146], %swap3A_149 {strides = array<i32>} : memref<64xi32, #tpu.memory_space<vmem>>, vector<16xi32>,
    %get3A_150 = arith.constant 144 : index
    %get3A_151 = tpu.vector_load %arg5[%get3A_150] {strides = array<i32>} : memref<16640xi32, #tpu.memory_space<vmem>>, vector<16xi32>,
    %get3A_152 = vector.shape_cast %get3A_151 : vector<16xi32> to vector<16xi32>
    %and3A_153 = arith.constant 16383 : i32
    %and3A_154 = vector.broadcast %and3A_153 : i32 to vector<16xi32>
    %and3A_155 = arith.andi %get3A_152, %and3A_154 : vector<16xi32>
    %swap3A_156 = arith.constant 16 : index
    %swap3A_157 = tpu.vector_load %arg8[%swap3A_156] {strides = array<i32>} : memref<64xi32, #tpu.memory_space<vmem>>, vector<16xi32>,
    %swap3A_158 = vector.shape_cast %swap3A_157 : vector<16xi32> to vector<16xi32>
    %swap3A_159 = vector.shape_cast %and3A_155 : vector<16xi32> to vector<16xi32>
    tpu.vector_store %arg8[%swap3A_156], %swap3A_159 {strides = array<i32>} : memref<64xi32, #tpu.memory_space<vmem>>, vector<16xi32>,
    %get3A_160 = arith.constant 160 : index
    %get3A_161 = tpu.vector_load %arg5[%get3A_160] {strides = array<i32>} : memref<16640xi32, #tpu.memory_space<vmem>>, vector<16xi32>,
    %get3A_162 = vector.shape_cast %get3A_161 : vector<16xi32> to vector<16xi32>
    %and3A_163 = arith.constant 16383 : i32
    %and3A_164 = vector.broadcast %and3A_163 : i32 to vector<16xi32>
    %and3A_165 = arith.andi %get3A_162, %and3A_164 : vector<16xi32>
    %swap3A_166 = arith.constant 32 : index
    %swap3A_167 = tpu.vector_load %arg8[%swap3A_166] {strides = array<i32>} : memref<64xi32, #tpu.memory_space<vmem>>, vector<16xi32>,
    %swap3A_168 = vector.shape_cast %swap3A_167 : vector<16xi32> to vector<16xi32>
    %swap3A_169 = vector.shape_cast %and3A_165 : vector<16xi32> to vector<16xi32>
    tpu.vector_store %arg8[%swap3A_166], %swap3A_169 {strides = array<i32>} : memref<64xi32, #tpu.memory_space<vmem>>, vector<16xi32>,
    %get3A_170 = arith.constant 176 : index
    %get3A_171 = tpu.vector_load %arg5[%get3A_170] {strides = array<i32>} : memref<16640xi32, #tpu.memory_space<vmem>>, vector<16xi32>,
    %get3A_172 = vector.shape_cast %get3A_171 : vector<16xi32> to vector<16xi32>
    %and3A_173 = arith.constant 16383 : i32
    %and3A_174 = vector.broadcast %and3A_173 : i32 to vector<16xi32>
    %and3A_175 = arith.andi %get3A_172, %and3A_174 : vector<16xi32>
    %swap3A_176 = arith.constant 48 : index
    %swap3A_177 = tpu.vector_load %arg8[%swap3A_176] {strides = array<i32>} : memref<64xi32, #tpu.memory_space<vmem>>, vector<16xi32>,
    %swap3A_178 = vector.shape_cast %swap3A_177 : vector<16xi32> to vector<16xi32>
    %swap3A_179 = vector.shape_cast %and3A_175 : vector<16xi32> to vector<16xi32>
    tpu.vector_store %arg8[%swap3A_176], %swap3A_179 {strides = array<i32>} : memref<64xi32, #tpu.memory_space<vmem>>, vector<16xi32>,
    %dma_start3A_180 = arith.constant 0 : i32
    %dma_start3A_181 = arith.constant 0 : i32
    %dma_start3A_182 = tpu.memref_slice %arg2[%dma_start3A_180, %dma_start3A_181] : memref<10000x128xf32, #tpu.memory_space<hbm>> -> memref<10000x128xf32, #tpu.memory_space<hbm>>
    tpu.enqueue_indirect_dma source(%dma_start3A_182 : memref<10000x128xf32, #tpu.memory_space<hbm>>) target(%arg13 : memref<64x128xf32, #tpu.memory_space<vmem>>) offsets(%arg8 : memref<64xi32, #tpu.memory_space<vmem>>) semaphore(%arg18 : memref<!tpu.dma_semaphore, #tpu.memory_space<semaphore_mem>>)
    %jit3A_183 = arith.constant 4 : i32
    %div3A = arith.divsi %select_n3A_6, %jit3A_183 : i32
    %sign3A = arith.constant 0 : i32
    %sign3A_184 = arith.cmpi sgt, %select_n3A_6, %sign3A : i32
    %sign3A_185 = arith.extui %sign3A_184 : i1 to i32
    %sign3A_186 = arith.constant 0 : i32
    %sign3A_187 = arith.cmpi slt, %select_n3A_6, %sign3A_186 : i32
    %sign3A_188 = arith.extui %sign3A_187 : i1 to i32
    %sign3A_189 = arith.subi %sign3A_185, %sign3A_188 : i32
    %sign3A_190 = arith.constant 0 : i32
    %sign3A_191 = arith.cmpi sgt, %jit3A_183, %sign3A_190 : i32
    %sign3A_192 = arith.extui %sign3A_191 : i1 to i32
    %sign3A_193 = arith.constant 0 : i32
    %sign3A_194 = arith.cmpi slt, %jit3A_183, %sign3A_193 : i32
    %sign3A_195 = arith.extui %sign3A_194 : i1 to i32
    %sign3A_196 = arith.subi %sign3A_192, %sign3A_195 : i32
    %ne3A = arith.cmpi ne, %sign3A_189, %sign3A_196 : i32
    %rem3A = arith.remsi %select_n3A_6, %jit3A_183 : i32
    %ne3A_197 = arith.constant 0 : i32
    %ne3A_198 = arith.cmpi ne, %rem3A, %ne3A_197 : i32
    %and3A_199 = arith.andi %ne3A, %ne3A_198 : i1
    %sub3A = arith.constant 1 : i32
    %sub3A_200 = arith.subi %div3A, %sub3A : i32
    %select_n3A_201 = arith.select %and3A_199, %sub3A_200, %div3A : i32
    %while3A = arith.constant 0 : i32
    %while3A_202 = arith.constant 0 : i32
    %while3A_203 = arith.subi %select_n3A_201, %while3A_202 : i32
    %while3A_204 = arith.addi %while3A_202, %while3A_203 : i32
    %while3A_205 = arith.constant 1 : i32
    %while3A_206 = arith.divsi %while3A_203, %while3A_205 : i32
    %while3A_207 = arith.muli %while3A_206, %while3A_205 : i32
    %while3A_208 = arith.addi %while3A_202, %while3A_207 : i32
    %while3A_209 = arith.constant 1 : i32
    scf.for %while3A_219 = %while3A_202 to %while3A_208 step %while3A_209  : i32 {
      %mul3A_220 = arith.constant 4 : i32
      %mul3A_221 = arith.muli %mul3A_220, %while3A_219 : i32
      %add3A_222 = arith.constant 0 : i32
      %add3A_223 = arith.addi %mul3A_221, %add3A_222 : i32
      %dma_wait3A = arith.constant 0 : i32
      %dma_wait3A_224 = arith.constant 0 : i32
      %dma_wait3A_225 = tpu.memref_slice %arg2[%dma_wait3A, %dma_wait3A_224] : memref<10000x128xf32, #tpu.memory_space<hbm>> -> memref<10000x128xf32, #tpu.memory_space<hbm>>
      tpu.wait_indirect_dma semaphore(%arg16 : memref<!tpu.dma_semaphore, #tpu.memory_space<semaphore_mem>>) src(%dma_wait3A_225 : memref<10000x128xf32, #tpu.memory_space<hbm>>) dst(%arg11 : memref<64x128xf32, #tpu.memory_space<vmem>>)
      %mul3A_226 = arith.constant 64 : i32
      %mul3A_227 = arith.muli %add3A_223, %mul3A_226 : i32
      %add3A_228 = arith.constant 0 : i32
      %add3A_229 = arith.addi %mul3A_227, %add3A_228 : i32
      %get3A_230 = arith.index_cast %add3A_229 : i32 to index
      %get3A_231 = tpu.vector_load %arg5[%get3A_230] {strides = array<i32>} : memref<16640xi32, #tpu.memory_space<vmem>>, vector<16xi32>,
      %get3A_232 = vector.shape_cast %get3A_231 : vector<16xi32> to vector<16xi32>
      %shift_right_logical3A = arith.constant 14 : i32
      %shift_right_logical3A_233 = vector.broadcast %shift_right_logical3A : i32 to vector<16xi32>
      %shift_right_logical3A_234 = arith.shrui %get3A_232, %shift_right_logical3A_233 : vector<16xi32>
      %swap3A_235 = arith.constant 0 : index
      %swap3A_236 = tpu.vector_load %arg10[%swap3A_235] {strides = array<i32>} : memref<64xi32, #tpu.memory_space<vmem>>, vector<16xi32>,
      %swap3A_237 = vector.shape_cast %swap3A_236 : vector<16xi32> to vector<16xi32>
      %swap3A_238 = vector.shape_cast %shift_right_logical3A_234 : vector<16xi32> to vector<16xi32>
      tpu.vector_store %arg10[%swap3A_235], %swap3A_238 {strides = array<i32>} : memref<64xi32, #tpu.memory_space<vmem>>, vector<16xi32>,
      %mul3A_239 = arith.constant 64 : i32
      %mul3A_240 = arith.muli %add3A_223, %mul3A_239 : i32
      %add3A_241 = arith.constant 16 : i32
      %add3A_242 = arith.addi %mul3A_240, %add3A_241 : i32
      %get3A_243 = arith.index_cast %add3A_242 : i32 to index
      %get3A_244 = tpu.vector_load %arg5[%get3A_243] {strides = array<i32>} : memref<16640xi32, #tpu.memory_space<vmem>>, vector<16xi32>,
      %get3A_245 = vector.shape_cast %get3A_244 : vector<16xi32> to vector<16xi32>
      %shift_right_logical3A_246 = arith.constant 14 : i32
      %shift_right_logical3A_247 = vector.broadcast %shift_right_logical3A_246 : i32 to vector<16xi32>
      %shift_right_logical3A_248 = arith.shrui %get3A_245, %shift_right_logical3A_247 : vector<16xi32>
      %swap3A_249 = arith.constant 16 : index
      %swap3A_250 = tpu.vector_load %arg10[%swap3A_249] {strides = array<i32>} : memref<64xi32, #tpu.memory_space<vmem>>, vector<16xi32>,
      %swap3A_251 = vector.shape_cast %swap3A_250 : vector<16xi32> to vector<16xi32>
      %swap3A_252 = vector.shape_cast %shift_right_logical3A_248 : vector<16xi32> to vector<16xi32>
      tpu.vector_store %arg10[%swap3A_249], %swap3A_252 {strides = array<i32>} : memref<64xi32, #tpu.memory_space<vmem>>, vector<16xi32>,
      %mul3A_253 = arith.constant 64 : i32
      %mul3A_254 = arith.muli %add3A_223, %mul3A_253 : i32
      %add3A_255 = arith.constant 32 : i32
      %add3A_256 = arith.addi %mul3A_254, %add3A_255 : i32
      %get3A_257 = arith.index_cast %add3A_256 : i32 to index
      %get3A_258 = tpu.vector_load %arg5[%get3A_257] {strides = array<i32>} : memref<16640xi32, #tpu.memory_space<vmem>>, vector<16xi32>,
      %get3A_259 = vector.shape_cast %get3A_258 : vector<16xi32> to vector<16xi32>
      %shift_right_logical3A_260 = arith.constant 14 : i32
      %shift_right_logical3A_261 = vector.broadcast %shift_right_logical3A_260 : i32 to vector<16xi32>
      %shift_right_logical3A_262 = arith.shrui %get3A_259, %shift_right_logical3A_261 : vector<16xi32>
      %swap3A_263 = arith.constant 32 : index
      %swap3A_264 = tpu.vector_load %arg10[%swap3A_263] {strides = array<i32>} : memref<64xi32, #tpu.memory_space<vmem>>, vector<16xi32>,
      %swap3A_265 = vector.shape_cast %swap3A_264 : vector<16xi32> to vector<16xi32>
      %swap3A_266 = vector.shape_cast %shift_right_logical3A_262 : vector<16xi32> to vector<16xi32>
      tpu.vector_store %arg10[%swap3A_263], %swap3A_266 {strides = array<i32>} : memref<64xi32, #tpu.memory_space<vmem>>, vector<16xi32>,
      %mul3A_267 = arith.constant 64 : i32
      %mul3A_268 = arith.muli %add3A_223, %mul3A_267 : i32
      %add3A_269 = arith.constant 48 : i32
      %add3A_270 = arith.addi %mul3A_268, %add3A_269 : i32
      %get3A_271 = arith.index_cast %add3A_270 : i32 to index
      %get3A_272 = tpu.vector_load %arg5[%get3A_271] {strides = array<i32>} : memref<16640xi32, #tpu.memory_space<vmem>>, vector<16xi32>,
      %get3A_273 = vector.shape_cast %get3A_272 : vector<16xi32> to vector<16xi32>
      %shift_right_logical3A_274 = arith.constant 14 : i32
      %shift_right_logical3A_275 = vector.broadcast %shift_right_logical3A_274 : i32 to vector<16xi32>
      %shift_right_logical3A_276 = arith.shrui %get3A_273, %shift_right_logical3A_275 : vector<16xi32>
      %swap3A_277 = arith.constant 48 : index
      %swap3A_278 = tpu.vector_load %arg10[%swap3A_277] {strides = array<i32>} : memref<64xi32, #tpu.memory_space<vmem>>, vector<16xi32>,
      %swap3A_279 = vector.shape_cast %swap3A_278 : vector<16xi32> to vector<16xi32>
      %swap3A_280 = vector.shape_cast %shift_right_logical3A_276 : vector<16xi32> to vector<16xi32>
      tpu.vector_store %arg10[%swap3A_277], %swap3A_280 {strides = array<i32>} : memref<64xi32, #tpu.memory_space<vmem>>, vector<16xi32>,
      "tpu.region"() ({
        %run_scoped3A = tpu.sem_alloc : memref<!tpu.dma_semaphore, #tpu.memory_space<semaphore_mem>>
        %dma_start3A_487 = arith.constant 0 : i32
        %dma_start3A_488 = arith.constant 0 : i32
        %dma_start3A_489 = tpu.memref_slice %arg15[%dma_start3A_487, %dma_start3A_488] : memref<10016x128xf32, #tpu.memory_space<vmem_shared>> -> memref<10016x128xf32, #tpu.memory_space<vmem_shared>>
        tpu.enqueue_indirect_dma source(%arg11 : memref<64x128xf32, #tpu.memory_space<vmem>>) target(%dma_start3A_489 : memref<10016x128xf32, #tpu.memory_space<vmem_shared>>) offsets(%arg10 : memref<64xi32, #tpu.memory_space<vmem>>) semaphore(%run_scoped3A : memref<!tpu.dma_semaphore, #tpu.memory_space<semaphore_mem>>) {add = true}
        %dma_wait3A_490 = arith.constant 0 : i32
        %dma_wait3A_491 = arith.constant 0 : i32
        %dma_wait3A_492 = tpu.memref_slice %arg15[%dma_wait3A_490, %dma_wait3A_491] : memref<10016x128xf32, #tpu.memory_space<vmem_shared>> -> memref<10016x128xf32, #tpu.memory_space<vmem_shared>>
        tpu.wait_indirect_dma semaphore(%run_scoped3A : memref<!tpu.dma_semaphore, #tpu.memory_space<semaphore_mem>>) src(%arg11 : memref<64x128xf32, #tpu.memory_space<vmem>>) dst(%dma_wait3A_492 : memref<10016x128xf32, #tpu.memory_space<vmem_shared>>)
        tpu.yield
      }) : () -> ()
      %add3A_281 = arith.constant 3 : i32
      %add3A_282 = arith.addi %add3A_223, %add3A_281 : i32
      %lt3A = arith.cmpi slt, %add3A_282, %select_n3A_6 : i32
      %convert_element_type3A_283 = arith.extui %lt3A : i1 to i32
      %cond3A_284 = arith.constant 0 : i32
      %cond3A_285 = arith.cmpi ne, %convert_element_type3A_283, %cond3A_284 : i32
      scf.if %cond3A_285 {
        %add3A_487 = arith.constant 3 : i32
        %add3A_488 = arith.addi %add3A_223, %add3A_487 : i32
        %mul3A_489 = arith.constant 64 : i32
        %mul3A_490 = arith.muli %add3A_488, %mul3A_489 : i32
        %add3A_491 = arith.constant 0 : i32
        %add3A_492 = arith.addi %mul3A_490, %add3A_491 : i32
        %get3A_493 = arith.index_cast %add3A_492 : i32 to index
        %get3A_494 = tpu.vector_load %arg5[%get3A_493] {strides = array<i32>} : memref<16640xi32, #tpu.memory_space<vmem>>, vector<16xi32>,
        %get3A_495 = vector.shape_cast %get3A_494 : vector<16xi32> to vector<16xi32>
        %and3A_496 = arith.constant 16383 : i32
        %and3A_497 = vector.broadcast %and3A_496 : i32 to vector<16xi32>
        %and3A_498 = arith.andi %get3A_495, %and3A_497 : vector<16xi32>
        %swap3A_499 = arith.constant 0 : index
        %swap3A_500 = tpu.vector_load %arg9[%swap3A_499] {strides = array<i32>} : memref<64xi32, #tpu.memory_space<vmem>>, vector<16xi32>,
        %swap3A_501 = vector.shape_cast %swap3A_500 : vector<16xi32> to vector<16xi32>
        %swap3A_502 = vector.shape_cast %and3A_498 : vector<16xi32> to vector<16xi32>
        tpu.vector_store %arg9[%swap3A_499], %swap3A_502 {strides = array<i32>} : memref<64xi32, #tpu.memory_space<vmem>>, vector<16xi32>,
        %mul3A_503 = arith.constant 64 : i32
        %mul3A_504 = arith.muli %add3A_488, %mul3A_503 : i32
        %add3A_505 = arith.constant 16 : i32
        %add3A_506 = arith.addi %mul3A_504, %add3A_505 : i32
        %get3A_507 = arith.index_cast %add3A_506 : i32 to index
        %get3A_508 = tpu.vector_load %arg5[%get3A_507] {strides = array<i32>} : memref<16640xi32, #tpu.memory_space<vmem>>, vector<16xi32>,
        %get3A_509 = vector.shape_cast %get3A_508 : vector<16xi32> to vector<16xi32>
        %and3A_510 = arith.constant 16383 : i32
        %and3A_511 = vector.broadcast %and3A_510 : i32 to vector<16xi32>
        %and3A_512 = arith.andi %get3A_509, %and3A_511 : vector<16xi32>
        %swap3A_513 = arith.constant 16 : index
        %swap3A_514 = tpu.vector_load %arg9[%swap3A_513] {strides = array<i32>} : memref<64xi32, #tpu.memory_space<vmem>>, vector<16xi32>,
        %swap3A_515 = vector.shape_cast %swap3A_514 : vector<16xi32> to vector<16xi32>
        %swap3A_516 = vector.shape_cast %and3A_512 : vector<16xi32> to vector<16xi32>
        tpu.vector_store %arg9[%swap3A_513], %swap3A_516 {strides = array<i32>} : memref<64xi32, #tpu.memory_space<vmem>>, vector<16xi32>,
        %mul3A_517 = arith.constant 64 : i32
        %mul3A_518 = arith.muli %add3A_488, %mul3A_517 : i32
        %add3A_519 = arith.constant 32 : i32
        %add3A_520 = arith.addi %mul3A_518, %add3A_519 : i32
        %get3A_521 = arith.index_cast %add3A_520 : i32 to index
        %get3A_522 = tpu.vector_load %arg5[%get3A_521] {strides = array<i32>} : memref<16640xi32, #tpu.memory_space<vmem>>, vector<16xi32>,
        %get3A_523 = vector.shape_cast %get3A_522 : vector<16xi32> to vector<16xi32>
        %and3A_524 = arith.constant 16383 : i32
        %and3A_525 = vector.broadcast %and3A_524 : i32 to vector<16xi32>
        %and3A_526 = arith.andi %get3A_523, %and3A_525 : vector<16xi32>
        %swap3A_527 = arith.constant 32 : index
        %swap3A_528 = tpu.vector_load %arg9[%swap3A_527] {strides = array<i32>} : memref<64xi32, #tpu.memory_space<vmem>>, vector<16xi32>,
        %swap3A_529 = vector.shape_cast %swap3A_528 : vector<16xi32> to vector<16xi32>
        %swap3A_530 = vector.shape_cast %and3A_526 : vector<16xi32> to vector<16xi32>
        tpu.vector_store %arg9[%swap3A_527], %swap3A_530 {strides = array<i32>} : memref<64xi32, #tpu.memory_space<vmem>>, vector<16xi32>,
        %mul3A_531 = arith.constant 64 : i32
        %mul3A_532 = arith.muli %add3A_488, %mul3A_531 : i32
        %add3A_533 = arith.constant 48 : i32
        %add3A_534 = arith.addi %mul3A_532, %add3A_533 : i32
        %get3A_535 = arith.index_cast %add3A_534 : i32 to index
        %get3A_536 = tpu.vector_load %arg5[%get3A_535] {strides = array<i32>} : memref<16640xi32, #tpu.memory_space<vmem>>, vector<16xi32>,
        %get3A_537 = vector.shape_cast %get3A_536 : vector<16xi32> to vector<16xi32>
        %and3A_538 = arith.constant 16383 : i32
        %and3A_539 = vector.broadcast %and3A_538 : i32 to vector<16xi32>
        %and3A_540 = arith.andi %get3A_537, %and3A_539 : vector<16xi32>
        %swap3A_541 = arith.constant 48 : index
        %swap3A_542 = tpu.vector_load %arg9[%swap3A_541] {strides = array<i32>} : memref<64xi32, #tpu.memory_space<vmem>>, vector<16xi32>,
        %swap3A_543 = vector.shape_cast %swap3A_542 : vector<16xi32> to vector<16xi32>
        %swap3A_544 = vector.shape_cast %and3A_540 : vector<16xi32> to vector<16xi32>
        tpu.vector_store %arg9[%swap3A_541], %swap3A_544 {strides = array<i32>} : memref<64xi32, #tpu.memory_space<vmem>>, vector<16xi32>,
        %dma_start3A_545 = arith.constant 0 : i32
        %dma_start3A_546 = arith.constant 0 : i32
        %dma_start3A_547 = tpu.memref_slice %arg2[%dma_start3A_545, %dma_start3A_546] : memref<10000x128xf32, #tpu.memory_space<hbm>> -> memref<10000x128xf32, #tpu.memory_space<hbm>>
        tpu.enqueue_indirect_dma source(%dma_start3A_547 : memref<10000x128xf32, #tpu.memory_space<hbm>>) target(%arg14 : memref<64x128xf32, #tpu.memory_space<vmem>>) offsets(%arg9 : memref<64xi32, #tpu.memory_space<vmem>>) semaphore(%arg19 : memref<!tpu.dma_semaphore, #tpu.memory_space<semaphore_mem>>)
      } else {
      }
      %add3A_286 = arith.constant 1 : i32
      %add3A_287 = arith.addi %mul3A_221, %add3A_286 : i32
      %dma_wait3A_288 = arith.constant 0 : i32
      %dma_wait3A_289 = arith.constant 0 : i32
      %dma_wait3A_290 = tpu.memref_slice %arg2[%dma_wait3A_288, %dma_wait3A_289] : memref<10000x128xf32, #tpu.memory_space<hbm>> -> memref<10000x128xf32, #tpu.memory_space<hbm>>
      tpu.wait_indirect_dma semaphore(%arg17 : memref<!tpu.dma_semaphore, #tpu.memory_space<semaphore_mem>>) src(%dma_wait3A_290 : memref<10000x128xf32, #tpu.memory_space<hbm>>) dst(%arg12 : memref<64x128xf32, #tpu.memory_space<vmem>>)
      %mul3A_291 = arith.constant 64 : i32
      %mul3A_292 = arith.muli %add3A_287, %mul3A_291 : i32
      %add3A_293 = arith.constant 0 : i32
      %add3A_294 = arith.addi %mul3A_292, %add3A_293 : i32
      %get3A_295 = arith.index_cast %add3A_294 : i32 to index
      %get3A_296 = tpu.vector_load %arg5[%get3A_295] {strides = array<i32>} : memref<16640xi32, #tpu.memory_space<vmem>>, vector<16xi32>,
      %get3A_297 = vector.shape_cast %get3A_296 : vector<16xi32> to vector<16xi32>
      %shift_right_logical3A_298 = arith.constant 14 : i32
      %shift_right_logical3A_299 = vector.broadcast %shift_right_logical3A_298 : i32 to vector<16xi32>
      %shift_right_logical3A_300 = arith.shrui %get3A_297, %shift_right_logical3A_299 : vector<16xi32>
      %swap3A_301 = arith.constant 0 : index
      %swap3A_302 = tpu.vector_load %arg10[%swap3A_301] {strides = array<i32>} : memref<64xi32, #tpu.memory_space<vmem>>, vector<16xi32>,
      %swap3A_303 = vector.shape_cast %swap3A_302 : vector<16xi32> to vector<16xi32>
      %swap3A_304 = vector.shape_cast %shift_right_logical3A_300 : vector<16xi32> to vector<16xi32>
      tpu.vector_store %arg10[%swap3A_301], %swap3A_304 {strides = array<i32>} : memref<64xi32, #tpu.memory_space<vmem>>, vector<16xi32>,
      %mul3A_305 = arith.constant 64 : i32
      %mul3A_306 = arith.muli %add3A_287, %mul3A_305 : i32
      %add3A_307 = arith.constant 16 : i32
      %add3A_308 = arith.addi %mul3A_306, %add3A_307 : i32
      %get3A_309 = arith.index_cast %add3A_308 : i32 to index
      %get3A_310 = tpu.vector_load %arg5[%get3A_309] {strides = array<i32>} : memref<16640xi32, #tpu.memory_space<vmem>>, vector<16xi32>,
      %get3A_311 = vector.shape_cast %get3A_310 : vector<16xi32> to vector<16xi32>
      %shift_right_logical3A_312 = arith.constant 14 : i32
      %shift_right_logical3A_313 = vector.broadcast %shift_right_logical3A_312 : i32 to vector<16xi32>
      %shift_right_logical3A_314 = arith.shrui %get3A_311, %shift_right_logical3A_313 : vector<16xi32>
      %swap3A_315 = arith.constant 16 : index
      %swap3A_316 = tpu.vector_load %arg10[%swap3A_315] {strides = array<i32>} : memref<64xi32, #tpu.memory_space<vmem>>, vector<16xi32>,
      %swap3A_317 = vector.shape_cast %swap3A_316 : vector<16xi32> to vector<16xi32>
      %swap3A_318 = vector.shape_cast %shift_right_logical3A_314 : vector<16xi32> to vector<16xi32>
      tpu.vector_store %arg10[%swap3A_315], %swap3A_318 {strides = array<i32>} : memref<64xi32, #tpu.memory_space<vmem>>, vector<16xi32>,
      %mul3A_319 = arith.constant 64 : i32
      %mul3A_320 = arith.muli %add3A_287, %mul3A_319 : i32
      %add3A_321 = arith.constant 32 : i32
      %add3A_322 = arith.addi %mul3A_320, %add3A_321 : i32
      %get3A_323 = arith.index_cast %add3A_322 : i32 to index
      %get3A_324 = tpu.vector_load %arg5[%get3A_323] {strides = array<i32>} : memref<16640xi32, #tpu.memory_space<vmem>>, vector<16xi32>,
      %get3A_325 = vector.shape_cast %get3A_324 : vector<16xi32> to vector<16xi32>
      %shift_right_logical3A_326 = arith.constant 14 : i32
      %shift_right_logical3A_327 = vector.broadcast %shift_right_logical3A_326 : i32 to vector<16xi32>
      %shift_right_logical3A_328 = arith.shrui %get3A_325, %shift_right_logical3A_327 : vector<16xi32>
      %swap3A_329 = arith.constant 32 : index
      %swap3A_330 = tpu.vector_load %arg10[%swap3A_329] {strides = array<i32>} : memref<64xi32, #tpu.memory_space<vmem>>, vector<16xi32>,
      %swap3A_331 = vector.shape_cast %swap3A_330 : vector<16xi32> to vector<16xi32>
      %swap3A_332 = vector.shape_cast %shift_right_logical3A_328 : vector<16xi32> to vector<16xi32>
      tpu.vector_store %arg10[%swap3A_329], %swap3A_332 {strides = array<i32>} : memref<64xi32, #tpu.memory_space<vmem>>, vector<16xi32>,
      %mul3A_333 = arith.constant 64 : i32
      %mul3A_334 = arith.muli %add3A_287, %mul3A_333 : i32
      %add3A_335 = arith.constant 48 : i32
      %add3A_336 = arith.addi %mul3A_334, %add3A_335 : i32
      %get3A_337 = arith.index_cast %add3A_336 : i32 to index
      %get3A_338 = tpu.vector_load %arg5[%get3A_337] {strides = array<i32>} : memref<16640xi32, #tpu.memory_space<vmem>>, vector<16xi32>,
      %get3A_339 = vector.shape_cast %get3A_338 : vector<16xi32> to vector<16xi32>
      %shift_right_logical3A_340 = arith.constant 14 : i32
      %shift_right_logical3A_341 = vector.broadcast %shift_right_logical3A_340 : i32 to vector<16xi32>
      %shift_right_logical3A_342 = arith.shrui %get3A_339, %shift_right_logical3A_341 : vector<16xi32>
      %swap3A_343 = arith.constant 48 : index
      %swap3A_344 = tpu.vector_load %arg10[%swap3A_343] {strides = array<i32>} : memref<64xi32, #tpu.memory_space<vmem>>, vector<16xi32>,
      %swap3A_345 = vector.shape_cast %swap3A_344 : vector<16xi32> to vector<16xi32>
      %swap3A_346 = vector.shape_cast %shift_right_logical3A_342 : vector<16xi32> to vector<16xi32>
      tpu.vector_store %arg10[%swap3A_343], %swap3A_346 {strides = array<i32>} : memref<64xi32, #tpu.memory_space<vmem>>, vector<16xi32>,
      "tpu.region"() ({
        %run_scoped3A = tpu.sem_alloc : memref<!tpu.dma_semaphore, #tpu.memory_space<semaphore_mem>>
        %dma_start3A_487 = arith.constant 0 : i32
        %dma_start3A_488 = arith.constant 0 : i32
        %dma_start3A_489 = tpu.memref_slice %arg15[%dma_start3A_487, %dma_start3A_488] : memref<10016x128xf32, #tpu.memory_space<vmem_shared>> -> memref<10016x128xf32, #tpu.memory_space<vmem_shared>>
        tpu.enqueue_indirect_dma source(%arg12 : memref<64x128xf32, #tpu.memory_space<vmem>>) target(%dma_start3A_489 : memref<10016x128xf32, #tpu.memory_space<vmem_shared>>) offsets(%arg10 : memref<64xi32, #tpu.memory_space<vmem>>) semaphore(%run_scoped3A : memref<!tpu.dma_semaphore, #tpu.memory_space<semaphore_mem>>) {add = true}
        %dma_wait3A_490 = arith.constant 0 : i32
        %dma_wait3A_491 = arith.constant 0 : i32
        %dma_wait3A_492 = tpu.memref_slice %arg15[%dma_wait3A_490, %dma_wait3A_491] : memref<10016x128xf32, #tpu.memory_space<vmem_shared>> -> memref<10016x128xf32, #tpu.memory_space<vmem_shared>>
        tpu.wait_indirect_dma semaphore(%run_scoped3A : memref<!tpu.dma_semaphore, #tpu.memory_space<semaphore_mem>>) src(%arg12 : memref<64x128xf32, #tpu.memory_space<vmem>>) dst(%dma_wait3A_492 : memref<10016x128xf32, #tpu.memory_space<vmem_shared>>)
        tpu.yield
      }) : () -> ()
      %add3A_347 = arith.constant 3 : i32
      %add3A_348 = arith.addi %add3A_287, %add3A_347 : i32
      %lt3A_349 = arith.cmpi slt, %add3A_348, %select_n3A_6 : i32
      %convert_element_type3A_350 = arith.extui %lt3A_349 : i1 to i32
      %cond3A_351 = arith.constant 0 : i32
      %cond3A_352 = arith.cmpi ne, %convert_element_type3A_350, %cond3A_351 : i32
      scf.if %cond3A_352 {
        %add3A_487 = arith.constant 3 : i32
        %add3A_488 = arith.addi %add3A_287, %add3A_487 : i32
        %mul3A_489 = arith.constant 64 : i32
        %mul3A_490 = arith.muli %add3A_488, %mul3A_489 : i32
        %add3A_491 = arith.constant 0 : i32
        %add3A_492 = arith.addi %mul3A_490, %add3A_491 : i32
        %get3A_493 = arith.index_cast %add3A_492 : i32 to index
        %get3A_494 = tpu.vector_load %arg5[%get3A_493] {strides = array<i32>} : memref<16640xi32, #tpu.memory_space<vmem>>, vector<16xi32>,
        %get3A_495 = vector.shape_cast %get3A_494 : vector<16xi32> to vector<16xi32>
        %and3A_496 = arith.constant 16383 : i32
        %and3A_497 = vector.broadcast %and3A_496 : i32 to vector<16xi32>
        %and3A_498 = arith.andi %get3A_495, %and3A_497 : vector<16xi32>
        %swap3A_499 = arith.constant 0 : index
        %swap3A_500 = tpu.vector_load %arg6[%swap3A_499] {strides = array<i32>} : memref<64xi32, #tpu.memory_space<vmem>>, vector<16xi32>,
        %swap3A_501 = vector.shape_cast %swap3A_500 : vector<16xi32> to vector<16xi32>
        %swap3A_502 = vector.shape_cast %and3A_498 : vector<16xi32> to vector<16xi32>
        tpu.vector_store %arg6[%swap3A_499], %swap3A_502 {strides = array<i32>} : memref<64xi32, #tpu.memory_space<vmem>>, vector<16xi32>,
        %mul3A_503 = arith.constant 64 : i32
        %mul3A_504 = arith.muli %add3A_488, %mul3A_503 : i32
        %add3A_505 = arith.constant 16 : i32
        %add3A_506 = arith.addi %mul3A_504, %add3A_505 : i32
        %get3A_507 = arith.index_cast %add3A_506 : i32 to index
        %get3A_508 = tpu.vector_load %arg5[%get3A_507] {strides = array<i32>} : memref<16640xi32, #tpu.memory_space<vmem>>, vector<16xi32>,
        %get3A_509 = vector.shape_cast %get3A_508 : vector<16xi32> to vector<16xi32>
        %and3A_510 = arith.constant 16383 : i32
        %and3A_511 = vector.broadcast %and3A_510 : i32 to vector<16xi32>
        %and3A_512 = arith.andi %get3A_509, %and3A_511 : vector<16xi32>
        %swap3A_513 = arith.constant 16 : index
        %swap3A_514 = tpu.vector_load %arg6[%swap3A_513] {strides = array<i32>} : memref<64xi32, #tpu.memory_space<vmem>>, vector<16xi32>,
        %swap3A_515 = vector.shape_cast %swap3A_514 : vector<16xi32> to vector<16xi32>
        %swap3A_516 = vector.shape_cast %and3A_512 : vector<16xi32> to vector<16xi32>
        tpu.vector_store %arg6[%swap3A_513], %swap3A_516 {strides = array<i32>} : memref<64xi32, #tpu.memory_space<vmem>>, vector<16xi32>,
        %mul3A_517 = arith.constant 64 : i32
        %mul3A_518 = arith.muli %add3A_488, %mul3A_517 : i32
        %add3A_519 = arith.constant 32 : i32
        %add3A_520 = arith.addi %mul3A_518, %add3A_519 : i32
        %get3A_521 = arith.index_cast %add3A_520 : i32 to index
        %get3A_522 = tpu.vector_load %arg5[%get3A_521] {strides = array<i32>} : memref<16640xi32, #tpu.memory_space<vmem>>, vector<16xi32>,
        %get3A_523 = vector.shape_cast %get3A_522 : vector<16xi32> to vector<16xi32>
        %and3A_524 = arith.constant 16383 : i32
        %and3A_525 = vector.broadcast %and3A_524 : i32 to vector<16xi32>
        %and3A_526 = arith.andi %get3A_523, %and3A_525 : vector<16xi32>
        %swap3A_527 = arith.constant 32 : index
        %swap3A_528 = tpu.vector_load %arg6[%swap3A_527] {strides = array<i32>} : memref<64xi32, #tpu.memory_space<vmem>>, vector<16xi32>,
        %swap3A_529 = vector.shape_cast %swap3A_528 : vector<16xi32> to vector<16xi32>
        %swap3A_530 = vector.shape_cast %and3A_526 : vector<16xi32> to vector<16xi32>
        tpu.vector_store %arg6[%swap3A_527], %swap3A_530 {strides = array<i32>} : memref<64xi32, #tpu.memory_space<vmem>>, vector<16xi32>,
        %mul3A_531 = arith.constant 64 : i32
        %mul3A_532 = arith.muli %add3A_488, %mul3A_531 : i32
        %add3A_533 = arith.constant 48 : i32
        %add3A_534 = arith.addi %mul3A_532, %add3A_533 : i32
        %get3A_535 = arith.index_cast %add3A_534 : i32 to index
        %get3A_536 = tpu.vector_load %arg5[%get3A_535] {strides = array<i32>} : memref<16640xi32, #tpu.memory_space<vmem>>, vector<16xi32>,
        %get3A_537 = vector.shape_cast %get3A_536 : vector<16xi32> to vector<16xi32>
        %and3A_538 = arith.constant 16383 : i32
        %and3A_539 = vector.broadcast %and3A_538 : i32 to vector<16xi32>
        %and3A_540 = arith.andi %get3A_537, %and3A_539 : vector<16xi32>
        %swap3A_541 = arith.constant 48 : index
        %swap3A_542 = tpu.vector_load %arg6[%swap3A_541] {strides = array<i32>} : memref<64xi32, #tpu.memory_space<vmem>>, vector<16xi32>,
        %swap3A_543 = vector.shape_cast %swap3A_542 : vector<16xi32> to vector<16xi32>
        %swap3A_544 = vector.shape_cast %and3A_540 : vector<16xi32> to vector<16xi32>
        tpu.vector_store %arg6[%swap3A_541], %swap3A_544 {strides = array<i32>} : memref<64xi32, #tpu.memory_space<vmem>>, vector<16xi32>,
        %dma_start3A_545 = arith.constant 0 : i32
        %dma_start3A_546 = arith.constant 0 : i32
        %dma_start3A_547 = tpu.memref_slice %arg2[%dma_start3A_545, %dma_start3A_546] : memref<10000x128xf32, #tpu.memory_space<hbm>> -> memref<10000x128xf32, #tpu.memory_space<hbm>>
        tpu.enqueue_indirect_dma source(%dma_start3A_547 : memref<10000x128xf32, #tpu.memory_space<hbm>>) target(%arg11 : memref<64x128xf32, #tpu.memory_space<vmem>>) offsets(%arg6 : memref<64xi32, #tpu.memory_space<vmem>>) semaphore(%arg16 : memref<!tpu.dma_semaphore, #tpu.memory_space<semaphore_mem>>)
      } else {
      }
      %add3A_353 = arith.constant 2 : i32
      %add3A_354 = arith.addi %mul3A_221, %add3A_353 : i32
      %dma_wait3A_355 = arith.constant 0 : i32
      %dma_wait3A_356 = arith.constant 0 : i32
      %dma_wait3A_357 = tpu.memref_slice %arg2[%dma_wait3A_355, %dma_wait3A_356] : memref<10000x128xf32, #tpu.memory_space<hbm>> -> memref<10000x128xf32, #tpu.memory_space<hbm>>
      tpu.wait_indirect_dma semaphore(%arg18 : memref<!tpu.dma_semaphore, #tpu.memory_space<semaphore_mem>>) src(%dma_wait3A_357 : memref<10000x128xf32, #tpu.memory_space<hbm>>) dst(%arg13 : memref<64x128xf32, #tpu.memory_space<vmem>>)
      %mul3A_358 = arith.constant 64 : i32
      %mul3A_359 = arith.muli %add3A_354, %mul3A_358 : i32
      %add3A_360 = arith.constant 0 : i32
      %add3A_361 = arith.addi %mul3A_359, %add3A_360 : i32
      %get3A_362 = arith.index_cast %add3A_361 : i32 to index
      %get3A_363 = tpu.vector_load %arg5[%get3A_362] {strides = array<i32>} : memref<16640xi32, #tpu.memory_space<vmem>>, vector<16xi32>,
      %get3A_364 = vector.shape_cast %get3A_363 : vector<16xi32> to vector<16xi32>
      %shift_right_logical3A_365 = arith.constant 14 : i32
      %shift_right_logical3A_366 = vector.broadcast %shift_right_logical3A_365 : i32 to vector<16xi32>
      %shift_right_logical3A_367 = arith.shrui %get3A_364, %shift_right_logical3A_366 : vector<16xi32>
      %swap3A_368 = arith.constant 0 : index
      %swap3A_369 = tpu.vector_load %arg10[%swap3A_368] {strides = array<i32>} : memref<64xi32, #tpu.memory_space<vmem>>, vector<16xi32>,
      %swap3A_370 = vector.shape_cast %swap3A_369 : vector<16xi32> to vector<16xi32>
      %swap3A_371 = vector.shape_cast %shift_right_logical3A_367 : vector<16xi32> to vector<16xi32>
      tpu.vector_store %arg10[%swap3A_368], %swap3A_371 {strides = array<i32>} : memref<64xi32, #tpu.memory_space<vmem>>, vector<16xi32>,
      %mul3A_372 = arith.constant 64 : i32
      %mul3A_373 = arith.muli %add3A_354, %mul3A_372 : i32
      %add3A_374 = arith.constant 16 : i32
      %add3A_375 = arith.addi %mul3A_373, %add3A_374 : i32
      %get3A_376 = arith.index_cast %add3A_375 : i32 to index
      %get3A_377 = tpu.vector_load %arg5[%get3A_376] {strides = array<i32>} : memref<16640xi32, #tpu.memory_space<vmem>>, vector<16xi32>,
      %get3A_378 = vector.shape_cast %get3A_377 : vector<16xi32> to vector<16xi32>
      %shift_right_logical3A_379 = arith.constant 14 : i32
      %shift_right_logical3A_380 = vector.broadcast %shift_right_logical3A_379 : i32 to vector<16xi32>
      %shift_right_logical3A_381 = arith.shrui %get3A_378, %shift_right_logical3A_380 : vector<16xi32>
      %swap3A_382 = arith.constant 16 : index
      %swap3A_383 = tpu.vector_load %arg10[%swap3A_382] {strides = array<i32>} : memref<64xi32, #tpu.memory_space<vmem>>, vector<16xi32>,
      %swap3A_384 = vector.shape_cast %swap3A_383 : vector<16xi32> to vector<16xi32>
      %swap3A_385 = vector.shape_cast %shift_right_logical3A_381 : vector<16xi32> to vector<16xi32>
      tpu.vector_store %arg10[%swap3A_382], %swap3A_385 {strides = array<i32>} : memref<64xi32, #tpu.memory_space<vmem>>, vector<16xi32>,
      %mul3A_386 = arith.constant 64 : i32
      %mul3A_387 = arith.muli %add3A_354, %mul3A_386 : i32
      %add3A_388 = arith.constant 32 : i32
      %add3A_389 = arith.addi %mul3A_387, %add3A_388 : i32
      %get3A_390 = arith.index_cast %add3A_389 : i32 to index
      %get3A_391 = tpu.vector_load %arg5[%get3A_390] {strides = array<i32>} : memref<16640xi32, #tpu.memory_space<vmem>>, vector<16xi32>,
      %get3A_392 = vector.shape_cast %get3A_391 : vector<16xi32> to vector<16xi32>
      %shift_right_logical3A_393 = arith.constant 14 : i32
      %shift_right_logical3A_394 = vector.broadcast %shift_right_logical3A_393 : i32 to vector<16xi32>
      %shift_right_logical3A_395 = arith.shrui %get3A_392, %shift_right_logical3A_394 : vector<16xi32>
      %swap3A_396 = arith.constant 32 : index
      %swap3A_397 = tpu.vector_load %arg10[%swap3A_396] {strides = array<i32>} : memref<64xi32, #tpu.memory_space<vmem>>, vector<16xi32>,
      %swap3A_398 = vector.shape_cast %swap3A_397 : vector<16xi32> to vector<16xi32>
      %swap3A_399 = vector.shape_cast %shift_right_logical3A_395 : vector<16xi32> to vector<16xi32>
      tpu.vector_store %arg10[%swap3A_396], %swap3A_399 {strides = array<i32>} : memref<64xi32, #tpu.memory_space<vmem>>, vector<16xi32>,
      %mul3A_400 = arith.constant 64 : i32
      %mul3A_401 = arith.muli %add3A_354, %mul3A_400 : i32
      %add3A_402 = arith.constant 48 : i32
      %add3A_403 = arith.addi %mul3A_401, %add3A_402 : i32
      %get3A_404 = arith.index_cast %add3A_403 : i32 to index
      %get3A_405 = tpu.vector_load %arg5[%get3A_404] {strides = array<i32>} : memref<16640xi32, #tpu.memory_space<vmem>>, vector<16xi32>,
      %get3A_406 = vector.shape_cast %get3A_405 : vector<16xi32> to vector<16xi32>
      %shift_right_logical3A_407 = arith.constant 14 : i32
      %shift_right_logical3A_408 = vector.broadcast %shift_right_logical3A_407 : i32 to vector<16xi32>
      %shift_right_logical3A_409 = arith.shrui %get3A_406, %shift_right_logical3A_408 : vector<16xi32>
      %swap3A_410 = arith.constant 48 : index
      %swap3A_411 = tpu.vector_load %arg10[%swap3A_410] {strides = array<i32>} : memref<64xi32, #tpu.memory_space<vmem>>, vector<16xi32>,
      %swap3A_412 = vector.shape_cast %swap3A_411 : vector<16xi32> to vector<16xi32>
      %swap3A_413 = vector.shape_cast %shift_right_logical3A_409 : vector<16xi32> to vector<16xi32>
      tpu.vector_store %arg10[%swap3A_410], %swap3A_413 {strides = array<i32>} : memref<64xi32, #tpu.memory_space<vmem>>, vector<16xi32>,
      "tpu.region"() ({
        %run_scoped3A = tpu.sem_alloc : memref<!tpu.dma_semaphore, #tpu.memory_space<semaphore_mem>>
        %dma_start3A_487 = arith.constant 0 : i32
        %dma_start3A_488 = arith.constant 0 : i32
        %dma_start3A_489 = tpu.memref_slice %arg15[%dma_start3A_487, %dma_start3A_488] : memref<10016x128xf32, #tpu.memory_space<vmem_shared>> -> memref<10016x128xf32, #tpu.memory_space<vmem_shared>>
        tpu.enqueue_indirect_dma source(%arg13 : memref<64x128xf32, #tpu.memory_space<vmem>>) target(%dma_start3A_489 : memref<10016x128xf32, #tpu.memory_space<vmem_shared>>) offsets(%arg10 : memref<64xi32, #tpu.memory_space<vmem>>) semaphore(%run_scoped3A : memref<!tpu.dma_semaphore, #tpu.memory_space<semaphore_mem>>) {add = true}
        %dma_wait3A_490 = arith.constant 0 : i32
        %dma_wait3A_491 = arith.constant 0 : i32
        %dma_wait3A_492 = tpu.memref_slice %arg15[%dma_wait3A_490, %dma_wait3A_491] : memref<10016x128xf32, #tpu.memory_space<vmem_shared>> -> memref<10016x128xf32, #tpu.memory_space<vmem_shared>>
        tpu.wait_indirect_dma semaphore(%run_scoped3A : memref<!tpu.dma_semaphore, #tpu.memory_space<semaphore_mem>>) src(%arg13 : memref<64x128xf32, #tpu.memory_space<vmem>>) dst(%dma_wait3A_492 : memref<10016x128xf32, #tpu.memory_space<vmem_shared>>)
        tpu.yield
      }) : () -> ()
      %add3A_414 = arith.constant 3 : i32
      %add3A_415 = arith.addi %add3A_354, %add3A_414 : i32
      %lt3A_416 = arith.cmpi slt, %add3A_415, %select_n3A_6 : i32
      %convert_element_type3A_417 = arith.extui %lt3A_416 : i1 to i32
      %cond3A_418 = arith.constant 0 : i32
      %cond3A_419 = arith.cmpi ne, %convert_element_type3A_417, %cond3A_418 : i32
      scf.if %cond3A_419 {
        %add3A_487 = arith.constant 3 : i32
        %add3A_488 = arith.addi %add3A_354, %add3A_487 : i32
        %mul3A_489 = arith.constant 64 : i32
        %mul3A_490 = arith.muli %add3A_488, %mul3A_489 : i32
        %add3A_491 = arith.constant 0 : i32
        %add3A_492 = arith.addi %mul3A_490, %add3A_491 : i32
        %get3A_493 = arith.index_cast %add3A_492 : i32 to index
        %get3A_494 = tpu.vector_load %arg5[%get3A_493] {strides = array<i32>} : memref<16640xi32, #tpu.memory_space<vmem>>, vector<16xi32>,
        %get3A_495 = vector.shape_cast %get3A_494 : vector<16xi32> to vector<16xi32>
        %and3A_496 = arith.constant 16383 : i32
        %and3A_497 = vector.broadcast %and3A_496 : i32 to vector<16xi32>
        %and3A_498 = arith.andi %get3A_495, %and3A_497 : vector<16xi32>
        %swap3A_499 = arith.constant 0 : index
        %swap3A_500 = tpu.vector_load %arg7[%swap3A_499] {strides = array<i32>} : memref<64xi32, #tpu.memory_space<vmem>>, vector<16xi32>,
        %swap3A_501 = vector.shape_cast %swap3A_500 : vector<16xi32> to vector<16xi32>
        %swap3A_502 = vector.shape_cast %and3A_498 : vector<16xi32> to vector<16xi32>
        tpu.vector_store %arg7[%swap3A_499], %swap3A_502 {strides = array<i32>} : memref<64xi32, #tpu.memory_space<vmem>>, vector<16xi32>,
        %mul3A_503 = arith.constant 64 : i32
        %mul3A_504 = arith.muli %add3A_488, %mul3A_503 : i32
        %add3A_505 = arith.constant 16 : i32
        %add3A_506 = arith.addi %mul3A_504, %add3A_505 : i32
        %get3A_507 = arith.index_cast %add3A_506 : i32 to index
        %get3A_508 = tpu.vector_load %arg5[%get3A_507] {strides = array<i32>} : memref<16640xi32, #tpu.memory_space<vmem>>, vector<16xi32>,
        %get3A_509 = vector.shape_cast %get3A_508 : vector<16xi32> to vector<16xi32>
        %and3A_510 = arith.constant 16383 : i32
        %and3A_511 = vector.broadcast %and3A_510 : i32 to vector<16xi32>
        %and3A_512 = arith.andi %get3A_509, %and3A_511 : vector<16xi32>
        %swap3A_513 = arith.constant 16 : index
        %swap3A_514 = tpu.vector_load %arg7[%swap3A_513] {strides = array<i32>} : memref<64xi32, #tpu.memory_space<vmem>>, vector<16xi32>,
        %swap3A_515 = vector.shape_cast %swap3A_514 : vector<16xi32> to vector<16xi32>
        %swap3A_516 = vector.shape_cast %and3A_512 : vector<16xi32> to vector<16xi32>
        tpu.vector_store %arg7[%swap3A_513], %swap3A_516 {strides = array<i32>} : memref<64xi32, #tpu.memory_space<vmem>>, vector<16xi32>,
        %mul3A_517 = arith.constant 64 : i32
        %mul3A_518 = arith.muli %add3A_488, %mul3A_517 : i32
        %add3A_519 = arith.constant 32 : i32
        %add3A_520 = arith.addi %mul3A_518, %add3A_519 : i32
        %get3A_521 = arith.index_cast %add3A_520 : i32 to index
        %get3A_522 = tpu.vector_load %arg5[%get3A_521] {strides = array<i32>} : memref<16640xi32, #tpu.memory_space<vmem>>, vector<16xi32>,
        %get3A_523 = vector.shape_cast %get3A_522 : vector<16xi32> to vector<16xi32>
        %and3A_524 = arith.constant 16383 : i32
        %and3A_525 = vector.broadcast %and3A_524 : i32 to vector<16xi32>
        %and3A_526 = arith.andi %get3A_523, %and3A_525 : vector<16xi32>
        %swap3A_527 = arith.constant 32 : index
        %swap3A_528 = tpu.vector_load %arg7[%swap3A_527] {strides = array<i32>} : memref<64xi32, #tpu.memory_space<vmem>>, vector<16xi32>,
        %swap3A_529 = vector.shape_cast %swap3A_528 : vector<16xi32> to vector<16xi32>
        %swap3A_530 = vector.shape_cast %and3A_526 : vector<16xi32> to vector<16xi32>
        tpu.vector_store %arg7[%swap3A_527], %swap3A_530 {strides = array<i32>} : memref<64xi32, #tpu.memory_space<vmem>>, vector<16xi32>,
        %mul3A_531 = arith.constant 64 : i32
        %mul3A_532 = arith.muli %add3A_488, %mul3A_531 : i32
        %add3A_533 = arith.constant 48 : i32
        %add3A_534 = arith.addi %mul3A_532, %add3A_533 : i32
        %get3A_535 = arith.index_cast %add3A_534 : i32 to index
        %get3A_536 = tpu.vector_load %arg5[%get3A_535] {strides = array<i32>} : memref<16640xi32, #tpu.memory_space<vmem>>, vector<16xi32>,
        %get3A_537 = vector.shape_cast %get3A_536 : vector<16xi32> to vector<16xi32>
        %and3A_538 = arith.constant 16383 : i32
        %and3A_539 = vector.broadcast %and3A_538 : i32 to vector<16xi32>
        %and3A_540 = arith.andi %get3A_537, %and3A_539 : vector<16xi32>
        %swap3A_541 = arith.constant 48 : index
        %swap3A_542 = tpu.vector_load %arg7[%swap3A_541] {strides = array<i32>} : memref<64xi32, #tpu.memory_space<vmem>>, vector<16xi32>,
        %swap3A_543 = vector.shape_cast %swap3A_542 : vector<16xi32> to vector<16xi32>
        %swap3A_544 = vector.shape_cast %and3A_540 : vector<16xi32> to vector<16xi32>
        tpu.vector_store %arg7[%swap3A_541], %swap3A_544 {strides = array<i32>} : memref<64xi32, #tpu.memory_space<vmem>>, vector<16xi32>,
        %dma_start3A_545 = arith.constant 0 : i32
        %dma_start3A_546 = arith.constant 0 : i32
        %dma_start3A_547 = tpu.memref_slice %arg2[%dma_start3A_545, %dma_start3A_546] : memref<10000x128xf32, #tpu.memory_space<hbm>> -> memref<10000x128xf32, #tpu.memory_space<hbm>>
        tpu.enqueue_indirect_dma source(%dma_start3A_547 : memref<10000x128xf32, #tpu.memory_space<hbm>>) target(%arg12 : memref<64x128xf32, #tpu.memory_space<vmem>>) offsets(%arg7 : memref<64xi32, #tpu.memory_space<vmem>>) semaphore(%arg17 : memref<!tpu.dma_semaphore, #tpu.memory_space<semaphore_mem>>)
      } else {
      }
      %add3A_420 = arith.constant 3 : i32
      %add3A_421 = arith.addi %mul3A_221, %add3A_420 : i32
      %dma_wait3A_422 = arith.constant 0 : i32
      %dma_wait3A_423 = arith.constant 0 : i32
      %dma_wait3A_424 = tpu.memref_slice %arg2[%dma_wait3A_422, %dma_wait3A_423] : memref<10000x128xf32, #tpu.memory_space<hbm>> -> memref<10000x128xf32, #tpu.memory_space<hbm>>
      tpu.wait_indirect_dma semaphore(%arg19 : memref<!tpu.dma_semaphore, #tpu.memory_space<semaphore_mem>>) src(%dma_wait3A_424 : memref<10000x128xf32, #tpu.memory_space<hbm>>) dst(%arg14 : memref<64x128xf32, #tpu.memory_space<vmem>>)
      %mul3A_425 = arith.constant 64 : i32
      %mul3A_426 = arith.muli %add3A_421, %mul3A_425 : i32
      %add3A_427 = arith.constant 0 : i32
      %add3A_428 = arith.addi %mul3A_426, %add3A_427 : i32
      %get3A_429 = arith.index_cast %add3A_428 : i32 to index
      %get3A_430 = tpu.vector_load %arg5[%get3A_429] {strides = array<i32>} : memref<16640xi32, #tpu.memory_space<vmem>>, vector<16xi32>,
      %get3A_431 = vector.shape_cast %get3A_430 : vector<16xi32> to vector<16xi32>
      %shift_right_logical3A_432 = arith.constant 14 : i32
      %shift_right_logical3A_433 = vector.broadcast %shift_right_logical3A_432 : i32 to vector<16xi32>
      %shift_right_logical3A_434 = arith.shrui %get3A_431, %shift_right_logical3A_433 : vector<16xi32>
      %swap3A_435 = arith.constant 0 : index
      %swap3A_436 = tpu.vector_load %arg10[%swap3A_435] {strides = array<i32>} : memref<64xi32, #tpu.memory_space<vmem>>, vector<16xi32>,
      %swap3A_437 = vector.shape_cast %swap3A_436 : vector<16xi32> to vector<16xi32>
      %swap3A_438 = vector.shape_cast %shift_right_logical3A_434 : vector<16xi32> to vector<16xi32>
      tpu.vector_store %arg10[%swap3A_435], %swap3A_438 {strides = array<i32>} : memref<64xi32, #tpu.memory_space<vmem>>, vector<16xi32>,
      %mul3A_439 = arith.constant 64 : i32
      %mul3A_440 = arith.muli %add3A_421, %mul3A_439 : i32
      %add3A_441 = arith.constant 16 : i32
      %add3A_442 = arith.addi %mul3A_440, %add3A_441 : i32
      %get3A_443 = arith.index_cast %add3A_442 : i32 to index
      %get3A_444 = tpu.vector_load %arg5[%get3A_443] {strides = array<i32>} : memref<16640xi32, #tpu.memory_space<vmem>>, vector<16xi32>,
      %get3A_445 = vector.shape_cast %get3A_444 : vector<16xi32> to vector<16xi32>
      %shift_right_logical3A_446 = arith.constant 14 : i32
      %shift_right_logical3A_447 = vector.broadcast %shift_right_logical3A_446 : i32 to vector<16xi32>
      %shift_right_logical3A_448 = arith.shrui %get3A_445, %shift_right_logical3A_447 : vector<16xi32>
      %swap3A_449 = arith.constant 16 : index
      %swap3A_450 = tpu.vector_load %arg10[%swap3A_449] {strides = array<i32>} : memref<64xi32, #tpu.memory_space<vmem>>, vector<16xi32>,
      %swap3A_451 = vector.shape_cast %swap3A_450 : vector<16xi32> to vector<16xi32>
      %swap3A_452 = vector.shape_cast %shift_right_logical3A_448 : vector<16xi32> to vector<16xi32>
      tpu.vector_store %arg10[%swap3A_449], %swap3A_452 {strides = array<i32>} : memref<64xi32, #tpu.memory_space<vmem>>, vector<16xi32>,
      %mul3A_453 = arith.constant 64 : i32
      %mul3A_454 = arith.muli %add3A_421, %mul3A_453 : i32
      %add3A_455 = arith.constant 32 : i32
      %add3A_456 = arith.addi %mul3A_454, %add3A_455 : i32
      %get3A_457 = arith.index_cast %add3A_456 : i32 to index
      %get3A_458 = tpu.vector_load %arg5[%get3A_457] {strides = array<i32>} : memref<16640xi32, #tpu.memory_space<vmem>>, vector<16xi32>,
      %get3A_459 = vector.shape_cast %get3A_458 : vector<16xi32> to vector<16xi32>
      %shift_right_logical3A_460 = arith.constant 14 : i32
      %shift_right_logical3A_461 = vector.broadcast %shift_right_logical3A_460 : i32 to vector<16xi32>
      %shift_right_logical3A_462 = arith.shrui %get3A_459, %shift_right_logical3A_461 : vector<16xi32>
      %swap3A_463 = arith.constant 32 : index
      %swap3A_464 = tpu.vector_load %arg10[%swap3A_463] {strides = array<i32>} : memref<64xi32, #tpu.memory_space<vmem>>, vector<16xi32>,
      %swap3A_465 = vector.shape_cast %swap3A_464 : vector<16xi32> to vector<16xi32>
      %swap3A_466 = vector.shape_cast %shift_right_logical3A_462 : vector<16xi32> to vector<16xi32>
      tpu.vector_store %arg10[%swap3A_463], %swap3A_466 {strides = array<i32>} : memref<64xi32, #tpu.memory_space<vmem>>, vector<16xi32>,
      %mul3A_467 = arith.constant 64 : i32
      %mul3A_468 = arith.muli %add3A_421, %mul3A_467 : i32
      %add3A_469 = arith.constant 48 : i32
      %add3A_470 = arith.addi %mul3A_468, %add3A_469 : i32
      %get3A_471 = arith.index_cast %add3A_470 : i32 to index
      %get3A_472 = tpu.vector_load %arg5[%get3A_471] {strides = array<i32>} : memref<16640xi32, #tpu.memory_space<vmem>>, vector<16xi32>,
      %get3A_473 = vector.shape_cast %get3A_472 : vector<16xi32> to vector<16xi32>
      %shift_right_logical3A_474 = arith.constant 14 : i32
      %shift_right_logical3A_475 = vector.broadcast %shift_right_logical3A_474 : i32 to vector<16xi32>
      %shift_right_logical3A_476 = arith.shrui %get3A_473, %shift_right_logical3A_475 : vector<16xi32>
      %swap3A_477 = arith.constant 48 : index
      %swap3A_478 = tpu.vector_load %arg10[%swap3A_477] {strides = array<i32>} : memref<64xi32, #tpu.memory_space<vmem>>, vector<16xi32>,
      %swap3A_479 = vector.shape_cast %swap3A_478 : vector<16xi32> to vector<16xi32>
      %swap3A_480 = vector.shape_cast %shift_right_logical3A_476 : vector<16xi32> to vector<16xi32>
      tpu.vector_store %arg10[%swap3A_477], %swap3A_480 {strides = array<i32>} : memref<64xi32, #tpu.memory_space<vmem>>, vector<16xi32>,
      "tpu.region"() ({
        %run_scoped3A = tpu.sem_alloc : memref<!tpu.dma_semaphore, #tpu.memory_space<semaphore_mem>>
        %dma_start3A_487 = arith.constant 0 : i32
        %dma_start3A_488 = arith.constant 0 : i32
        %dma_start3A_489 = tpu.memref_slice %arg15[%dma_start3A_487, %dma_start3A_488] : memref<10016x128xf32, #tpu.memory_space<vmem_shared>> -> memref<10016x128xf32, #tpu.memory_space<vmem_shared>>
        tpu.enqueue_indirect_dma source(%arg14 : memref<64x128xf32, #tpu.memory_space<vmem>>) target(%dma_start3A_489 : memref<10016x128xf32, #tpu.memory_space<vmem_shared>>) offsets(%arg10 : memref<64xi32, #tpu.memory_space<vmem>>) semaphore(%run_scoped3A : memref<!tpu.dma_semaphore, #tpu.memory_space<semaphore_mem>>) {add = true}
        %dma_wait3A_490 = arith.constant 0 : i32
        %dma_wait3A_491 = arith.constant 0 : i32
        %dma_wait3A_492 = tpu.memref_slice %arg15[%dma_wait3A_490, %dma_wait3A_491] : memref<10016x128xf32, #tpu.memory_space<vmem_shared>> -> memref<10016x128xf32, #tpu.memory_space<vmem_shared>>
        tpu.wait_indirect_dma semaphore(%run_scoped3A : memref<!tpu.dma_semaphore, #tpu.memory_space<semaphore_mem>>) src(%arg14 : memref<64x128xf32, #tpu.memory_space<vmem>>) dst(%dma_wait3A_492 : memref<10016x128xf32, #tpu.memory_space<vmem_shared>>)
        tpu.yield
      }) : () -> ()
      %add3A_481 = arith.constant 3 : i32
      %add3A_482 = arith.addi %add3A_421, %add3A_481 : i32
      %lt3A_483 = arith.cmpi slt, %add3A_482, %select_n3A_6 : i32
      %convert_element_type3A_484 = arith.extui %lt3A_483 : i1 to i32
      %cond3A_485 = arith.constant 0 : i32
      %cond3A_486 = arith.cmpi ne, %convert_element_type3A_484, %cond3A_485 : i32
      scf.if %cond3A_486 {
        %add3A_487 = arith.constant 3 : i32
        %add3A_488 = arith.addi %add3A_421, %add3A_487 : i32
        %mul3A_489 = arith.constant 64 : i32
        %mul3A_490 = arith.muli %add3A_488, %mul3A_489 : i32
        %add3A_491 = arith.constant 0 : i32
        %add3A_492 = arith.addi %mul3A_490, %add3A_491 : i32
        %get3A_493 = arith.index_cast %add3A_492 : i32 to index
        %get3A_494 = tpu.vector_load %arg5[%get3A_493] {strides = array<i32>} : memref<16640xi32, #tpu.memory_space<vmem>>, vector<16xi32>,
        %get3A_495 = vector.shape_cast %get3A_494 : vector<16xi32> to vector<16xi32>
        %and3A_496 = arith.constant 16383 : i32
        %and3A_497 = vector.broadcast %and3A_496 : i32 to vector<16xi32>
        %and3A_498 = arith.andi %get3A_495, %and3A_497 : vector<16xi32>
        %swap3A_499 = arith.constant 0 : index
        %swap3A_500 = tpu.vector_load %arg8[%swap3A_499] {strides = array<i32>} : memref<64xi32, #tpu.memory_space<vmem>>, vector<16xi32>,
        %swap3A_501 = vector.shape_cast %swap3A_500 : vector<16xi32> to vector<16xi32>
        %swap3A_502 = vector.shape_cast %and3A_498 : vector<16xi32> to vector<16xi32>
        tpu.vector_store %arg8[%swap3A_499], %swap3A_502 {strides = array<i32>} : memref<64xi32, #tpu.memory_space<vmem>>, vector<16xi32>,
        %mul3A_503 = arith.constant 64 : i32
        %mul3A_504 = arith.muli %add3A_488, %mul3A_503 : i32
        %add3A_505 = arith.constant 16 : i32
        %add3A_506 = arith.addi %mul3A_504, %add3A_505 : i32
        %get3A_507 = arith.index_cast %add3A_506 : i32 to index
        %get3A_508 = tpu.vector_load %arg5[%get3A_507] {strides = array<i32>} : memref<16640xi32, #tpu.memory_space<vmem>>, vector<16xi32>,
        %get3A_509 = vector.shape_cast %get3A_508 : vector<16xi32> to vector<16xi32>
        %and3A_510 = arith.constant 16383 : i32
        %and3A_511 = vector.broadcast %and3A_510 : i32 to vector<16xi32>
        %and3A_512 = arith.andi %get3A_509, %and3A_511 : vector<16xi32>
        %swap3A_513 = arith.constant 16 : index
        %swap3A_514 = tpu.vector_load %arg8[%swap3A_513] {strides = array<i32>} : memref<64xi32, #tpu.memory_space<vmem>>, vector<16xi32>,
        %swap3A_515 = vector.shape_cast %swap3A_514 : vector<16xi32> to vector<16xi32>
        %swap3A_516 = vector.shape_cast %and3A_512 : vector<16xi32> to vector<16xi32>
        tpu.vector_store %arg8[%swap3A_513], %swap3A_516 {strides = array<i32>} : memref<64xi32, #tpu.memory_space<vmem>>, vector<16xi32>,
        %mul3A_517 = arith.constant 64 : i32
        %mul3A_518 = arith.muli %add3A_488, %mul3A_517 : i32
        %add3A_519 = arith.constant 32 : i32
        %add3A_520 = arith.addi %mul3A_518, %add3A_519 : i32
        %get3A_521 = arith.index_cast %add3A_520 : i32 to index
        %get3A_522 = tpu.vector_load %arg5[%get3A_521] {strides = array<i32>} : memref<16640xi32, #tpu.memory_space<vmem>>, vector<16xi32>,
        %get3A_523 = vector.shape_cast %get3A_522 : vector<16xi32> to vector<16xi32>
        %and3A_524 = arith.constant 16383 : i32
        %and3A_525 = vector.broadcast %and3A_524 : i32 to vector<16xi32>
        %and3A_526 = arith.andi %get3A_523, %and3A_525 : vector<16xi32>
        %swap3A_527 = arith.constant 32 : index
        %swap3A_528 = tpu.vector_load %arg8[%swap3A_527] {strides = array<i32>} : memref<64xi32, #tpu.memory_space<vmem>>, vector<16xi32>,
        %swap3A_529 = vector.shape_cast %swap3A_528 : vector<16xi32> to vector<16xi32>
        %swap3A_530 = vector.shape_cast %and3A_526 : vector<16xi32> to vector<16xi32>
        tpu.vector_store %arg8[%swap3A_527], %swap3A_530 {strides = array<i32>} : memref<64xi32, #tpu.memory_space<vmem>>, vector<16xi32>,
        %mul3A_531 = arith.constant 64 : i32
        %mul3A_532 = arith.muli %add3A_488, %mul3A_531 : i32
        %add3A_533 = arith.constant 48 : i32
        %add3A_534 = arith.addi %mul3A_532, %add3A_533 : i32
        %get3A_535 = arith.index_cast %add3A_534 : i32 to index
        %get3A_536 = tpu.vector_load %arg5[%get3A_535] {strides = array<i32>} : memref<16640xi32, #tpu.memory_space<vmem>>, vector<16xi32>,
        %get3A_537 = vector.shape_cast %get3A_536 : vector<16xi32> to vector<16xi32>
        %and3A_538 = arith.constant 16383 : i32
        %and3A_539 = vector.broadcast %and3A_538 : i32 to vector<16xi32>
        %and3A_540 = arith.andi %get3A_537, %and3A_539 : vector<16xi32>
        %swap3A_541 = arith.constant 48 : index
        %swap3A_542 = tpu.vector_load %arg8[%swap3A_541] {strides = array<i32>} : memref<64xi32, #tpu.memory_space<vmem>>, vector<16xi32>,
        %swap3A_543 = vector.shape_cast %swap3A_542 : vector<16xi32> to vector<16xi32>
        %swap3A_544 = vector.shape_cast %and3A_540 : vector<16xi32> to vector<16xi32>
        tpu.vector_store %arg8[%swap3A_541], %swap3A_544 {strides = array<i32>} : memref<64xi32, #tpu.memory_space<vmem>>, vector<16xi32>,
        %dma_start3A_545 = arith.constant 0 : i32
        %dma_start3A_546 = arith.constant 0 : i32
        %dma_start3A_547 = tpu.memref_slice %arg2[%dma_start3A_545, %dma_start3A_546] : memref<10000x128xf32, #tpu.memory_space<hbm>> -> memref<10000x128xf32, #tpu.memory_space<hbm>>
        tpu.enqueue_indirect_dma source(%dma_start3A_547 : memref<10000x128xf32, #tpu.memory_space<hbm>>) target(%arg13 : memref<64x128xf32, #tpu.memory_space<vmem>>) offsets(%arg8 : memref<64xi32, #tpu.memory_space<vmem>>) semaphore(%arg18 : memref<!tpu.dma_semaphore, #tpu.memory_space<semaphore_mem>>)
      } else {
      }
    }
    %while3A_210 = arith.constant 1 : i32
    scf.for %while3A_219 = %while3A_208 to %while3A_204 step %while3A_210  : i32 {
      %mul3A_220 = arith.constant 4 : i32
      %mul3A_221 = arith.muli %mul3A_220, %while3A_219 : i32
      %add3A_222 = arith.constant 0 : i32
      %add3A_223 = arith.addi %mul3A_221, %add3A_222 : i32
      %dma_wait3A = arith.constant 0 : i32
      %dma_wait3A_224 = arith.constant 0 : i32
      %dma_wait3A_225 = tpu.memref_slice %arg2[%dma_wait3A, %dma_wait3A_224] : memref<10000x128xf32, #tpu.memory_space<hbm>> -> memref<10000x128xf32, #tpu.memory_space<hbm>>
      tpu.wait_indirect_dma semaphore(%arg16 : memref<!tpu.dma_semaphore, #tpu.memory_space<semaphore_mem>>) src(%dma_wait3A_225 : memref<10000x128xf32, #tpu.memory_space<hbm>>) dst(%arg11 : memref<64x128xf32, #tpu.memory_space<vmem>>)
      %mul3A_226 = arith.constant 64 : i32
      %mul3A_227 = arith.muli %add3A_223, %mul3A_226 : i32
      %add3A_228 = arith.constant 0 : i32
      %add3A_229 = arith.addi %mul3A_227, %add3A_228 : i32
      %get3A_230 = arith.index_cast %add3A_229 : i32 to index
      %get3A_231 = tpu.vector_load %arg5[%get3A_230] {strides = array<i32>} : memref<16640xi32, #tpu.memory_space<vmem>>, vector<16xi32>,
      %get3A_232 = vector.shape_cast %get3A_231 : vector<16xi32> to vector<16xi32>
      %shift_right_logical3A = arith.constant 14 : i32
      %shift_right_logical3A_233 = vector.broadcast %shift_right_logical3A : i32 to vector<16xi32>
      %shift_right_logical3A_234 = arith.shrui %get3A_232, %shift_right_logical3A_233 : vector<16xi32>
      %swap3A_235 = arith.constant 0 : index
      %swap3A_236 = tpu.vector_load %arg10[%swap3A_235] {strides = array<i32>} : memref<64xi32, #tpu.memory_space<vmem>>, vector<16xi32>,
      %swap3A_237 = vector.shape_cast %swap3A_236 : vector<16xi32> to vector<16xi32>
      %swap3A_238 = vector.shape_cast %shift_right_logical3A_234 : vector<16xi32> to vector<16xi32>
      tpu.vector_store %arg10[%swap3A_235], %swap3A_238 {strides = array<i32>} : memref<64xi32, #tpu.memory_space<vmem>>, vector<16xi32>,
      %mul3A_239 = arith.constant 64 : i32
      %mul3A_240 = arith.muli %add3A_223, %mul3A_239 : i32
      %add3A_241 = arith.constant 16 : i32
      %add3A_242 = arith.addi %mul3A_240, %add3A_241 : i32
      %get3A_243 = arith.index_cast %add3A_242 : i32 to index
      %get3A_244 = tpu.vector_load %arg5[%get3A_243] {strides = array<i32>} : memref<16640xi32, #tpu.memory_space<vmem>>, vector<16xi32>,
      %get3A_245 = vector.shape_cast %get3A_244 : vector<16xi32> to vector<16xi32>
      %shift_right_logical3A_246 = arith.constant 14 : i32
      %shift_right_logical3A_247 = vector.broadcast %shift_right_logical3A_246 : i32 to vector<16xi32>
      %shift_right_logical3A_248 = arith.shrui %get3A_245, %shift_right_logical3A_247 : vector<16xi32>
      %swap3A_249 = arith.constant 16 : index
      %swap3A_250 = tpu.vector_load %arg10[%swap3A_249] {strides = array<i32>} : memref<64xi32, #tpu.memory_space<vmem>>, vector<16xi32>,
      %swap3A_251 = vector.shape_cast %swap3A_250 : vector<16xi32> to vector<16xi32>
      %swap3A_252 = vector.shape_cast %shift_right_logical3A_248 : vector<16xi32> to vector<16xi32>
      tpu.vector_store %arg10[%swap3A_249], %swap3A_252 {strides = array<i32>} : memref<64xi32, #tpu.memory_space<vmem>>, vector<16xi32>,
      %mul3A_253 = arith.constant 64 : i32
      %mul3A_254 = arith.muli %add3A_223, %mul3A_253 : i32
      %add3A_255 = arith.constant 32 : i32
      %add3A_256 = arith.addi %mul3A_254, %add3A_255 : i32
      %get3A_257 = arith.index_cast %add3A_256 : i32 to index
      %get3A_258 = tpu.vector_load %arg5[%get3A_257] {strides = array<i32>} : memref<16640xi32, #tpu.memory_space<vmem>>, vector<16xi32>,
      %get3A_259 = vector.shape_cast %get3A_258 : vector<16xi32> to vector<16xi32>
      %shift_right_logical3A_260 = arith.constant 14 : i32
      %shift_right_logical3A_261 = vector.broadcast %shift_right_logical3A_260 : i32 to vector<16xi32>
      %shift_right_logical3A_262 = arith.shrui %get3A_259, %shift_right_logical3A_261 : vector<16xi32>
      %swap3A_263 = arith.constant 32 : index
      %swap3A_264 = tpu.vector_load %arg10[%swap3A_263] {strides = array<i32>} : memref<64xi32, #tpu.memory_space<vmem>>, vector<16xi32>,
      %swap3A_265 = vector.shape_cast %swap3A_264 : vector<16xi32> to vector<16xi32>
      %swap3A_266 = vector.shape_cast %shift_right_logical3A_262 : vector<16xi32> to vector<16xi32>
      tpu.vector_store %arg10[%swap3A_263], %swap3A_266 {strides = array<i32>} : memref<64xi32, #tpu.memory_space<vmem>>, vector<16xi32>,
      %mul3A_267 = arith.constant 64 : i32
      %mul3A_268 = arith.muli %add3A_223, %mul3A_267 : i32
      %add3A_269 = arith.constant 48 : i32
      %add3A_270 = arith.addi %mul3A_268, %add3A_269 : i32
      %get3A_271 = arith.index_cast %add3A_270 : i32 to index
      %get3A_272 = tpu.vector_load %arg5[%get3A_271] {strides = array<i32>} : memref<16640xi32, #tpu.memory_space<vmem>>, vector<16xi32>,
      %get3A_273 = vector.shape_cast %get3A_272 : vector<16xi32> to vector<16xi32>
      %shift_right_logical3A_274 = arith.constant 14 : i32
      %shift_right_logical3A_275 = vector.broadcast %shift_right_logical3A_274 : i32 to vector<16xi32>
      %shift_right_logical3A_276 = arith.shrui %get3A_273, %shift_right_logical3A_275 : vector<16xi32>
      %swap3A_277 = arith.constant 48 : index
      %swap3A_278 = tpu.vector_load %arg10[%swap3A_277] {strides = array<i32>} : memref<64xi32, #tpu.memory_space<vmem>>, vector<16xi32>,
      %swap3A_279 = vector.shape_cast %swap3A_278 : vector<16xi32> to vector<16xi32>
      %swap3A_280 = vector.shape_cast %shift_right_logical3A_276 : vector<16xi32> to vector<16xi32>
      tpu.vector_store %arg10[%swap3A_277], %swap3A_280 {strides = array<i32>} : memref<64xi32, #tpu.memory_space<vmem>>, vector<16xi32>,
      "tpu.region"() ({
        %run_scoped3A = tpu.sem_alloc : memref<!tpu.dma_semaphore, #tpu.memory_space<semaphore_mem>>
        %dma_start3A_487 = arith.constant 0 : i32
        %dma_start3A_488 = arith.constant 0 : i32
        %dma_start3A_489 = tpu.memref_slice %arg15[%dma_start3A_487, %dma_start3A_488] : memref<10016x128xf32, #tpu.memory_space<vmem_shared>> -> memref<10016x128xf32, #tpu.memory_space<vmem_shared>>
        tpu.enqueue_indirect_dma source(%arg11 : memref<64x128xf32, #tpu.memory_space<vmem>>) target(%dma_start3A_489 : memref<10016x128xf32, #tpu.memory_space<vmem_shared>>) offsets(%arg10 : memref<64xi32, #tpu.memory_space<vmem>>) semaphore(%run_scoped3A : memref<!tpu.dma_semaphore, #tpu.memory_space<semaphore_mem>>) {add = true}
        %dma_wait3A_490 = arith.constant 0 : i32
        %dma_wait3A_491 = arith.constant 0 : i32
        %dma_wait3A_492 = tpu.memref_slice %arg15[%dma_wait3A_490, %dma_wait3A_491] : memref<10016x128xf32, #tpu.memory_space<vmem_shared>> -> memref<10016x128xf32, #tpu.memory_space<vmem_shared>>
        tpu.wait_indirect_dma semaphore(%run_scoped3A : memref<!tpu.dma_semaphore, #tpu.memory_space<semaphore_mem>>) src(%arg11 : memref<64x128xf32, #tpu.memory_space<vmem>>) dst(%dma_wait3A_492 : memref<10016x128xf32, #tpu.memory_space<vmem_shared>>)
        tpu.yield
      }) : () -> ()
      %add3A_281 = arith.constant 3 : i32
      %add3A_282 = arith.addi %add3A_223, %add3A_281 : i32
      %lt3A = arith.cmpi slt, %add3A_282, %select_n3A_6 : i32
      %convert_element_type3A_283 = arith.extui %lt3A : i1 to i32
      %cond3A_284 = arith.constant 0 : i32
      %cond3A_285 = arith.cmpi ne, %convert_element_type3A_283, %cond3A_284 : i32
      scf.if %cond3A_285 {
        %add3A_487 = arith.constant 3 : i32
        %add3A_488 = arith.addi %add3A_223, %add3A_487 : i32
        %mul3A_489 = arith.constant 64 : i32
        %mul3A_490 = arith.muli %add3A_488, %mul3A_489 : i32
        %add3A_491 = arith.constant 0 : i32
        %add3A_492 = arith.addi %mul3A_490, %add3A_491 : i32
        %get3A_493 = arith.index_cast %add3A_492 : i32 to index
        %get3A_494 = tpu.vector_load %arg5[%get3A_493] {strides = array<i32>} : memref<16640xi32, #tpu.memory_space<vmem>>, vector<16xi32>,
        %get3A_495 = vector.shape_cast %get3A_494 : vector<16xi32> to vector<16xi32>
        %and3A_496 = arith.constant 16383 : i32
        %and3A_497 = vector.broadcast %and3A_496 : i32 to vector<16xi32>
        %and3A_498 = arith.andi %get3A_495, %and3A_497 : vector<16xi32>
        %swap3A_499 = arith.constant 0 : index
        %swap3A_500 = tpu.vector_load %arg9[%swap3A_499] {strides = array<i32>} : memref<64xi32, #tpu.memory_space<vmem>>, vector<16xi32>,
        %swap3A_501 = vector.shape_cast %swap3A_500 : vector<16xi32> to vector<16xi32>
        %swap3A_502 = vector.shape_cast %and3A_498 : vector<16xi32> to vector<16xi32>
        tpu.vector_store %arg9[%swap3A_499], %swap3A_502 {strides = array<i32>} : memref<64xi32, #tpu.memory_space<vmem>>, vector<16xi32>,
        %mul3A_503 = arith.constant 64 : i32
        %mul3A_504 = arith.muli %add3A_488, %mul3A_503 : i32
        %add3A_505 = arith.constant 16 : i32
        %add3A_506 = arith.addi %mul3A_504, %add3A_505 : i32
        %get3A_507 = arith.index_cast %add3A_506 : i32 to index
        %get3A_508 = tpu.vector_load %arg5[%get3A_507] {strides = array<i32>} : memref<16640xi32, #tpu.memory_space<vmem>>, vector<16xi32>,
        %get3A_509 = vector.shape_cast %get3A_508 : vector<16xi32> to vector<16xi32>
        %and3A_510 = arith.constant 16383 : i32
        %and3A_511 = vector.broadcast %and3A_510 : i32 to vector<16xi32>
        %and3A_512 = arith.andi %get3A_509, %and3A_511 : vector<16xi32>
        %swap3A_513 = arith.constant 16 : index
        %swap3A_514 = tpu.vector_load %arg9[%swap3A_513] {strides = array<i32>} : memref<64xi32, #tpu.memory_space<vmem>>, vector<16xi32>,
        %swap3A_515 = vector.shape_cast %swap3A_514 : vector<16xi32> to vector<16xi32>
        %swap3A_516 = vector.shape_cast %and3A_512 : vector<16xi32> to vector<16xi32>
        tpu.vector_store %arg9[%swap3A_513], %swap3A_516 {strides = array<i32>} : memref<64xi32, #tpu.memory_space<vmem>>, vector<16xi32>,
        %mul3A_517 = arith.constant 64 : i32
        %mul3A_518 = arith.muli %add3A_488, %mul3A_517 : i32
        %add3A_519 = arith.constant 32 : i32
        %add3A_520 = arith.addi %mul3A_518, %add3A_519 : i32
        %get3A_521 = arith.index_cast %add3A_520 : i32 to index
        %get3A_522 = tpu.vector_load %arg5[%get3A_521] {strides = array<i32>} : memref<16640xi32, #tpu.memory_space<vmem>>, vector<16xi32>,
        %get3A_523 = vector.shape_cast %get3A_522 : vector<16xi32> to vector<16xi32>
        %and3A_524 = arith.constant 16383 : i32
        %and3A_525 = vector.broadcast %and3A_524 : i32 to vector<16xi32>
        %and3A_526 = arith.andi %get3A_523, %and3A_525 : vector<16xi32>
        %swap3A_527 = arith.constant 32 : index
        %swap3A_528 = tpu.vector_load %arg9[%swap3A_527] {strides = array<i32>} : memref<64xi32, #tpu.memory_space<vmem>>, vector<16xi32>,
        %swap3A_529 = vector.shape_cast %swap3A_528 : vector<16xi32> to vector<16xi32>
        %swap3A_530 = vector.shape_cast %and3A_526 : vector<16xi32> to vector<16xi32>
        tpu.vector_store %arg9[%swap3A_527], %swap3A_530 {strides = array<i32>} : memref<64xi32, #tpu.memory_space<vmem>>, vector<16xi32>,
        %mul3A_531 = arith.constant 64 : i32
        %mul3A_532 = arith.muli %add3A_488, %mul3A_531 : i32
        %add3A_533 = arith.constant 48 : i32
        %add3A_534 = arith.addi %mul3A_532, %add3A_533 : i32
        %get3A_535 = arith.index_cast %add3A_534 : i32 to index
        %get3A_536 = tpu.vector_load %arg5[%get3A_535] {strides = array<i32>} : memref<16640xi32, #tpu.memory_space<vmem>>, vector<16xi32>,
        %get3A_537 = vector.shape_cast %get3A_536 : vector<16xi32> to vector<16xi32>
        %and3A_538 = arith.constant 16383 : i32
        %and3A_539 = vector.broadcast %and3A_538 : i32 to vector<16xi32>
        %and3A_540 = arith.andi %get3A_537, %and3A_539 : vector<16xi32>
        %swap3A_541 = arith.constant 48 : index
        %swap3A_542 = tpu.vector_load %arg9[%swap3A_541] {strides = array<i32>} : memref<64xi32, #tpu.memory_space<vmem>>, vector<16xi32>,
        %swap3A_543 = vector.shape_cast %swap3A_542 : vector<16xi32> to vector<16xi32>
        %swap3A_544 = vector.shape_cast %and3A_540 : vector<16xi32> to vector<16xi32>
        tpu.vector_store %arg9[%swap3A_541], %swap3A_544 {strides = array<i32>} : memref<64xi32, #tpu.memory_space<vmem>>, vector<16xi32>,
        %dma_start3A_545 = arith.constant 0 : i32
        %dma_start3A_546 = arith.constant 0 : i32
        %dma_start3A_547 = tpu.memref_slice %arg2[%dma_start3A_545, %dma_start3A_546] : memref<10000x128xf32, #tpu.memory_space<hbm>> -> memref<10000x128xf32, #tpu.memory_space<hbm>>
        tpu.enqueue_indirect_dma source(%dma_start3A_547 : memref<10000x128xf32, #tpu.memory_space<hbm>>) target(%arg14 : memref<64x128xf32, #tpu.memory_space<vmem>>) offsets(%arg9 : memref<64xi32, #tpu.memory_space<vmem>>) semaphore(%arg19 : memref<!tpu.dma_semaphore, #tpu.memory_space<semaphore_mem>>)
      } else {
      }
      %add3A_286 = arith.constant 1 : i32
      %add3A_287 = arith.addi %mul3A_221, %add3A_286 : i32
      %dma_wait3A_288 = arith.constant 0 : i32
      %dma_wait3A_289 = arith.constant 0 : i32
      %dma_wait3A_290 = tpu.memref_slice %arg2[%dma_wait3A_288, %dma_wait3A_289] : memref<10000x128xf32, #tpu.memory_space<hbm>> -> memref<10000x128xf32, #tpu.memory_space<hbm>>
      tpu.wait_indirect_dma semaphore(%arg17 : memref<!tpu.dma_semaphore, #tpu.memory_space<semaphore_mem>>) src(%dma_wait3A_290 : memref<10000x128xf32, #tpu.memory_space<hbm>>) dst(%arg12 : memref<64x128xf32, #tpu.memory_space<vmem>>)
      %mul3A_291 = arith.constant 64 : i32
      %mul3A_292 = arith.muli %add3A_287, %mul3A_291 : i32
      %add3A_293 = arith.constant 0 : i32
      %add3A_294 = arith.addi %mul3A_292, %add3A_293 : i32
      %get3A_295 = arith.index_cast %add3A_294 : i32 to index
      %get3A_296 = tpu.vector_load %arg5[%get3A_295] {strides = array<i32>} : memref<16640xi32, #tpu.memory_space<vmem>>, vector<16xi32>,
      %get3A_297 = vector.shape_cast %get3A_296 : vector<16xi32> to vector<16xi32>
      %shift_right_logical3A_298 = arith.constant 14 : i32
      %shift_right_logical3A_299 = vector.broadcast %shift_right_logical3A_298 : i32 to vector<16xi32>
      %shift_right_logical3A_300 = arith.shrui %get3A_297, %shift_right_logical3A_299 : vector<16xi32>
      %swap3A_301 = arith.constant 0 : index
      %swap3A_302 = tpu.vector_load %arg10[%swap3A_301] {strides = array<i32>} : memref<64xi32, #tpu.memory_space<vmem>>, vector<16xi32>,
      %swap3A_303 = vector.shape_cast %swap3A_302 : vector<16xi32> to vector<16xi32>
      %swap3A_304 = vector.shape_cast %shift_right_logical3A_300 : vector<16xi32> to vector<16xi32>
      tpu.vector_store %arg10[%swap3A_301], %swap3A_304 {strides = array<i32>} : memref<64xi32, #tpu.memory_space<vmem>>, vector<16xi32>,
      %mul3A_305 = arith.constant 64 : i32
      %mul3A_306 = arith.muli %add3A_287, %mul3A_305 : i32
      %add3A_307 = arith.constant 16 : i32
      %add3A_308 = arith.addi %mul3A_306, %add3A_307 : i32
      %get3A_309 = arith.index_cast %add3A_308 : i32 to index
      %get3A_310 = tpu.vector_load %arg5[%get3A_309] {strides = array<i32>} : memref<16640xi32, #tpu.memory_space<vmem>>, vector<16xi32>,
      %get3A_311 = vector.shape_cast %get3A_310 : vector<16xi32> to vector<16xi32>
      %shift_right_logical3A_312 = arith.constant 14 : i32
      %shift_right_logical3A_313 = vector.broadcast %shift_right_logical3A_312 : i32 to vector<16xi32>
      %shift_right_logical3A_314 = arith.shrui %get3A_311, %shift_right_logical3A_313 : vector<16xi32>
      %swap3A_315 = arith.constant 16 : index
      %swap3A_316 = tpu.vector_load %arg10[%swap3A_315] {strides = array<i32>} : memref<64xi32, #tpu.memory_space<vmem>>, vector<16xi32>,
      %swap3A_317 = vector.shape_cast %swap3A_316 : vector<16xi32> to vector<16xi32>
      %swap3A_318 = vector.shape_cast %shift_right_logical3A_314 : vector<16xi32> to vector<16xi32>
      tpu.vector_store %arg10[%swap3A_315], %swap3A_318 {strides = array<i32>} : memref<64xi32, #tpu.memory_space<vmem>>, vector<16xi32>,
      %mul3A_319 = arith.constant 64 : i32
      %mul3A_320 = arith.muli %add3A_287, %mul3A_319 : i32
      %add3A_321 = arith.constant 32 : i32
      %add3A_322 = arith.addi %mul3A_320, %add3A_321 : i32
      %get3A_323 = arith.index_cast %add3A_322 : i32 to index
      %get3A_324 = tpu.vector_load %arg5[%get3A_323] {strides = array<i32>} : memref<16640xi32, #tpu.memory_space<vmem>>, vector<16xi32>,
      %get3A_325 = vector.shape_cast %get3A_324 : vector<16xi32> to vector<16xi32>
      %shift_right_logical3A_326 = arith.constant 14 : i32
      %shift_right_logical3A_327 = vector.broadcast %shift_right_logical3A_326 : i32 to vector<16xi32>
      %shift_right_logical3A_328 = arith.shrui %get3A_325, %shift_right_logical3A_327 : vector<16xi32>
      %swap3A_329 = arith.constant 32 : index
      %swap3A_330 = tpu.vector_load %arg10[%swap3A_329] {strides = array<i32>} : memref<64xi32, #tpu.memory_space<vmem>>, vector<16xi32>,
      %swap3A_331 = vector.shape_cast %swap3A_330 : vector<16xi32> to vector<16xi32>
      %swap3A_332 = vector.shape_cast %shift_right_logical3A_328 : vector<16xi32> to vector<16xi32>
      tpu.vector_store %arg10[%swap3A_329], %swap3A_332 {strides = array<i32>} : memref<64xi32, #tpu.memory_space<vmem>>, vector<16xi32>,
      %mul3A_333 = arith.constant 64 : i32
      %mul3A_334 = arith.muli %add3A_287, %mul3A_333 : i32
      %add3A_335 = arith.constant 48 : i32
      %add3A_336 = arith.addi %mul3A_334, %add3A_335 : i32
      %get3A_337 = arith.index_cast %add3A_336 : i32 to index
      %get3A_338 = tpu.vector_load %arg5[%get3A_337] {strides = array<i32>} : memref<16640xi32, #tpu.memory_space<vmem>>, vector<16xi32>,
      %get3A_339 = vector.shape_cast %get3A_338 : vector<16xi32> to vector<16xi32>
      %shift_right_logical3A_340 = arith.constant 14 : i32
      %shift_right_logical3A_341 = vector.broadcast %shift_right_logical3A_340 : i32 to vector<16xi32>
      %shift_right_logical3A_342 = arith.shrui %get3A_339, %shift_right_logical3A_341 : vector<16xi32>
      %swap3A_343 = arith.constant 48 : index
      %swap3A_344 = tpu.vector_load %arg10[%swap3A_343] {strides = array<i32>} : memref<64xi32, #tpu.memory_space<vmem>>, vector<16xi32>,
      %swap3A_345 = vector.shape_cast %swap3A_344 : vector<16xi32> to vector<16xi32>
      %swap3A_346 = vector.shape_cast %shift_right_logical3A_342 : vector<16xi32> to vector<16xi32>
      tpu.vector_store %arg10[%swap3A_343], %swap3A_346 {strides = array<i32>} : memref<64xi32, #tpu.memory_space<vmem>>, vector<16xi32>,
      "tpu.region"() ({
        %run_scoped3A = tpu.sem_alloc : memref<!tpu.dma_semaphore, #tpu.memory_space<semaphore_mem>>
        %dma_start3A_487 = arith.constant 0 : i32
        %dma_start3A_488 = arith.constant 0 : i32
        %dma_start3A_489 = tpu.memref_slice %arg15[%dma_start3A_487, %dma_start3A_488] : memref<10016x128xf32, #tpu.memory_space<vmem_shared>> -> memref<10016x128xf32, #tpu.memory_space<vmem_shared>>
        tpu.enqueue_indirect_dma source(%arg12 : memref<64x128xf32, #tpu.memory_space<vmem>>) target(%dma_start3A_489 : memref<10016x128xf32, #tpu.memory_space<vmem_shared>>) offsets(%arg10 : memref<64xi32, #tpu.memory_space<vmem>>) semaphore(%run_scoped3A : memref<!tpu.dma_semaphore, #tpu.memory_space<semaphore_mem>>) {add = true}
        %dma_wait3A_490 = arith.constant 0 : i32
        %dma_wait3A_491 = arith.constant 0 : i32
        %dma_wait3A_492 = tpu.memref_slice %arg15[%dma_wait3A_490, %dma_wait3A_491] : memref<10016x128xf32, #tpu.memory_space<vmem_shared>> -> memref<10016x128xf32, #tpu.memory_space<vmem_shared>>
        tpu.wait_indirect_dma semaphore(%run_scoped3A : memref<!tpu.dma_semaphore, #tpu.memory_space<semaphore_mem>>) src(%arg12 : memref<64x128xf32, #tpu.memory_space<vmem>>) dst(%dma_wait3A_492 : memref<10016x128xf32, #tpu.memory_space<vmem_shared>>)
        tpu.yield
      }) : () -> ()
      %add3A_347 = arith.constant 3 : i32
      %add3A_348 = arith.addi %add3A_287, %add3A_347 : i32
      %lt3A_349 = arith.cmpi slt, %add3A_348, %select_n3A_6 : i32
      %convert_element_type3A_350 = arith.extui %lt3A_349 : i1 to i32
      %cond3A_351 = arith.constant 0 : i32
      %cond3A_352 = arith.cmpi ne, %convert_element_type3A_350, %cond3A_351 : i32
      scf.if %cond3A_352 {
        %add3A_487 = arith.constant 3 : i32
        %add3A_488 = arith.addi %add3A_287, %add3A_487 : i32
        %mul3A_489 = arith.constant 64 : i32
        %mul3A_490 = arith.muli %add3A_488, %mul3A_489 : i32
        %add3A_491 = arith.constant 0 : i32
        %add3A_492 = arith.addi %mul3A_490, %add3A_491 : i32
        %get3A_493 = arith.index_cast %add3A_492 : i32 to index
        %get3A_494 = tpu.vector_load %arg5[%get3A_493] {strides = array<i32>} : memref<16640xi32, #tpu.memory_space<vmem>>, vector<16xi32>,
        %get3A_495 = vector.shape_cast %get3A_494 : vector<16xi32> to vector<16xi32>
        %and3A_496 = arith.constant 16383 : i32
        %and3A_497 = vector.broadcast %and3A_496 : i32 to vector<16xi32>
        %and3A_498 = arith.andi %get3A_495, %and3A_497 : vector<16xi32>
        %swap3A_499 = arith.constant 0 : index
        %swap3A_500 = tpu.vector_load %arg6[%swap3A_499] {strides = array<i32>} : memref<64xi32, #tpu.memory_space<vmem>>, vector<16xi32>,
        %swap3A_501 = vector.shape_cast %swap3A_500 : vector<16xi32> to vector<16xi32>
        %swap3A_502 = vector.shape_cast %and3A_498 : vector<16xi32> to vector<16xi32>
        tpu.vector_store %arg6[%swap3A_499], %swap3A_502 {strides = array<i32>} : memref<64xi32, #tpu.memory_space<vmem>>, vector<16xi32>,
        %mul3A_503 = arith.constant 64 : i32
        %mul3A_504 = arith.muli %add3A_488, %mul3A_503 : i32
        %add3A_505 = arith.constant 16 : i32
        %add3A_506 = arith.addi %mul3A_504, %add3A_505 : i32
        %get3A_507 = arith.index_cast %add3A_506 : i32 to index
        %get3A_508 = tpu.vector_load %arg5[%get3A_507] {strides = array<i32>} : memref<16640xi32, #tpu.memory_space<vmem>>, vector<16xi32>,
        %get3A_509 = vector.shape_cast %get3A_508 : vector<16xi32> to vector<16xi32>
        %and3A_510 = arith.constant 16383 : i32
        %and3A_511 = vector.broadcast %and3A_510 : i32 to vector<16xi32>
        %and3A_512 = arith.andi %get3A_509, %and3A_511 : vector<16xi32>
        %swap3A_513 = arith.constant 16 : index
        %swap3A_514 = tpu.vector_load %arg6[%swap3A_513] {strides = array<i32>} : memref<64xi32, #tpu.memory_space<vmem>>, vector<16xi32>,
        %swap3A_515 = vector.shape_cast %swap3A_514 : vector<16xi32> to vector<16xi32>
        %swap3A_516 = vector.shape_cast %and3A_512 : vector<16xi32> to vector<16xi32>
        tpu.vector_store %arg6[%swap3A_513], %swap3A_516 {strides = array<i32>} : memref<64xi32, #tpu.memory_space<vmem>>, vector<16xi32>,
        %mul3A_517 = arith.constant 64 : i32
        %mul3A_518 = arith.muli %add3A_488, %mul3A_517 : i32
        %add3A_519 = arith.constant 32 : i32
        %add3A_520 = arith.addi %mul3A_518, %add3A_519 : i32
        %get3A_521 = arith.index_cast %add3A_520 : i32 to index
        %get3A_522 = tpu.vector_load %arg5[%get3A_521] {strides = array<i32>} : memref<16640xi32, #tpu.memory_space<vmem>>, vector<16xi32>,
        %get3A_523 = vector.shape_cast %get3A_522 : vector<16xi32> to vector<16xi32>
        %and3A_524 = arith.constant 16383 : i32
        %and3A_525 = vector.broadcast %and3A_524 : i32 to vector<16xi32>
        %and3A_526 = arith.andi %get3A_523, %and3A_525 : vector<16xi32>
        %swap3A_527 = arith.constant 32 : index
        %swap3A_528 = tpu.vector_load %arg6[%swap3A_527] {strides = array<i32>} : memref<64xi32, #tpu.memory_space<vmem>>, vector<16xi32>,
        %swap3A_529 = vector.shape_cast %swap3A_528 : vector<16xi32> to vector<16xi32>
        %swap3A_530 = vector.shape_cast %and3A_526 : vector<16xi32> to vector<16xi32>
        tpu.vector_store %arg6[%swap3A_527], %swap3A_530 {strides = array<i32>} : memref<64xi32, #tpu.memory_space<vmem>>, vector<16xi32>,
        %mul3A_531 = arith.constant 64 : i32
        %mul3A_532 = arith.muli %add3A_488, %mul3A_531 : i32
        %add3A_533 = arith.constant 48 : i32
        %add3A_534 = arith.addi %mul3A_532, %add3A_533 : i32
        %get3A_535 = arith.index_cast %add3A_534 : i32 to index
        %get3A_536 = tpu.vector_load %arg5[%get3A_535] {strides = array<i32>} : memref<16640xi32, #tpu.memory_space<vmem>>, vector<16xi32>,
        %get3A_537 = vector.shape_cast %get3A_536 : vector<16xi32> to vector<16xi32>
        %and3A_538 = arith.constant 16383 : i32
        %and3A_539 = vector.broadcast %and3A_538 : i32 to vector<16xi32>
        %and3A_540 = arith.andi %get3A_537, %and3A_539 : vector<16xi32>
        %swap3A_541 = arith.constant 48 : index
        %swap3A_542 = tpu.vector_load %arg6[%swap3A_541] {strides = array<i32>} : memref<64xi32, #tpu.memory_space<vmem>>, vector<16xi32>,
        %swap3A_543 = vector.shape_cast %swap3A_542 : vector<16xi32> to vector<16xi32>
        %swap3A_544 = vector.shape_cast %and3A_540 : vector<16xi32> to vector<16xi32>
        tpu.vector_store %arg6[%swap3A_541], %swap3A_544 {strides = array<i32>} : memref<64xi32, #tpu.memory_space<vmem>>, vector<16xi32>,
        %dma_start3A_545 = arith.constant 0 : i32
        %dma_start3A_546 = arith.constant 0 : i32
        %dma_start3A_547 = tpu.memref_slice %arg2[%dma_start3A_545, %dma_start3A_546] : memref<10000x128xf32, #tpu.memory_space<hbm>> -> memref<10000x128xf32, #tpu.memory_space<hbm>>
        tpu.enqueue_indirect_dma source(%dma_start3A_547 : memref<10000x128xf32, #tpu.memory_space<hbm>>) target(%arg11 : memref<64x128xf32, #tpu.memory_space<vmem>>) offsets(%arg6 : memref<64xi32, #tpu.memory_space<vmem>>) semaphore(%arg16 : memref<!tpu.dma_semaphore, #tpu.memory_space<semaphore_mem>>)
      } else {
      }
      %add3A_353 = arith.constant 2 : i32
      %add3A_354 = arith.addi %mul3A_221, %add3A_353 : i32
      %dma_wait3A_355 = arith.constant 0 : i32
      %dma_wait3A_356 = arith.constant 0 : i32
      %dma_wait3A_357 = tpu.memref_slice %arg2[%dma_wait3A_355, %dma_wait3A_356] : memref<10000x128xf32, #tpu.memory_space<hbm>> -> memref<10000x128xf32, #tpu.memory_space<hbm>>
      tpu.wait_indirect_dma semaphore(%arg18 : memref<!tpu.dma_semaphore, #tpu.memory_space<semaphore_mem>>) src(%dma_wait3A_357 : memref<10000x128xf32, #tpu.memory_space<hbm>>) dst(%arg13 : memref<64x128xf32, #tpu.memory_space<vmem>>)
      %mul3A_358 = arith.constant 64 : i32
      %mul3A_359 = arith.muli %add3A_354, %mul3A_358 : i32
      %add3A_360 = arith.constant 0 : i32
      %add3A_361 = arith.addi %mul3A_359, %add3A_360 : i32
      %get3A_362 = arith.index_cast %add3A_361 : i32 to index
      %get3A_363 = tpu.vector_load %arg5[%get3A_362] {strides = array<i32>} : memref<16640xi32, #tpu.memory_space<vmem>>, vector<16xi32>,
      %get3A_364 = vector.shape_cast %get3A_363 : vector<16xi32> to vector<16xi32>
      %shift_right_logical3A_365 = arith.constant 14 : i32
      %shift_right_logical3A_366 = vector.broadcast %shift_right_logical3A_365 : i32 to vector<16xi32>
      %shift_right_logical3A_367 = arith.shrui %get3A_364, %shift_right_logical3A_366 : vector<16xi32>
      %swap3A_368 = arith.constant 0 : index
      %swap3A_369 = tpu.vector_load %arg10[%swap3A_368] {strides = array<i32>} : memref<64xi32, #tpu.memory_space<vmem>>, vector<16xi32>,
      %swap3A_370 = vector.shape_cast %swap3A_369 : vector<16xi32> to vector<16xi32>
      %swap3A_371 = vector.shape_cast %shift_right_logical3A_367 : vector<16xi32> to vector<16xi32>
      tpu.vector_store %arg10[%swap3A_368], %swap3A_371 {strides = array<i32>} : memref<64xi32, #tpu.memory_space<vmem>>, vector<16xi32>,
      %mul3A_372 = arith.constant 64 : i32
      %mul3A_373 = arith.muli %add3A_354, %mul3A_372 : i32
      %add3A_374 = arith.constant 16 : i32
      %add3A_375 = arith.addi %mul3A_373, %add3A_374 : i32
      %get3A_376 = arith.index_cast %add3A_375 : i32 to index
      %get3A_377 = tpu.vector_load %arg5[%get3A_376] {strides = array<i32>} : memref<16640xi32, #tpu.memory_space<vmem>>, vector<16xi32>,
      %get3A_378 = vector.shape_cast %get3A_377 : vector<16xi32> to vector<16xi32>
      %shift_right_logical3A_379 = arith.constant 14 : i32
      %shift_right_logical3A_380 = vector.broadcast %shift_right_logical3A_379 : i32 to vector<16xi32>
      %shift_right_logical3A_381 = arith.shrui %get3A_378, %shift_right_logical3A_380 : vector<16xi32>
      %swap3A_382 = arith.constant 16 : index
      %swap3A_383 = tpu.vector_load %arg10[%swap3A_382] {strides = array<i32>} : memref<64xi32, #tpu.memory_space<vmem>>, vector<16xi32>,
      %swap3A_384 = vector.shape_cast %swap3A_383 : vector<16xi32> to vector<16xi32>
      %swap3A_385 = vector.shape_cast %shift_right_logical3A_381 : vector<16xi32> to vector<16xi32>
      tpu.vector_store %arg10[%swap3A_382], %swap3A_385 {strides = array<i32>} : memref<64xi32, #tpu.memory_space<vmem>>, vector<16xi32>,
      %mul3A_386 = arith.constant 64 : i32
      %mul3A_387 = arith.muli %add3A_354, %mul3A_386 : i32
      %add3A_388 = arith.constant 32 : i32
      %add3A_389 = arith.addi %mul3A_387, %add3A_388 : i32
      %get3A_390 = arith.index_cast %add3A_389 : i32 to index
      %get3A_391 = tpu.vector_load %arg5[%get3A_390] {strides = array<i32>} : memref<16640xi32, #tpu.memory_space<vmem>>, vector<16xi32>,
      %get3A_392 = vector.shape_cast %get3A_391 : vector<16xi32> to vector<16xi32>
      %shift_right_logical3A_393 = arith.constant 14 : i32
      %shift_right_logical3A_394 = vector.broadcast %shift_right_logical3A_393 : i32 to vector<16xi32>
      %shift_right_logical3A_395 = arith.shrui %get3A_392, %shift_right_logical3A_394 : vector<16xi32>
      %swap3A_396 = arith.constant 32 : index
      %swap3A_397 = tpu.vector_load %arg10[%swap3A_396] {strides = array<i32>} : memref<64xi32, #tpu.memory_space<vmem>>, vector<16xi32>,
      %swap3A_398 = vector.shape_cast %swap3A_397 : vector<16xi32> to vector<16xi32>
      %swap3A_399 = vector.shape_cast %shift_right_logical3A_395 : vector<16xi32> to vector<16xi32>
      tpu.vector_store %arg10[%swap3A_396], %swap3A_399 {strides = array<i32>} : memref<64xi32, #tpu.memory_space<vmem>>, vector<16xi32>,
      %mul3A_400 = arith.constant 64 : i32
      %mul3A_401 = arith.muli %add3A_354, %mul3A_400 : i32
      %add3A_402 = arith.constant 48 : i32
      %add3A_403 = arith.addi %mul3A_401, %add3A_402 : i32
      %get3A_404 = arith.index_cast %add3A_403 : i32 to index
      %get3A_405 = tpu.vector_load %arg5[%get3A_404] {strides = array<i32>} : memref<16640xi32, #tpu.memory_space<vmem>>, vector<16xi32>,
      %get3A_406 = vector.shape_cast %get3A_405 : vector<16xi32> to vector<16xi32>
      %shift_right_logical3A_407 = arith.constant 14 : i32
      %shift_right_logical3A_408 = vector.broadcast %shift_right_logical3A_407 : i32 to vector<16xi32>
      %shift_right_logical3A_409 = arith.shrui %get3A_406, %shift_right_logical3A_408 : vector<16xi32>
      %swap3A_410 = arith.constant 48 : index
      %swap3A_411 = tpu.vector_load %arg10[%swap3A_410] {strides = array<i32>} : memref<64xi32, #tpu.memory_space<vmem>>, vector<16xi32>,
      %swap3A_412 = vector.shape_cast %swap3A_411 : vector<16xi32> to vector<16xi32>
      %swap3A_413 = vector.shape_cast %shift_right_logical3A_409 : vector<16xi32> to vector<16xi32>
      tpu.vector_store %arg10[%swap3A_410], %swap3A_413 {strides = array<i32>} : memref<64xi32, #tpu.memory_space<vmem>>, vector<16xi32>,
      "tpu.region"() ({
        %run_scoped3A = tpu.sem_alloc : memref<!tpu.dma_semaphore, #tpu.memory_space<semaphore_mem>>
        %dma_start3A_487 = arith.constant 0 : i32
        %dma_start3A_488 = arith.constant 0 : i32
        %dma_start3A_489 = tpu.memref_slice %arg15[%dma_start3A_487, %dma_start3A_488] : memref<10016x128xf32, #tpu.memory_space<vmem_shared>> -> memref<10016x128xf32, #tpu.memory_space<vmem_shared>>
        tpu.enqueue_indirect_dma source(%arg13 : memref<64x128xf32, #tpu.memory_space<vmem>>) target(%dma_start3A_489 : memref<10016x128xf32, #tpu.memory_space<vmem_shared>>) offsets(%arg10 : memref<64xi32, #tpu.memory_space<vmem>>) semaphore(%run_scoped3A : memref<!tpu.dma_semaphore, #tpu.memory_space<semaphore_mem>>) {add = true}
        %dma_wait3A_490 = arith.constant 0 : i32
        %dma_wait3A_491 = arith.constant 0 : i32
        %dma_wait3A_492 = tpu.memref_slice %arg15[%dma_wait3A_490, %dma_wait3A_491] : memref<10016x128xf32, #tpu.memory_space<vmem_shared>> -> memref<10016x128xf32, #tpu.memory_space<vmem_shared>>
        tpu.wait_indirect_dma semaphore(%run_scoped3A : memref<!tpu.dma_semaphore, #tpu.memory_space<semaphore_mem>>) src(%arg13 : memref<64x128xf32, #tpu.memory_space<vmem>>) dst(%dma_wait3A_492 : memref<10016x128xf32, #tpu.memory_space<vmem_shared>>)
        tpu.yield
      }) : () -> ()
      %add3A_414 = arith.constant 3 : i32
      %add3A_415 = arith.addi %add3A_354, %add3A_414 : i32
      %lt3A_416 = arith.cmpi slt, %add3A_415, %select_n3A_6 : i32
      %convert_element_type3A_417 = arith.extui %lt3A_416 : i1 to i32
      %cond3A_418 = arith.constant 0 : i32
      %cond3A_419 = arith.cmpi ne, %convert_element_type3A_417, %cond3A_418 : i32
      scf.if %cond3A_419 {
        %add3A_487 = arith.constant 3 : i32
        %add3A_488 = arith.addi %add3A_354, %add3A_487 : i32
        %mul3A_489 = arith.constant 64 : i32
        %mul3A_490 = arith.muli %add3A_488, %mul3A_489 : i32
        %add3A_491 = arith.constant 0 : i32
        %add3A_492 = arith.addi %mul3A_490, %add3A_491 : i32
        %get3A_493 = arith.index_cast %add3A_492 : i32 to index
        %get3A_494 = tpu.vector_load %arg5[%get3A_493] {strides = array<i32>} : memref<16640xi32, #tpu.memory_space<vmem>>, vector<16xi32>,
        %get3A_495 = vector.shape_cast %get3A_494 : vector<16xi32> to vector<16xi32>
        %and3A_496 = arith.constant 16383 : i32
        %and3A_497 = vector.broadcast %and3A_496 : i32 to vector<16xi32>
        %and3A_498 = arith.andi %get3A_495, %and3A_497 : vector<16xi32>
        %swap3A_499 = arith.constant 0 : index
        %swap3A_500 = tpu.vector_load %arg7[%swap3A_499] {strides = array<i32>} : memref<64xi32, #tpu.memory_space<vmem>>, vector<16xi32>,
        %swap3A_501 = vector.shape_cast %swap3A_500 : vector<16xi32> to vector<16xi32>
        %swap3A_502 = vector.shape_cast %and3A_498 : vector<16xi32> to vector<16xi32>
        tpu.vector_store %arg7[%swap3A_499], %swap3A_502 {strides = array<i32>} : memref<64xi32, #tpu.memory_space<vmem>>, vector<16xi32>,
        %mul3A_503 = arith.constant 64 : i32
        %mul3A_504 = arith.muli %add3A_488, %mul3A_503 : i32
        %add3A_505 = arith.constant 16 : i32
        %add3A_506 = arith.addi %mul3A_504, %add3A_505 : i32
        %get3A_507 = arith.index_cast %add3A_506 : i32 to index
        %get3A_508 = tpu.vector_load %arg5[%get3A_507] {strides = array<i32>} : memref<16640xi32, #tpu.memory_space<vmem>>, vector<16xi32>,
        %get3A_509 = vector.shape_cast %get3A_508 : vector<16xi32> to vector<16xi32>
        %and3A_510 = arith.constant 16383 : i32
        %and3A_511 = vector.broadcast %and3A_510 : i32 to vector<16xi32>
        %and3A_512 = arith.andi %get3A_509, %and3A_511 : vector<16xi32>
        %swap3A_513 = arith.constant 16 : index
        %swap3A_514 = tpu.vector_load %arg7[%swap3A_513] {strides = array<i32>} : memref<64xi32, #tpu.memory_space<vmem>>, vector<16xi32>,
        %swap3A_515 = vector.shape_cast %swap3A_514 : vector<16xi32> to vector<16xi32>
        %swap3A_516 = vector.shape_cast %and3A_512 : vector<16xi32> to vector<16xi32>
        tpu.vector_store %arg7[%swap3A_513], %swap3A_516 {strides = array<i32>} : memref<64xi32, #tpu.memory_space<vmem>>, vector<16xi32>,
        %mul3A_517 = arith.constant 64 : i32
        %mul3A_518 = arith.muli %add3A_488, %mul3A_517 : i32
        %add3A_519 = arith.constant 32 : i32
        %add3A_520 = arith.addi %mul3A_518, %add3A_519 : i32
        %get3A_521 = arith.index_cast %add3A_520 : i32 to index
        %get3A_522 = tpu.vector_load %arg5[%get3A_521] {strides = array<i32>} : memref<16640xi32, #tpu.memory_space<vmem>>, vector<16xi32>,
        %get3A_523 = vector.shape_cast %get3A_522 : vector<16xi32> to vector<16xi32>
        %and3A_524 = arith.constant 16383 : i32
        %and3A_525 = vector.broadcast %and3A_524 : i32 to vector<16xi32>
        %and3A_526 = arith.andi %get3A_523, %and3A_525 : vector<16xi32>
        %swap3A_527 = arith.constant 32 : index
        %swap3A_528 = tpu.vector_load %arg7[%swap3A_527] {strides = array<i32>} : memref<64xi32, #tpu.memory_space<vmem>>, vector<16xi32>,
        %swap3A_529 = vector.shape_cast %swap3A_528 : vector<16xi32> to vector<16xi32>
        %swap3A_530 = vector.shape_cast %and3A_526 : vector<16xi32> to vector<16xi32>
        tpu.vector_store %arg7[%swap3A_527], %swap3A_530 {strides = array<i32>} : memref<64xi32, #tpu.memory_space<vmem>>, vector<16xi32>,
        %mul3A_531 = arith.constant 64 : i32
        %mul3A_532 = arith.muli %add3A_488, %mul3A_531 : i32
        %add3A_533 = arith.constant 48 : i32
        %add3A_534 = arith.addi %mul3A_532, %add3A_533 : i32
        %get3A_535 = arith.index_cast %add3A_534 : i32 to index
        %get3A_536 = tpu.vector_load %arg5[%get3A_535] {strides = array<i32>} : memref<16640xi32, #tpu.memory_space<vmem>>, vector<16xi32>,
        %get3A_537 = vector.shape_cast %get3A_536 : vector<16xi32> to vector<16xi32>
        %and3A_538 = arith.constant 16383 : i32
        %and3A_539 = vector.broadcast %and3A_538 : i32 to vector<16xi32>
        %and3A_540 = arith.andi %get3A_537, %and3A_539 : vector<16xi32>
        %swap3A_541 = arith.constant 48 : index
        %swap3A_542 = tpu.vector_load %arg7[%swap3A_541] {strides = array<i32>} : memref<64xi32, #tpu.memory_space<vmem>>, vector<16xi32>,
        %swap3A_543 = vector.shape_cast %swap3A_542 : vector<16xi32> to vector<16xi32>
        %swap3A_544 = vector.shape_cast %and3A_540 : vector<16xi32> to vector<16xi32>
        tpu.vector_store %arg7[%swap3A_541], %swap3A_544 {strides = array<i32>} : memref<64xi32, #tpu.memory_space<vmem>>, vector<16xi32>,
        %dma_start3A_545 = arith.constant 0 : i32
        %dma_start3A_546 = arith.constant 0 : i32
        %dma_start3A_547 = tpu.memref_slice %arg2[%dma_start3A_545, %dma_start3A_546] : memref<10000x128xf32, #tpu.memory_space<hbm>> -> memref<10000x128xf32, #tpu.memory_space<hbm>>
        tpu.enqueue_indirect_dma source(%dma_start3A_547 : memref<10000x128xf32, #tpu.memory_space<hbm>>) target(%arg12 : memref<64x128xf32, #tpu.memory_space<vmem>>) offsets(%arg7 : memref<64xi32, #tpu.memory_space<vmem>>) semaphore(%arg17 : memref<!tpu.dma_semaphore, #tpu.memory_space<semaphore_mem>>)
      } else {
      }
      %add3A_420 = arith.constant 3 : i32
      %add3A_421 = arith.addi %mul3A_221, %add3A_420 : i32
      %dma_wait3A_422 = arith.constant 0 : i32
      %dma_wait3A_423 = arith.constant 0 : i32
      %dma_wait3A_424 = tpu.memref_slice %arg2[%dma_wait3A_422, %dma_wait3A_423] : memref<10000x128xf32, #tpu.memory_space<hbm>> -> memref<10000x128xf32, #tpu.memory_space<hbm>>
      tpu.wait_indirect_dma semaphore(%arg19 : memref<!tpu.dma_semaphore, #tpu.memory_space<semaphore_mem>>) src(%dma_wait3A_424 : memref<10000x128xf32, #tpu.memory_space<hbm>>) dst(%arg14 : memref<64x128xf32, #tpu.memory_space<vmem>>)
      %mul3A_425 = arith.constant 64 : i32
      %mul3A_426 = arith.muli %add3A_421, %mul3A_425 : i32
      %add3A_427 = arith.constant 0 : i32
      %add3A_428 = arith.addi %mul3A_426, %add3A_427 : i32
      %get3A_429 = arith.index_cast %add3A_428 : i32 to index
      %get3A_430 = tpu.vector_load %arg5[%get3A_429] {strides = array<i32>} : memref<16640xi32, #tpu.memory_space<vmem>>, vector<16xi32>,
      %get3A_431 = vector.shape_cast %get3A_430 : vector<16xi32> to vector<16xi32>
      %shift_right_logical3A_432 = arith.constant 14 : i32
      %shift_right_logical3A_433 = vector.broadcast %shift_right_logical3A_432 : i32 to vector<16xi32>
      %shift_right_logical3A_434 = arith.shrui %get3A_431, %shift_right_logical3A_433 : vector<16xi32>
      %swap3A_435 = arith.constant 0 : index
      %swap3A_436 = tpu.vector_load %arg10[%swap3A_435] {strides = array<i32>} : memref<64xi32, #tpu.memory_space<vmem>>, vector<16xi32>,
      %swap3A_437 = vector.shape_cast %swap3A_436 : vector<16xi32> to vector<16xi32>
      %swap3A_438 = vector.shape_cast %shift_right_logical3A_434 : vector<16xi32> to vector<16xi32>
      tpu.vector_store %arg10[%swap3A_435], %swap3A_438 {strides = array<i32>} : memref<64xi32, #tpu.memory_space<vmem>>, vector<16xi32>,
      %mul3A_439 = arith.constant 64 : i32
      %mul3A_440 = arith.muli %add3A_421, %mul3A_439 : i32
      %add3A_441 = arith.constant 16 : i32
      %add3A_442 = arith.addi %mul3A_440, %add3A_441 : i32
      %get3A_443 = arith.index_cast %add3A_442 : i32 to index
      %get3A_444 = tpu.vector_load %arg5[%get3A_443] {strides = array<i32>} : memref<16640xi32, #tpu.memory_space<vmem>>, vector<16xi32>,
      %get3A_445 = vector.shape_cast %get3A_444 : vector<16xi32> to vector<16xi32>
      %shift_right_logical3A_446 = arith.constant 14 : i32
      %shift_right_logical3A_447 = vector.broadcast %shift_right_logical3A_446 : i32 to vector<16xi32>
      %shift_right_logical3A_448 = arith.shrui %get3A_445, %shift_right_logical3A_447 : vector<16xi32>
      %swap3A_449 = arith.constant 16 : index
      %swap3A_450 = tpu.vector_load %arg10[%swap3A_449] {strides = array<i32>} : memref<64xi32, #tpu.memory_space<vmem>>, vector<16xi32>,
      %swap3A_451 = vector.shape_cast %swap3A_450 : vector<16xi32> to vector<16xi32>
      %swap3A_452 = vector.shape_cast %shift_right_logical3A_448 : vector<16xi32> to vector<16xi32>
      tpu.vector_store %arg10[%swap3A_449], %swap3A_452 {strides = array<i32>} : memref<64xi32, #tpu.memory_space<vmem>>, vector<16xi32>,
      %mul3A_453 = arith.constant 64 : i32
      %mul3A_454 = arith.muli %add3A_421, %mul3A_453 : i32
      %add3A_455 = arith.constant 32 : i32
      %add3A_456 = arith.addi %mul3A_454, %add3A_455 : i32
      %get3A_457 = arith.index_cast %add3A_456 : i32 to index
      %get3A_458 = tpu.vector_load %arg5[%get3A_457] {strides = array<i32>} : memref<16640xi32, #tpu.memory_space<vmem>>, vector<16xi32>,
      %get3A_459 = vector.shape_cast %get3A_458 : vector<16xi32> to vector<16xi32>
      %shift_right_logical3A_460 = arith.constant 14 : i32
      %shift_right_logical3A_461 = vector.broadcast %shift_right_logical3A_460 : i32 to vector<16xi32>
      %shift_right_logical3A_462 = arith.shrui %get3A_459, %shift_right_logical3A_461 : vector<16xi32>
      %swap3A_463 = arith.constant 32 : index
      %swap3A_464 = tpu.vector_load %arg10[%swap3A_463] {strides = array<i32>} : memref<64xi32, #tpu.memory_space<vmem>>, vector<16xi32>,
      %swap3A_465 = vector.shape_cast %swap3A_464 : vector<16xi32> to vector<16xi32>
      %swap3A_466 = vector.shape_cast %shift_right_logical3A_462 : vector<16xi32> to vector<16xi32>
      tpu.vector_store %arg10[%swap3A_463], %swap3A_466 {strides = array<i32>} : memref<64xi32, #tpu.memory_space<vmem>>, vector<16xi32>,
      %mul3A_467 = arith.constant 64 : i32
      %mul3A_468 = arith.muli %add3A_421, %mul3A_467 : i32
      %add3A_469 = arith.constant 48 : i32
      %add3A_470 = arith.addi %mul3A_468, %add3A_469 : i32
      %get3A_471 = arith.index_cast %add3A_470 : i32 to index
      %get3A_472 = tpu.vector_load %arg5[%get3A_471] {strides = array<i32>} : memref<16640xi32, #tpu.memory_space<vmem>>, vector<16xi32>,
      %get3A_473 = vector.shape_cast %get3A_472 : vector<16xi32> to vector<16xi32>
      %shift_right_logical3A_474 = arith.constant 14 : i32
      %shift_right_logical3A_475 = vector.broadcast %shift_right_logical3A_474 : i32 to vector<16xi32>
      %shift_right_logical3A_476 = arith.shrui %get3A_473, %shift_right_logical3A_475 : vector<16xi32>
      %swap3A_477 = arith.constant 48 : index
      %swap3A_478 = tpu.vector_load %arg10[%swap3A_477] {strides = array<i32>} : memref<64xi32, #tpu.memory_space<vmem>>, vector<16xi32>,
      %swap3A_479 = vector.shape_cast %swap3A_478 : vector<16xi32> to vector<16xi32>
      %swap3A_480 = vector.shape_cast %shift_right_logical3A_476 : vector<16xi32> to vector<16xi32>
      tpu.vector_store %arg10[%swap3A_477], %swap3A_480 {strides = array<i32>} : memref<64xi32, #tpu.memory_space<vmem>>, vector<16xi32>,
      "tpu.region"() ({
        %run_scoped3A = tpu.sem_alloc : memref<!tpu.dma_semaphore, #tpu.memory_space<semaphore_mem>>
        %dma_start3A_487 = arith.constant 0 : i32
        %dma_start3A_488 = arith.constant 0 : i32
        %dma_start3A_489 = tpu.memref_slice %arg15[%dma_start3A_487, %dma_start3A_488] : memref<10016x128xf32, #tpu.memory_space<vmem_shared>> -> memref<10016x128xf32, #tpu.memory_space<vmem_shared>>
        tpu.enqueue_indirect_dma source(%arg14 : memref<64x128xf32, #tpu.memory_space<vmem>>) target(%dma_start3A_489 : memref<10016x128xf32, #tpu.memory_space<vmem_shared>>) offsets(%arg10 : memref<64xi32, #tpu.memory_space<vmem>>) semaphore(%run_scoped3A : memref<!tpu.dma_semaphore, #tpu.memory_space<semaphore_mem>>) {add = true}
        %dma_wait3A_490 = arith.constant 0 : i32
        %dma_wait3A_491 = arith.constant 0 : i32
        %dma_wait3A_492 = tpu.memref_slice %arg15[%dma_wait3A_490, %dma_wait3A_491] : memref<10016x128xf32, #tpu.memory_space<vmem_shared>> -> memref<10016x128xf32, #tpu.memory_space<vmem_shared>>
        tpu.wait_indirect_dma semaphore(%run_scoped3A : memref<!tpu.dma_semaphore, #tpu.memory_space<semaphore_mem>>) src(%arg14 : memref<64x128xf32, #tpu.memory_space<vmem>>) dst(%dma_wait3A_492 : memref<10016x128xf32, #tpu.memory_space<vmem_shared>>)
        tpu.yield
      }) : () -> ()
      %add3A_481 = arith.constant 3 : i32
      %add3A_482 = arith.addi %add3A_421, %add3A_481 : i32
      %lt3A_483 = arith.cmpi slt, %add3A_482, %select_n3A_6 : i32
      %convert_element_type3A_484 = arith.extui %lt3A_483 : i1 to i32
      %cond3A_485 = arith.constant 0 : i32
      %cond3A_486 = arith.cmpi ne, %convert_element_type3A_484, %cond3A_485 : i32
      scf.if %cond3A_486 {
        %add3A_487 = arith.constant 3 : i32
        %add3A_488 = arith.addi %add3A_421, %add3A_487 : i32
        %mul3A_489 = arith.constant 64 : i32
        %mul3A_490 = arith.muli %add3A_488, %mul3A_489 : i32
        %add3A_491 = arith.constant 0 : i32
        %add3A_492 = arith.addi %mul3A_490, %add3A_491 : i32
        %get3A_493 = arith.index_cast %add3A_492 : i32 to index
        %get3A_494 = tpu.vector_load %arg5[%get3A_493] {strides = array<i32>} : memref<16640xi32, #tpu.memory_space<vmem>>, vector<16xi32>,
        %get3A_495 = vector.shape_cast %get3A_494 : vector<16xi32> to vector<16xi32>
        %and3A_496 = arith.constant 16383 : i32
        %and3A_497 = vector.broadcast %and3A_496 : i32 to vector<16xi32>
        %and3A_498 = arith.andi %get3A_495, %and3A_497 : vector<16xi32>
        %swap3A_499 = arith.constant 0 : index
        %swap3A_500 = tpu.vector_load %arg8[%swap3A_499] {strides = array<i32>} : memref<64xi32, #tpu.memory_space<vmem>>, vector<16xi32>,
        %swap3A_501 = vector.shape_cast %swap3A_500 : vector<16xi32> to vector<16xi32>
        %swap3A_502 = vector.shape_cast %and3A_498 : vector<16xi32> to vector<16xi32>
        tpu.vector_store %arg8[%swap3A_499], %swap3A_502 {strides = array<i32>} : memref<64xi32, #tpu.memory_space<vmem>>, vector<16xi32>,
        %mul3A_503 = arith.constant 64 : i32
        %mul3A_504 = arith.muli %add3A_488, %mul3A_503 : i32
        %add3A_505 = arith.constant 16 : i32
        %add3A_506 = arith.addi %mul3A_504, %add3A_505 : i32
        %get3A_507 = arith.index_cast %add3A_506 : i32 to index
        %get3A_508 = tpu.vector_load %arg5[%get3A_507] {strides = array<i32>} : memref<16640xi32, #tpu.memory_space<vmem>>, vector<16xi32>,
        %get3A_509 = vector.shape_cast %get3A_508 : vector<16xi32> to vector<16xi32>
        %and3A_510 = arith.constant 16383 : i32
        %and3A_511 = vector.broadcast %and3A_510 : i32 to vector<16xi32>
        %and3A_512 = arith.andi %get3A_509, %and3A_511 : vector<16xi32>
        %swap3A_513 = arith.constant 16 : index
        %swap3A_514 = tpu.vector_load %arg8[%swap3A_513] {strides = array<i32>} : memref<64xi32, #tpu.memory_space<vmem>>, vector<16xi32>,
        %swap3A_515 = vector.shape_cast %swap3A_514 : vector<16xi32> to vector<16xi32>
        %swap3A_516 = vector.shape_cast %and3A_512 : vector<16xi32> to vector<16xi32>
        tpu.vector_store %arg8[%swap3A_513], %swap3A_516 {strides = array<i32>} : memref<64xi32, #tpu.memory_space<vmem>>, vector<16xi32>,
        %mul3A_517 = arith.constant 64 : i32
        %mul3A_518 = arith.muli %add3A_488, %mul3A_517 : i32
        %add3A_519 = arith.constant 32 : i32
        %add3A_520 = arith.addi %mul3A_518, %add3A_519 : i32
        %get3A_521 = arith.index_cast %add3A_520 : i32 to index
        %get3A_522 = tpu.vector_load %arg5[%get3A_521] {strides = array<i32>} : memref<16640xi32, #tpu.memory_space<vmem>>, vector<16xi32>,
        %get3A_523 = vector.shape_cast %get3A_522 : vector<16xi32> to vector<16xi32>
        %and3A_524 = arith.constant 16383 : i32
        %and3A_525 = vector.broadcast %and3A_524 : i32 to vector<16xi32>
        %and3A_526 = arith.andi %get3A_523, %and3A_525 : vector<16xi32>
        %swap3A_527 = arith.constant 32 : index
        %swap3A_528 = tpu.vector_load %arg8[%swap3A_527] {strides = array<i32>} : memref<64xi32, #tpu.memory_space<vmem>>, vector<16xi32>,
        %swap3A_529 = vector.shape_cast %swap3A_528 : vector<16xi32> to vector<16xi32>
        %swap3A_530 = vector.shape_cast %and3A_526 : vector<16xi32> to vector<16xi32>
        tpu.vector_store %arg8[%swap3A_527], %swap3A_530 {strides = array<i32>} : memref<64xi32, #tpu.memory_space<vmem>>, vector<16xi32>,
        %mul3A_531 = arith.constant 64 : i32
        %mul3A_532 = arith.muli %add3A_488, %mul3A_531 : i32
        %add3A_533 = arith.constant 48 : i32
        %add3A_534 = arith.addi %mul3A_532, %add3A_533 : i32
        %get3A_535 = arith.index_cast %add3A_534 : i32 to index
        %get3A_536 = tpu.vector_load %arg5[%get3A_535] {strides = array<i32>} : memref<16640xi32, #tpu.memory_space<vmem>>, vector<16xi32>,
        %get3A_537 = vector.shape_cast %get3A_536 : vector<16xi32> to vector<16xi32>
        %and3A_538 = arith.constant 16383 : i32
        %and3A_539 = vector.broadcast %and3A_538 : i32 to vector<16xi32>
        %and3A_540 = arith.andi %get3A_537, %and3A_539 : vector<16xi32>
        %swap3A_541 = arith.constant 48 : index
        %swap3A_542 = tpu.vector_load %arg8[%swap3A_541] {strides = array<i32>} : memref<64xi32, #tpu.memory_space<vmem>>, vector<16xi32>,
        %swap3A_543 = vector.shape_cast %swap3A_542 : vector<16xi32> to vector<16xi32>
        %swap3A_544 = vector.shape_cast %and3A_540 : vector<16xi32> to vector<16xi32>
        tpu.vector_store %arg8[%swap3A_541], %swap3A_544 {strides = array<i32>} : memref<64xi32, #tpu.memory_space<vmem>>, vector<16xi32>,
        %dma_start3A_545 = arith.constant 0 : i32
        %dma_start3A_546 = arith.constant 0 : i32
        %dma_start3A_547 = tpu.memref_slice %arg2[%dma_start3A_545, %dma_start3A_546] : memref<10000x128xf32, #tpu.memory_space<hbm>> -> memref<10000x128xf32, #tpu.memory_space<hbm>>
        tpu.enqueue_indirect_dma source(%dma_start3A_547 : memref<10000x128xf32, #tpu.memory_space<hbm>>) target(%arg13 : memref<64x128xf32, #tpu.memory_space<vmem>>) offsets(%arg8 : memref<64xi32, #tpu.memory_space<vmem>>) semaphore(%arg18 : memref<!tpu.dma_semaphore, #tpu.memory_space<semaphore_mem>>)
      } else {
      }
    }
    %barrier3A_211 = arith.constant 0 : index
    tpu.barrier barrier_id(%barrier3A_211)
    %mul3A_212 = arith.constant 624 : i32
    %mul3A_213 = arith.muli %arg1, %mul3A_212 : i32
    "tpu.region"() ({
      %run_scoped3A = tpu.sem_alloc : memref<!tpu.dma_semaphore, #tpu.memory_space<semaphore_mem>>
      %dma_start3A_219 = arith.constant 0 : i32
      %dma_start3A_220 = tpu.memref_slice %arg4[%arg0, %mul3A_213, %dma_start3A_219] : memref<2x10000x128xf32, #tpu.memory_space<hbm>> -> memref<1x624x128xf32, #tpu.memory_space<hbm>>
      %dma_start3A_221 = tpu.memref_squeeze %dma_start3A_220 : memref<1x624x128xf32, #tpu.memory_space<hbm>> -> memref<624x128xf32, #tpu.memory_space<hbm>>
      %dma_start3A_222 = arith.constant 0 : i32
      %dma_start3A_223 = tpu.memref_slice %arg15[%mul3A_213, %dma_start3A_222] : memref<10016x128xf32, #tpu.memory_space<vmem_shared>> -> memref<624x128xf32, #tpu.memory_space<vmem_shared>>
      tpu.enqueue_dma source(%dma_start3A_223 : memref<624x128xf32, #tpu.memory_space<vmem_shared>>) target(%dma_start3A_221 : memref<624x128xf32, #tpu.memory_space<hbm>>) target_semaphore(%run_scoped3A : memref<!tpu.dma_semaphore, #tpu.memory_space<semaphore_mem>>)
      %dma_wait3A = arith.constant 0 : i32
      %dma_wait3A_224 = tpu.memref_slice %arg4[%arg0, %mul3A_213, %dma_wait3A] : memref<2x10000x128xf32, #tpu.memory_space<hbm>> -> memref<1x624x128xf32, #tpu.memory_space<hbm>>
      %dma_wait3A_225 = tpu.memref_squeeze %dma_wait3A_224 : memref<1x624x128xf32, #tpu.memory_space<hbm>> -> memref<624x128xf32, #tpu.memory_space<hbm>>
      %dma_wait3A_226 = arith.constant 0 : i32
      %dma_wait3A_227 = tpu.memref_slice %arg15[%mul3A_213, %dma_wait3A_226] : memref<10016x128xf32, #tpu.memory_space<vmem_shared>> -> memref<624x128xf32, #tpu.memory_space<vmem_shared>>
      tpu.wait_dma2 semaphore(%run_scoped3A : memref<!tpu.dma_semaphore, #tpu.memory_space<semaphore_mem>>) src(%dma_wait3A_227 : memref<624x128xf32, #tpu.memory_space<vmem_shared>>) dst(%dma_wait3A_225 : memref<624x128xf32, #tpu.memory_space<hbm>>)
      tpu.yield
    }) : () -> ()
    %eq3A_214 = arith.constant 15 : i32
    %eq3A_215 = arith.cmpi eq, %arg1, %eq3A_214 : i32
    %convert_element_type3A_216 = arith.extui %eq3A_215 : i1 to i32
    %cond3A_217 = arith.constant 0 : i32
    %cond3A_218 = arith.cmpi ne, %convert_element_type3A_216, %cond3A_217 : i32
    scf.if %cond3A_218 {
      "tpu.region"() ({
        %run_scoped3A = tpu.sem_alloc : memref<!tpu.dma_semaphore, #tpu.memory_space<semaphore_mem>>
        %dma_start3A_219 = arith.constant 9984 : i32
        %dma_start3A_220 = arith.constant 0 : i32
        %dma_start3A_221 = tpu.memref_slice %arg4[%arg0, %dma_start3A_219, %dma_start3A_220] : memref<2x10000x128xf32, #tpu.memory_space<hbm>> -> memref<1x16x128xf32, #tpu.memory_space<hbm>>
        %dma_start3A_222 = tpu.memref_squeeze %dma_start3A_221 : memref<1x16x128xf32, #tpu.memory_space<hbm>> -> memref<16x128xf32, #tpu.memory_space<hbm>>
        %dma_start3A_223 = arith.constant 9984 : i32
        %dma_start3A_224 = arith.constant 0 : i32
        %dma_start3A_225 = tpu.memref_slice %arg15[%dma_start3A_223, %dma_start3A_224] : memref<10016x128xf32, #tpu.memory_space<vmem_shared>> -> memref<16x128xf32, #tpu.memory_space<vmem_shared>>
        tpu.enqueue_dma source(%dma_start3A_225 : memref<16x128xf32, #tpu.memory_space<vmem_shared>>) target(%dma_start3A_222 : memref<16x128xf32, #tpu.memory_space<hbm>>) target_semaphore(%run_scoped3A : memref<!tpu.dma_semaphore, #tpu.memory_space<semaphore_mem>>)
        %dma_wait3A = arith.constant 9984 : i32
        %dma_wait3A_226 = arith.constant 0 : i32
        %dma_wait3A_227 = tpu.memref_slice %arg4[%arg0, %dma_wait3A, %dma_wait3A_226] : memref<2x10000x128xf32, #tpu.memory_space<hbm>> -> memref<1x16x128xf32, #tpu.memory_space<hbm>>
        %dma_wait3A_228 = tpu.memref_squeeze %dma_wait3A_227 : memref<1x16x128xf32, #tpu.memory_space<hbm>> -> memref<16x128xf32, #tpu.memory_space<hbm>>
        %dma_wait3A_229 = arith.constant 9984 : i32
        %dma_wait3A_230 = arith.constant 0 : i32
        %dma_wait3A_231 = tpu.memref_slice %arg15[%dma_wait3A_229, %dma_wait3A_230] : memref<10016x128xf32, #tpu.memory_space<vmem_shared>> -> memref<16x128xf32, #tpu.memory_space<vmem_shared>>
        tpu.wait_dma2 semaphore(%run_scoped3A : memref<!tpu.dma_semaphore, #tpu.memory_space<semaphore_mem>>) src(%dma_wait3A_231 : memref<16x128xf32, #tpu.memory_space<vmem_shared>>) dst(%dma_wait3A_228 : memref<16x128xf32, #tpu.memory_space<hbm>>)
        tpu.yield
      }) : () -> ()
    } else {
    }
    return
  }
}

module attributes {stable_mosaic.version = 14 : i64} {
  func.func @_dinv_body(%arg0: i32, %arg1: memref<32x10000xf32, #tpu.memory_space<vmem>>, %arg2: memref<10000x1xf32, #tpu.memory_space<vmem>>) attributes {dimension_semantics = [#tpu.dimension_semantics<arbitrary>], iteration_bounds = array<i64: 1>, scalar_prefetch = 0 : i64, scratch_operands = 0 : i64, tpu.core_type = #tpu.core_type<tc>, window_params = [{pipeline_mode = #tpu.pipeline_mode<synchronous>, transform_indices = @transform_0, window_bounds = array<i64: 32, 10000>}, {pipeline_mode = #tpu.pipeline_mode<synchronous>, transform_indices = @transform_1, window_bounds = array<i64: 10000, 1>}]} {
    %get3A = arith.constant 0 : index
    %get3A_0 = arith.constant 0 : index
    %get3A_1 = vector.load %arg1[%get3A, %get3A_0] : memref<32x10000xf32, #tpu.memory_space<vmem>>, vector<32x10000xf32>
    %reduce_sum3A = arith.constant dense<0.000000e+00> : vector<10000xf32>
    %reduce_sum3A_2 = vector.multi_reduction <add>, %get3A_1, %reduce_sum3A [0] : vector<32x10000xf32> to vector<10000xf32>
    %add3A = arith.constant 1.000000e+00 : f32
    %add3A_3 = vector.broadcast %add3A : f32 to vector<10000xf32>
    %add3A_4 = arith.addf %reduce_sum3A_2, %add3A_3 : vector<10000xf32>
    %rsqrt3A = math.rsqrt %add3A_4 : vector<10000xf32>
    %reshape3A = vector.shape_cast %rsqrt3A : vector<10000xf32> to vector<10000x1xf32>
    %swap3A = arith.constant 0 : index
    %swap3A_5 = arith.constant 0 : index
    %swap3A_6 = vector.load %arg2[%swap3A, %swap3A_5] : memref<10000x1xf32, #tpu.memory_space<vmem>>, vector<10000x1xf32>
    tpu.vector_store %arg2[%swap3A, %swap3A_5], %reshape3A {strides = array<i32>} : memref<10000x1xf32, #tpu.memory_space<vmem>>, vector<10000x1xf32>,
    return
  }
  func.func @transform_0(%arg0: i32) -> (i32, i32) {
    %c0_i32 = arith.constant 0 : i32
    %c0_i32_0 = arith.constant 0 : i32
    %c0_i32_1 = arith.constant 0 : i32
    return %c0_i32, %c0_i32_0 : i32, i32
  }
  func.func @transform_1(%arg0: i32) -> (i32, i32) {
    %c0_i32 = arith.constant 0 : i32
    %c0_i32_0 = arith.constant 0 : i32
    %c0_i32_1 = arith.constant 0 : i32
    return %c0_i32, %c0_i32_0 : i32, i32
  }
}

module attributes {stable_mosaic.version = 14 : i64} {
  func.func @_tc1_body(%arg0: i32, %arg1: memref<2000x128xf32, #tpu.memory_space<vmem>>, %arg2: memref<128x128xf32, #tpu.memory_space<vmem>>, %arg3: memref<2000x1xf32, #tpu.memory_space<vmem>>, %arg4: memref<2000x128xf32, #tpu.memory_space<vmem>>) attributes {dimension_semantics = [#tpu.dimension_semantics<arbitrary>], iteration_bounds = array<i64: 5>, scalar_prefetch = 0 : i64, scratch_operands = 0 : i64, tpu.core_type = #tpu.core_type<tc>, window_params = [{transform_indices = @transform_0, window_bounds = array<i64: 2000, 128>}, {pipeline_mode = #tpu.pipeline_mode<synchronous>, transform_indices = @transform_1, window_bounds = array<i64: 128, 128>}, {transform_indices = @transform_2, window_bounds = array<i64: 2000, 1>}, {transform_indices = @transform_3, window_bounds = array<i64: 2000, 128>}]} {
    %get3A = arith.constant 0 : index
    %get3A_0 = arith.constant 0 : index
    %get3A_1 = vector.load %arg1[%get3A, %get3A_0] : memref<2000x128xf32, #tpu.memory_space<vmem>>, vector<2000x128xf32>
    %get3A_2 = arith.constant 0 : index
    %get3A_3 = arith.constant 0 : index
    %get3A_4 = vector.load %arg2[%get3A_2, %get3A_3] : memref<128x128xf32, #tpu.memory_space<vmem>>, vector<128x128xf32>
    %dot_general3A = arith.constant dense<0.000000e+00> : vector<2000x128xf32>
    %dot_general3A_5 = tpu.matmul %get3A_1, %get3A_4, %dot_general3A {dimension_numbers = #tpu.dot_dimension_numbers<[1], [0], [0], [1], [0, 0, 1, 1], [], []>, transpose_lhs_hint = false} : vector<2000x128xf32>, vector<128x128xf32>, vector<2000x128xf32> -> vector<2000x128xf32>
    %get3A_6 = arith.constant 0 : index
    %get3A_7 = arith.constant 0 : index
    %get3A_8 = vector.load %arg3[%get3A_6, %get3A_7] : memref<2000x1xf32, #tpu.memory_space<vmem>>, vector<2000x1xf32>
    %mul3A = vector.broadcast %get3A_8 : vector<2000x1xf32> to vector<2000x128xf32>
    %mul3A_9 = arith.mulf %dot_general3A_5, %mul3A : vector<2000x128xf32>
    %swap3A = arith.constant 0 : index
    %swap3A_10 = arith.constant 0 : index
    %swap3A_11 = vector.load %arg4[%swap3A, %swap3A_10] : memref<2000x128xf32, #tpu.memory_space<vmem>>, vector<2000x128xf32>
    tpu.vector_store %arg4[%swap3A, %swap3A_10], %mul3A_9 {strides = array<i32>} : memref<2000x128xf32, #tpu.memory_space<vmem>>, vector<2000x128xf32>,
    return
  }
  func.func @transform_0(%arg0: i32) -> (i32, i32) {
    %c0_i32 = arith.constant 0 : i32
    %c0_i32_0 = arith.constant 0 : i32
    return %arg0, %c0_i32 : i32, i32
  }
  func.func @transform_1(%arg0: i32) -> (i32, i32) {
    %c0_i32 = arith.constant 0 : i32
    %c0_i32_0 = arith.constant 0 : i32
    %c0_i32_1 = arith.constant 0 : i32
    return %c0_i32, %c0_i32_0 : i32, i32
  }
  func.func @transform_2(%arg0: i32) -> (i32, i32) {
    %c0_i32 = arith.constant 0 : i32
    %c0_i32_0 = arith.constant 0 : i32
    return %arg0, %c0_i32 : i32, i32
  }
  func.func @transform_3(%arg0: i32) -> (i32, i32) {
    %c0_i32 = arith.constant 0 : i32
    %c0_i32_0 = arith.constant 0 : i32
    return %arg0, %c0_i32 : i32, i32
  }
}

module attributes {stable_mosaic.version = 14 : i64} {
  func.func @_tc2_body(%arg0: i32, %arg1: memref<2x2000x128xf32, #tpu.memory_space<vmem>>, %arg2: memref<2000x128xf32, #tpu.memory_space<vmem>>, %arg3: memref<2000x1xf32, #tpu.memory_space<vmem>>, %arg4: memref<1x128xf32, #tpu.memory_space<vmem>>, %arg5: memref<128x128xf32, #tpu.memory_space<vmem>>, %arg6: memref<2000x128xf32, #tpu.memory_space<vmem>>) attributes {dimension_semantics = [#tpu.dimension_semantics<arbitrary>], iteration_bounds = array<i64: 5>, scalar_prefetch = 0 : i64, scratch_operands = 0 : i64, tpu.core_type = #tpu.core_type<tc>, window_params = [{transform_indices = @transform_0, window_bounds = array<i64: 2, 2000, 128>}, {transform_indices = @transform_1, window_bounds = array<i64: 2000, 128>}, {transform_indices = @transform_2, window_bounds = array<i64: 2000, 1>}, {pipeline_mode = #tpu.pipeline_mode<synchronous>, transform_indices = @transform_3, window_bounds = array<i64: 1, 128>}, {pipeline_mode = #tpu.pipeline_mode<synchronous>, transform_indices = @transform_4, window_bounds = array<i64: 128, 128>}, {transform_indices = @transform_5, window_bounds = array<i64: 2000, 128>}]} {
    %get3A = arith.constant 0 : index
    %get3A_0 = arith.constant 0 : index
    %get3A_1 = vector.load %arg3[%get3A, %get3A_0] : memref<2000x1xf32, #tpu.memory_space<vmem>>, vector<2000x1xf32>
    %get3A_2 = arith.constant 0 : index
    %get3A_3 = arith.constant 0 : index
    %get3A_4 = arith.constant 0 : index
    %get3A_5 = vector.load %arg1[%get3A_2, %get3A_3, %get3A_4] : memref<2x2000x128xf32, #tpu.memory_space<vmem>>, vector<1x2000x128xf32>
    %get3A_6 = vector.shape_cast %get3A_5 : vector<1x2000x128xf32> to vector<2000x128xf32>
    %get3A_7 = arith.constant 1 : index
    %get3A_8 = arith.constant 0 : index
    %get3A_9 = arith.constant 0 : index
    %get3A_10 = vector.load %arg1[%get3A_7, %get3A_8, %get3A_9] : memref<2x2000x128xf32, #tpu.memory_space<vmem>>, vector<1x2000x128xf32>
    %get3A_11 = vector.shape_cast %get3A_10 : vector<1x2000x128xf32> to vector<2000x128xf32>
    %add3A = arith.addf %get3A_6, %get3A_11 : vector<2000x128xf32>
    %get3A_12 = arith.constant 0 : index
    %get3A_13 = arith.constant 0 : index
    %get3A_14 = vector.load %arg2[%get3A_12, %get3A_13] : memref<2000x128xf32, #tpu.memory_space<vmem>>, vector<2000x128xf32>
    %add3A_15 = arith.addf %add3A, %get3A_14 : vector<2000x128xf32>
    %mul3A = vector.broadcast %get3A_1 : vector<2000x1xf32> to vector<2000x128xf32>
    %mul3A_16 = arith.mulf %add3A_15, %mul3A : vector<2000x128xf32>
    %get3A_17 = arith.constant 0 : index
    %get3A_18 = arith.constant 0 : index
    %get3A_19 = vector.load %arg4[%get3A_17, %get3A_18] : memref<1x128xf32, #tpu.memory_space<vmem>>, vector<1x128xf32>
    %add3A_20 = vector.broadcast %get3A_19 : vector<1x128xf32> to vector<2000x128xf32>
    %add3A_21 = arith.addf %mul3A_16, %add3A_20 : vector<2000x128xf32>
    %max3A = arith.constant 0.000000e+00 : f32
    %max3A_22 = vector.broadcast %max3A : f32 to vector<2000x128xf32>
    %max3A_23 = arith.maximumf %add3A_21, %max3A_22 : vector<2000x128xf32>
    %get3A_24 = arith.constant 0 : index
    %get3A_25 = arith.constant 0 : index
    %get3A_26 = vector.load %arg5[%get3A_24, %get3A_25] : memref<128x128xf32, #tpu.memory_space<vmem>>, vector<128x128xf32>
    %dot_general3A = arith.constant dense<0.000000e+00> : vector<2000x128xf32>
    %dot_general3A_27 = tpu.matmul %max3A_23, %get3A_26, %dot_general3A {dimension_numbers = #tpu.dot_dimension_numbers<[1], [0], [0], [1], [0, 0, 1, 1], [], []>, transpose_lhs_hint = false} : vector<2000x128xf32>, vector<128x128xf32>, vector<2000x128xf32> -> vector<2000x128xf32>
    %mul3A_28 = vector.broadcast %get3A_1 : vector<2000x1xf32> to vector<2000x128xf32>
    %mul3A_29 = arith.mulf %dot_general3A_27, %mul3A_28 : vector<2000x128xf32>
    %swap3A = arith.constant 0 : index
    %swap3A_30 = arith.constant 0 : index
    %swap3A_31 = vector.load %arg6[%swap3A, %swap3A_30] : memref<2000x128xf32, #tpu.memory_space<vmem>>, vector<2000x128xf32>
    tpu.vector_store %arg6[%swap3A, %swap3A_30], %mul3A_29 {strides = array<i32>} : memref<2000x128xf32, #tpu.memory_space<vmem>>, vector<2000x128xf32>,
    return
  }
  func.func @transform_0(%arg0: i32) -> (i32, i32, i32) {
    %c0_i32 = arith.constant 0 : i32
    %c0_i32_0 = arith.constant 0 : i32
    %c0_i32_1 = arith.constant 0 : i32
    return %c0_i32, %arg0, %c0_i32_0 : i32, i32, i32
  }
  func.func @transform_1(%arg0: i32) -> (i32, i32) {
    %c0_i32 = arith.constant 0 : i32
    %c0_i32_0 = arith.constant 0 : i32
    return %arg0, %c0_i32 : i32, i32
  }
  func.func @transform_2(%arg0: i32) -> (i32, i32) {
    %c0_i32 = arith.constant 0 : i32
    %c0_i32_0 = arith.constant 0 : i32
    return %arg0, %c0_i32 : i32, i32
  }
  func.func @transform_3(%arg0: i32) -> (i32, i32) {
    %c0_i32 = arith.constant 0 : i32
    %c0_i32_0 = arith.constant 0 : i32
    %c0_i32_1 = arith.constant 0 : i32
    return %c0_i32, %c0_i32_0 : i32, i32
  }
  func.func @transform_4(%arg0: i32) -> (i32, i32) {
    %c0_i32 = arith.constant 0 : i32
    %c0_i32_0 = arith.constant 0 : i32
    %c0_i32_1 = arith.constant 0 : i32
    return %c0_i32, %c0_i32_0 : i32, i32
  }
  func.func @transform_5(%arg0: i32) -> (i32, i32) {
    %c0_i32 = arith.constant 0 : i32
    %c0_i32_0 = arith.constant 0 : i32
    return %arg0, %c0_i32 : i32, i32
  }
}

module attributes {stable_mosaic.version = 14 : i64} {
  func.func @_tc3_body(%arg0: i32, %arg1: memref<2x2000x128xf32, #tpu.memory_space<vmem>>, %arg2: memref<2000x128xf32, #tpu.memory_space<vmem>>, %arg3: memref<2000x1xf32, #tpu.memory_space<vmem>>, %arg4: memref<1x128xf32, #tpu.memory_space<vmem>>, %arg5: memref<128x128xf32, #tpu.memory_space<vmem>>, %arg6: memref<1x128xf32, #tpu.memory_space<vmem>>, %arg7: memref<2000x128xf32, #tpu.memory_space<vmem>>, %arg8: memref<1x128xf32, #tpu.memory_space<vmem>>, %arg9: memref<1x128xi32, #tpu.memory_space<vmem>>) attributes {dimension_semantics = [#tpu.dimension_semantics<arbitrary>], iteration_bounds = array<i64: 5>, scalar_prefetch = 0 : i64, scratch_operands = 0 : i64, tpu.core_type = #tpu.core_type<tc>, window_params = [{transform_indices = @transform_0, window_bounds = array<i64: 2, 2000, 128>}, {transform_indices = @transform_1, window_bounds = array<i64: 2000, 128>}, {transform_indices = @transform_2, window_bounds = array<i64: 2000, 1>}, {pipeline_mode = #tpu.pipeline_mode<synchronous>, transform_indices = @transform_3, window_bounds = array<i64: 1, 128>}, {pipeline_mode = #tpu.pipeline_mode<synchronous>, transform_indices = @transform_4, window_bounds = array<i64: 128, 128>}, {pipeline_mode = #tpu.pipeline_mode<synchronous>, transform_indices = @transform_5, window_bounds = array<i64: 1, 128>}, {transform_indices = @transform_6, window_bounds = array<i64: 2000, 128>}, {pipeline_mode = #tpu.pipeline_mode<synchronous>, transform_indices = @transform_7, window_bounds = array<i64: 1, 128>}, {pipeline_mode = #tpu.pipeline_mode<synchronous>, transform_indices = @transform_8, window_bounds = array<i64: 1, 128>}]} {
    %get3A = arith.constant 0 : index
    %get3A_0 = arith.constant 0 : index
    %get3A_1 = vector.load %arg3[%get3A, %get3A_0] : memref<2000x1xf32, #tpu.memory_space<vmem>>, vector<2000x1xf32>
    %get3A_2 = arith.constant 0 : index
    %get3A_3 = arith.constant 0 : index
    %get3A_4 = arith.constant 0 : index
    %get3A_5 = vector.load %arg1[%get3A_2, %get3A_3, %get3A_4] : memref<2x2000x128xf32, #tpu.memory_space<vmem>>, vector<1x2000x128xf32>
    %get3A_6 = vector.shape_cast %get3A_5 : vector<1x2000x128xf32> to vector<2000x128xf32>
    %get3A_7 = arith.constant 1 : index
    %get3A_8 = arith.constant 0 : index
    %get3A_9 = arith.constant 0 : index
    %get3A_10 = vector.load %arg1[%get3A_7, %get3A_8, %get3A_9] : memref<2x2000x128xf32, #tpu.memory_space<vmem>>, vector<1x2000x128xf32>
    %get3A_11 = vector.shape_cast %get3A_10 : vector<1x2000x128xf32> to vector<2000x128xf32>
    %add3A = arith.addf %get3A_6, %get3A_11 : vector<2000x128xf32>
    %get3A_12 = arith.constant 0 : index
    %get3A_13 = arith.constant 0 : index
    %get3A_14 = vector.load %arg2[%get3A_12, %get3A_13] : memref<2000x128xf32, #tpu.memory_space<vmem>>, vector<2000x128xf32>
    %add3A_15 = arith.addf %add3A, %get3A_14 : vector<2000x128xf32>
    %mul3A = vector.broadcast %get3A_1 : vector<2000x1xf32> to vector<2000x128xf32>
    %mul3A_16 = arith.mulf %add3A_15, %mul3A : vector<2000x128xf32>
    %get3A_17 = arith.constant 0 : index
    %get3A_18 = arith.constant 0 : index
    %get3A_19 = vector.load %arg4[%get3A_17, %get3A_18] : memref<1x128xf32, #tpu.memory_space<vmem>>, vector<1x128xf32>
    %add3A_20 = vector.broadcast %get3A_19 : vector<1x128xf32> to vector<2000x128xf32>
    %add3A_21 = arith.addf %mul3A_16, %add3A_20 : vector<2000x128xf32>
    %swap3A = arith.constant 0 : index
    %swap3A_22 = arith.constant 0 : index
    %swap3A_23 = vector.load %arg7[%swap3A, %swap3A_22] : memref<2000x128xf32, #tpu.memory_space<vmem>>, vector<2000x128xf32>
    tpu.vector_store %arg7[%swap3A, %swap3A_22], %add3A_21 {strides = array<i32>} : memref<2000x128xf32, #tpu.memory_space<vmem>>, vector<2000x128xf32>,
    %get3A_24 = arith.constant 0 : index
    %get3A_25 = arith.constant 0 : index
    %get3A_26 = vector.load %arg5[%get3A_24, %get3A_25] : memref<128x128xf32, #tpu.memory_space<vmem>>, vector<128x128xf32>
    %dot_general3A = arith.constant dense<0.000000e+00> : vector<2000x128xf32>
    %dot_general3A_27 = tpu.matmul %add3A_21, %get3A_26, %dot_general3A {dimension_numbers = #tpu.dot_dimension_numbers<[1], [0], [0], [1], [0, 0, 1, 1], [], []>, transpose_lhs_hint = false} : vector<2000x128xf32>, vector<128x128xf32>, vector<2000x128xf32> -> vector<2000x128xf32>
    %get3A_28 = arith.constant 0 : index
    %get3A_29 = arith.constant 0 : index
    %get3A_30 = vector.load %arg6[%get3A_28, %get3A_29] : memref<1x128xf32, #tpu.memory_space<vmem>>, vector<1x128xf32>
    %add3A_31 = vector.broadcast %get3A_30 : vector<1x128xf32> to vector<2000x128xf32>
    %add3A_32 = arith.addf %dot_general3A_27, %add3A_31 : vector<2000x128xf32>
    %reduce_max3A = arith.constant dense<0xFF800000> : vector<128xf32>
    %reduce_max3A_33 = vector.multi_reduction <maximumf>, %add3A_32, %reduce_max3A [0] : vector<2000x128xf32> to vector<128xf32>
    %broadcast_in_dim3A = vector.shape_cast %reduce_max3A_33 : vector<128xf32> to vector<1x128xf32>
    %iota3A = tpu.iota {dimensions = array<i32: 0>} : vector<2000x128xi32>
    %eq3A = vector.broadcast %broadcast_in_dim3A : vector<1x128xf32> to vector<2000x128xf32>
    %eq3A_34 = arith.cmpf oeq, %add3A_32, %eq3A : vector<2000x128xf32>
    %jit3A = arith.constant 10000 : i32
    %broadcast_in_dim3A_35 = vector.broadcast %jit3A : i32 to vector<2000x128xi32>
    %select_n3A = arith.select %eq3A_34, %iota3A, %broadcast_in_dim3A_35 : vector<2000x128xi1>, vector<2000x128xi32>
    %reduce_min3A = arith.constant dense<2147483647> : vector<128xi32>
    %reduce_min3A_36 = vector.multi_reduction <minsi>, %select_n3A, %reduce_min3A [0] : vector<2000x128xi32> to vector<128xi32>
    %broadcast_in_dim3A_37 = vector.shape_cast %reduce_min3A_36 : vector<128xi32> to vector<1x128xi32>
    %mul3A_38 = arith.constant 2000 : i32
    %mul3A_39 = arith.muli %arg0, %mul3A_38 : i32
    %add3A_40 = vector.broadcast %mul3A_39 : i32 to vector<1x128xi32>
    %add3A_41 = arith.addi %broadcast_in_dim3A_37, %add3A_40 : vector<1x128xi32>
    %eq3A_42 = arith.constant 0 : i32
    %eq3A_43 = arith.cmpi eq, %arg0, %eq3A_42 : i32
    %convert_element_type3A = arith.extui %eq3A_43 : i1 to i32
    %cond3A = arith.constant 0 : i32
    %cond3A_44 = arith.cmpi ne, %convert_element_type3A, %cond3A : i32
    scf.if %cond3A_44 {
      %swap3A_49 = arith.constant 0 : index
      %swap3A_50 = arith.constant 0 : index
      %swap3A_51 = vector.load %arg8[%swap3A_49, %swap3A_50] : memref<1x128xf32, #tpu.memory_space<vmem>>, vector<1x128xf32>
      tpu.vector_store %arg8[%swap3A_49, %swap3A_50], %broadcast_in_dim3A {strides = array<i32>} : memref<1x128xf32, #tpu.memory_space<vmem>>, vector<1x128xf32>,
      %swap3A_52 = arith.constant 0 : index
      %swap3A_53 = arith.constant 0 : index
      %swap3A_54 = vector.load %arg9[%swap3A_52, %swap3A_53] : memref<1x128xi32, #tpu.memory_space<vmem>>, vector<1x128xi32>
      tpu.vector_store %arg9[%swap3A_52, %swap3A_53], %add3A_41 {strides = array<i32>} : memref<1x128xi32, #tpu.memory_space<vmem>>, vector<1x128xi32>,
    } else {
    }
    %gt3A = arith.constant 0 : i32
    %gt3A_45 = arith.cmpi sgt, %arg0, %gt3A : i32
    %convert_element_type3A_46 = arith.extui %gt3A_45 : i1 to i32
    %cond3A_47 = arith.constant 0 : i32
    %cond3A_48 = arith.cmpi ne, %convert_element_type3A_46, %cond3A_47 : i32
    scf.if %cond3A_48 {
      %get3A_49 = arith.constant 0 : index
      %get3A_50 = arith.constant 0 : index
      %get3A_51 = vector.load %arg8[%get3A_49, %get3A_50] : memref<1x128xf32, #tpu.memory_space<vmem>>, vector<1x128xf32>
      %gt3A_52 = arith.cmpf ogt, %broadcast_in_dim3A, %get3A_51 : vector<1x128xf32>
      %select_n3A_53 = arith.select %gt3A_52, %broadcast_in_dim3A, %get3A_51 : vector<1x128xi1>, vector<1x128xf32>
      %swap3A_54 = arith.constant 0 : index
      %swap3A_55 = arith.constant 0 : index
      %swap3A_56 = vector.load %arg8[%swap3A_54, %swap3A_55] : memref<1x128xf32, #tpu.memory_space<vmem>>, vector<1x128xf32>
      tpu.vector_store %arg8[%swap3A_54, %swap3A_55], %select_n3A_53 {strides = array<i32>} : memref<1x128xf32, #tpu.memory_space<vmem>>, vector<1x128xf32>,
      %get3A_57 = arith.constant 0 : index
      %get3A_58 = arith.constant 0 : index
      %get3A_59 = vector.load %arg9[%get3A_57, %get3A_58] : memref<1x128xi32, #tpu.memory_space<vmem>>, vector<1x128xi32>
      %select_n3A_60 = arith.select %gt3A_52, %add3A_41, %get3A_59 : vector<1x128xi1>, vector<1x128xi32>
      %swap3A_61 = arith.constant 0 : index
      %swap3A_62 = arith.constant 0 : index
      %swap3A_63 = vector.load %arg9[%swap3A_61, %swap3A_62] : memref<1x128xi32, #tpu.memory_space<vmem>>, vector<1x128xi32>
      tpu.vector_store %arg9[%swap3A_61, %swap3A_62], %select_n3A_60 {strides = array<i32>} : memref<1x128xi32, #tpu.memory_space<vmem>>, vector<1x128xi32>,
    } else {
    }
    return
  }
  func.func @transform_0(%arg0: i32) -> (i32, i32, i32) {
    %c0_i32 = arith.constant 0 : i32
    %c0_i32_0 = arith.constant 0 : i32
    %c0_i32_1 = arith.constant 0 : i32
    return %c0_i32, %arg0, %c0_i32_0 : i32, i32, i32
  }
  func.func @transform_1(%arg0: i32) -> (i32, i32) {
    %c0_i32 = arith.constant 0 : i32
    %c0_i32_0 = arith.constant 0 : i32
    return %arg0, %c0_i32 : i32, i32
  }
  func.func @transform_2(%arg0: i32) -> (i32, i32) {
    %c0_i32 = arith.constant 0 : i32
    %c0_i32_0 = arith.constant 0 : i32
    return %arg0, %c0_i32 : i32, i32
  }
  func.func @transform_3(%arg0: i32) -> (i32, i32) {
    %c0_i32 = arith.constant 0 : i32
    %c0_i32_0 = arith.constant 0 : i32
    %c0_i32_1 = arith.constant 0 : i32
    return %c0_i32, %c0_i32_0 : i32, i32
  }
  func.func @transform_4(%arg0: i32) -> (i32, i32) {
    %c0_i32 = arith.constant 0 : i32
    %c0_i32_0 = arith.constant 0 : i32
    %c0_i32_1 = arith.constant 0 : i32
    return %c0_i32, %c0_i32_0 : i32, i32
  }
  func.func @transform_5(%arg0: i32) -> (i32, i32) {
    %c0_i32 = arith.constant 0 : i32
    %c0_i32_0 = arith.constant 0 : i32
    %c0_i32_1 = arith.constant 0 : i32
    return %c0_i32, %c0_i32_0 : i32, i32
  }
  func.func @transform_6(%arg0: i32) -> (i32, i32) {
    %c0_i32 = arith.constant 0 : i32
    %c0_i32_0 = arith.constant 0 : i32
    return %arg0, %c0_i32 : i32, i32
  }
  func.func @transform_7(%arg0: i32) -> (i32, i32) {
    %c0_i32 = arith.constant 0 : i32
    %c0_i32_0 = arith.constant 0 : i32
    %c0_i32_1 = arith.constant 0 : i32
    return %c0_i32, %c0_i32_0 : i32, i32
  }
  func.func @transform_8(%arg0: i32) -> (i32, i32) {
    %c0_i32 = arith.constant 0 : i32
    %c0_i32_0 = arith.constant 0 : i32
    %c0_i32_1 = arith.constant 0 : i32
    return %c0_i32, %c0_i32_0 : i32, i32
  }
}

</mosaic_0001>

<sc_bundles>
// kernel: kernel.12.cloned.1.call-start
scs
__scs_entry_jumppad:
0x0: {  	(pc) =	sbr.rel $0x88, $3  }
0x1: {  	(tag) =	ssettag $0x0;
	lr =	simm.s32 $0x1  }
0x2: {  	[smem:$0x3F99] =	sst lr;
	_ =	strace $0xD0000000  }
0x3: {  	_ = 	snop  }
0x4: {  	_ = 	snop  }
0x5: {  	_ = 	snop  }
0x6: {  	_ = 	snop  }
0x7: {  	_ = 	snop  }
__scs_overlays_trampoline_lowered:
0x8: {  	[smem:$0x3FA8] =	sst s0  }
0x9: {  	[smem:$0x3FA9] =	sst s1  }
0xa: {  	[smem:$0x3FAA] =	sst s2  }
0xb: {  	[smem:$0x3FAB] =	sst s3  }
0xc: {  	[smem:$0x3FAC] =	sst s4  }
0xd: {  	[smem:$0x3FAD] =	sst s5  }
0xe: {  	[smem:$0x3FAE] =	sst s6  }
0xf: {  	[smem:$0x3FAF] =	sst s7  }
0x10: {  	[smem:$0x3FB0] =	sst s8  }
0x11: {  	[smem:$0x3FB1] =	sst s9;
	s0 =	simm.s32 @!p0 $0x0  }
0x12: {  	s1 =	sld [smem:$0x3F97];
	s0 =	simm.s32 @p0 $0x1  }
0x13: {  	[smem:$0x3FB2] =	sst s0;
	s0 =	simm.s32 @!p1 $0x0  }
0x14: {  	s2 =	sld [smem:$0x3F96];
	s0 =	simm.s32 @p1 $0x1  }
0x15: {  	[smem:$0x3FB3] =	sst s0;
	s0 =	simm.s32 @!p2 $0x0  }
0x16: {  	s3 =	sld [smem:$0x3FDB];
	s0 =	simm.s32 @p2 $0x1  }
0x17: {  	s4 =	simm.s32 $0x1BF5;
	[smem:$0x3FB5] =	sst s0  }
0x18: {  	s0 =	sld [smem:$0x3F98];
	_ =	swait.ge [sflag:s4], $0x0  }
0x19: {  	s7 =	sld [smem:$0x3F99]  }
0x1a: {  	s8 =	sadd.s32 $0xFFFFE003, lr  }
0x1b: {  	s9 =	sadd.s32 $0xFFFFFEF7, lr;
	s5 =	simm.s32 $0xFFFFFFFF;
	p2 =	slt.u32 s8, $0xFFFFF086  }
0x1c: {  	p1 =	slt.u32 s9, $0xF7A;
	s5 =	simm.s32 @!p2 $0x0  }
0x1d: {  	s5 =	simm.s32 @p1 $0x1;
	p0 =	seq.s32 s7, s2  }
0x1e: {  	s7 =	smul.u32 @!p0 $0xF7A, s2;
	p2 =	seq.s32 @!p0 s5, $0x0  }
0x1f: {  	s9 =	smul.u32 $0xF7A, s1;
	s8 =	simm.s32 @!p0 $0x1BF5;
	p2 =	por !p2, p0  }
0x20: {  	[sflag:s8] =	ssyncset.s32 @!p0 $0xFFFFF086;
	s6 =	sadd.s32 @!p0 s3, s7;
	s7 =	simm.s32 @!p0 $0x108  }
0x21: {  	s3 =	sadd.s32 s3, s9;
	s6 =	sadd.s32 @!p0 $0x88, s6;
	s7 =	simm.s32 @p2 $0x1082  }
0x22: {  	[simem:s7], [sflag:s8] =	dma.local @!p0 [hbm:s6], $0xF7A  }
0x23: {  	s9 =	sor.u32 $0xD0000000, s2;
	s6 =	simm.s32 $0x108;
	_ =	swait.ge @!p0 [sflag:s8], $0x0  }
0x24: {  	s3 =	sadd.s32 $0x88, s3;
	s6 =	simm.s32 @!p1 $0x1082;
	[sflag:s4] =	ssyncset.s32 $0xFFFFF086  }
0x25: {  	[simem:s6], [sflag:s4] =	dma.local [hbm:s3], $0xF7A  }
0x26: {  	[smem:$0x3F99] =	sst s1;
	(tag) =	ssettag s2;
	_ =	strace s9  }
0x27: {  	s1 =	sld [smem:$0x3FA9]  }
0x28: {  	s2 =	sld [smem:$0x3FAA]  }
0x29: {  	s4 =	sld [smem:$0x3FAC]  }
0x2a: {  	p0 =	seq.s32 s5, $0x0;
	s5 =	sld [smem:$0x3FAD]  }
0x2b: {  	s6 =	sld [smem:$0x3FAE]  }
0x2c: {  	s7 =	sld [smem:$0x3FAF]  }
0x2d: {  	s3 =	simm.s32 $0x108;
	s8 =	sld [smem:$0x3FB0]  }
0x2e: {  	s3 =	simm.s32 @!p0 $0x1082;
	s9 =	sld [smem:$0x3FB1]  }
0x2f: {  	lr =	sadd.s32 s0, s3;
	s0 =	sld [smem:$0x3FA8]  }
0x30: {  	s3 =	sld [smem:$0x3FAB]  }
0x31: {  	[smem:$0x3FB4] =	sst s10  }
0x32: {  	s10 =	sld [smem:$0x3FB2];
	_ =	sdelay $0x3  }
0x33: {  	p0 =	seq.s32 s10, $0x1;
	s10 =	sld [smem:$0x3FB4];
	_ =	sdelay $0x3  }
0x34: {  	[smem:$0x3FB4] =	sst s10  }
0x35: {  	s10 =	sld [smem:$0x3FB3];
	_ =	sdelay $0x3  }
0x36: {  	p1 =	seq.s32 s10, $0x1;
	s10 =	sld [smem:$0x3FB4];
	_ =	sdelay $0x3  }
0x37: {  	[smem:$0x3FB4] =	sst s10  }
0x38: {  	s10 =	sld [smem:$0x3FB5]  }
0x39: {  	_ = 	snop;
	(pc) =	sbr.ind lr, $3  }
0x3a: {  	_ = 	snop  }
0x3b: {  	_ = 	snop  }
0x3c: {  	p2 =	seq.s32 s10, $0x1;
	s10 =	sld [smem:$0x3FB4]  }
0x3d: {  	_ =	shalt  }
0x3e: {  	_ =	shalt  }
0x3f: {  	_ =	shalt  }
0x40: {  	_ =	shalt  }
0x41: {  	_ =	shalt  }
0x42: {  	_ =	shalt  }
0x43: {  	_ =	shalt  }
0x44: {  	_ =	shalt  }
0x45: {  	_ =	shalt  }
0x46: {  	_ =	shalt  }
0x47: {  	_ =	shalt  }
0x48: {  	_ =	shalt  }
0x49: {  	_ =	shalt  }
0x4a: {  	_ =	shalt  }
0x4b: {  	_ =	shalt  }
0x4c: {  	_ =	shalt  }
0x4d: {  	_ =	shalt  }
0x4e: {  	_ =	shalt  }
0x4f: {  	_ =	shalt  }
0x50: {  	_ =	shalt  }
0x51: {  	_ =	shalt  }
0x52: {  	_ =	shalt  }
0x53: {  	_ =	shalt  }
0x54: {  	_ =	shalt  }
0x55: {  	_ =	shalt  }
0x56: {  	_ =	shalt  }
0x57: {  	_ =	shalt  }
0x58: {  	_ =	shalt  }
0x59: {  	_ =	shalt  }
0x5a: {  	_ =	shalt  }
0x5b: {  	_ =	shalt  }
0x5c: {  	_ =	shalt  }
0x5d: {  	_ =	shalt  }
0x5e: {  	_ =	shalt  }
0x5f: {  	_ =	shalt  }
0x60: {  	_ =	shalt  }
0x61: {  	_ =	shalt  }
0x62: {  	_ =	shalt  }
0x63: {  	_ =	shalt  }
0x64: {  	_ =	shalt  }
0x65: {  	_ =	shalt  }
0x66: {  	_ =	shalt  }
0x67: {  	_ =	shalt  }
0x68: {  	_ =	shalt  }
0x69: {  	_ =	shalt  }
0x6a: {  	_ =	shalt  }
0x6b: {  	_ =	shalt  }
0x6c: {  	_ =	shalt  }
0x6d: {  	_ =	shalt  }
0x6e: {  	_ =	shalt  }
0x6f: {  	_ =	shalt  }
0x70: {  	_ =	shalt  }
0x71: {  	_ =	shalt  }
0x72: {  	_ =	shalt  }
0x73: {  	_ =	shalt  }
0x74: {  	_ =	shalt  }
0x75: {  	_ =	shalt  }
0x76: {  	_ =	shalt  }
0x77: {  	_ =	shalt  }
0x78: {  	_ =	shalt  }
0x79: {  	_ =	shalt  }
0x7a: {  	_ =	shalt  }
0x7b: {  	_ =	shalt  }
0x7c: {  	_ =	shalt  }
0x7d: {  	_ =	shalt  }
0x7e: {  	_ =	shalt  }
0x7f: {  	_ =	shalt  }
0x80: {  	_ =	shalt  }
0x81: {  	_ =	shalt  }
0x82: {  	_ =	shalt  }
0x83: {  	_ =	shalt  }
0x84: {  	_ =	shalt  }
0x85: {  	_ =	shalt  }
0x86: {  	_ =	shalt  }
0x87: {  	_ =	shalt  }
.Lfunc_end0:
.L_simem_size_0:
called_computation.1_lowered:
.L_overlay_start_0:
0x88: {  	s2 =	sld [smem:$0x3FD9]  }
0x89: {  	s3 =	sld [smem:$0x3FFE];
	_ =	sdelay $0x1  }
0x8a: {  	s1 =	srdreg.scid  }
0x8b: {  	s0 =	sand.u32 $0x1, s1  }
0x8c: {  	s14 =	sshll.u32 s0, $0xA;
	s2 =	sadd.s32 s3, s2  }
0x8d: {  	s2 =	sadd.s32 s2, s14  }
0x8e: {  	[smem:$0x3FC0] =	sst s2  }
0x8f: {  	_ = 	snop  }
0x90: {  	s2 =	sld [smem:$0x3FD0];
	_ =	sdelay $0x2  }
0x91: {  	s15 =	simm.s32 $0xA;
	s4 =	simm.s32 $0x10  }
0x92: {  	[smem:s4], [sflag:s15] =	dma.local [hbm:s2], $0x1  }
0x93: {  	_ =	swait.eq [sflag:s15], $0x1  }
0x94: {  	[sflag:s15] =	ssyncset.done $0x0  }
0x95: {  	[sflag:s15] =	ssyncadd.s32 $0xFFFFFFFF  }
0x96: {  	s16 =	sld [smem:$0x10];
	(tm) =	ssettm $0x1  }
0x97: {  	s17 =	sld [smem:$0x3FFB];
	_ =	sdelay $0x3  }
0x98: {  	_ =	strace s17  }
0x99: {  	s3 =	sld [smem:$0x3FFC];
	_ =	sdelay $0x3  }
0x9a: {  	_ =	strace s3  }
0x9b: {  	s3 =	sld [smem:$0x3FFD];
	_ =	sdelay $0x3  }
0x9c: {  	_ =	strace s3  }
0x9d: {  	_ =	strace $0x8FFFFFFF  }
0x9e: {  	s18 =	sld [smem:$0x3FDB];
	_ =	sdelay $0x1  }
0x9f: {  	s19 =	simm.s32 $_scs_section_size  }
0xa0: {  	s5 =	simm.s32 $_size__tile_overlayer_lowered;
	s6 =	simm.s32 $_tile_overlayer_lowered  }
0xa1: {  	s22 =	simm.s32 $0x1BFF;
	s21 =	sshll.u32 s6, $0x1;
	s3 =	sadd.s32 s19, s18  }
0xa2: {  	s7 =	simm.s32 $0x0;
	s20 =	sshll.u32 s5, $0x1;
	s5 =	sadd.s32 s21, s3  }
0xa3: {  	[timem:s7], [sflag:s22] =	dma.local [hbm:s5], s20  }
0xa4: {  	_ =	swait.ge [sflag:s22], s20  }
0xa5: {  	s4 =	ssub.s32 $0x0, s20;
	[sflag:s22] =	ssyncset.done $0x0  }
0xa6: {  	[sflag:s22] =	ssyncadd.s32 s4;
	_ =	sdelay $0x1  }
0xa7: {  	s23 =	simm.s32 $0x1B8B  }
0xa8: {  	_ =	swait.ge [sflag:s23], $0x1  }
0xa9: {  	[sflag:s23] =	ssyncset.done $0x0  }
0xaa: {  	s25 =	simm.s32 $0x1B8E;
	s24 =	sld [smem:$0x3FFE];
	[sflag:s23] =	ssyncadd.s32 $0xFFFFFFFF  }
0xab: {  	s26 =	simm.s32 $execute0_lowered;
	[smem:$0x3FD2] =	sst s25  }
0xac: {  	s5 =	sshll.u32 s26, $0x1;
	_ =	strace $0x80000049;
	[dreg:$0x1] =	wrdreg $0xFFFFFFFF  }
0xad: {  	s28 =	simm.s32 $_size_execute0_lowered;
	s3 =	sadd.s32 s3, s5;
	[dreg:$0x0] =	wrdreg $0x0  }
0xae: {  	s5 =	sshll.u32 s28, $0x1;
	[dreg:$0x2] =	wrdreg s3  }
0xaf: {  	[dreg:$0x3] =	wrdreg s5  }
0xb0: {  	[dreg:$0x4] =	wrdreg $0xC0  }
0xb1: {  	_ =	task [dreg:s7], $0x5FFFF  }
0xb2: {  	[dreg:$0x1] =	wrdreg $0xFFFFFFFF  }
0xb3: {  	[dreg:$0x0] =	wrdreg $0x60  }
0xb4: {  	[dreg:$0x2] =	wrdreg s16  }
0xb5: {  	[dreg:$0x3] =	wrdreg s24  }
0xb6: {  	[dreg:$0x4] =	wrdreg $0xC3800  }
0xb7: {  	[dreg:$0x5] =	wrdreg $0x9  }
0xb8: {  	_ =	task.clear_ibuf [dreg:s7], $0x6FFFF;
	_ =	strace $0x90000049  }
0xb9: {  	s29 =	simm.s32 $0x9;
	_ =	strace $0x8000004B  }
0xba: {  	_ =	swait.ge [sflag:s29], $0x1  }
0xbb: {  	[sflag:s29] =	ssyncadd.s32 $0xFFFFFFFF  }
0xbc: {  	_ =	strace $0x9000004B  }
0xbd: {  	_ =	sfence  }
0xbe: {  	s30 =	sld [smem:$0x0];
	_ =	sdelay $0x2  }
0xbf: {  	s31 =	sshll.u32 s1, $0xD;
	s1 =	sshrl.u32 s1, $0x2  }
0xc0: {  	s3 =	sand.u32 $0x4000, s31;
	s1 =	sadd.s32 s1, s30  }
0xc1: {  	s0 =	sor.u32 s3, s0;
	s1 =	sshll.u32 s1, $0x11  }
0xc2: {  	s0 =	sor.u32 s1, s0  }
0xc3: {  	s0 =	sadd.s32 $0x8F2B, s0  }
0xc4: {  	[sflag:s0] =	ssyncadd.remote.s32 $0x1  }
0xc5: {  	_ =	sfence.sel $0xFFFF  }
0xc6: {  	[dreg:$0x0] =	wrdreg $0xFFFFFFFF;
	(pc) =	sbr.abs _section_cstart, $3  }
0xc7: {  	[dreg:$0x1] =	wrdreg $0xFFFFFFFF  }
0xc8: {  	_ =	task.clear_ibuf [dreg:s7], $0x2FFFF;
	_ =	strace $0x9FFFFFFF  }
0xc9: {  	(tm) =	ssettm $0x7FFFFFFF  }
tec
execute0_lowered:
.L_overlay_start_1:
0x0: {  	(tag) =	ssettag $0x1  }
0x1: {  	s1 =	rddreg [dreg:$0x0]  }
0x2: {  	s0 =	rddreg [dreg:$0x1]  }
0x3: {  	s2 =	rddreg [dreg:$0x2];
	s3 =	simm.s32 $0x0  }
0x4: {  	s4 =	srdreg.scid;
	s11 =	stileid.u32;
	s26 =	simm.s32 $0xA380  }
0x5: {  	s30 =	simm.s32 $0x6380;
	s28 =	simm.s32 $0x1;
	s8 =	smul.u32 $0xE00, s11  }
0x6: {  	s29 =	simm.s32 $0x4300;
	s31 =	simm.s32 $0x2;
	s9 =	smul.u32 $0x4E200, s11  }
0x7: {  	[smem:$0x7FF] =	sst s3;
	s4 =	sand.u32 $0x1, s4;
	s10 =	smul.u32 $0x820, s11  }
0x8: {  	s6 =	sadd.s32 $0xC200, s0;
	s0 =	sadd.s32 $0x16000, s0;
	s23 =	smul.u32 $0x13800, s11  }
0x9: {  	s24 =	smul.u32 $0x4E000, s11;
	p1 =	sne.s32 s11, $0xF;
	_ =	strace $0x8000004A  }
0xa: {  	s5 =	ssub.s32 $0x2, s4;
	p0 =	seq.s32 s4, $0x0;
	s22 =	smul.u32 $0x138800, s4  }
0xb: {  	[dreg:$0x4] =	wrdreg s26;
	s26 =	simm.s32 $0x40;
	s7 =	sshrl.u32 s5, $0x1  }
0xc: {  	s8 =	sshrl.u32 s8, $0x3;
	s9 =	sshrl.u32 s9, $0x2;
	s7 =	ssub.s32 s5, s7  }
0xd: {  	s5 =	simm.s32 $0x104;
	s8 =	sadd.s32 s6, s8;
	s6 =	sadd.s32 s6, s10  }
0xe: {  	s10 =	sshrl.u32 s24, $0x2;
	s8 =	sadd.s32 $0x8200, s8;
	[dreg:$0x6] =	wrdreg s6  }
0xf: {  	s5 =	simm.s32 @!p0 $0x38;
	[dreg:$0x5] =	wrdreg s8;
	s8 =	sadd.s32 s9, s2  }
0x10: {  	s6 =	sshrl.u32 s22, $0x3;
	s25 =	sadd.s32 s10, s2;
	s17 =	sadd.s32 $0x2000, s8  }
0x11: {  	p0 =	sne.s32 s4, $0x0;
	s18 =	sadd.s32 $0x4000, s8;
	[dreg:$0x7] =	wrdreg s17  }
0x12: {  	s4 =	simm.s32 $0x3;
	s19 =	sadd.s32 $0x6000, s8;
	[dreg:$0x8] =	wrdreg s18  }
0x13: {  	s6 =	sadd.s32 s0, s6;
	s20 =	sadd.s32 $0x8000, s8;
	[dreg:$0x9] =	wrdreg s19  }
0x14: {  	s24 =	sshrl.u32 s25, $0x3;
	s21 =	sadd.s32 $0xA000, s8;
	[dreg:$0xa] =	wrdreg s20  }
0x15: {  	s9 =	sadd.s32 $0xC000, s8;
	s15 =	sadd.s32 $0xE000, s8;
	[dreg:$0xb] =	wrdreg s21  }
0x16: {  	s16 =	sadd.s32 $0x10000, s8;
	[dreg:$0xc] =	wrdreg s9;
	s17 =	sadd.s32 $0x12000, s8  }
0x17: {  	s18 =	sshrl.u32 s5, $0x2;
	s9 =	sadd.s32 s23, s22;
	s20 =	sadd.s32 $0x27000, s6  }
0x18: {  	s6 =	sadd.s32 $0x138000, s2;
	s21 =	smax.u32 s7, $0x1;
	s22 =	simm.s32 $0x4380  }
0x19: {  	s23 =	simm.s32 $0x5;
	s9 =	sshrl.u32 s9, $0x3;
	s25 =	sshrl.u32 @!p1 s6, $0x3  }
0x1a: {  	v0 =	vimm.f32 $0.0e+00;
	s6 =	simm.s32 $0x4;
	s19 =	sadd.s32 s0, s9;
	s0 =	simm.s32 $0x8380  }
.LBB2_1:
0x1b: {  	s7 =	simm.s32 @p0 $0x0;
	s9 =	rddreg [dreg:$0x5]  }
0x1c: {  	[tilespmem:s7], [sflag:$0x5] =	stream.linear.gather @p0 [hbm4b:s9+s7], $0xE00, $0x38;
	[tilespmem:$0x1FC80] =	vst v63  }
0x1d: {  	s7 =	simm.s32 @p0 $0x5  }
0x1e: {  	_ =	swait.ge @p0 [sflag:s7], $0xE00  }
0x1f: {  	[sflag:s7] =	ssyncset.done @p0 $0x0  }
0x20: {  	s9 =	rddreg [dreg:$0x6];
	[sflag:s7] =	ssyncadd.s32 @p0 $0xFFFFF200;
	s7 =	simm.s32 @!p0 $0x0  }
0x21: {  	[tilespmem:s7], [sflag:$0x5] =	stream.linear.gather @!p0 [hbm4b:s9+s7], $0x4100, $0x38;
	[tilespmem:$0x1FC80] =	vst v63  }
0x22: {  	s7 =	simm.s32 @!p0 $0x5  }
0x23: {  	_ =	swait.ge @!p0 [sflag:s7], $0x4100  }
0x24: {  	[sflag:s7] =	ssyncset.done @!p0 $0x0  }
0x25: {  	s9 =	simm.s32 $0x200;
	[sflag:s7] =	ssyncadd.s32 @!p0 $0xFFFFBF00;
	s7 =	simm.s32 $0x0  }
.LBB2_2:
0x26: {  	p2 =	sne.s32 s9, $0x7E00;
	[tilespmem:s7+$0x43F0] =	vst v0  }
0x27: {  	[tilespmem:s7+$0x4380] =	vst v0  }
0x28: {  	[tilespmem:s7+$0x4390] =	vst v0  }
.Ltmp0:
0x29: {  	[tilespmem:s7+$0x43A0] =	vst v0;
	(pc) =	sbr.rel @p2 .LBB2_2-.Ltmp0, $4  }
0x2a: {  	[tilespmem:s7+$0x43B0] =	vst v0  }
0x2b: {  	[tilespmem:s7+$0x43C0] =	vst v0  }
0x2c: {  	[tilespmem:s7+$0x43D0] =	vst v0  }
0x2d: {  	[tilespmem:s7+$0x43E0] =	vst v0;
	s7 =	sshra.s32 s9, $0x2;
	s9 =	sadd.s32 $0x200, s9  }
0x2e: {  	[tilespmem:s7+$0x43F0] =	vst v0  }
0x2f: {  	[tilespmem:s7+$0x4380] =	vst v0  }
0x30: {  	[tilespmem:s7+$0x4390] =	vst v0  }
0x31: {  	[tilespmem:s7+$0x43A0] =	vst v0  }
0x32: {  	[tilespmem:s7+$0x43B0] =	vst v0  }
0x33: {  	[tilespmem:s7+$0x43C0] =	vst v0  }
0x34: {  	[tilespmem:s7+$0x43D0] =	vst v0  }
0x35: {  	[tilespmem:s7+$0x43E0] =	vst v0  }
0x36: {  	[spmem:s8] =	stream.linear.scatter [tilespmem:s22], [sflag:$0x5], $0x2000, $0x38;
	[tilespmem:$0x1FC80] =	vst v63  }
0x37: {  	_ =	swait.ge [sflag:s23], $0x2000  }
0x38: {  	[sflag:s23] =	ssyncset.done $0x0  }
0x39: {  	s9 =	rddreg [dreg:$0x7];
	[sflag:s23] =	ssyncadd.s32 $0xFFFFE000  }
0x3a: {  	[spmem:s9] =	stream.linear.scatter [tilespmem:s22], [sflag:$0x5], $0x2000, $0x38;
	[tilespmem:$0x1FC80] =	vst v63  }
0x3b: {  	_ =	swait.ge [sflag:s23], $0x2000  }
0x3c: {  	[sflag:s23] =	ssyncset.done $0x0  }
0x3d: {  	s10 =	rddreg [dreg:$0x8];
	[sflag:s23] =	ssyncadd.s32 $0xFFFFE000  }
0x3e: {  	[spmem:s10] =	stream.linear.scatter [tilespmem:s22], [sflag:$0x5], $0x2000, $0x38;
	[tilespmem:$0x1FC80] =	vst v63  }
0x3f: {  	_ =	swait.ge [sflag:s23], $0x2000  }
0x40: {  	[sflag:s23] =	ssyncset.done $0x0  }
0x41: {  	s11 =	rddreg [dreg:$0x9];
	[sflag:s23] =	ssyncadd.s32 $0xFFFFE000  }
0x42: {  	[spmem:s11] =	stream.linear.scatter [tilespmem:s22], [sflag:$0x5], $0x2000, $0x38;
	[tilespmem:$0x1FC80] =	vst v63  }
0x43: {  	_ =	swait.ge [sflag:s23], $0x2000  }
0x44: {  	[sflag:s23] =	ssyncset.done $0x0  }
0x45: {  	s12 =	rddreg [dreg:$0xa];
	[sflag:s23] =	ssyncadd.s32 $0xFFFFE000  }
0x46: {  	[spmem:s12] =	stream.linear.scatter [tilespmem:s22], [sflag:$0x5], $0x2000, $0x38;
	[tilespmem:$0x1FC80] =	vst v63  }
0x47: {  	_ =	swait.ge [sflag:s23], $0x2000  }
0x48: {  	[sflag:s23] =	ssyncset.done $0x0  }
0x49: {  	s13 =	rddreg [dreg:$0xb];
	[sflag:s23] =	ssyncadd.s32 $0xFFFFE000  }
0x4a: {  	[spmem:s13] =	stream.linear.scatter [tilespmem:s22], [sflag:$0x5], $0x2000, $0x38;
	[tilespmem:$0x1FC80] =	vst v63  }
0x4b: {  	_ =	swait.ge [sflag:s23], $0x2000  }
0x4c: {  	[sflag:s23] =	ssyncset.done $0x0  }
0x4d: {  	s14 =	rddreg [dreg:$0xc];
	[sflag:s23] =	ssyncadd.s32 $0xFFFFE000  }
0x4e: {  	[spmem:s14] =	stream.linear.scatter [tilespmem:s22], [sflag:$0x5], $0x2000, $0x38;
	[tilespmem:$0x1FC80] =	vst v63  }
0x4f: {  	_ =	swait.ge [sflag:s23], $0x2000  }
0x50: {  	[sflag:s23] =	ssyncset.done $0x0  }
0x51: {  	[sflag:s23] =	ssyncadd.s32 $0xFFFFE000  }
0x52: {  	[spmem:s15] =	stream.linear.scatter [tilespmem:s22], [sflag:$0x5], $0x2000, $0x38;
	[tilespmem:$0x1FC80] =	vst v63  }
0x53: {  	_ =	swait.ge [sflag:s23], $0x2000  }
0x54: {  	[sflag:s23] =	ssyncset.done $0x0  }
0x55: {  	[sflag:s23] =	ssyncadd.s32 $0xFFFFE000  }
0x56: {  	[spmem:s16] =	stream.linear.scatter [tilespmem:s22], [sflag:$0x5], $0x2000, $0x38;
	[tilespmem:$0x1FC80] =	vst v63  }
0x57: {  	_ =	swait.ge [sflag:s23], $0x2000  }
0x58: {  	[sflag:s23] =	ssyncset.done $0x0  }
0x59: {  	[sflag:s23] =	ssyncadd.s32 $0xFFFFE000  }
0x5a: {  	[spmem:s17] =	stream.linear.scatter [tilespmem:s22], [sflag:$0x5], $0x1880, $0x38;
	[tilespmem:$0x1FC80] =	vst v63  }
0x5b: {  	_ =	swait.ge [sflag:s23], $0x1880  }
0x5c: {  	[sflag:s23] =	ssyncset.done $0x0  }
0x5d: {  	[sflag:s23] =	ssyncadd.s32 $0xFFFFE780  }
0x5e: {  	[bflag:$0x0] =	sbarrier.arrive $0xFFFF  }
0x5f: {  	v1 =	vld [tilespmem:$0x0]  }
0x60: {  	v2 =	vld [tilespmem:$0x10]  }
0x61: {  	v3 =	vld [tilespmem:$0x20]  }
0x62: {  	v4 =	vld [tilespmem:$0x30];
	_ =	sdelay $0x1  }
0x63: {  	v1 =	vand.u32 $0x3FFF, v1  }
0x64: {  	[tilespmem:$0x4100] =	vst v1;
	v1 =	vand.u32 $0x3FFF, v2  }
0x65: {  	[tilespmem:$0x4110] =	vst v1;
	v1 =	vand.u32 $0x3FFF, v3  }
0x66: {  	[tilespmem:$0x4120] =	vst v1;
	v1 =	vand.u32 $0x3FFF, v4  }
0x67: {  	s9 =	simm.s32 $0x4100;
	[tilespmem:$0x4130] =	vst v1  }
0x68: {  	[tilespmem:s22], [sflag:$0x1] =	stream.indirect.gather [hbm4b:s1+s26], $0x80, s9, s26, $0xb8;
	[tilespmem:$0x1FC80] =	vst v63  }
0x69: {  	v1 =	vld [tilespmem:$0x40]  }
0x6a: {  	v2 =	vld [tilespmem:$0x50]  }
0x6b: {  	v3 =	vld [tilespmem:$0x60]  }
0x6c: {  	v62 =	vld [tilespmem:$0x70];
	_ =	sdelay $0x1  }
0x6d: {  	v1 =	vand.u32 $0x3FFF, v1  }
0x6e: {  	[tilespmem:$0x4180] =	vst v1;
	v1 =	vand.u32 $0x3FFF, v2  }
0x6f: {  	[tilespmem:$0x4190] =	vst v1;
	v1 =	vand.u32 $0x3FFF, v3  }
0x70: {  	[tilespmem:$0x41A0] =	vst v1;
	v1 =	vand.u32 $0x3FFF, v62  }
0x71: {  	s10 =	simm.s32 $0x4180;
	[tilespmem:$0x41B0] =	vst v1  }
0x72: {  	[tilespmem:s30], [sflag:$0x2] =	stream.indirect.gather [hbm4b:s1+s26], $0x80, s10, s26, $0xb8;
	[tilespmem:$0x1FC80] =	vst v63  }
0x73: {  	v1 =	vld [tilespmem:$0x80]  }
0x74: {  	v2 =	vld [tilespmem:$0x90]  }
0x75: {  	v3 =	vld [tilespmem:$0xA0]  }
0x76: {  	v63 =	vld [tilespmem:$0xB0];
	_ =	sdelay $0x1  }
0x77: {  	v1 =	vand.u32 $0x3FFF, v1  }
0x78: {  	[tilespmem:$0x4200] =	vst v1;
	v1 =	vand.u32 $0x3FFF, v2  }
0x79: {  	[tilespmem:$0x4210] =	vst v1;
	v1 =	vand.u32 $0x3FFF, v3  }
0x7a: {  	[tilespmem:$0x4220] =	vst v1;
	v1 =	vand.u32 $0x3FFF, v63  }
0x7b: {  	s11 =	simm.s32 $0x4200;
	[tilespmem:$0x4230] =	vst v1  }
0x7c: {  	[tilespmem:s0], [sflag:$0x3] =	stream.indirect.gather [hbm4b:s1+s26], $0x80, s11, s26, $0xb8;
	[tilespmem:$0x1FC80] =	vst v63  }
0x7d: {  	_ =	swait.ge [sflag:s28], $0x2000  }
0x7e: {  	[sflag:s28] =	ssyncset.done $0x0  }
0x7f: {  	s7 =	simm.s32 $0x100;
	[sflag:s28] =	ssyncadd.s32 $0xFFFFE000  }
0x80: {  	v1 =	vld [tilespmem:s7+$0xFFFFFF00];
	_ =	sdelay $0x4  }
0x81: {  	v1 =	vshrl.u32 v1, $0xE  }
0x82: {  	[tilespmem:$0x4300] =	vst v1  }
0x83: {  	v1 =	vld [tilespmem:s7+$0xFFFFFF10];
	_ =	sdelay $0x4  }
0x84: {  	v1 =	vshrl.u32 v1, $0xE  }
0x85: {  	[tilespmem:$0x4310] =	vst v1  }
0x86: {  	v1 =	vld [tilespmem:s7+$0xFFFFFF20];
	_ =	sdelay $0x4  }
0x87: {  	v1 =	vshrl.u32 v1, $0xE  }
0x88: {  	[tilespmem:$0x4320] =	vst v1  }
0x89: {  	v1 =	vld [tilespmem:s7+$0xFFFFFF30];
	_ =	sdelay $0x4  }
0x8a: {  	v1 =	vshrl.u32 v1, $0xE  }
0x8b: {  	[tilespmem:$0x4330] =	vst v1  }
0x8c: {  	[spmem:s2] =	stream.indirect.scatter.add.f32 [tilespmem:s22], [sflag:$0x5], $0x80, s29, s26, $0xb8;
	[tilespmem:$0x1FC80] =	vst v63  }
0x8d: {  	_ =	swait.ge [sflag:s23], $0x2000  }
0x8e: {  	[sflag:s23] =	ssyncset.done $0x0  }
0x8f: {  	p2 =	sle.u32 s5, $0x3;
	[sflag:s23] =	ssyncadd.s32 $0xFFFFE000  }
0x90: {  	v1 =	vld @!p2 [tilespmem:s7+$0xFFFFFFC0];
	_ =	sdelay $0x4  }
0x91: {  	s9 =	simm.s32 $0xC0;
	v1 =	vand.u32 @!p2 $0x3FFF, v1  }
0x92: {  	s10 =	sor.u32 @!p2 $0x50, s9;
	[tilespmem:$0x4280] =	vst @!p2 v1  }
0x93: {  	v1 =	vld @!p2 [tilespmem:s10+$0x0];
	_ =	sdelay $0x4  }
0x94: {  	v1 =	vand.u32 @!p2 $0x3FFF, v1  }
0x95: {  	s10 =	sor.u32 @!p2 $0x60, s9;
	[tilespmem:$0x4290] =	vst @!p2 v1  }
0x96: {  	v1 =	vld @!p2 [tilespmem:s10+$0x0];
	_ =	sdelay $0x4  }
0x97: {  	v1 =	vand.u32 @!p2 $0x3FFF, v1  }
0x98: {  	s10 =	sor.u32 @!p2 $0x70, s9;
	[tilespmem:$0x42A0] =	vst @!p2 v1  }
0x99: {  	v1 =	vld @!p2 [tilespmem:s10+$0x0];
	_ =	sdelay $0x4  }
0x9a: {  	v1 =	vand.u32 @!p2 $0x3FFF, v1  }
0x9b: {  	s12 =	simm.s32 @!p2 $0xA380;
	s11 =	simm.s32 @!p2 $0x4280;
	s10 =	simm.s32 @!p2 $0x40;
	[tilespmem:$0x42B0] =	vst @!p2 v1  }
0x9c: {  	[tilespmem:s12], [sflag:$0x4] =	stream.indirect.gather @!p2 [hbm4b:s1+s10], $0x80, s11, s10, $0xb8;
	[tilespmem:$0x1FC80] =	vst v63  }
0x9d: {  	_ =	swait.ge [sflag:s31], $0x2000  }
0x9e: {  	[sflag:s31] =	ssyncset.done $0x0  }
0x9f: {  	[sflag:s31] =	ssyncadd.s32 $0xFFFFE000  }
0xa0: {  	v1 =	vld [tilespmem:s7+$0xFFFFFF40];
	_ =	sdelay $0x4  }
0xa1: {  	v1 =	vshrl.u32 v1, $0xE  }
0xa2: {  	[tilespmem:$0x4300] =	vst v1  }
0xa3: {  	v1 =	vld [tilespmem:s7+$0xFFFFFF50];
	_ =	sdelay $0x4  }
0xa4: {  	v1 =	vshrl.u32 v1, $0xE  }
0xa5: {  	[tilespmem:$0x4310] =	vst v1  }
0xa6: {  	v1 =	vld [tilespmem:s7+$0xFFFFFF60];
	_ =	sdelay $0x4  }
0xa7: {  	v1 =	vshrl.u32 v1, $0xE  }
0xa8: {  	[tilespmem:$0x4320] =	vst v1  }
0xa9: {  	v1 =	vld [tilespmem:s7+$0xFFFFFF70];
	_ =	sdelay $0x4  }
0xaa: {  	v1 =	vshrl.u32 v1, $0xE  }
0xab: {  	[tilespmem:$0x4330] =	vst v1  }
0xac: {  	[spmem:s2] =	stream.indirect.scatter.add.f32 [tilespmem:s30], [sflag:$0x5], $0x80, s29, s26, $0xb8;
	[tilespmem:$0x1FC80] =	vst v63  }
0xad: {  	_ =	swait.ge [sflag:s23], $0x2000  }
0xae: {  	[sflag:s23] =	ssyncset.done $0x0  }
0xaf: {  	p2 =	sle.u32 s5, $0x4;
	[sflag:s23] =	ssyncadd.s32 $0xFFFFE000  }
0xb0: {  	v1 =	vld @!p2 [tilespmem:s7+$0x0];
	_ =	sdelay $0x4  }
0xb1: {  	v1 =	vand.u32 @!p2 $0x3FFF, v1  }
0xb2: {  	[tilespmem:$0x4100] =	vst @!p2 v1  }
0xb3: {  	v1 =	vld @!p2 [tilespmem:s7+$0x10];
	_ =	sdelay $0x4  }
0xb4: {  	v1 =	vand.u32 @!p2 $0x3FFF, v1  }
0xb5: {  	[tilespmem:$0x4110] =	vst @!p2 v1  }
0xb6: {  	v1 =	vld @!p2 [tilespmem:s7+$0x20];
	_ =	sdelay $0x4  }
0xb7: {  	v1 =	vand.u32 @!p2 $0x3FFF, v1  }
0xb8: {  	[tilespmem:$0x4120] =	vst @!p2 v1  }
0xb9: {  	v1 =	vld @!p2 [tilespmem:s7+$0x30];
	_ =	sdelay $0x4  }
0xba: {  	v1 =	vand.u32 @!p2 $0x3FFF, v1  }
0xbb: {  	s10 =	simm.s32 @!p2 $0x40;
	s11 =	simm.s32 @!p2 $0x4100;
	s12 =	simm.s32 @!p2 $0x4380;
	[tilespmem:$0x4130] =	vst @!p2 v1  }
0xbc: {  	[tilespmem:s12], [sflag:$0x1] =	stream.indirect.gather @!p2 [hbm4b:s1+s10], $0x80, s11, s10, $0xb8;
	[tilespmem:$0x1FC80] =	vst v63  }
0xbd: {  	_ =	swait.ge [sflag:s4], $0x2000  }
0xbe: {  	[sflag:s4] =	ssyncset.done $0x0  }
0xbf: {  	[sflag:s4] =	ssyncadd.s32 $0xFFFFE000  }
0xc0: {  	v1 =	vld [tilespmem:s7+$0xFFFFFF80];
	_ =	sdelay $0x4  }
0xc1: {  	v1 =	vshrl.u32 v1, $0xE  }
0xc2: {  	[tilespmem:$0x4300] =	vst v1  }
0xc3: {  	v1 =	vld [tilespmem:s7+$0xFFFFFF90];
	_ =	sdelay $0x4  }
0xc4: {  	v1 =	vshrl.u32 v1, $0xE  }
0xc5: {  	[tilespmem:$0x4310] =	vst v1  }
0xc6: {  	v1 =	vld [tilespmem:s7+$0xFFFFFFA0];
	_ =	sdelay $0x4  }
0xc7: {  	v1 =	vshrl.u32 v1, $0xE  }
0xc8: {  	[tilespmem:$0x4320] =	vst v1  }
0xc9: {  	v1 =	vld [tilespmem:s7+$0xFFFFFFB0];
	_ =	sdelay $0x4  }
0xca: {  	v1 =	vshrl.u32 v1, $0xE  }
0xcb: {  	[tilespmem:$0x4330] =	vst v1  }
0xcc: {  	[spmem:s2] =	stream.indirect.scatter.add.f32 [tilespmem:s0], [sflag:$0x5], $0x80, s29, s26, $0xb8;
	[tilespmem:$0x1FC80] =	vst v63  }
0xcd: {  	_ =	swait.ge [sflag:s23], $0x2000  }
0xce: {  	[sflag:s23] =	ssyncset.done $0x0  }
0xcf: {  	p2 =	sle.u32 s5, $0x5;
	[sflag:s23] =	ssyncadd.s32 $0xFFFFE000  }
0xd0: {  	v1 =	vld @!p2 [tilespmem:s7+$0x40];
	_ =	sdelay $0x4  }
0xd1: {  	s10 =	simm.s32 @!p2 $0x140;
	v1 =	vand.u32 @!p2 $0x3FFF, v1  }
0xd2: {  	s11 =	sor.u32 @!p2 $0x50, s10;
	[tilespmem:$0x4180] =	vst @!p2 v1  }
0xd3: {  	v1 =	vld @!p2 [tilespmem:s11+$0x0];
	_ =	sdelay $0x4  }
0xd4: {  	v1 =	vand.u32 @!p2 $0x3FFF, v1  }
0xd5: {  	s11 =	sor.u32 @!p2 $0x60, s10;
	[tilespmem:$0x4190] =	vst @!p2 v1  }
0xd6: {  	v1 =	vld @!p2 [tilespmem:s11+$0x0];
	_ =	sdelay $0x4  }
0xd7: {  	v1 =	vand.u32 @!p2 $0x3FFF, v1  }
0xd8: {  	s10 =	sor.u32 @!p2 $0x70, s10;
	[tilespmem:$0x41A0] =	vst @!p2 v1  }
0xd9: {  	v1 =	vld @!p2 [tilespmem:s10+$0x0];
	_ =	sdelay $0x4  }
0xda: {  	v1 =	vand.u32 @!p2 $0x3FFF, v1  }
0xdb: {  	s12 =	simm.s32 @!p2 $0x6380;
	s11 =	simm.s32 @!p2 $0x4180;
	s10 =	simm.s32 @!p2 $0x40;
	[tilespmem:$0x41B0] =	vst @!p2 v1  }
0xdc: {  	[tilespmem:s12], [sflag:$0x2] =	stream.indirect.gather @!p2 [hbm4b:s1+s10], $0x80, s11, s10, $0xb8;
	[tilespmem:$0x1FC80] =	vst v63  }
0xdd: {  	_ =	swait.ge [sflag:s6], $0x2000  }
0xde: {  	[sflag:s6] =	ssyncset.done $0x0  }
0xdf: {  	[sflag:s6] =	ssyncadd.s32 $0xFFFFE000  }
0xe0: {  	v1 =	vld [tilespmem:s7+$0xFFFFFFC0];
	_ =	sdelay $0x4  }
0xe1: {  	v1 =	vshrl.u32 v1, $0xE  }
0xe2: {  	s12 =	sor.u32 $0x50, s9;
	[tilespmem:$0x4300] =	vst v1  }
0xe3: {  	v1 =	vld [tilespmem:s12+$0x0];
	_ =	sdelay $0x4  }
0xe4: {  	v1 =	vshrl.u32 v1, $0xE  }
0xe5: {  	s13 =	sor.u32 $0x60, s9;
	[tilespmem:$0x4310] =	vst v1  }
0xe6: {  	v1 =	vld [tilespmem:s13+$0x0];
	_ =	sdelay $0x4  }
0xe7: {  	v1 =	vshrl.u32 v1, $0xE  }
0xe8: {  	s9 =	sor.u32 $0x70, s9;
	[tilespmem:$0x4320] =	vst v1  }
0xe9: {  	v1 =	vld [tilespmem:s9+$0x0];
	_ =	sdelay $0x4  }
0xea: {  	v1 =	vshrl.u32 v1, $0xE  }
0xeb: {  	s14 =	rddreg [dreg:$0x4];
	[tilespmem:$0x4330] =	vst v1  }
0xec: {  	[spmem:s2] =	stream.indirect.scatter.add.f32 [tilespmem:s14], [sflag:$0x5], $0x80, s29, s26, $0xb8;
	[tilespmem:$0x1FC80] =	vst v63  }
0xed: {  	_ =	swait.ge [sflag:s23], $0x2000  }
0xee: {  	[sflag:s23] =	ssyncset.done $0x0  }
0xef: {  	p3 =	sle.u32 s5, $0x6;
	[sflag:s23] =	ssyncadd.s32 $0xFFFFE000  }
0xf0: {  	v1 =	vld @!p3 [tilespmem:s7+$0x80];
	_ =	sdelay $0x4  }
0xf1: {  	v1 =	vand.u32 @!p3 $0x3FFF, v1  }
0xf2: {  	[tilespmem:$0x4200] =	vst @!p3 v1  }
0xf3: {  	v1 =	vld @!p3 [tilespmem:s7+$0x90];
	_ =	sdelay $0x4  }
0xf4: {  	v1 =	vand.u32 @!p3 $0x3FFF, v1  }
0xf5: {  	[tilespmem:$0x4210] =	vst @!p3 v1  }
0xf6: {  	v1 =	vld @!p3 [tilespmem:s7+$0xA0];
	_ =	sdelay $0x4  }
0xf7: {  	v1 =	vand.u32 @!p3 $0x3FFF, v1  }
0xf8: {  	[tilespmem:$0x4220] =	vst @!p3 v1  }
0xf9: {  	v1 =	vld @!p3 [tilespmem:s7+$0xB0];
	s7 =	sadd.s32 $0xFFFFFFFF, s18  }
0xfa: {  	p2 =	sne.s32 s7, $0x0  }
.Ltmp1:
0xfb: {  	_ = 	snop;
	(pc) =	sbr.rel @!p2 .LBB2_5-.Ltmp1, $3  }
0xfc: {  	_ =	sdelay $0x1  }
0xfd: {  	s10 =	simm.s32 $0xA;
	s11 =	simm.s32 $0x200;
	s12 =	simm.s32 @!p3 $0x40;
	v1 =	vand.u32 @!p3 $0x3FFF, v1  }
0xfe: {  	s13 =	simm.s32 @!p3 $0x4200;
	s9 =	simm.s32 $0x1C0;
	s14 =	simm.s32 @!p3 $0x8380;
	[tilespmem:$0x4230] =	vst @!p3 v1  }
.LBB2_4:
0xff: {  	[tilespmem:s14], [sflag:$0x3] =	stream.indirect.gather @!p3 [hbm4b:s1+s12], $0x80, s13, s12, $0xb8;
	[tilespmem:$0x1FC80] =	vst v63  }
0x100: {  	_ =	swait.ge [sflag:s28], $0x2000  }
0x101: {  	[sflag:s28] =	ssyncset.done $0x0  }
0x102: {  	[sflag:s28] =	ssyncadd.s32 $0xFFFFE000  }
0x103: {  	v1 =	vld [tilespmem:s11+$0xFFFFFF00];
	_ =	sdelay $0x4  }
0x104: {  	v1 =	vshrl.u32 v1, $0xE  }
0x105: {  	[tilespmem:$0x4300] =	vst v1  }
0x106: {  	v1 =	vld [tilespmem:s11+$0xFFFFFF10];
	_ =	sdelay $0x4  }
0x107: {  	v1 =	vshrl.u32 v1, $0xE  }
0x108: {  	[tilespmem:$0x4310] =	vst v1  }
0x109: {  	v1 =	vld [tilespmem:s11+$0xFFFFFF20];
	_ =	sdelay $0x4  }
0x10a: {  	v1 =	vshrl.u32 v1, $0xE  }
0x10b: {  	[tilespmem:$0x4320] =	vst v1  }
0x10c: {  	v1 =	vld [tilespmem:s11+$0xFFFFFF30];
	_ =	sdelay $0x4  }
0x10d: {  	v1 =	vshrl.u32 v1, $0xE  }
0x10e: {  	[tilespmem:$0x4330] =	vst v1  }
0x10f: {  	[spmem:s2] =	stream.indirect.scatter.add.f32 [tilespmem:s22], [sflag:$0x5], $0x80, s29, s26, $0xb8;
	[tilespmem:$0x1FC80] =	vst v63  }
0x110: {  	_ =	swait.ge [sflag:s23], $0x2000  }
0x111: {  	s14 =	sadd.s32 $0xFFFFFFFD, s10;
	[sflag:s23] =	ssyncset.done $0x0  }
0x112: {  	p3 =	sge.u32 s14, s5;
	[sflag:s23] =	ssyncadd.s32 $0xFFFFE000  }
0x113: {  	v1 =	vld @!p3 [tilespmem:s11+$0xFFFFFFC0];
	_ =	sdelay $0x4  }
0x114: {  	v1 =	vand.u32 @!p3 $0x3FFF, v1  }
0x115: {  	s12 =	sor.u32 @!p3 $0x50, s9;
	[tilespmem:$0x4280] =	vst @!p3 v1  }
0x116: {  	v1 =	vld @!p3 [tilespmem:s12+$0x0];
	_ =	sdelay $0x4  }
0x117: {  	v1 =	vand.u32 @!p3 $0x3FFF, v1  }
0x118: {  	s12 =	sor.u32 @!p3 $0x60, s9;
	[tilespmem:$0x4290] =	vst @!p3 v1  }
0x119: {  	v1 =	vld @!p3 [tilespmem:s12+$0x0];
	_ =	sdelay $0x4  }
0x11a: {  	v1 =	vand.u32 @!p3 $0x3FFF, v1  }
0x11b: {  	s12 =	sor.u32 @!p3 $0x70, s9;
	[tilespmem:$0x42A0] =	vst @!p3 v1  }
0x11c: {  	v1 =	vld @!p3 [tilespmem:s12+$0x0];
	_ =	sdelay $0x4  }
0x11d: {  	v1 =	vand.u32 @!p3 $0x3FFF, v1  }
0x11e: {  	s13 =	simm.s32 @!p3 $0x4280;
	s14 =	simm.s32 @!p3 $0xA380;
	s12 =	simm.s32 @!p3 $0x40;
	[tilespmem:$0x42B0] =	vst @!p3 v1  }
0x11f: {  	[tilespmem:s14], [sflag:$0x4] =	stream.indirect.gather @!p3 [hbm4b:s1+s12], $0x80, s13, s12, $0xb8;
	[tilespmem:$0x1FC80] =	vst v63  }
0x120: {  	_ =	swait.ge [sflag:s31], $0x2000  }
0x121: {  	[sflag:s31] =	ssyncset.done $0x0  }
0x122: {  	[sflag:s31] =	ssyncadd.s32 $0xFFFFE000  }
0x123: {  	v1 =	vld [tilespmem:s11+$0xFFFFFF40];
	_ =	sdelay $0x4  }
0x124: {  	v1 =	vshrl.u32 v1, $0xE  }
0x125: {  	[tilespmem:$0x4300] =	vst v1  }
0x126: {  	v1 =	vld [tilespmem:s11+$0xFFFFFF50];
	_ =	sdelay $0x4  }
0x127: {  	v1 =	vshrl.u32 v1, $0xE  }
0x128: {  	[tilespmem:$0x4310] =	vst v1  }
0x129: {  	v1 =	vld [tilespmem:s11+$0xFFFFFF60];
	_ =	sdelay $0x4  }
0x12a: {  	v1 =	vshrl.u32 v1, $0xE  }
0x12b: {  	[tilespmem:$0x4320] =	vst v1  }
0x12c: {  	v1 =	vld [tilespmem:s11+$0xFFFFFF70];
	_ =	sdelay $0x4  }
0x12d: {  	v1 =	vshrl.u32 v1, $0xE  }
0x12e: {  	[tilespmem:$0x4330] =	vst v1  }
0x12f: {  	[spmem:s2] =	stream.indirect.scatter.add.f32 [tilespmem:s30], [sflag:$0x5], $0x80, s29, s26, $0xb8;
	[tilespmem:$0x1FC80] =	vst v63  }
0x130: {  	_ =	swait.ge [sflag:s23], $0x2000  }
0x131: {  	s13 =	sadd.s32 $0xFFFFFFFE, s10;
	[sflag:s23] =	ssyncset.done $0x0  }
0x132: {  	p3 =	sge.u32 s13, s5;
	[sflag:s23] =	ssyncadd.s32 $0xFFFFE000  }
0x133: {  	v1 =	vld @!p3 [tilespmem:s11+$0x0];
	_ =	sdelay $0x4  }
0x134: {  	v1 =	vand.u32 @!p3 $0x3FFF, v1  }
0x135: {  	[tilespmem:$0x4100] =	vst @!p3 v1  }
0x136: {  	v1 =	vld @!p3 [tilespmem:s11+$0x10];
	_ =	sdelay $0x4  }
0x137: {  	v1 =	vand.u32 @!p3 $0x3FFF, v1  }
0x138: {  	[tilespmem:$0x4110] =	vst @!p3 v1  }
0x139: {  	v1 =	vld @!p3 [tilespmem:s11+$0x20];
	_ =	sdelay $0x4  }
0x13a: {  	v1 =	vand.u32 @!p3 $0x3FFF, v1  }
0x13b: {  	[tilespmem:$0x4120] =	vst @!p3 v1  }
0x13c: {  	v1 =	vld @!p3 [tilespmem:s11+$0x30];
	_ =	sdelay $0x4  }
0x13d: {  	v1 =	vand.u32 @!p3 $0x3FFF, v1  }
0x13e: {  	s12 =	simm.s32 @!p3 $0x40;
	s13 =	simm.s32 @!p3 $0x4100;
	s14 =	simm.s32 @!p3 $0x4380;
	[tilespmem:$0x4130] =	vst @!p3 v1  }
0x13f: {  	[tilespmem:s14], [sflag:$0x1] =	stream.indirect.gather @!p3 [hbm4b:s1+s12], $0x80, s13, s12, $0xb8;
	[tilespmem:$0x1FC80] =	vst v63  }
0x140: {  	_ =	swait.ge [sflag:s4], $0x2000  }
0x141: {  	[sflag:s4] =	ssyncset.done $0x0  }
0x142: {  	[sflag:s4] =	ssyncadd.s32 $0xFFFFE000  }
0x143: {  	v1 =	vld [tilespmem:s11+$0xFFFFFF80];
	_ =	sdelay $0x4  }
0x144: {  	v1 =	vshrl.u32 v1, $0xE  }
0x145: {  	[tilespmem:$0x4300] =	vst v1  }
0x146: {  	v1 =	vld [tilespmem:s11+$0xFFFFFF90];
	_ =	sdelay $0x4  }
0x147: {  	v1 =	vshrl.u32 v1, $0xE  }
0x148: {  	[tilespmem:$0x4310] =	vst v1  }
0x149: {  	v1 =	vld [tilespmem:s11+$0xFFFFFFA0];
	_ =	sdelay $0x4  }
0x14a: {  	v1 =	vshrl.u32 v1, $0xE  }
0x14b: {  	[tilespmem:$0x4320] =	vst v1  }
0x14c: {  	v1 =	vld [tilespmem:s11+$0xFFFFFFB0];
	_ =	sdelay $0x4  }
0x14d: {  	v1 =	vshrl.u32 v1, $0xE  }
0x14e: {  	[tilespmem:$0x4330] =	vst v1  }
0x14f: {  	[spmem:s2] =	stream.indirect.scatter.add.f32 [tilespmem:s0], [sflag:$0x5], $0x80, s29, s26, $0xb8;
	[tilespmem:$0x1FC80] =	vst v63  }
0x150: {  	_ =	swait.ge [sflag:s23], $0x2000  }
0x151: {  	s14 =	sadd.s32 $0xFFFFFFFF, s10;
	[sflag:s23] =	ssyncset.done $0x0  }
0x152: {  	p3 =	sge.u32 s14, s5;
	[sflag:s23] =	ssyncadd.s32 $0xFFFFE000  }
0x153: {  	v1 =	vld @!p3 [tilespmem:s11+$0x40];
	_ =	sdelay $0x4  }
0x154: {  	s12 =	sadd.s32 @!p3 $0x80, s9;
	v1 =	vand.u32 @!p3 $0x3FFF, v1  }
0x155: {  	s13 =	sor.u32 @!p3 $0x50, s12;
	[tilespmem:$0x4180] =	vst @!p3 v1  }
0x156: {  	v1 =	vld @!p3 [tilespmem:s13+$0x0];
	_ =	sdelay $0x4  }
0x157: {  	v1 =	vand.u32 @!p3 $0x3FFF, v1  }
0x158: {  	s14 =	sor.u32 @!p3 $0x60, s12;
	[tilespmem:$0x4190] =	vst @!p3 v1  }
0x159: {  	v1 =	vld @!p3 [tilespmem:s14+$0x0];
	_ =	sdelay $0x4  }
0x15a: {  	v1 =	vand.u32 @!p3 $0x3FFF, v1  }
0x15b: {  	s12 =	sor.u32 @!p3 $0x70, s12;
	[tilespmem:$0x41A0] =	vst @!p3 v1  }
0x15c: {  	v1 =	vld @!p3 [tilespmem:s12+$0x0];
	_ =	sdelay $0x4  }
0x15d: {  	v1 =	vand.u32 @!p3 $0x3FFF, v1  }
0x15e: {  	s13 =	simm.s32 @!p3 $0x4180;
	s14 =	simm.s32 @!p3 $0x6380;
	s12 =	simm.s32 @!p3 $0x40;
	[tilespmem:$0x41B0] =	vst @!p3 v1  }
0x15f: {  	[tilespmem:s14], [sflag:$0x2] =	stream.indirect.gather @!p3 [hbm4b:s1+s12], $0x80, s13, s12, $0xb8;
	[tilespmem:$0x1FC80] =	vst v63  }
0x160: {  	_ =	swait.ge [sflag:s6], $0x2000  }
0x161: {  	[sflag:s6] =	ssyncset.done $0x0  }
0x162: {  	[sflag:s6] =	ssyncadd.s32 $0xFFFFE000  }
0x163: {  	v1 =	vld [tilespmem:s11+$0xFFFFFFC0];
	_ =	sdelay $0x4  }
0x164: {  	v1 =	vshrl.u32 v1, $0xE  }
0x165: {  	s13 =	sor.u32 $0x50, s9;
	[tilespmem:$0x4300] =	vst v1  }
0x166: {  	v1 =	vld [tilespmem:s13+$0x0];
	_ =	sdelay $0x4  }
0x167: {  	v1 =	vshrl.u32 v1, $0xE  }
0x168: {  	s14 =	sor.u32 $0x60, s9;
	[tilespmem:$0x4310] =	vst v1  }
0x169: {  	v1 =	vld [tilespmem:s14+$0x0];
	_ =	sdelay $0x4  }
0x16a: {  	v1 =	vshrl.u32 v1, $0xE  }
0x16b: {  	s13 =	sor.u32 $0x70, s9;
	[tilespmem:$0x4320] =	vst v1  }
0x16c: {  	v1 =	vld [tilespmem:s13+$0x0];
	_ =	sdelay $0x4  }
0x16d: {  	v1 =	vshrl.u32 v1, $0xE  }
0x16e: {  	s14 =	rddreg [dreg:$0x4];
	[tilespmem:$0x4330] =	vst v1  }
0x16f: {  	[spmem:s2] =	stream.indirect.scatter.add.f32 [tilespmem:s14], [sflag:$0x5], $0x80, s29, s26, $0xb8;
	[tilespmem:$0x1FC80] =	vst v63  }
0x170: {  	_ =	swait.ge [sflag:s23], $0x2000  }
0x171: {  	[sflag:s23] =	ssyncset.done $0x0  }
0x172: {  	p3 =	sge.u32 s10, s5;
	[sflag:s23] =	ssyncadd.s32 $0xFFFFE000  }
0x173: {  	v1 =	vld @!p3 [tilespmem:s11+$0x80];
	_ =	sdelay $0x4  }
0x174: {  	v1 =	vand.u32 @!p3 $0x3FFF, v1  }
0x175: {  	[tilespmem:$0x4200] =	vst @!p3 v1  }
0x176: {  	v1 =	vld @!p3 [tilespmem:s11+$0x90];
	_ =	sdelay $0x4  }
0x177: {  	v1 =	vand.u32 @!p3 $0x3FFF, v1  }
0x178: {  	[tilespmem:$0x4210] =	vst @!p3 v1  }
0x179: {  	v1 =	vld @!p3 [tilespmem:s11+$0xA0];
	_ =	sdelay $0x4  }
0x17a: {  	v1 =	vand.u32 @!p3 $0x3FFF, v1  }
0x17b: {  	[tilespmem:$0x4220] =	vst @!p3 v1  }
0x17c: {  	s7 =	sadd.s32 $0xFFFFFFFF, s7;
	v1 =	vld @!p3 [tilespmem:s11+$0xB0]  }
0x17d: {  	p2 =	sne.s32 s7, $0x0  }
.Ltmp2:
0x17e: {  	_ = 	snop;
	(pc) =	sbr.rel @p2 .LBB2_4-.Ltmp2, $3  }
0x17f: {  	_ =	sdelay $0x1  }
0x180: {  	s10 =	sadd.s32 $0x4, s10;
	s12 =	simm.s32 @!p3 $0x40;
	s9 =	sadd.s32 $0x100, s9;
	v1 =	vand.u32 @!p3 $0x3FFF, v1  }
0x181: {  	s13 =	simm.s32 @!p3 $0x4200;
	s14 =	simm.s32 @!p3 $0x8380;
	s11 =	sadd.s32 $0x100, s11;
	[tilespmem:$0x4230] =	vst @!p3 v1  }
.LBB2_5:
0x182: {  	[tilespmem:s14], [sflag:$0x3] =	stream.indirect.gather @!p3 [hbm4b:s1+s12], $0x80, s13, s12, $0xb8;
	[tilespmem:$0x1FC80] =	vst v63  }
0x183: {  	s7 =	stileid.u32  }
0x184: {  	s7 =	sshll.u32 s7, $0x6  }
0x185: {  	[bflag:$0x0] =	sbarrier.arrive $0xFFFF;
	s7 =	sor.u32 $0x1C05, s7  }
0x186: {  	[hbm:s19], [sflag:s7] =	dma.local [spmem:s24], $0x2700  }
0x187: {  	_ =	swait.ge [sflag:s23], $0x2700  }
0x188: {  	s3 =	sadd.s32 $0x1, s3;
	[sflag:s23] =	ssyncset.done $0x0  }
0x189: {  	p2 =	sne.s32 s3, s21;
	[sflag:s23] =	ssyncadd.s32 $0xFFFFD900  }
0x18a: {  	[hbm:s20], [sflag:s7] =	dma.local @!p1 [spmem:s25], $0x100  }
.Ltmp3:
0x18b: {  	_ = 	snop;
	(pc) =	sbr.rel @p2 .LBB2_1-.Ltmp3, $4  }
0x18c: {  	s7 =	simm.s32 @!p1 $0x5  }
0x18d: {  	_ =	swait.ge @!p1 [sflag:s7], $0x100  }
0x18e: {  	[sflag:s7] =	ssyncset.done @!p1 $0x0  }
0x18f: {  	[sflag:s7] =	ssyncadd.s32 @!p1 $0xFFFFFF00  }
0x190: {  	_ =	sfence.sel $0x180000  }
0x191: {  	[bflag:$0x0] =	sbarrier.arrive $0xFFFF  }
0x192: {  	_ =	strace $0x9000004A  }
0x193: {  	s0 =	stileid.u32;
	[bflag:$0x2] =	sbarrier.arrive $0xFFFF  }
0x194: {  	p0 =	sne.s32 s0, $0x0;
	s0 =	rddreg [dreg:$0x3]  }
0x195: {  	s0 =	sadd.s32 @!p0 $0x100000, s0  }
0x196: {  	[sflag:s0] =	ssyncadd.tile.s32 @!p0 $0x1;
	_ =	shalt  }
.Lfunc_end2:
_tile_overlayer_lowered:
.L_overlay_start_2:
0x197: {  	(tag) =	ssettag $0x2  }
0x198: {  	s0 =	rddreg [dreg:$0x0];
	s2 =	stileid.u32  }
0x199: {  	s1 =	rddreg [dreg:$0x1];
	p0 =	sne.s32 s2, $0x0  }
0x19a: {  	s3 =	rddreg [dreg:$0x2];
	[bflag:$0x3] =	sbarrier.arrive $0xFFFF;
	s2 =	simm.s32 @!p0 $0x1C05  }
0x19b: {  	[timem:s3], [sflag:s2] =	dma.local @!p0 [hbm:s0], s1  }
0x19c: {  	s0 =	simm.s32 @!p0 $0x5  }
0x19d: {  	_ =	swait.ge @!p0 [sflag:s0], s1  }
0x19e: {  	s1 =	ssub.s32 @!p0 $0x0, s1;
	[sflag:s0] =	ssyncset.done @!p0 $0x0  }
0x19f: {  	[sflag:s0] =	ssyncadd.s32 @!p0 s1  }
0x1a0: {  	[bflag:$0x3] =	sbarrier.arrive $0xFFFF  }
0x1a1: {  	_ =	shalt  }

// kernel: kernel.15.cloned.1.call-start
scs
__scs_entry_jumppad:
0x0: {  	(pc) =	sbr.rel $0x88, $3  }
0x1: {  	(tag) =	ssettag $0x0;
	lr =	simm.s32 $0x1  }
0x2: {  	[smem:$0x3F99] =	sst lr;
	_ =	strace $0xD0000000  }
0x3: {  	_ = 	snop  }
0x4: {  	_ = 	snop  }
0x5: {  	_ = 	snop  }
0x6: {  	_ = 	snop  }
0x7: {  	_ = 	snop  }
__scs_overlays_trampoline_lowered:
0x8: {  	[smem:$0x3FA8] =	sst s0  }
0x9: {  	[smem:$0x3FA9] =	sst s1  }
0xa: {  	[smem:$0x3FAA] =	sst s2  }
0xb: {  	[smem:$0x3FAB] =	sst s3  }
0xc: {  	[smem:$0x3FAC] =	sst s4  }
0xd: {  	[smem:$0x3FAD] =	sst s5  }
0xe: {  	[smem:$0x3FAE] =	sst s6  }
0xf: {  	[smem:$0x3FAF] =	sst s7  }
0x10: {  	[smem:$0x3FB0] =	sst s8  }
0x11: {  	[smem:$0x3FB1] =	sst s9;
	s0 =	simm.s32 @!p0 $0x0  }
0x12: {  	s1 =	sld [smem:$0x3F97];
	s0 =	simm.s32 @p0 $0x1  }
0x13: {  	[smem:$0x3FB2] =	sst s0;
	s0 =	simm.s32 @!p1 $0x0  }
0x14: {  	s2 =	sld [smem:$0x3F96];
	s0 =	simm.s32 @p1 $0x1  }
0x15: {  	[smem:$0x3FB3] =	sst s0;
	s0 =	simm.s32 @!p2 $0x0  }
0x16: {  	s3 =	sld [smem:$0x3FDB];
	s0 =	simm.s32 @p2 $0x1  }
0x17: {  	s4 =	simm.s32 $0x1BF5;
	[smem:$0x3FB5] =	sst s0  }
0x18: {  	s0 =	sld [smem:$0x3F98];
	_ =	swait.ge [sflag:s4], $0x0  }
0x19: {  	s7 =	sld [smem:$0x3F99]  }
0x1a: {  	s8 =	sadd.s32 $0xFFFFE003, lr  }
0x1b: {  	s9 =	sadd.s32 $0xFFFFFEF7, lr;
	s5 =	simm.s32 $0xFFFFFFFF;
	p2 =	slt.u32 s8, $0xFFFFF086  }
0x1c: {  	p1 =	slt.u32 s9, $0xF7A;
	s5 =	simm.s32 @!p2 $0x0  }
0x1d: {  	s5 =	simm.s32 @p1 $0x1;
	p0 =	seq.s32 s7, s2  }
0x1e: {  	s7 =	smul.u32 @!p0 $0xF7A, s2;
	p2 =	seq.s32 @!p0 s5, $0x0  }
0x1f: {  	s9 =	smul.u32 $0xF7A, s1;
	s8 =	simm.s32 @!p0 $0x1BF5;
	p2 =	por !p2, p0  }
0x20: {  	[sflag:s8] =	ssyncset.s32 @!p0 $0xFFFFF086;
	s6 =	sadd.s32 @!p0 s3, s7;
	s7 =	simm.s32 @!p0 $0x108  }
0x21: {  	s3 =	sadd.s32 s3, s9;
	s6 =	sadd.s32 @!p0 $0x88, s6;
	s7 =	simm.s32 @p2 $0x1082  }
0x22: {  	[simem:s7], [sflag:s8] =	dma.local @!p0 [hbm:s6], $0xF7A  }
0x23: {  	s9 =	sor.u32 $0xD0000000, s2;
	s6 =	simm.s32 $0x108;
	_ =	swait.ge @!p0 [sflag:s8], $0x0  }
0x24: {  	s3 =	sadd.s32 $0x88, s3;
	s6 =	simm.s32 @!p1 $0x1082;
	[sflag:s4] =	ssyncset.s32 $0xFFFFF086  }
0x25: {  	[simem:s6], [sflag:s4] =	dma.local [hbm:s3], $0xF7A  }
0x26: {  	[smem:$0x3F99] =	sst s1;
	(tag) =	ssettag s2;
	_ =	strace s9  }
0x27: {  	s1 =	sld [smem:$0x3FA9]  }
0x28: {  	s2 =	sld [smem:$0x3FAA]  }
0x29: {  	s4 =	sld [smem:$0x3FAC]  }
0x2a: {  	p0 =	seq.s32 s5, $0x0;
	s5 =	sld [smem:$0x3FAD]  }
0x2b: {  	s6 =	sld [smem:$0x3FAE]  }
0x2c: {  	s7 =	sld [smem:$0x3FAF]  }
0x2d: {  	s3 =	simm.s32 $0x108;
	s8 =	sld [smem:$0x3FB0]  }
0x2e: {  	s3 =	simm.s32 @!p0 $0x1082;
	s9 =	sld [smem:$0x3FB1]  }
0x2f: {  	lr =	sadd.s32 s0, s3;
	s0 =	sld [smem:$0x3FA8]  }
0x30: {  	s3 =	sld [smem:$0x3FAB]  }
0x31: {  	[smem:$0x3FB4] =	sst s10  }
0x32: {  	s10 =	sld [smem:$0x3FB2];
	_ =	sdelay $0x3  }
0x33: {  	p0 =	seq.s32 s10, $0x1;
	s10 =	sld [smem:$0x3FB4];
	_ =	sdelay $0x3  }
0x34: {  	[smem:$0x3FB4] =	sst s10  }
0x35: {  	s10 =	sld [smem:$0x3FB3];
	_ =	sdelay $0x3  }
0x36: {  	p1 =	seq.s32 s10, $0x1;
	s10 =	sld [smem:$0x3FB4];
	_ =	sdelay $0x3  }
0x37: {  	[smem:$0x3FB4] =	sst s10  }
0x38: {  	s10 =	sld [smem:$0x3FB5]  }
0x39: {  	_ = 	snop;
	(pc) =	sbr.ind lr, $3  }
0x3a: {  	_ = 	snop  }
0x3b: {  	_ = 	snop  }
0x3c: {  	p2 =	seq.s32 s10, $0x1;
	s10 =	sld [smem:$0x3FB4]  }
0x3d: {  	_ =	shalt  }
0x3e: {  	_ =	shalt  }
0x3f: {  	_ =	shalt  }
0x40: {  	_ =	shalt  }
0x41: {  	_ =	shalt  }
0x42: {  	_ =	shalt  }
0x43: {  	_ =	shalt  }
0x44: {  	_ =	shalt  }
0x45: {  	_ =	shalt  }
0x46: {  	_ =	shalt  }
0x47: {  	_ =	shalt  }
0x48: {  	_ =	shalt  }
0x49: {  	_ =	shalt  }
0x4a: {  	_ =	shalt  }
0x4b: {  	_ =	shalt  }
0x4c: {  	_ =	shalt  }
0x4d: {  	_ =	shalt  }
0x4e: {  	_ =	shalt  }
0x4f: {  	_ =	shalt  }
0x50: {  	_ =	shalt  }
0x51: {  	_ =	shalt  }
0x52: {  	_ =	shalt  }
0x53: {  	_ =	shalt  }
0x54: {  	_ =	shalt  }
0x55: {  	_ =	shalt  }
0x56: {  	_ =	shalt  }
0x57: {  	_ =	shalt  }
0x58: {  	_ =	shalt  }
0x59: {  	_ =	shalt  }
0x5a: {  	_ =	shalt  }
0x5b: {  	_ =	shalt  }
0x5c: {  	_ =	shalt  }
0x5d: {  	_ =	shalt  }
0x5e: {  	_ =	shalt  }
0x5f: {  	_ =	shalt  }
0x60: {  	_ =	shalt  }
0x61: {  	_ =	shalt  }
0x62: {  	_ =	shalt  }
0x63: {  	_ =	shalt  }
0x64: {  	_ =	shalt  }
0x65: {  	_ =	shalt  }
0x66: {  	_ =	shalt  }
0x67: {  	_ =	shalt  }
0x68: {  	_ =	shalt  }
0x69: {  	_ =	shalt  }
0x6a: {  	_ =	shalt  }
0x6b: {  	_ =	shalt  }
0x6c: {  	_ =	shalt  }
0x6d: {  	_ =	shalt  }
0x6e: {  	_ =	shalt  }
0x6f: {  	_ =	shalt  }
0x70: {  	_ =	shalt  }
0x71: {  	_ =	shalt  }
0x72: {  	_ =	shalt  }
0x73: {  	_ =	shalt  }
0x74: {  	_ =	shalt  }
0x75: {  	_ =	shalt  }
0x76: {  	_ =	shalt  }
0x77: {  	_ =	shalt  }
0x78: {  	_ =	shalt  }
0x79: {  	_ =	shalt  }
0x7a: {  	_ =	shalt  }
0x7b: {  	_ =	shalt  }
0x7c: {  	_ =	shalt  }
0x7d: {  	_ =	shalt  }
0x7e: {  	_ =	shalt  }
0x7f: {  	_ =	shalt  }
0x80: {  	_ =	shalt  }
0x81: {  	_ =	shalt  }
0x82: {  	_ =	shalt  }
0x83: {  	_ =	shalt  }
0x84: {  	_ =	shalt  }
0x85: {  	_ =	shalt  }
0x86: {  	_ =	shalt  }
0x87: {  	_ =	shalt  }
.Lfunc_end0:
.L_simem_size_0:
called_computation.2_lowered:
.L_overlay_start_0:
0x88: {  	s2 =	sld [smem:$0x3FD9]  }
0x89: {  	s3 =	sld [smem:$0x3FFE];
	_ =	sdelay $0x1  }
0x8a: {  	s1 =	srdreg.scid  }
0x8b: {  	s0 =	sand.u32 $0x1, s1  }
0x8c: {  	s14 =	sshll.u32 s0, $0xA;
	s2 =	sadd.s32 s3, s2  }
0x8d: {  	s2 =	sadd.s32 s2, s14  }
0x8e: {  	[smem:$0x3FC0] =	sst s2  }
0x8f: {  	_ = 	snop  }
0x90: {  	s2 =	sld [smem:$0x3FD0];
	_ =	sdelay $0x2  }
0x91: {  	s15 =	simm.s32 $0xA;
	s4 =	simm.s32 $0x10  }
0x92: {  	[smem:s4], [sflag:s15] =	dma.local [hbm:s2], $0x1  }
0x93: {  	_ =	swait.eq [sflag:s15], $0x1  }
0x94: {  	[sflag:s15] =	ssyncset.done $0x0  }
0x95: {  	[sflag:s15] =	ssyncadd.s32 $0xFFFFFFFF  }
0x96: {  	s16 =	sld [smem:$0x10];
	(tm) =	ssettm $0x1  }
0x97: {  	s17 =	sld [smem:$0x3FFB];
	_ =	sdelay $0x3  }
0x98: {  	_ =	strace s17  }
0x99: {  	s3 =	sld [smem:$0x3FFC];
	_ =	sdelay $0x3  }
0x9a: {  	_ =	strace s3  }
0x9b: {  	s3 =	sld [smem:$0x3FFD];
	_ =	sdelay $0x3  }
0x9c: {  	_ =	strace s3  }
0x9d: {  	_ =	strace $0x8FFFFFFF  }
0x9e: {  	s18 =	sld [smem:$0x3FDB];
	_ =	sdelay $0x1  }
0x9f: {  	s19 =	simm.s32 $_scs_section_size  }
0xa0: {  	s5 =	simm.s32 $_size__tile_overlayer_lowered;
	s6 =	simm.s32 $_tile_overlayer_lowered  }
0xa1: {  	s22 =	simm.s32 $0x1BFF;
	s21 =	sshll.u32 s6, $0x1;
	s3 =	sadd.s32 s19, s18  }
0xa2: {  	s7 =	simm.s32 $0x0;
	s20 =	sshll.u32 s5, $0x1;
	s5 =	sadd.s32 s21, s3  }
0xa3: {  	[timem:s7], [sflag:s22] =	dma.local [hbm:s5], s20  }
0xa4: {  	_ =	swait.ge [sflag:s22], s20  }
0xa5: {  	s4 =	ssub.s32 $0x0, s20;
	[sflag:s22] =	ssyncset.done $0x0  }
0xa6: {  	[sflag:s22] =	ssyncadd.s32 s4;
	_ =	sdelay $0x1  }
0xa7: {  	s23 =	simm.s32 $0x1B8B  }
0xa8: {  	_ =	swait.ge [sflag:s23], $0x1  }
0xa9: {  	[sflag:s23] =	ssyncset.done $0x0  }
0xaa: {  	s25 =	simm.s32 $0x1B8E;
	s24 =	sld [smem:$0x3FFE];
	[sflag:s23] =	ssyncadd.s32 $0xFFFFFFFF  }
0xab: {  	s26 =	simm.s32 $execute0_lowered;
	[smem:$0x3FD2] =	sst s25  }
0xac: {  	s5 =	sshll.u32 s26, $0x1;
	_ =	strace $0x8000004C;
	[dreg:$0x1] =	wrdreg $0xFFFFFFFF  }
0xad: {  	s28 =	simm.s32 $_size_execute0_lowered;
	s3 =	sadd.s32 s3, s5;
	[dreg:$0x0] =	wrdreg $0x0  }
0xae: {  	s5 =	sshll.u32 s28, $0x1;
	[dreg:$0x2] =	wrdreg s3  }
0xaf: {  	[dreg:$0x3] =	wrdreg s5  }
0xb0: {  	[dreg:$0x4] =	wrdreg $0xC0  }
0xb1: {  	_ =	task [dreg:s7], $0x5FFFF  }
0xb2: {  	[dreg:$0x1] =	wrdreg $0xFFFFFFFF  }
0xb3: {  	[dreg:$0x0] =	wrdreg $0x60  }
0xb4: {  	[dreg:$0x2] =	wrdreg s16  }
0xb5: {  	[dreg:$0x3] =	wrdreg s24  }
0xb6: {  	[dreg:$0x4] =	wrdreg $0xC3800  }
0xb7: {  	[dreg:$0x5] =	wrdreg $0x9  }
0xb8: {  	_ =	task.clear_ibuf [dreg:s7], $0x6FFFF;
	_ =	strace $0x9000004C  }
0xb9: {  	s29 =	simm.s32 $0x9;
	_ =	strace $0x8000004E  }
0xba: {  	_ =	swait.ge [sflag:s29], $0x1  }
0xbb: {  	[sflag:s29] =	ssyncadd.s32 $0xFFFFFFFF  }
0xbc: {  	_ =	strace $0x9000004E  }
0xbd: {  	_ =	sfence  }
0xbe: {  	s30 =	sld [smem:$0x0];
	_ =	sdelay $0x2  }
0xbf: {  	s31 =	sshll.u32 s1, $0xD;
	s1 =	sshrl.u32 s1, $0x2  }
0xc0: {  	s3 =	sand.u32 $0x4000, s31;
	s1 =	sadd.s32 s1, s30  }
0xc1: {  	s0 =	sor.u32 s3, s0;
	s1 =	sshll.u32 s1, $0x11  }
0xc2: {  	s0 =	sor.u32 s1, s0  }
0xc3: {  	s0 =	sadd.s32 $0x8F2B, s0  }
0xc4: {  	[sflag:s0] =	ssyncadd.remote.s32 $0x1  }
0xc5: {  	_ =	sfence.sel $0xFFFF  }
0xc6: {  	[dreg:$0x0] =	wrdreg $0xFFFFFFFF;
	(pc) =	sbr.abs _section_cstart, $3  }
0xc7: {  	[dreg:$0x1] =	wrdreg $0xFFFFFFFF  }
0xc8: {  	_ =	task.clear_ibuf [dreg:s7], $0x2FFFF;
	_ =	strace $0x9FFFFFFF  }
0xc9: {  	(tm) =	ssettm $0x7FFFFFFF  }
tec
execute0_lowered:
.L_overlay_start_1:
0x0: {  	(tag) =	ssettag $0x1  }
0x1: {  	s1 =	rddreg [dreg:$0x0]  }
0x2: {  	s0 =	rddreg [dreg:$0x1]  }
0x3: {  	s2 =	rddreg [dreg:$0x2];
	s3 =	simm.s32 $0x0  }
0x4: {  	s4 =	srdreg.scid;
	s11 =	stileid.u32;
	s26 =	simm.s32 $0xA380  }
0x5: {  	s30 =	simm.s32 $0x6380;
	s28 =	simm.s32 $0x1;
	s8 =	smul.u32 $0xE00, s11  }
0x6: {  	s29 =	simm.s32 $0x4300;
	s31 =	simm.s32 $0x2;
	s9 =	smul.u32 $0x4E200, s11  }
0x7: {  	[smem:$0x7FF] =	sst s3;
	s4 =	sand.u32 $0x1, s4;
	s10 =	smul.u32 $0x820, s11  }
0x8: {  	s6 =	sadd.s32 $0xC200, s0;
	s0 =	sadd.s32 $0x16000, s0;
	s23 =	smul.u32 $0x13800, s11  }
0x9: {  	s24 =	smul.u32 $0x4E000, s11;
	p1 =	sne.s32 s11, $0xF;
	_ =	strace $0x8000004D  }
0xa: {  	s5 =	ssub.s32 $0x2, s4;
	p0 =	seq.s32 s4, $0x0;
	s22 =	smul.u32 $0x138800, s4  }
0xb: {  	[dreg:$0x4] =	wrdreg s26;
	s26 =	simm.s32 $0x40;
	s7 =	sshrl.u32 s5, $0x1  }
0xc: {  	s8 =	sshrl.u32 s8, $0x3;
	s9 =	sshrl.u32 s9, $0x2;
	s7 =	ssub.s32 s5, s7  }
0xd: {  	s5 =	simm.s32 $0x104;
	s8 =	sadd.s32 s6, s8;
	s6 =	sadd.s32 s6, s10  }
0xe: {  	s10 =	sshrl.u32 s24, $0x2;
	s8 =	sadd.s32 $0x8200, s8;
	[dreg:$0x6] =	wrdreg s6  }
0xf: {  	s5 =	simm.s32 @!p0 $0x38;
	[dreg:$0x5] =	wrdreg s8;
	s8 =	sadd.s32 s9, s2  }
0x10: {  	s6 =	sshrl.u32 s22, $0x3;
	s25 =	sadd.s32 s10, s2;
	s17 =	sadd.s32 $0x2000, s8  }
0x11: {  	p0 =	sne.s32 s4, $0x0;
	s18 =	sadd.s32 $0x4000, s8;
	[dreg:$0x7] =	wrdreg s17  }
0x12: {  	s4 =	simm.s32 $0x3;
	s19 =	sadd.s32 $0x6000, s8;
	[dreg:$0x8] =	wrdreg s18  }
0x13: {  	s6 =	sadd.s32 s0, s6;
	s20 =	sadd.s32 $0x8000, s8;
	[dreg:$0x9] =	wrdreg s19  }
0x14: {  	s24 =	sshrl.u32 s25, $0x3;
	s21 =	sadd.s32 $0xA000, s8;
	[dreg:$0xa] =	wrdreg s20  }
0x15: {  	s9 =	sadd.s32 $0xC000, s8;
	s15 =	sadd.s32 $0xE000, s8;
	[dreg:$0xb] =	wrdreg s21  }
0x16: {  	s16 =	sadd.s32 $0x10000, s8;
	[dreg:$0xc] =	wrdreg s9;
	s17 =	sadd.s32 $0x12000, s8  }
0x17: {  	s18 =	sshrl.u32 s5, $0x2;
	s9 =	sadd.s32 s23, s22;
	s20 =	sadd.s32 $0x27000, s6  }
0x18: {  	s6 =	sadd.s32 $0x138000, s2;
	s21 =	smax.u32 s7, $0x1;
	s22 =	simm.s32 $0x4380  }
0x19: {  	s23 =	simm.s32 $0x5;
	s9 =	sshrl.u32 s9, $0x3;
	s25 =	sshrl.u32 @!p1 s6, $0x3  }
0x1a: {  	v0 =	vimm.f32 $0.0e+00;
	s6 =	simm.s32 $0x4;
	s19 =	sadd.s32 s0, s9;
	s0 =	simm.s32 $0x8380  }
.LBB2_1:
0x1b: {  	s7 =	simm.s32 @p0 $0x0;
	s9 =	rddreg [dreg:$0x5]  }
0x1c: {  	[tilespmem:s7], [sflag:$0x5] =	stream.linear.gather @p0 [hbm4b:s9+s7], $0xE00, $0x38;
	[tilespmem:$0x1FC80] =	vst v63  }
0x1d: {  	s7 =	simm.s32 @p0 $0x5  }
0x1e: {  	_ =	swait.ge @p0 [sflag:s7], $0xE00  }
0x1f: {  	[sflag:s7] =	ssyncset.done @p0 $0x0  }
0x20: {  	s9 =	rddreg [dreg:$0x6];
	[sflag:s7] =	ssyncadd.s32 @p0 $0xFFFFF200;
	s7 =	simm.s32 @!p0 $0x0  }
0x21: {  	[tilespmem:s7], [sflag:$0x5] =	stream.linear.gather @!p0 [hbm4b:s9+s7], $0x4100, $0x38;
	[tilespmem:$0x1FC80] =	vst v63  }
0x22: {  	s7 =	simm.s32 @!p0 $0x5  }
0x23: {  	_ =	swait.ge @!p0 [sflag:s7], $0x4100  }
0x24: {  	[sflag:s7] =	ssyncset.done @!p0 $0x0  }
0x25: {  	s9 =	simm.s32 $0x200;
	[sflag:s7] =	ssyncadd.s32 @!p0 $0xFFFFBF00;
	s7 =	simm.s32 $0x0  }
.LBB2_2:
0x26: {  	p2 =	sne.s32 s9, $0x7E00;
	[tilespmem:s7+$0x43F0] =	vst v0  }
0x27: {  	[tilespmem:s7+$0x4380] =	vst v0  }
0x28: {  	[tilespmem:s7+$0x4390] =	vst v0  }
.Ltmp0:
0x29: {  	[tilespmem:s7+$0x43A0] =	vst v0;
	(pc) =	sbr.rel @p2 .LBB2_2-.Ltmp0, $4  }
0x2a: {  	[tilespmem:s7+$0x43B0] =	vst v0  }
0x2b: {  	[tilespmem:s7+$0x43C0] =	vst v0  }
0x2c: {  	[tilespmem:s7+$0x43D0] =	vst v0  }
0x2d: {  	[tilespmem:s7+$0x43E0] =	vst v0;
	s7 =	sshra.s32 s9, $0x2;
	s9 =	sadd.s32 $0x200, s9  }
0x2e: {  	[tilespmem:s7+$0x43F0] =	vst v0  }
0x2f: {  	[tilespmem:s7+$0x4380] =	vst v0  }
0x30: {  	[tilespmem:s7+$0x4390] =	vst v0  }
0x31: {  	[tilespmem:s7+$0x43A0] =	vst v0  }
0x32: {  	[tilespmem:s7+$0x43B0] =	vst v0  }
0x33: {  	[tilespmem:s7+$0x43C0] =	vst v0  }
0x34: {  	[tilespmem:s7+$0x43D0] =	vst v0  }
0x35: {  	[tilespmem:s7+$0x43E0] =	vst v0  }
0x36: {  	[spmem:s8] =	stream.linear.scatter [tilespmem:s22], [sflag:$0x5], $0x2000, $0x38;
	[tilespmem:$0x1FC80] =	vst v63  }
0x37: {  	_ =	swait.ge [sflag:s23], $0x2000  }
0x38: {  	[sflag:s23] =	ssyncset.done $0x0  }
0x39: {  	s9 =	rddreg [dreg:$0x7];
	[sflag:s23] =	ssyncadd.s32 $0xFFFFE000  }
0x3a: {  	[spmem:s9] =	stream.linear.scatter [tilespmem:s22], [sflag:$0x5], $0x2000, $0x38;
	[tilespmem:$0x1FC80] =	vst v63  }
0x3b: {  	_ =	swait.ge [sflag:s23], $0x2000  }
0x3c: {  	[sflag:s23] =	ssyncset.done $0x0  }
0x3d: {  	s10 =	rddreg [dreg:$0x8];
	[sflag:s23] =	ssyncadd.s32 $0xFFFFE000  }
0x3e: {  	[spmem:s10] =	stream.linear.scatter [tilespmem:s22], [sflag:$0x5], $0x2000, $0x38;
	[tilespmem:$0x1FC80] =	vst v63  }
0x3f: {  	_ =	swait.ge [sflag:s23], $0x2000  }
0x40: {  	[sflag:s23] =	ssyncset.done $0x0  }
0x41: {  	s11 =	rddreg [dreg:$0x9];
	[sflag:s23] =	ssyncadd.s32 $0xFFFFE000  }
0x42: {  	[spmem:s11] =	stream.linear.scatter [tilespmem:s22], [sflag:$0x5], $0x2000, $0x38;
	[tilespmem:$0x1FC80] =	vst v63  }
0x43: {  	_ =	swait.ge [sflag:s23], $0x2000  }
0x44: {  	[sflag:s23] =	ssyncset.done $0x0  }
0x45: {  	s12 =	rddreg [dreg:$0xa];
	[sflag:s23] =	ssyncadd.s32 $0xFFFFE000  }
0x46: {  	[spmem:s12] =	stream.linear.scatter [tilespmem:s22], [sflag:$0x5], $0x2000, $0x38;
	[tilespmem:$0x1FC80] =	vst v63  }
0x47: {  	_ =	swait.ge [sflag:s23], $0x2000  }
0x48: {  	[sflag:s23] =	ssyncset.done $0x0  }
0x49: {  	s13 =	rddreg [dreg:$0xb];
	[sflag:s23] =	ssyncadd.s32 $0xFFFFE000  }
0x4a: {  	[spmem:s13] =	stream.linear.scatter [tilespmem:s22], [sflag:$0x5], $0x2000, $0x38;
	[tilespmem:$0x1FC80] =	vst v63  }
0x4b: {  	_ =	swait.ge [sflag:s23], $0x2000  }
0x4c: {  	[sflag:s23] =	ssyncset.done $0x0  }
0x4d: {  	s14 =	rddreg [dreg:$0xc];
	[sflag:s23] =	ssyncadd.s32 $0xFFFFE000  }
0x4e: {  	[spmem:s14] =	stream.linear.scatter [tilespmem:s22], [sflag:$0x5], $0x2000, $0x38;
	[tilespmem:$0x1FC80] =	vst v63  }
0x4f: {  	_ =	swait.ge [sflag:s23], $0x2000  }
0x50: {  	[sflag:s23] =	ssyncset.done $0x0  }
0x51: {  	[sflag:s23] =	ssyncadd.s32 $0xFFFFE000  }
0x52: {  	[spmem:s15] =	stream.linear.scatter [tilespmem:s22], [sflag:$0x5], $0x2000, $0x38;
	[tilespmem:$0x1FC80] =	vst v63  }
0x53: {  	_ =	swait.ge [sflag:s23], $0x2000  }
0x54: {  	[sflag:s23] =	ssyncset.done $0x0  }
0x55: {  	[sflag:s23] =	ssyncadd.s32 $0xFFFFE000  }
0x56: {  	[spmem:s16] =	stream.linear.scatter [tilespmem:s22], [sflag:$0x5], $0x2000, $0x38;
	[tilespmem:$0x1FC80] =	vst v63  }
0x57: {  	_ =	swait.ge [sflag:s23], $0x2000  }
0x58: {  	[sflag:s23] =	ssyncset.done $0x0  }
0x59: {  	[sflag:s23] =	ssyncadd.s32 $0xFFFFE000  }
0x5a: {  	[spmem:s17] =	stream.linear.scatter [tilespmem:s22], [sflag:$0x5], $0x1880, $0x38;
	[tilespmem:$0x1FC80] =	vst v63  }
0x5b: {  	_ =	swait.ge [sflag:s23], $0x1880  }
0x5c: {  	[sflag:s23] =	ssyncset.done $0x0  }
0x5d: {  	[sflag:s23] =	ssyncadd.s32 $0xFFFFE780  }
0x5e: {  	[bflag:$0x0] =	sbarrier.arrive $0xFFFF  }
0x5f: {  	v1 =	vld [tilespmem:$0x0]  }
0x60: {  	v2 =	vld [tilespmem:$0x10]  }
0x61: {  	v3 =	vld [tilespmem:$0x20]  }
0x62: {  	v4 =	vld [tilespmem:$0x30];
	_ =	sdelay $0x1  }
0x63: {  	v1 =	vand.u32 $0x3FFF, v1  }
0x64: {  	[tilespmem:$0x4100] =	vst v1;
	v1 =	vand.u32 $0x3FFF, v2  }
0x65: {  	[tilespmem:$0x4110] =	vst v1;
	v1 =	vand.u32 $0x3FFF, v3  }
0x66: {  	[tilespmem:$0x4120] =	vst v1;
	v1 =	vand.u32 $0x3FFF, v4  }
0x67: {  	s9 =	simm.s32 $0x4100;
	[tilespmem:$0x4130] =	vst v1  }
0x68: {  	[tilespmem:s22], [sflag:$0x1] =	stream.indirect.gather [hbm4b:s1+s26], $0x80, s9, s26, $0xb8;
	[tilespmem:$0x1FC80] =	vst v63  }
0x69: {  	v1 =	vld [tilespmem:$0x40]  }
0x6a: {  	v2 =	vld [tilespmem:$0x50]  }
0x6b: {  	v3 =	vld [tilespmem:$0x60]  }
0x6c: {  	v62 =	vld [tilespmem:$0x70];
	_ =	sdelay $0x1  }
0x6d: {  	v1 =	vand.u32 $0x3FFF, v1  }
0x6e: {  	[tilespmem:$0x4180] =	vst v1;
	v1 =	vand.u32 $0x3FFF, v2  }
0x6f: {  	[tilespmem:$0x4190] =	vst v1;
	v1 =	vand.u32 $0x3FFF, v3  }
0x70: {  	[tilespmem:$0x41A0] =	vst v1;
	v1 =	vand.u32 $0x3FFF, v62  }
0x71: {  	s10 =	simm.s32 $0x4180;
	[tilespmem:$0x41B0] =	vst v1  }
0x72: {  	[tilespmem:s30], [sflag:$0x2] =	stream.indirect.gather [hbm4b:s1+s26], $0x80, s10, s26, $0xb8;
	[tilespmem:$0x1FC80] =	vst v63  }
0x73: {  	v1 =	vld [tilespmem:$0x80]  }
0x74: {  	v2 =	vld [tilespmem:$0x90]  }
0x75: {  	v3 =	vld [tilespmem:$0xA0]  }
0x76: {  	v63 =	vld [tilespmem:$0xB0];
	_ =	sdelay $0x1  }
0x77: {  	v1 =	vand.u32 $0x3FFF, v1  }
0x78: {  	[tilespmem:$0x4200] =	vst v1;
	v1 =	vand.u32 $0x3FFF, v2  }
0x79: {  	[tilespmem:$0x4210] =	vst v1;
	v1 =	vand.u32 $0x3FFF, v3  }
0x7a: {  	[tilespmem:$0x4220] =	vst v1;
	v1 =	vand.u32 $0x3FFF, v63  }
0x7b: {  	s11 =	simm.s32 $0x4200;
	[tilespmem:$0x4230] =	vst v1  }
0x7c: {  	[tilespmem:s0], [sflag:$0x3] =	stream.indirect.gather [hbm4b:s1+s26], $0x80, s11, s26, $0xb8;
	[tilespmem:$0x1FC80] =	vst v63  }
0x7d: {  	_ =	swait.ge [sflag:s28], $0x2000  }
0x7e: {  	[sflag:s28] =	ssyncset.done $0x0  }
0x7f: {  	s7 =	simm.s32 $0x100;
	[sflag:s28] =	ssyncadd.s32 $0xFFFFE000  }
0x80: {  	v1 =	vld [tilespmem:s7+$0xFFFFFF00];
	_ =	sdelay $0x4  }
0x81: {  	v1 =	vshrl.u32 v1, $0xE  }
0x82: {  	[tilespmem:$0x4300] =	vst v1  }
0x83: {  	v1 =	vld [tilespmem:s7+$0xFFFFFF10];
	_ =	sdelay $0x4  }
0x84: {  	v1 =	vshrl.u32 v1, $0xE  }
0x85: {  	[tilespmem:$0x4310] =	vst v1  }
0x86: {  	v1 =	vld [tilespmem:s7+$0xFFFFFF20];
	_ =	sdelay $0x4  }
0x87: {  	v1 =	vshrl.u32 v1, $0xE  }
0x88: {  	[tilespmem:$0x4320] =	vst v1  }
0x89: {  	v1 =	vld [tilespmem:s7+$0xFFFFFF30];
	_ =	sdelay $0x4  }
0x8a: {  	v1 =	vshrl.u32 v1, $0xE  }
0x8b: {  	[tilespmem:$0x4330] =	vst v1  }
0x8c: {  	[spmem:s2] =	stream.indirect.scatter.add.f32 [tilespmem:s22], [sflag:$0x5], $0x80, s29, s26, $0xb8;
	[tilespmem:$0x1FC80] =	vst v63  }
0x8d: {  	_ =	swait.ge [sflag:s23], $0x2000  }
0x8e: {  	[sflag:s23] =	ssyncset.done $0x0  }
0x8f: {  	p2 =	sle.u32 s5, $0x3;
	[sflag:s23] =	ssyncadd.s32 $0xFFFFE000  }
0x90: {  	v1 =	vld @!p2 [tilespmem:s7+$0xFFFFFFC0];
	_ =	sdelay $0x4  }
0x91: {  	s9 =	simm.s32 $0xC0;
	v1 =	vand.u32 @!p2 $0x3FFF, v1  }
0x92: {  	s10 =	sor.u32 @!p2 $0x50, s9;
	[tilespmem:$0x4280] =	vst @!p2 v1  }
0x93: {  	v1 =	vld @!p2 [tilespmem:s10+$0x0];
	_ =	sdelay $0x4  }
0x94: {  	v1 =	vand.u32 @!p2 $0x3FFF, v1  }
0x95: {  	s10 =	sor.u32 @!p2 $0x60, s9;
	[tilespmem:$0x4290] =	vst @!p2 v1  }
0x96: {  	v1 =	vld @!p2 [tilespmem:s10+$0x0];
	_ =	sdelay $0x4  }
0x97: {  	v1 =	vand.u32 @!p2 $0x3FFF, v1  }
0x98: {  	s10 =	sor.u32 @!p2 $0x70, s9;
	[tilespmem:$0x42A0] =	vst @!p2 v1  }
0x99: {  	v1 =	vld @!p2 [tilespmem:s10+$0x0];
	_ =	sdelay $0x4  }
0x9a: {  	v1 =	vand.u32 @!p2 $0x3FFF, v1  }
0x9b: {  	s12 =	simm.s32 @!p2 $0xA380;
	s11 =	simm.s32 @!p2 $0x4280;
	s10 =	simm.s32 @!p2 $0x40;
	[tilespmem:$0x42B0] =	vst @!p2 v1  }
0x9c: {  	[tilespmem:s12], [sflag:$0x4] =	stream.indirect.gather @!p2 [hbm4b:s1+s10], $0x80, s11, s10, $0xb8;
	[tilespmem:$0x1FC80] =	vst v63  }
0x9d: {  	_ =	swait.ge [sflag:s31], $0x2000  }
0x9e: {  	[sflag:s31] =	ssyncset.done $0x0  }
0x9f: {  	[sflag:s31] =	ssyncadd.s32 $0xFFFFE000  }
0xa0: {  	v1 =	vld [tilespmem:s7+$0xFFFFFF40];
	_ =	sdelay $0x4  }
0xa1: {  	v1 =	vshrl.u32 v1, $0xE  }
0xa2: {  	[tilespmem:$0x4300] =	vst v1  }
0xa3: {  	v1 =	vld [tilespmem:s7+$0xFFFFFF50];
	_ =	sdelay $0x4  }
0xa4: {  	v1 =	vshrl.u32 v1, $0xE  }
0xa5: {  	[tilespmem:$0x4310] =	vst v1  }
0xa6: {  	v1 =	vld [tilespmem:s7+$0xFFFFFF60];
	_ =	sdelay $0x4  }
0xa7: {  	v1 =	vshrl.u32 v1, $0xE  }
0xa8: {  	[tilespmem:$0x4320] =	vst v1  }
0xa9: {  	v1 =	vld [tilespmem:s7+$0xFFFFFF70];
	_ =	sdelay $0x4  }
0xaa: {  	v1 =	vshrl.u32 v1, $0xE  }
0xab: {  	[tilespmem:$0x4330] =	vst v1  }
0xac: {  	[spmem:s2] =	stream.indirect.scatter.add.f32 [tilespmem:s30], [sflag:$0x5], $0x80, s29, s26, $0xb8;
	[tilespmem:$0x1FC80] =	vst v63  }
0xad: {  	_ =	swait.ge [sflag:s23], $0x2000  }
0xae: {  	[sflag:s23] =	ssyncset.done $0x0  }
0xaf: {  	p2 =	sle.u32 s5, $0x4;
	[sflag:s23] =	ssyncadd.s32 $0xFFFFE000  }
0xb0: {  	v1 =	vld @!p2 [tilespmem:s7+$0x0];
	_ =	sdelay $0x4  }
0xb1: {  	v1 =	vand.u32 @!p2 $0x3FFF, v1  }
0xb2: {  	[tilespmem:$0x4100] =	vst @!p2 v1  }
0xb3: {  	v1 =	vld @!p2 [tilespmem:s7+$0x10];
	_ =	sdelay $0x4  }
0xb4: {  	v1 =	vand.u32 @!p2 $0x3FFF, v1  }
0xb5: {  	[tilespmem:$0x4110] =	vst @!p2 v1  }
0xb6: {  	v1 =	vld @!p2 [tilespmem:s7+$0x20];
	_ =	sdelay $0x4  }
0xb7: {  	v1 =	vand.u32 @!p2 $0x3FFF, v1  }
0xb8: {  	[tilespmem:$0x4120] =	vst @!p2 v1  }
0xb9: {  	v1 =	vld @!p2 [tilespmem:s7+$0x30];
	_ =	sdelay $0x4  }
0xba: {  	v1 =	vand.u32 @!p2 $0x3FFF, v1  }
0xbb: {  	s10 =	simm.s32 @!p2 $0x40;
	s11 =	simm.s32 @!p2 $0x4100;
	s12 =	simm.s32 @!p2 $0x4380;
	[tilespmem:$0x4130] =	vst @!p2 v1  }
0xbc: {  	[tilespmem:s12], [sflag:$0x1] =	stream.indirect.gather @!p2 [hbm4b:s1+s10], $0x80, s11, s10, $0xb8;
	[tilespmem:$0x1FC80] =	vst v63  }
0xbd: {  	_ =	swait.ge [sflag:s4], $0x2000  }
0xbe: {  	[sflag:s4] =	ssyncset.done $0x0  }
0xbf: {  	[sflag:s4] =	ssyncadd.s32 $0xFFFFE000  }
0xc0: {  	v1 =	vld [tilespmem:s7+$0xFFFFFF80];
	_ =	sdelay $0x4  }
0xc1: {  	v1 =	vshrl.u32 v1, $0xE  }
0xc2: {  	[tilespmem:$0x4300] =	vst v1  }
0xc3: {  	v1 =	vld [tilespmem:s7+$0xFFFFFF90];
	_ =	sdelay $0x4  }
0xc4: {  	v1 =	vshrl.u32 v1, $0xE  }
0xc5: {  	[tilespmem:$0x4310] =	vst v1  }
0xc6: {  	v1 =	vld [tilespmem:s7+$0xFFFFFFA0];
	_ =	sdelay $0x4  }
0xc7: {  	v1 =	vshrl.u32 v1, $0xE  }
0xc8: {  	[tilespmem:$0x4320] =	vst v1  }
0xc9: {  	v1 =	vld [tilespmem:s7+$0xFFFFFFB0];
	_ =	sdelay $0x4  }
0xca: {  	v1 =	vshrl.u32 v1, $0xE  }
0xcb: {  	[tilespmem:$0x4330] =	vst v1  }
0xcc: {  	[spmem:s2] =	stream.indirect.scatter.add.f32 [tilespmem:s0], [sflag:$0x5], $0x80, s29, s26, $0xb8;
	[tilespmem:$0x1FC80] =	vst v63  }
0xcd: {  	_ =	swait.ge [sflag:s23], $0x2000  }
0xce: {  	[sflag:s23] =	ssyncset.done $0x0  }
0xcf: {  	p2 =	sle.u32 s5, $0x5;
	[sflag:s23] =	ssyncadd.s32 $0xFFFFE000  }
0xd0: {  	v1 =	vld @!p2 [tilespmem:s7+$0x40];
	_ =	sdelay $0x4  }
0xd1: {  	s10 =	simm.s32 @!p2 $0x140;
	v1 =	vand.u32 @!p2 $0x3FFF, v1  }
0xd2: {  	s11 =	sor.u32 @!p2 $0x50, s10;
	[tilespmem:$0x4180] =	vst @!p2 v1  }
0xd3: {  	v1 =	vld @!p2 [tilespmem:s11+$0x0];
	_ =	sdelay $0x4  }
0xd4: {  	v1 =	vand.u32 @!p2 $0x3FFF, v1  }
0xd5: {  	s11 =	sor.u32 @!p2 $0x60, s10;
	[tilespmem:$0x4190] =	vst @!p2 v1  }
0xd6: {  	v1 =	vld @!p2 [tilespmem:s11+$0x0];
	_ =	sdelay $0x4  }
0xd7: {  	v1 =	vand.u32 @!p2 $0x3FFF, v1  }
0xd8: {  	s10 =	sor.u32 @!p2 $0x70, s10;
	[tilespmem:$0x41A0] =	vst @!p2 v1  }
0xd9: {  	v1 =	vld @!p2 [tilespmem:s10+$0x0];
	_ =	sdelay $0x4  }
0xda: {  	v1 =	vand.u32 @!p2 $0x3FFF, v1  }
0xdb: {  	s12 =	simm.s32 @!p2 $0x6380;
	s11 =	simm.s32 @!p2 $0x4180;
	s10 =	simm.s32 @!p2 $0x40;
	[tilespmem:$0x41B0] =	vst @!p2 v1  }
0xdc: {  	[tilespmem:s12], [sflag:$0x2] =	stream.indirect.gather @!p2 [hbm4b:s1+s10], $0x80, s11, s10, $0xb8;
	[tilespmem:$0x1FC80] =	vst v63  }
0xdd: {  	_ =	swait.ge [sflag:s6], $0x2000  }
0xde: {  	[sflag:s6] =	ssyncset.done $0x0  }
0xdf: {  	[sflag:s6] =	ssyncadd.s32 $0xFFFFE000  }
0xe0: {  	v1 =	vld [tilespmem:s7+$0xFFFFFFC0];
	_ =	sdelay $0x4  }
0xe1: {  	v1 =	vshrl.u32 v1, $0xE  }
0xe2: {  	s12 =	sor.u32 $0x50, s9;
	[tilespmem:$0x4300] =	vst v1  }
0xe3: {  	v1 =	vld [tilespmem:s12+$0x0];
	_ =	sdelay $0x4  }
0xe4: {  	v1 =	vshrl.u32 v1, $0xE  }
0xe5: {  	s13 =	sor.u32 $0x60, s9;
	[tilespmem:$0x4310] =	vst v1  }
0xe6: {  	v1 =	vld [tilespmem:s13+$0x0];
	_ =	sdelay $0x4  }
0xe7: {  	v1 =	vshrl.u32 v1, $0xE  }
0xe8: {  	s9 =	sor.u32 $0x70, s9;
	[tilespmem:$0x4320] =	vst v1  }
0xe9: {  	v1 =	vld [tilespmem:s9+$0x0];
	_ =	sdelay $0x4  }
0xea: {  	v1 =	vshrl.u32 v1, $0xE  }
0xeb: {  	s14 =	rddreg [dreg:$0x4];
	[tilespmem:$0x4330] =	vst v1  }
0xec: {  	[spmem:s2] =	stream.indirect.scatter.add.f32 [tilespmem:s14], [sflag:$0x5], $0x80, s29, s26, $0xb8;
	[tilespmem:$0x1FC80] =	vst v63  }
0xed: {  	_ =	swait.ge [sflag:s23], $0x2000  }
0xee: {  	[sflag:s23] =	ssyncset.done $0x0  }
0xef: {  	p3 =	sle.u32 s5, $0x6;
	[sflag:s23] =	ssyncadd.s32 $0xFFFFE000  }
0xf0: {  	v1 =	vld @!p3 [tilespmem:s7+$0x80];
	_ =	sdelay $0x4  }
0xf1: {  	v1 =	vand.u32 @!p3 $0x3FFF, v1  }
0xf2: {  	[tilespmem:$0x4200] =	vst @!p3 v1  }
0xf3: {  	v1 =	vld @!p3 [tilespmem:s7+$0x90];
	_ =	sdelay $0x4  }
0xf4: {  	v1 =	vand.u32 @!p3 $0x3FFF, v1  }
0xf5: {  	[tilespmem:$0x4210] =	vst @!p3 v1  }
0xf6: {  	v1 =	vld @!p3 [tilespmem:s7+$0xA0];
	_ =	sdelay $0x4  }
0xf7: {  	v1 =	vand.u32 @!p3 $0x3FFF, v1  }
0xf8: {  	[tilespmem:$0x4220] =	vst @!p3 v1  }
0xf9: {  	v1 =	vld @!p3 [tilespmem:s7+$0xB0];
	s7 =	sadd.s32 $0xFFFFFFFF, s18  }
0xfa: {  	p2 =	sne.s32 s7, $0x0  }
.Ltmp1:
0xfb: {  	_ = 	snop;
	(pc) =	sbr.rel @!p2 .LBB2_5-.Ltmp1, $3  }
0xfc: {  	_ =	sdelay $0x1  }
0xfd: {  	s10 =	simm.s32 $0xA;
	s11 =	simm.s32 $0x200;
	s12 =	simm.s32 @!p3 $0x40;
	v1 =	vand.u32 @!p3 $0x3FFF, v1  }
0xfe: {  	s13 =	simm.s32 @!p3 $0x4200;
	s9 =	simm.s32 $0x1C0;
	s14 =	simm.s32 @!p3 $0x8380;
	[tilespmem:$0x4230] =	vst @!p3 v1  }
.LBB2_4:
0xff: {  	[tilespmem:s14], [sflag:$0x3] =	stream.indirect.gather @!p3 [hbm4b:s1+s12], $0x80, s13, s12, $0xb8;
	[tilespmem:$0x1FC80] =	vst v63  }
0x100: {  	_ =	swait.ge [sflag:s28], $0x2000  }
0x101: {  	[sflag:s28] =	ssyncset.done $0x0  }
0x102: {  	[sflag:s28] =	ssyncadd.s32 $0xFFFFE000  }
0x103: {  	v1 =	vld [tilespmem:s11+$0xFFFFFF00];
	_ =	sdelay $0x4  }
0x104: {  	v1 =	vshrl.u32 v1, $0xE  }
0x105: {  	[tilespmem:$0x4300] =	vst v1  }
0x106: {  	v1 =	vld [tilespmem:s11+$0xFFFFFF10];
	_ =	sdelay $0x4  }
0x107: {  	v1 =	vshrl.u32 v1, $0xE  }
0x108: {  	[tilespmem:$0x4310] =	vst v1  }
0x109: {  	v1 =	vld [tilespmem:s11+$0xFFFFFF20];
	_ =	sdelay $0x4  }
0x10a: {  	v1 =	vshrl.u32 v1, $0xE  }
0x10b: {  	[tilespmem:$0x4320] =	vst v1  }
0x10c: {  	v1 =	vld [tilespmem:s11+$0xFFFFFF30];
	_ =	sdelay $0x4  }
0x10d: {  	v1 =	vshrl.u32 v1, $0xE  }
0x10e: {  	[tilespmem:$0x4330] =	vst v1  }
0x10f: {  	[spmem:s2] =	stream.indirect.scatter.add.f32 [tilespmem:s22], [sflag:$0x5], $0x80, s29, s26, $0xb8;
	[tilespmem:$0x1FC80] =	vst v63  }
0x110: {  	_ =	swait.ge [sflag:s23], $0x2000  }
0x111: {  	s14 =	sadd.s32 $0xFFFFFFFD, s10;
	[sflag:s23] =	ssyncset.done $0x0  }
0x112: {  	p3 =	sge.u32 s14, s5;
	[sflag:s23] =	ssyncadd.s32 $0xFFFFE000  }
0x113: {  	v1 =	vld @!p3 [tilespmem:s11+$0xFFFFFFC0];
	_ =	sdelay $0x4  }
0x114: {  	v1 =	vand.u32 @!p3 $0x3FFF, v1  }
0x115: {  	s12 =	sor.u32 @!p3 $0x50, s9;
	[tilespmem:$0x4280] =	vst @!p3 v1  }
0x116: {  	v1 =	vld @!p3 [tilespmem:s12+$0x0];
	_ =	sdelay $0x4  }
0x117: {  	v1 =	vand.u32 @!p3 $0x3FFF, v1  }
0x118: {  	s12 =	sor.u32 @!p3 $0x60, s9;
	[tilespmem:$0x4290] =	vst @!p3 v1  }
0x119: {  	v1 =	vld @!p3 [tilespmem:s12+$0x0];
	_ =	sdelay $0x4  }
0x11a: {  	v1 =	vand.u32 @!p3 $0x3FFF, v1  }
0x11b: {  	s12 =	sor.u32 @!p3 $0x70, s9;
	[tilespmem:$0x42A0] =	vst @!p3 v1  }
0x11c: {  	v1 =	vld @!p3 [tilespmem:s12+$0x0];
	_ =	sdelay $0x4  }
0x11d: {  	v1 =	vand.u32 @!p3 $0x3FFF, v1  }
0x11e: {  	s13 =	simm.s32 @!p3 $0x4280;
	s14 =	simm.s32 @!p3 $0xA380;
	s12 =	simm.s32 @!p3 $0x40;
	[tilespmem:$0x42B0] =	vst @!p3 v1  }
0x11f: {  	[tilespmem:s14], [sflag:$0x4] =	stream.indirect.gather @!p3 [hbm4b:s1+s12], $0x80, s13, s12, $0xb8;
	[tilespmem:$0x1FC80] =	vst v63  }
0x120: {  	_ =	swait.ge [sflag:s31], $0x2000  }
0x121: {  	[sflag:s31] =	ssyncset.done $0x0  }
0x122: {  	[sflag:s31] =	ssyncadd.s32 $0xFFFFE000  }
0x123: {  	v1 =	vld [tilespmem:s11+$0xFFFFFF40];
	_ =	sdelay $0x4  }
0x124: {  	v1 =	vshrl.u32 v1, $0xE  }
0x125: {  	[tilespmem:$0x4300] =	vst v1  }
0x126: {  	v1 =	vld [tilespmem:s11+$0xFFFFFF50];
	_ =	sdelay $0x4  }
0x127: {  	v1 =	vshrl.u32 v1, $0xE  }
0x128: {  	[tilespmem:$0x4310] =	vst v1  }
0x129: {  	v1 =	vld [tilespmem:s11+$0xFFFFFF60];
	_ =	sdelay $0x4  }
0x12a: {  	v1 =	vshrl.u32 v1, $0xE  }
0x12b: {  	[tilespmem:$0x4320] =	vst v1  }
0x12c: {  	v1 =	vld [tilespmem:s11+$0xFFFFFF70];
	_ =	sdelay $0x4  }
0x12d: {  	v1 =	vshrl.u32 v1, $0xE  }
0x12e: {  	[tilespmem:$0x4330] =	vst v1  }
0x12f: {  	[spmem:s2] =	stream.indirect.scatter.add.f32 [tilespmem:s30], [sflag:$0x5], $0x80, s29, s26, $0xb8;
	[tilespmem:$0x1FC80] =	vst v63  }
0x130: {  	_ =	swait.ge [sflag:s23], $0x2000  }
0x131: {  	s13 =	sadd.s32 $0xFFFFFFFE, s10;
	[sflag:s23] =	ssyncset.done $0x0  }
0x132: {  	p3 =	sge.u32 s13, s5;
	[sflag:s23] =	ssyncadd.s32 $0xFFFFE000  }
0x133: {  	v1 =	vld @!p3 [tilespmem:s11+$0x0];
	_ =	sdelay $0x4  }
0x134: {  	v1 =	vand.u32 @!p3 $0x3FFF, v1  }
0x135: {  	[tilespmem:$0x4100] =	vst @!p3 v1  }
0x136: {  	v1 =	vld @!p3 [tilespmem:s11+$0x10];
	_ =	sdelay $0x4  }
0x137: {  	v1 =	vand.u32 @!p3 $0x3FFF, v1  }
0x138: {  	[tilespmem:$0x4110] =	vst @!p3 v1  }
0x139: {  	v1 =	vld @!p3 [tilespmem:s11+$0x20];
	_ =	sdelay $0x4  }
0x13a: {  	v1 =	vand.u32 @!p3 $0x3FFF, v1  }
0x13b: {  	[tilespmem:$0x4120] =	vst @!p3 v1  }
0x13c: {  	v1 =	vld @!p3 [tilespmem:s11+$0x30];
	_ =	sdelay $0x4  }
0x13d: {  	v1 =	vand.u32 @!p3 $0x3FFF, v1  }
0x13e: {  	s12 =	simm.s32 @!p3 $0x40;
	s13 =	simm.s32 @!p3 $0x4100;
	s14 =	simm.s32 @!p3 $0x4380;
	[tilespmem:$0x4130] =	vst @!p3 v1  }
0x13f: {  	[tilespmem:s14], [sflag:$0x1] =	stream.indirect.gather @!p3 [hbm4b:s1+s12], $0x80, s13, s12, $0xb8;
	[tilespmem:$0x1FC80] =	vst v63  }
0x140: {  	_ =	swait.ge [sflag:s4], $0x2000  }
0x141: {  	[sflag:s4] =	ssyncset.done $0x0  }
0x142: {  	[sflag:s4] =	ssyncadd.s32 $0xFFFFE000  }
0x143: {  	v1 =	vld [tilespmem:s11+$0xFFFFFF80];
	_ =	sdelay $0x4  }
0x144: {  	v1 =	vshrl.u32 v1, $0xE  }
0x145: {  	[tilespmem:$0x4300] =	vst v1  }
0x146: {  	v1 =	vld [tilespmem:s11+$0xFFFFFF90];
	_ =	sdelay $0x4  }
0x147: {  	v1 =	vshrl.u32 v1, $0xE  }
0x148: {  	[tilespmem:$0x4310] =	vst v1  }
0x149: {  	v1 =	vld [tilespmem:s11+$0xFFFFFFA0];
	_ =	sdelay $0x4  }
0x14a: {  	v1 =	vshrl.u32 v1, $0xE  }
0x14b: {  	[tilespmem:$0x4320] =	vst v1  }
0x14c: {  	v1 =	vld [tilespmem:s11+$0xFFFFFFB0];
	_ =	sdelay $0x4  }
0x14d: {  	v1 =	vshrl.u32 v1, $0xE  }
0x14e: {  	[tilespmem:$0x4330] =	vst v1  }
0x14f: {  	[spmem:s2] =	stream.indirect.scatter.add.f32 [tilespmem:s0], [sflag:$0x5], $0x80, s29, s26, $0xb8;
	[tilespmem:$0x1FC80] =	vst v63  }
0x150: {  	_ =	swait.ge [sflag:s23], $0x2000  }
0x151: {  	s14 =	sadd.s32 $0xFFFFFFFF, s10;
	[sflag:s23] =	ssyncset.done $0x0  }
0x152: {  	p3 =	sge.u32 s14, s5;
	[sflag:s23] =	ssyncadd.s32 $0xFFFFE000  }
0x153: {  	v1 =	vld @!p3 [tilespmem:s11+$0x40];
	_ =	sdelay $0x4  }
0x154: {  	s12 =	sadd.s32 @!p3 $0x80, s9;
	v1 =	vand.u32 @!p3 $0x3FFF, v1  }
0x155: {  	s13 =	sor.u32 @!p3 $0x50, s12;
	[tilespmem:$0x4180] =	vst @!p3 v1  }
0x156: {  	v1 =	vld @!p3 [tilespmem:s13+$0x0];
	_ =	sdelay $0x4  }
0x157: {  	v1 =	vand.u32 @!p3 $0x3FFF, v1  }
0x158: {  	s14 =	sor.u32 @!p3 $0x60, s12;
	[tilespmem:$0x4190] =	vst @!p3 v1  }
0x159: {  	v1 =	vld @!p3 [tilespmem:s14+$0x0];
	_ =	sdelay $0x4  }
0x15a: {  	v1 =	vand.u32 @!p3 $0x3FFF, v1  }
0x15b: {  	s12 =	sor.u32 @!p3 $0x70, s12;
	[tilespmem:$0x41A0] =	vst @!p3 v1  }
0x15c: {  	v1 =	vld @!p3 [tilespmem:s12+$0x0];
	_ =	sdelay $0x4  }
0x15d: {  	v1 =	vand.u32 @!p3 $0x3FFF, v1  }
0x15e: {  	s13 =	simm.s32 @!p3 $0x4180;
	s14 =	simm.s32 @!p3 $0x6380;
	s12 =	simm.s32 @!p3 $0x40;
	[tilespmem:$0x41B0] =	vst @!p3 v1  }
0x15f: {  	[tilespmem:s14], [sflag:$0x2] =	stream.indirect.gather @!p3 [hbm4b:s1+s12], $0x80, s13, s12, $0xb8;
	[tilespmem:$0x1FC80] =	vst v63  }
0x160: {  	_ =	swait.ge [sflag:s6], $0x2000  }
0x161: {  	[sflag:s6] =	ssyncset.done $0x0  }
0x162: {  	[sflag:s6] =	ssyncadd.s32 $0xFFFFE000  }
0x163: {  	v1 =	vld [tilespmem:s11+$0xFFFFFFC0];
	_ =	sdelay $0x4  }
0x164: {  	v1 =	vshrl.u32 v1, $0xE  }
0x165: {  	s13 =	sor.u32 $0x50, s9;
	[tilespmem:$0x4300] =	vst v1  }
0x166: {  	v1 =	vld [tilespmem:s13+$0x0];
	_ =	sdelay $0x4  }
0x167: {  	v1 =	vshrl.u32 v1, $0xE  }
0x168: {  	s14 =	sor.u32 $0x60, s9;
	[tilespmem:$0x4310] =	vst v1  }
0x169: {  	v1 =	vld [tilespmem:s14+$0x0];
	_ =	sdelay $0x4  }
0x16a: {  	v1 =	vshrl.u32 v1, $0xE  }
0x16b: {  	s13 =	sor.u32 $0x70, s9;
	[tilespmem:$0x4320] =	vst v1  }
0x16c: {  	v1 =	vld [tilespmem:s13+$0x0];
	_ =	sdelay $0x4  }
0x16d: {  	v1 =	vshrl.u32 v1, $0xE  }
0x16e: {  	s14 =	rddreg [dreg:$0x4];
	[tilespmem:$0x4330] =	vst v1  }
0x16f: {  	[spmem:s2] =	stream.indirect.scatter.add.f32 [tilespmem:s14], [sflag:$0x5], $0x80, s29, s26, $0xb8;
	[tilespmem:$0x1FC80] =	vst v63  }
0x170: {  	_ =	swait.ge [sflag:s23], $0x2000  }
0x171: {  	[sflag:s23] =	ssyncset.done $0x0  }
0x172: {  	p3 =	sge.u32 s10, s5;
	[sflag:s23] =	ssyncadd.s32 $0xFFFFE000  }
0x173: {  	v1 =	vld @!p3 [tilespmem:s11+$0x80];
	_ =	sdelay $0x4  }
0x174: {  	v1 =	vand.u32 @!p3 $0x3FFF, v1  }
0x175: {  	[tilespmem:$0x4200] =	vst @!p3 v1  }
0x176: {  	v1 =	vld @!p3 [tilespmem:s11+$0x90];
	_ =	sdelay $0x4  }
0x177: {  	v1 =	vand.u32 @!p3 $0x3FFF, v1  }
0x178: {  	[tilespmem:$0x4210] =	vst @!p3 v1  }
0x179: {  	v1 =	vld @!p3 [tilespmem:s11+$0xA0];
	_ =	sdelay $0x4  }
0x17a: {  	v1 =	vand.u32 @!p3 $0x3FFF, v1  }
0x17b: {  	[tilespmem:$0x4220] =	vst @!p3 v1  }
0x17c: {  	s7 =	sadd.s32 $0xFFFFFFFF, s7;
	v1 =	vld @!p3 [tilespmem:s11+$0xB0]  }
0x17d: {  	p2 =	sne.s32 s7, $0x0  }
.Ltmp2:
0x17e: {  	_ = 	snop;
	(pc) =	sbr.rel @p2 .LBB2_4-.Ltmp2, $3  }
0x17f: {  	_ =	sdelay $0x1  }
0x180: {  	s10 =	sadd.s32 $0x4, s10;
	s12 =	simm.s32 @!p3 $0x40;
	s9 =	sadd.s32 $0x100, s9;
	v1 =	vand.u32 @!p3 $0x3FFF, v1  }
0x181: {  	s13 =	simm.s32 @!p3 $0x4200;
	s14 =	simm.s32 @!p3 $0x8380;
	s11 =	sadd.s32 $0x100, s11;
	[tilespmem:$0x4230] =	vst @!p3 v1  }
.LBB2_5:
0x182: {  	[tilespmem:s14], [sflag:$0x3] =	stream.indirect.gather @!p3 [hbm4b:s1+s12], $0x80, s13, s12, $0xb8;
	[tilespmem:$0x1FC80] =	vst v63  }
0x183: {  	s7 =	stileid.u32  }
0x184: {  	s7 =	sshll.u32 s7, $0x6  }
0x185: {  	[bflag:$0x0] =	sbarrier.arrive $0xFFFF;
	s7 =	sor.u32 $0x1C05, s7  }
0x186: {  	[hbm:s19], [sflag:s7] =	dma.local [spmem:s24], $0x2700  }
0x187: {  	_ =	swait.ge [sflag:s23], $0x2700  }
0x188: {  	s3 =	sadd.s32 $0x1, s3;
	[sflag:s23] =	ssyncset.done $0x0  }
0x189: {  	p2 =	sne.s32 s3, s21;
	[sflag:s23] =	ssyncadd.s32 $0xFFFFD900  }
0x18a: {  	[hbm:s20], [sflag:s7] =	dma.local @!p1 [spmem:s25], $0x100  }
.Ltmp3:
0x18b: {  	_ = 	snop;
	(pc) =	sbr.rel @p2 .LBB2_1-.Ltmp3, $4  }
0x18c: {  	s7 =	simm.s32 @!p1 $0x5  }
0x18d: {  	_ =	swait.ge @!p1 [sflag:s7], $0x100  }
0x18e: {  	[sflag:s7] =	ssyncset.done @!p1 $0x0  }
0x18f: {  	[sflag:s7] =	ssyncadd.s32 @!p1 $0xFFFFFF00  }
0x190: {  	_ =	sfence.sel $0x180000  }
0x191: {  	[bflag:$0x0] =	sbarrier.arrive $0xFFFF  }
0x192: {  	_ =	strace $0x9000004D  }
0x193: {  	s0 =	stileid.u32;
	[bflag:$0x2] =	sbarrier.arrive $0xFFFF  }
0x194: {  	p0 =	sne.s32 s0, $0x0;
	s0 =	rddreg [dreg:$0x3]  }
0x195: {  	s0 =	sadd.s32 @!p0 $0x100000, s0  }
0x196: {  	[sflag:s0] =	ssyncadd.tile.s32 @!p0 $0x1;
	_ =	shalt  }
.Lfunc_end2:
_tile_overlayer_lowered:
.L_overlay_start_2:
0x197: {  	(tag) =	ssettag $0x2  }
0x198: {  	s0 =	rddreg [dreg:$0x0];
	s2 =	stileid.u32  }
0x199: {  	s1 =	rddreg [dreg:$0x1];
	p0 =	sne.s32 s2, $0x0  }
0x19a: {  	s3 =	rddreg [dreg:$0x2];
	[bflag:$0x3] =	sbarrier.arrive $0xFFFF;
	s2 =	simm.s32 @!p0 $0x1C05  }
0x19b: {  	[timem:s3], [sflag:s2] =	dma.local @!p0 [hbm:s0], s1  }
0x19c: {  	s0 =	simm.s32 @!p0 $0x5  }
0x19d: {  	_ =	swait.ge @!p0 [sflag:s0], s1  }
0x19e: {  	s1 =	ssub.s32 @!p0 $0x0, s1;
	[sflag:s0] =	ssyncset.done @!p0 $0x0  }
0x19f: {  	[sflag:s0] =	ssyncadd.s32 @!p0 s1  }
0x1a0: {  	[bflag:$0x3] =	sbarrier.arrive $0xFFFF  }
0x1a1: {  	_ =	shalt  }

// kernel: kernel.9.cloned.1.call-start
scs
__scs_entry_jumppad:
0x0: {  	(pc) =	sbr.rel $0x88, $3  }
0x1: {  	(tag) =	ssettag $0x0;
	lr =	simm.s32 $0x1  }
0x2: {  	[smem:$0x3F99] =	sst lr;
	_ =	strace $0xD0000000  }
0x3: {  	_ = 	snop  }
0x4: {  	_ = 	snop  }
0x5: {  	_ = 	snop  }
0x6: {  	_ = 	snop  }
0x7: {  	_ = 	snop  }
__scs_overlays_trampoline_lowered:
0x8: {  	[smem:$0x3FA8] =	sst s0  }
0x9: {  	[smem:$0x3FA9] =	sst s1  }
0xa: {  	[smem:$0x3FAA] =	sst s2  }
0xb: {  	[smem:$0x3FAB] =	sst s3  }
0xc: {  	[smem:$0x3FAC] =	sst s4  }
0xd: {  	[smem:$0x3FAD] =	sst s5  }
0xe: {  	[smem:$0x3FAE] =	sst s6  }
0xf: {  	[smem:$0x3FAF] =	sst s7  }
0x10: {  	[smem:$0x3FB0] =	sst s8  }
0x11: {  	[smem:$0x3FB1] =	sst s9;
	s0 =	simm.s32 @!p0 $0x0  }
0x12: {  	s1 =	sld [smem:$0x3F97];
	s0 =	simm.s32 @p0 $0x1  }
0x13: {  	[smem:$0x3FB2] =	sst s0;
	s0 =	simm.s32 @!p1 $0x0  }
0x14: {  	s2 =	sld [smem:$0x3F96];
	s0 =	simm.s32 @p1 $0x1  }
0x15: {  	[smem:$0x3FB3] =	sst s0;
	s0 =	simm.s32 @!p2 $0x0  }
0x16: {  	s3 =	sld [smem:$0x3FDB];
	s0 =	simm.s32 @p2 $0x1  }
0x17: {  	s4 =	simm.s32 $0x1BF5;
	[smem:$0x3FB5] =	sst s0  }
0x18: {  	s0 =	sld [smem:$0x3F98];
	_ =	swait.ge [sflag:s4], $0x0  }
0x19: {  	s7 =	sld [smem:$0x3F99]  }
0x1a: {  	s8 =	sadd.s32 $0xFFFFE003, lr  }
0x1b: {  	s9 =	sadd.s32 $0xFFFFFEF7, lr;
	s5 =	simm.s32 $0xFFFFFFFF;
	p2 =	slt.u32 s8, $0xFFFFF086  }
0x1c: {  	p1 =	slt.u32 s9, $0xF7A;
	s5 =	simm.s32 @!p2 $0x0  }
0x1d: {  	s5 =	simm.s32 @p1 $0x1;
	p0 =	seq.s32 s7, s2  }
0x1e: {  	s7 =	smul.u32 @!p0 $0xF7A, s2;
	p2 =	seq.s32 @!p0 s5, $0x0  }
0x1f: {  	s9 =	smul.u32 $0xF7A, s1;
	s8 =	simm.s32 @!p0 $0x1BF5;
	p2 =	por !p2, p0  }
0x20: {  	[sflag:s8] =	ssyncset.s32 @!p0 $0xFFFFF086;
	s6 =	sadd.s32 @!p0 s3, s7;
	s7 =	simm.s32 @!p0 $0x108  }
0x21: {  	s3 =	sadd.s32 s3, s9;
	s6 =	sadd.s32 @!p0 $0x88, s6;
	s7 =	simm.s32 @p2 $0x1082  }
0x22: {  	[simem:s7], [sflag:s8] =	dma.local @!p0 [hbm:s6], $0xF7A  }
0x23: {  	s9 =	sor.u32 $0xD0000000, s2;
	s6 =	simm.s32 $0x108;
	_ =	swait.ge @!p0 [sflag:s8], $0x0  }
0x24: {  	s3 =	sadd.s32 $0x88, s3;
	s6 =	simm.s32 @!p1 $0x1082;
	[sflag:s4] =	ssyncset.s32 $0xFFFFF086  }
0x25: {  	[simem:s6], [sflag:s4] =	dma.local [hbm:s3], $0xF7A  }
0x26: {  	[smem:$0x3F99] =	sst s1;
	(tag) =	ssettag s2;
	_ =	strace s9  }
0x27: {  	s1 =	sld [smem:$0x3FA9]  }
0x28: {  	s2 =	sld [smem:$0x3FAA]  }
0x29: {  	s4 =	sld [smem:$0x3FAC]  }
0x2a: {  	p0 =	seq.s32 s5, $0x0;
	s5 =	sld [smem:$0x3FAD]  }
0x2b: {  	s6 =	sld [smem:$0x3FAE]  }
0x2c: {  	s7 =	sld [smem:$0x3FAF]  }
0x2d: {  	s3 =	simm.s32 $0x108;
	s8 =	sld [smem:$0x3FB0]  }
0x2e: {  	s3 =	simm.s32 @!p0 $0x1082;
	s9 =	sld [smem:$0x3FB1]  }
0x2f: {  	lr =	sadd.s32 s0, s3;
	s0 =	sld [smem:$0x3FA8]  }
0x30: {  	s3 =	sld [smem:$0x3FAB]  }
0x31: {  	[smem:$0x3FB4] =	sst s10  }
0x32: {  	s10 =	sld [smem:$0x3FB2];
	_ =	sdelay $0x3  }
0x33: {  	p0 =	seq.s32 s10, $0x1;
	s10 =	sld [smem:$0x3FB4];
	_ =	sdelay $0x3  }
0x34: {  	[smem:$0x3FB4] =	sst s10  }
0x35: {  	s10 =	sld [smem:$0x3FB3];
	_ =	sdelay $0x3  }
0x36: {  	p1 =	seq.s32 s10, $0x1;
	s10 =	sld [smem:$0x3FB4];
	_ =	sdelay $0x3  }
0x37: {  	[smem:$0x3FB4] =	sst s10  }
0x38: {  	s10 =	sld [smem:$0x3FB5]  }
0x39: {  	_ = 	snop;
	(pc) =	sbr.ind lr, $3  }
0x3a: {  	_ = 	snop  }
0x3b: {  	_ = 	snop  }
0x3c: {  	p2 =	seq.s32 s10, $0x1;
	s10 =	sld [smem:$0x3FB4]  }
0x3d: {  	_ =	shalt  }
0x3e: {  	_ =	shalt  }
0x3f: {  	_ =	shalt  }
0x40: {  	_ =	shalt  }
0x41: {  	_ =	shalt  }
0x42: {  	_ =	shalt  }
0x43: {  	_ =	shalt  }
0x44: {  	_ =	shalt  }
0x45: {  	_ =	shalt  }
0x46: {  	_ =	shalt  }
0x47: {  	_ =	shalt  }
0x48: {  	_ =	shalt  }
0x49: {  	_ =	shalt  }
0x4a: {  	_ =	shalt  }
0x4b: {  	_ =	shalt  }
0x4c: {  	_ =	shalt  }
0x4d: {  	_ =	shalt  }
0x4e: {  	_ =	shalt  }
0x4f: {  	_ =	shalt  }
0x50: {  	_ =	shalt  }
0x51: {  	_ =	shalt  }
0x52: {  	_ =	shalt  }
0x53: {  	_ =	shalt  }
0x54: {  	_ =	shalt  }
0x55: {  	_ =	shalt  }
0x56: {  	_ =	shalt  }
0x57: {  	_ =	shalt  }
0x58: {  	_ =	shalt  }
0x59: {  	_ =	shalt  }
0x5a: {  	_ =	shalt  }
0x5b: {  	_ =	shalt  }
0x5c: {  	_ =	shalt  }
0x5d: {  	_ =	shalt  }
0x5e: {  	_ =	shalt  }
0x5f: {  	_ =	shalt  }
0x60: {  	_ =	shalt  }
0x61: {  	_ =	shalt  }
0x62: {  	_ =	shalt  }
0x63: {  	_ =	shalt  }
0x64: {  	_ =	shalt  }
0x65: {  	_ =	shalt  }
0x66: {  	_ =	shalt  }
0x67: {  	_ =	shalt  }
0x68: {  	_ =	shalt  }
0x69: {  	_ =	shalt  }
0x6a: {  	_ =	shalt  }
0x6b: {  	_ =	shalt  }
0x6c: {  	_ =	shalt  }
0x6d: {  	_ =	shalt  }
0x6e: {  	_ =	shalt  }
0x6f: {  	_ =	shalt  }
0x70: {  	_ =	shalt  }
0x71: {  	_ =	shalt  }
0x72: {  	_ =	shalt  }
0x73: {  	_ =	shalt  }
0x74: {  	_ =	shalt  }
0x75: {  	_ =	shalt  }
0x76: {  	_ =	shalt  }
0x77: {  	_ =	shalt  }
0x78: {  	_ =	shalt  }
0x79: {  	_ =	shalt  }
0x7a: {  	_ =	shalt  }
0x7b: {  	_ =	shalt  }
0x7c: {  	_ =	shalt  }
0x7d: {  	_ =	shalt  }
0x7e: {  	_ =	shalt  }
0x7f: {  	_ =	shalt  }
0x80: {  	_ =	shalt  }
0x81: {  	_ =	shalt  }
0x82: {  	_ =	shalt  }
0x83: {  	_ =	shalt  }
0x84: {  	_ =	shalt  }
0x85: {  	_ =	shalt  }
0x86: {  	_ =	shalt  }
0x87: {  	_ =	shalt  }
.Lfunc_end0:
.L_simem_size_0:
called_computation_lowered:
.L_overlay_start_0:
0x88: {  	s2 =	sld [smem:$0x3FD9]  }
0x89: {  	s3 =	sld [smem:$0x3FFE];
	_ =	sdelay $0x1  }
0x8a: {  	s1 =	srdreg.scid  }
0x8b: {  	s0 =	sand.u32 $0x1, s1  }
0x8c: {  	s14 =	sshll.u32 s0, $0xA;
	s2 =	sadd.s32 s3, s2  }
0x8d: {  	s2 =	sadd.s32 s2, s14  }
0x8e: {  	[smem:$0x3FC0] =	sst s2  }
0x8f: {  	_ = 	snop  }
0x90: {  	s2 =	sld [smem:$0x3FD0];
	_ =	sdelay $0x2  }
0x91: {  	s15 =	simm.s32 $0xA;
	s4 =	simm.s32 $0x10  }
0x92: {  	[smem:s4], [sflag:s15] =	dma.local [hbm:s2], $0x1  }
0x93: {  	_ =	swait.eq [sflag:s15], $0x1  }
0x94: {  	[sflag:s15] =	ssyncset.done $0x0  }
0x95: {  	[sflag:s15] =	ssyncadd.s32 $0xFFFFFFFF  }
0x96: {  	s16 =	sld [smem:$0x10];
	(tm) =	ssettm $0x1  }
0x97: {  	s17 =	sld [smem:$0x3FFB];
	_ =	sdelay $0x3  }
0x98: {  	_ =	strace s17  }
0x99: {  	s3 =	sld [smem:$0x3FFC];
	_ =	sdelay $0x3  }
0x9a: {  	_ =	strace s3  }
0x9b: {  	s3 =	sld [smem:$0x3FFD];
	_ =	sdelay $0x3  }
0x9c: {  	_ =	strace s3  }
0x9d: {  	_ =	strace $0x8FFFFFFF  }
0x9e: {  	s18 =	sld [smem:$0x3FDB];
	_ =	sdelay $0x1  }
0x9f: {  	s19 =	simm.s32 $_scs_section_size  }
0xa0: {  	s5 =	simm.s32 $_size__tile_overlayer_lowered;
	s6 =	simm.s32 $_tile_overlayer_lowered  }
0xa1: {  	s22 =	simm.s32 $0x1BFF;
	s21 =	sshll.u32 s6, $0x1;
	s3 =	sadd.s32 s19, s18  }
0xa2: {  	s7 =	simm.s32 $0x0;
	s20 =	sshll.u32 s5, $0x1;
	s5 =	sadd.s32 s21, s3  }
0xa3: {  	[timem:s7], [sflag:s22] =	dma.local [hbm:s5], s20  }
0xa4: {  	_ =	swait.ge [sflag:s22], s20  }
0xa5: {  	s4 =	ssub.s32 $0x0, s20;
	[sflag:s22] =	ssyncset.done $0x0  }
0xa6: {  	[sflag:s22] =	ssyncadd.s32 s4;
	_ =	sdelay $0x1  }
0xa7: {  	s23 =	simm.s32 $0x1B8B  }
0xa8: {  	_ =	swait.ge [sflag:s23], $0x1  }
0xa9: {  	[sflag:s23] =	ssyncset.done $0x0  }
0xaa: {  	s25 =	simm.s32 $0x1B8E;
	s24 =	sld [smem:$0x3FFE];
	[sflag:s23] =	ssyncadd.s32 $0xFFFFFFFF  }
0xab: {  	s26 =	simm.s32 $execute0_lowered;
	[smem:$0x3FD2] =	sst s25  }
0xac: {  	s5 =	sshll.u32 s26, $0x1;
	_ =	strace $0x80000046;
	[dreg:$0x1] =	wrdreg $0xFFFFFFFF  }
0xad: {  	s28 =	simm.s32 $_size_execute0_lowered;
	s3 =	sadd.s32 s3, s5;
	[dreg:$0x0] =	wrdreg $0x0  }
0xae: {  	s5 =	sshll.u32 s28, $0x1;
	[dreg:$0x2] =	wrdreg s3  }
0xaf: {  	[dreg:$0x3] =	wrdreg s5  }
0xb0: {  	[dreg:$0x4] =	wrdreg $0xC0  }
0xb1: {  	_ =	task [dreg:s7], $0x5FFFF  }
0xb2: {  	[dreg:$0x1] =	wrdreg $0xFFFFFFFF  }
0xb3: {  	[dreg:$0x0] =	wrdreg $0x60  }
0xb4: {  	[dreg:$0x2] =	wrdreg s16  }
0xb5: {  	[dreg:$0x3] =	wrdreg s24  }
0xb6: {  	[dreg:$0x4] =	wrdreg $0x9  }
0xb7: {  	_ =	task.clear_ibuf [dreg:s7], $0x5FFFF;
	_ =	strace $0x90000046  }
0xb8: {  	s29 =	simm.s32 $0x9;
	_ =	strace $0x80000048  }
0xb9: {  	_ =	swait.ge [sflag:s29], $0x1  }
0xba: {  	[sflag:s29] =	ssyncadd.s32 $0xFFFFFFFF  }
0xbb: {  	_ =	strace $0x90000048  }
0xbc: {  	_ =	sfence  }
0xbd: {  	s30 =	sld [smem:$0x0];
	_ =	sdelay $0x2  }
0xbe: {  	s31 =	sshll.u32 s1, $0xD;
	s1 =	sshrl.u32 s1, $0x2  }
0xbf: {  	s3 =	sand.u32 $0x4000, s31;
	s1 =	sadd.s32 s1, s30  }
0xc0: {  	s0 =	sor.u32 s3, s0;
	s1 =	sshll.u32 s1, $0x11  }
0xc1: {  	s0 =	sor.u32 s1, s0  }
0xc2: {  	s0 =	sadd.s32 $0x8F2B, s0  }
0xc3: {  	[sflag:s0] =	ssyncadd.remote.s32 $0x1  }
0xc4: {  	_ =	sfence.sel $0xFFFF  }
0xc5: {  	[dreg:$0x0] =	wrdreg $0xFFFFFFFF;
	(pc) =	sbr.abs _section_cstart, $3  }
0xc6: {  	[dreg:$0x1] =	wrdreg $0xFFFFFFFF  }
0xc7: {  	_ =	task.clear_ibuf [dreg:s7], $0x2FFFF;
	_ =	strace $0x9FFFFFFF  }
0xc8: {  	(tm) =	ssettm $0x7FFFFFFF  }
0xc9: {  	_ =	shalt  }
tec
execute0_lowered:
.L_overlay_start_1:
0x0: {  	(tag) =	ssettag $0x1  }
0x1: {  	s0 =	srdreg.scid;
	s3 =	rddreg [dreg:$0x0]  }
0x2: {  	s5 =	rddreg [dreg:$0x1];
	s1 =	stileid.u32;
	s4 =	sand.u32 $0x1, s0  }
0x3: {  	s2 =	simm.s32 $0x0;
	v0 =	vimm.f32 $0.0e+00;
	v1 =	vimm.f32 $1.000000000e+00;
	s0 =	rddreg [dreg:$0x2];
	s6 =	sshll.u32 s4, $0x4  }
0x4: {  	vm0 =	vcmask $0x704;
	vm1 =	vcmask $0xB08;
	vm2 =	vcmask $0xF0C;
	[smem:$0x7FF] =	sst s2;
	s4 =	ssub.s32 $0x2, s4;
	s6 =	sor.u32 s1, s6  }
0x5: {  	vm3 =	vcmask $0x1310;
	vm4 =	vcmask $0x1714;
	vm5 =	vcmask $0x1B18;
	_ =	strace $0x80000047;
	s8 =	sshrl.u32 s4, $0x1;
	s7 =	smul.u32 $0x4E2, s6  }
0x6: {  	vm6 =	vcmask $0x1F1C;
	vm7 =	vcmask $0x2320;
	vm8 =	vcmask $0x2724;
	s30 =	ssub.s32 s4, s8;
	s31 =	sshll.u32 s6, $0xB;
	s6 =	simm.s32 $0x1  }
0x7: {  	vm9 =	vcmask $0x2B28;
	vm10 =	vcmask $0x2F2C;
	vm11 =	vcmask $0x3330;
	s8 =	simm.s32 $0x0;
	s3 =	sadd.s32 s3, s31;
	s5 =	sadd.s32 s7, s5  }
0x8: {  	vm12 =	vcmask $0x3734;
	vm13 =	vcmask $0x3B38;
	vm14 =	vcmask $0x3F3C;
	s7 =	simm.s32 $0x4000;
	s4 =	sadd.s32 $0x2400, s5;
	s5 =	smax.u32 s30, $0x1  }
.LBB2_1:
0x9: {  	[tilespmem:s2], [sflag:$0x1] =	stream.linear.gather [hbm4b:s3+s2], $0x3E80, $0x38;
	[tilespmem:$0x6780] =	vst v63  }
0xa: {  	_ =	swait.ge [sflag:s6], $0x3E80  }
0xb: {  	[sflag:s6] =	ssyncset.done $0x0  }
0xc: {  	s9 =	simm.s32 $0x0;
	[sflag:s6] =	ssyncadd.s32 $0xFFFFC180  }
.LBB2_2:
0xd: {  	p0 =	sne.s32 s9, $0x9C00  }
.Ltmp0:
0xe: {  	_ = 	snop;
	(pc) =	sbr.rel @p0 .LBB2_2-.Ltmp0, $3  }
0xf: {  	_ =	sdelay $0x1  }
0x10: {  	s10 =	sshra.s32 s9, $0x2  }
0x11: {  	s9 =	sadd.s32 $0x40, s9;
	[tilespmem:s10+$0x4000] =	vst v0  }
0x12: {  	s9 =	simm.s32 $0x100  }
.LBB2_4:
0x13: {  	s10 =	sshra.s32 s9, $0x2  }
0x14: {  	v2 =	vld [tilespmem:s10+$0xFFFFFFC0];
	_ =	sdelay $0x7  }
0x15: {  	[tilespmem:v2+s7+$0x0] =	vst.idx.add.f32.msk $0x1, v1  }
0x16: {  	[tilespmem:v2+s7+$0x0] =	vst.idx.add.f32.msk vm0, v1  }
0x17: {  	[tilespmem:v2+s7+$0x0] =	vst.idx.add.f32.msk vm1, v1  }
0x18: {  	[tilespmem:v2+s7+$0x0] =	vst.idx.add.f32.msk vm2, v1  }
0x19: {  	[tilespmem:v2+s7+$0x0] =	vst.idx.add.f32.msk vm3, v1  }
0x1a: {  	[tilespmem:v2+s7+$0x0] =	vst.idx.add.f32.msk vm4, v1  }
0x1b: {  	[tilespmem:v2+s7+$0x0] =	vst.idx.add.f32.msk vm5, v1  }
0x1c: {  	[tilespmem:v2+s7+$0x0] =	vst.idx.add.f32.msk vm6, v1  }
0x1d: {  	[tilespmem:v2+s7+$0x0] =	vst.idx.add.f32.msk vm7, v1  }
0x1e: {  	[tilespmem:v2+s7+$0x0] =	vst.idx.add.f32.msk vm8, v1  }
0x1f: {  	[tilespmem:v2+s7+$0x0] =	vst.idx.add.f32.msk vm9, v1  }
0x20: {  	[tilespmem:v2+s7+$0x0] =	vst.idx.add.f32.msk vm10, v1  }
0x21: {  	[tilespmem:v2+s7+$0x0] =	vst.idx.add.f32.msk vm11, v1  }
0x22: {  	[tilespmem:v2+s7+$0x0] =	vst.idx.add.f32.msk vm12, v1  }
0x23: {  	[tilespmem:v2+s7+$0x0] =	vst.idx.add.f32.msk vm13, v1  }
0x24: {  	[tilespmem:v2+s7+$0x0] =	vst.idx.add.f32.msk vm14, v1  }
0x25: {  	v2 =	vld [tilespmem:s10+$0xFFFFFFD0];
	_ =	sdelay $0x7  }
0x26: {  	[tilespmem:v2+s7+$0x0] =	vst.idx.add.f32.msk $0x1, v1  }
0x27: {  	[tilespmem:v2+s7+$0x0] =	vst.idx.add.f32.msk vm0, v1  }
0x28: {  	[tilespmem:v2+s7+$0x0] =	vst.idx.add.f32.msk vm1, v1  }
0x29: {  	[tilespmem:v2+s7+$0x0] =	vst.idx.add.f32.msk vm2, v1  }
0x2a: {  	[tilespmem:v2+s7+$0x0] =	vst.idx.add.f32.msk vm3, v1  }
0x2b: {  	[tilespmem:v2+s7+$0x0] =	vst.idx.add.f32.msk vm4, v1  }
0x2c: {  	[tilespmem:v2+s7+$0x0] =	vst.idx.add.f32.msk vm5, v1  }
0x2d: {  	[tilespmem:v2+s7+$0x0] =	vst.idx.add.f32.msk vm6, v1  }
0x2e: {  	[tilespmem:v2+s7+$0x0] =	vst.idx.add.f32.msk vm7, v1  }
0x2f: {  	[tilespmem:v2+s7+$0x0] =	vst.idx.add.f32.msk vm8, v1  }
0x30: {  	[tilespmem:v2+s7+$0x0] =	vst.idx.add.f32.msk vm9, v1  }
0x31: {  	[tilespmem:v2+s7+$0x0] =	vst.idx.add.f32.msk vm10, v1  }
0x32: {  	[tilespmem:v2+s7+$0x0] =	vst.idx.add.f32.msk vm11, v1  }
0x33: {  	[tilespmem:v2+s7+$0x0] =	vst.idx.add.f32.msk vm12, v1  }
0x34: {  	[tilespmem:v2+s7+$0x0] =	vst.idx.add.f32.msk vm13, v1  }
0x35: {  	[tilespmem:v2+s7+$0x0] =	vst.idx.add.f32.msk vm14, v1  }
0x36: {  	v2 =	vld [tilespmem:s10+$0xFFFFFFE0];
	_ =	sdelay $0x7  }
0x37: {  	[tilespmem:v2+s7+$0x0] =	vst.idx.add.f32.msk $0x1, v1  }
0x38: {  	[tilespmem:v2+s7+$0x0] =	vst.idx.add.f32.msk vm0, v1  }
0x39: {  	[tilespmem:v2+s7+$0x0] =	vst.idx.add.f32.msk vm1, v1  }
0x3a: {  	[tilespmem:v2+s7+$0x0] =	vst.idx.add.f32.msk vm2, v1  }
0x3b: {  	[tilespmem:v2+s7+$0x0] =	vst.idx.add.f32.msk vm3, v1  }
0x3c: {  	[tilespmem:v2+s7+$0x0] =	vst.idx.add.f32.msk vm4, v1  }
0x3d: {  	[tilespmem:v2+s7+$0x0] =	vst.idx.add.f32.msk vm5, v1  }
0x3e: {  	[tilespmem:v2+s7+$0x0] =	vst.idx.add.f32.msk vm6, v1  }
0x3f: {  	[tilespmem:v2+s7+$0x0] =	vst.idx.add.f32.msk vm7, v1  }
0x40: {  	[tilespmem:v2+s7+$0x0] =	vst.idx.add.f32.msk vm8, v1  }
0x41: {  	[tilespmem:v2+s7+$0x0] =	vst.idx.add.f32.msk vm9, v1  }
0x42: {  	[tilespmem:v2+s7+$0x0] =	vst.idx.add.f32.msk vm10, v1  }
0x43: {  	[tilespmem:v2+s7+$0x0] =	vst.idx.add.f32.msk vm11, v1  }
0x44: {  	[tilespmem:v2+s7+$0x0] =	vst.idx.add.f32.msk vm12, v1  }
0x45: {  	[tilespmem:v2+s7+$0x0] =	vst.idx.add.f32.msk vm13, v1  }
0x46: {  	[tilespmem:v2+s7+$0x0] =	vst.idx.add.f32.msk vm14, v1  }
0x47: {  	v2 =	vld [tilespmem:s10+$0xFFFFFFF0];
	_ =	sdelay $0x7  }
0x48: {  	[tilespmem:v2+s7+$0x0] =	vst.idx.add.f32.msk $0x1, v1  }
0x49: {  	[tilespmem:v2+s7+$0x0] =	vst.idx.add.f32.msk vm0, v1  }
0x4a: {  	[tilespmem:v2+s7+$0x0] =	vst.idx.add.f32.msk vm1, v1  }
0x4b: {  	[tilespmem:v2+s7+$0x0] =	vst.idx.add.f32.msk vm2, v1  }
0x4c: {  	[tilespmem:v2+s7+$0x0] =	vst.idx.add.f32.msk vm3, v1  }
0x4d: {  	[tilespmem:v2+s7+$0x0] =	vst.idx.add.f32.msk vm4, v1  }
0x4e: {  	[tilespmem:v2+s7+$0x0] =	vst.idx.add.f32.msk vm5, v1  }
0x4f: {  	[tilespmem:v2+s7+$0x0] =	vst.idx.add.f32.msk vm6, v1  }
0x50: {  	[tilespmem:v2+s7+$0x0] =	vst.idx.add.f32.msk vm7, v1  }
0x51: {  	[tilespmem:v2+s7+$0x0] =	vst.idx.add.f32.msk vm8, v1  }
0x52: {  	[tilespmem:v2+s7+$0x0] =	vst.idx.add.f32.msk vm9, v1  }
0x53: {  	[tilespmem:v2+s7+$0x0] =	vst.idx.add.f32.msk vm10, v1  }
0x54: {  	[tilespmem:v2+s7+$0x0] =	vst.idx.add.f32.msk vm11, v1  }
0x55: {  	[tilespmem:v2+s7+$0x0] =	vst.idx.add.f32.msk vm12, v1  }
0x56: {  	[tilespmem:v2+s7+$0x0] =	vst.idx.add.f32.msk vm13, v1  }
0x57: {  	[tilespmem:v2+s7+$0x0] =	vst.idx.add.f32.msk vm14, v1  }
0x58: {  	v2 =	vld [tilespmem:s10+$0x0];
	_ =	sdelay $0x7  }
0x59: {  	[tilespmem:v2+s7+$0x0] =	vst.idx.add.f32.msk $0x1, v1  }
0x5a: {  	[tilespmem:v2+s7+$0x0] =	vst.idx.add.f32.msk vm0, v1  }
0x5b: {  	[tilespmem:v2+s7+$0x0] =	vst.idx.add.f32.msk vm1, v1  }
0x5c: {  	[tilespmem:v2+s7+$0x0] =	vst.idx.add.f32.msk vm2, v1  }
0x5d: {  	[tilespmem:v2+s7+$0x0] =	vst.idx.add.f32.msk vm3, v1  }
0x5e: {  	[tilespmem:v2+s7+$0x0] =	vst.idx.add.f32.msk vm4, v1  }
0x5f: {  	[tilespmem:v2+s7+$0x0] =	vst.idx.add.f32.msk vm5, v1  }
0x60: {  	[tilespmem:v2+s7+$0x0] =	vst.idx.add.f32.msk vm6, v1  }
0x61: {  	[tilespmem:v2+s7+$0x0] =	vst.idx.add.f32.msk vm7, v1  }
0x62: {  	[tilespmem:v2+s7+$0x0] =	vst.idx.add.f32.msk vm8, v1  }
0x63: {  	p0 =	sne.s32 s9, $0xF900;
	[tilespmem:v2+s7+$0x0] =	vst.idx.add.f32.msk vm9, v1  }
.Ltmp1:
0x64: {  	[tilespmem:v2+s7+$0x0] =	vst.idx.add.f32.msk vm10, v1;
	(pc) =	sbr.rel @p0 .LBB2_4-.Ltmp1, $4  }
0x65: {  	[tilespmem:v2+s7+$0x0] =	vst.idx.add.f32.msk vm11, v1  }
0x66: {  	[tilespmem:v2+s7+$0x0] =	vst.idx.add.f32.msk vm12, v1  }
0x67: {  	[tilespmem:v2+s7+$0x0] =	vst.idx.add.f32.msk vm13, v1  }
0x68: {  	s9 =	sadd.s32 $0x200, s9;
	[tilespmem:v2+s7+$0x0] =	vst.idx.add.f32.msk vm14, v1  }
0x69: {  	s8 =	sadd.s32 $0x1, s8  }
0x6a: {  	p0 =	sne.s32 s8, s5  }
.Ltmp2:
0x6b: {  	_ = 	snop;
	(pc) =	sbr.rel @p0 .LBB2_1-.Ltmp2, $4  }
0x6c: {  	[hbm4b:s4+s2] =	stream.linear.scatter [tilespmem:s7], [sflag:$0x1], $0x2710, $0x38;
	[tilespmem:$0x6780] =	vst v63  }
0x6d: {  	_ =	swait.ge [sflag:s6], $0x2710  }
0x6e: {  	[sflag:s6] =	ssyncset.done $0x0  }
0x6f: {  	[sflag:s6] =	ssyncadd.s32 $0xFFFFD8F0  }
0x70: {  	_ =	sfence.sel $0x180000  }
0x71: {  	[bflag:$0x0] =	sbarrier.arrive $0xFFFF  }
0x72: {  	p0 =	sne.s32 s1, $0x0;
	_ =	strace $0x90000047  }
0x73: {  	s0 =	sadd.s32 @!p0 $0x100000, s0;
	[bflag:$0x2] =	sbarrier.arrive $0xFFFF  }
0x74: {  	[sflag:s0] =	ssyncadd.tile.s32 @!p0 $0x1;
	_ =	shalt  }
.Lfunc_end2:
_tile_overlayer_lowered:
.L_overlay_start_2:
0x75: {  	(tag) =	ssettag $0x2  }
0x76: {  	s0 =	rddreg [dreg:$0x0];
	s2 =	stileid.u32  }
0x77: {  	s1 =	rddreg [dreg:$0x1];
	p0 =	sne.s32 s2, $0x0  }
0x78: {  	s3 =	rddreg [dreg:$0x2];
	[bflag:$0x3] =	sbarrier.arrive $0xFFFF;
	s2 =	simm.s32 @!p0 $0x1C01  }
0x79: {  	[timem:s3], [sflag:s2] =	dma.local @!p0 [hbm:s0], s1  }
0x7a: {  	s0 =	simm.s32 @!p0 $0x1  }
0x7b: {  	_ =	swait.ge @!p0 [sflag:s0], s1  }
0x7c: {  	s1 =	ssub.s32 @!p0 $0x0, s1;
	[sflag:s0] =	ssyncset.done @!p0 $0x0  }
0x7d: {  	[sflag:s0] =	ssyncadd.s32 @!p0 s1  }
0x7e: {  	[bflag:$0x3] =	sbarrier.arrive $0xFFFF  }
0x7f: {  	_ =	shalt  }

</sc_bundles>
